<compile_context>
chip_gen: v7x
topology: tpu7x:2x2x1
jax: 0.10.2.dev20260603
libtpu: 0.0.44.dev20260713+nightly
codegen_flags: <defaults>
</compile_context>

<pallas_src>
import jax
import jax.numpy as jnp
from jax import lax
from jax.experimental import pallas as pl
from jax.experimental.pallas import tpu as pltpu
from jax.experimental.pallas import tpu_sc as plsc

B = 16384
K = 5
V = 1000000
D = 64
NC = 2
NS = 16
L = 16
NW = NC * NS
BPW = B // NW

NSLAB = V // 128
VMAIN = NSLAB * 128
RMAIN = VMAIN // 2
SLOTS = 246

TVB = 1024
TROW0 = (VMAIN - 976 * TVB) // 2

CHUNK = 64
NCHUNK = BPW // CHUNK
CNK = CHUNK * K


def _permute_slab(slab, perm, lane):
    dvs = [lane + ((16 * ci) & 63) for ci in range(8)]
    cvs = [lane + 16 * ci for ci in range(8)]

    def rbody(r, _):
        rs = jnp.full((L,), r, jnp.int32)
        for ci in range(8):
            l = jnp.full((L,), 2 * r + ci // 4, jnp.int32)
            val = plsc.load_gather(slab, [dvs[ci], l])
            plsc.store_scatter(perm, [rs, cvs[ci]], val)
        return 0

    lax.fori_loop(0, D, rbody, 0)


def _permute_body(inT_hbm, outT_hbm, in2m_hbm, out2m_hbm,
                  slab0, slab1, perm0, perm1,
                  sem_i0, sem_i1, sem_o0, sem_o1):
    wid = lax.axis_index("s") * NC + lax.axis_index("c")
    lane = lax.iota(jnp.int32, L)

    for src_hbm, dst_hbm in ((inT_hbm, in2m_hbm), (outT_hbm, out2m_hbm)):

        def slabc(s):
            c = wid + 32 * s
            return jnp.where(c < NSLAB, c, 0)

        def start_in(s, buf, sem):
            c = slabc(s)
            off = pl.multiple_of(c * 128, 128)
            pltpu.async_copy(src_hbm.at[:, pl.ds(off, 128)], buf, sem)

        def wait_in(buf, sem):
            pltpu.make_async_copy(
                src_hbm.at[:, pl.ds(0, 128)], buf, sem).wait()

        def start_out(s, buf, sem):
            c = slabc(s)
            off = pl.multiple_of(c * 64, 64)
            pltpu.async_copy(buf, dst_hbm.at[pl.ds(off, 64)], sem)

        def wait_out(buf, sem):
            pltpu.make_async_copy(
                buf, dst_hbm.at[pl.ds(0, 64)], sem).wait()

        def jbody(j, _):
            start_in(2 * j, slab0, sem_i0)
            wait_in(slab0, sem_i0)
            _permute_slab(slab0, perm0, lane)
            start_out(2 * j, perm0, sem_o0)
            wait_out(perm0, sem_o0)
            start_in(2 * j + 1, slab1, sem_i1)
            wait_in(slab1, sem_i1)
            _permute_slab(slab1, perm1, lane)
            start_out(2 * j + 1, perm1, sem_o1)
            wait_out(perm1, sem_o1)
            return 0

        lax.fori_loop(0, SLOTS // 2, jbody, 0)


_sc_permute = pl.kernel(
    _permute_body,
    out_type=(jax.ShapeDtypeStruct((RMAIN, 2 * D), jnp.float32),
              jax.ShapeDtypeStruct((RMAIN, 2 * D), jnp.float32)),
    mesh=plsc.VectorSubcoreMesh(core_axis_name="c", subcore_axis_name="s"),
    scratch_types=(
        pltpu.VMEM((D, 128), jnp.float32),
        pltpu.VMEM((D, 128), jnp.float32),
        pltpu.VMEM((D, 2 * D), jnp.float32),
        pltpu.VMEM((D, 2 * D), jnp.float32),
        pltpu.SemaphoreType.DMA,
        pltpu.SemaphoreType.DMA,
        pltpu.SemaphoreType.DMA,
        pltpu.SemaphoreType.DMA,
    ),
    compiler_params=pltpu.CompilerParams(needs_layout_passes=False),
)


TCVB = 4096


def _tcdiag_body(inT_ref, outT_ref, in2_ref, out2_ref):
    def pack(x):
        xt = x.T.reshape(TCVB // 2, 2, D)
        return jnp.concatenate([xt[:, 0, :], xt[:, 1, :]], axis=1)

    in2_ref[...] = pack(inT_ref[...])
    out2_ref[...] = pack(outT_ref[...])


_tcdiag_tables = pl.pallas_call(
    _tcdiag_body,
    grid=(pl.cdiv(V, TCVB),),
    in_specs=[
        pl.BlockSpec((D, TCVB), lambda i: (0, i)),
        pl.BlockSpec((D, TCVB), lambda i: (0, i)),
    ],
    out_specs=[
        pl.BlockSpec((TCVB // 2, 2 * D), lambda i: (i, 0)),
        pl.BlockSpec((TCVB // 2, 2 * D), lambda i: (i, 0)),
    ],
    out_shape=[
        jax.ShapeDtypeStruct((V // 2, 2 * D), jnp.float32),
        jax.ShapeDtypeStruct((V // 2, 2 * D), jnp.float32),
    ],
)


def _tail_body(inT_ref, outT_ref, in2t_ref, out2t_ref):
    def pack(x):
        xt = x.T.reshape(TVB // 2, 2, D)
        return jnp.concatenate([xt[:, 0, :], xt[:, 1, :]], axis=1)

    in2t_ref[...] = pack(inT_ref[...])
    out2t_ref[...] = pack(outT_ref[...])


_tail_tables = pl.pallas_call(
    _tail_body,
    grid=(1,),
    in_specs=[
        pl.BlockSpec((D, TVB), lambda i: (0, 976)),
        pl.BlockSpec((D, TVB), lambda i: (0, 976)),
    ],
    out_specs=[
        pl.BlockSpec((TVB // 2, 2 * D), lambda i: (0, 0)),
        pl.BlockSpec((TVB // 2, 2 * D), lambda i: (0, 0)),
    ],
    out_shape=[
        jax.ShapeDtypeStruct((TVB // 2, 2 * D), jnp.float32),
        jax.ShapeDtypeStruct((TVB // 2, 2 * D), jnp.float32),
    ],
)


def _touch_body(x_ref, y_ref, o_ref, p_ref):
    o_ref[...] = x_ref[...]
    p_ref[...] = y_ref[...]


_touch = pl.pallas_call(
    _touch_body,
    grid=(1,),
    in_specs=[pl.BlockSpec((8, 2 * D), lambda i: (0, 0)),
              pl.BlockSpec((8, 2 * D), lambda i: (0, 0))],
    out_specs=[pl.BlockSpec((8, 2 * D), lambda i: (0, 0)),
               pl.BlockSpec((8, 2 * D), lambda i: (0, 0))],
    out_shape=[jax.ShapeDtypeStruct((RMAIN, 2 * D), jnp.float32),
               jax.ShapeDtypeStruct((RMAIN, 2 * D), jnp.float32)],
    input_output_aliases={0: 0, 1: 1},
)


def _prep(src_hbm, start, count, row_v, half_v, slot_v, tail_base, lane):
    pltpu.sync_copy(src_hbm.at[pl.ds(start, count)], row_v)

    def body(i, _):
        s = pl.ds(i * L, L)
        idx = row_v[s]
        half_v[s] = (idx & 1) * D
        row = lax.shift_right_logical(idx, 1)
        tail = row >= V // 2
        slot_v[s] = jnp.where(tail, tail_base + (row - V // 2), i * L + lane)
        row_v[s] = jnp.where(tail, 0, row)
        return 0

    lax.fori_loop(0, count // L, body, 0)


def _score_body(target_hbm, context_hbm, neg_hbm,
                in2m_hbm, out2m_hbm, in2t_hbm, out2t_hbm,
                pos_hbm, neg_out_hbm,
                row_t, half_t, slot_t, row_c, half_c, slot_c,
                row_n, half_n, slot_n,
                tgt_v, ctx_v, neg_v, pos_v, negsc_v, sem):
    wid = lax.axis_index("s") * NC + lax.axis_index("c")
    base = wid * BPW
    lane = lax.iota(jnp.int32, L)

    pltpu.sync_copy(in2t_hbm.at[pl.ds(TROW0, 32)], tgt_v.at[pl.ds(CHUNK, 32)])
    pltpu.sync_copy(out2t_hbm.at[pl.ds(TROW0, 32)], ctx_v.at[pl.ds(CHUNK, 32)])
    pltpu.sync_copy(out2t_hbm.at[pl.ds(TROW0, 32)], neg_v.at[pl.ds(CNK, 32)])

    for ci in range(NCHUNK):
        cbase = base + ci * CHUNK
        _prep(target_hbm, cbase, CHUNK, row_t, half_t, slot_t, CHUNK, lane)
        _prep(context_hbm, cbase, CHUNK, row_c, half_c, slot_c, CHUNK, lane)
        _prep(neg_hbm, cbase * K, CNK, row_n, half_n, slot_n, CNK, lane)

        copies = [
            pltpu.async_copy(in2m_hbm.at[row_t], tgt_v.at[pl.ds(0, CHUNK)],
                             sem),
            pltpu.async_copy(out2m_hbm.at[row_c], ctx_v.at[pl.ds(0, CHUNK)],
                             sem),
        ]
        for j in range(CNK // 128):
            s = pl.ds(j * 128, 128)
            copies.append(pltpu.async_copy(
                out2m_hbm.at[row_n.at[s]], neg_v.at[s], sem))
        for cp in copies:
            cp.wait()

        def group_body(g, _):
            st = slot_t[pl.ds(g * L, L)]
            sc_ = slot_c[pl.ds(g * L, L)]
            colb_t = half_t[pl.ds(g * L, L)]
            colb_c = half_c[pl.ds(g * L, L)]
            pos16 = g * L + lane
            sn = [plsc.load_gather(slot_n, [pos16 * K + k]) for k in range(K)]
            colb_n = [plsc.load_gather(half_n, [pos16 * K + k])
                      for k in range(K)]

            def d_body(d, accs):
                acc_p = accs[0]
                t = plsc.load_gather(tgt_v, [st, colb_t + d])
                c = plsc.load_gather(ctx_v, [sc_, colb_c + d])
                acc_p = acc_p + t * c
                new_accs = [acc_p]
                for k in range(K):
                    n = plsc.load_gather(neg_v, [sn[k], colb_n[k] + d])
                    new_accs.append(accs[k + 1] + t * n)
                return tuple(new_accs)

            zeros = jnp.zeros((L,), jnp.float32)
            accs = lax.fori_loop(0, D, d_body, (zeros,) * (K + 1))

            off = ci * CHUNK + g * L
            plsc.store_scatter(pos_v, [off + lane], accs[0])
            for k in range(K):
                plsc.store_scatter(negsc_v, [(off + lane) * K + k],
                                   accs[k + 1])
            return 0

        lax.fori_loop(0, CHUNK // L, group_body, 0)

    pltpu.sync_copy(pos_v, pos_hbm.at[pl.ds(base, BPW)])
    pltpu.sync_copy(negsc_v, neg_out_hbm.at[pl.ds(base * K, BPW * K)])


_sc_scores = pl.kernel(
    _score_body,
    out_type=(jax.ShapeDtypeStruct((B,), jnp.float32),
              jax.ShapeDtypeStruct((B * K,), jnp.float32)),
    mesh=plsc.VectorSubcoreMesh(core_axis_name="c", subcore_axis_name="s"),
    scratch_types=(
        pltpu.VMEM((CHUNK,), jnp.int32),
        pltpu.VMEM((CHUNK,), jnp.int32),
        pltpu.VMEM((CHUNK,), jnp.int32),
        pltpu.VMEM((CHUNK,), jnp.int32),
        pltpu.VMEM((CHUNK,), jnp.int32),
        pltpu.VMEM((CHUNK,), jnp.int32),
        pltpu.VMEM((CNK,), jnp.int32),
        pltpu.VMEM((CNK,), jnp.int32),
        pltpu.VMEM((CNK,), jnp.int32),
        pltpu.VMEM((CHUNK + 32, 2 * D), jnp.float32),
        pltpu.VMEM((CHUNK + 32, 2 * D), jnp.float32),
        pltpu.VMEM((CNK + 32, 2 * D), jnp.float32),
        pltpu.VMEM((BPW,), jnp.float32),
        pltpu.VMEM((BPW * K,), jnp.float32),
        pltpu.SemaphoreType.DMA,
    ),
    compiler_params=pltpu.CompilerParams(needs_layout_passes=False),
)


def _loss_body(pos_ref, neg_ref, out_ref):
    lp = jnp.sum(jnp.log(jax.nn.sigmoid(pos_ref[...])))
    ln = jnp.sum(jnp.log(jax.nn.sigmoid(-neg_ref[...])))
    out_ref[0, 0] = -(lp / B + ln / (B * K))


_loss_kernel = pl.pallas_call(
    _loss_body,
    out_shape=jax.ShapeDtypeStruct((1, 1), jnp.float32),
    out_specs=pl.BlockSpec(memory_space=pltpu.SMEM),
)


@jax.jit
def kernel(target, context, neg_samples, in_embed, out_embed):
    inT = in_embed.T
    outT = out_embed.T
    in2m, out2m = _tcdiag_tables(inT, outT)
    in2t, out2t = _tail_tables(inT, outT)
    pos_score, neg_score = _sc_scores(
        target.astype(jnp.int32), context.astype(jnp.int32),
        neg_samples.astype(jnp.int32), in2m, out2m, in2t, out2t)
    loss = _loss_kernel(pos_score.reshape(B // 128, 128),
                        neg_score.reshape(B * K // 128, 128))
    return loss[0, 0]

# --- scband reference (transcript-rebuilt; emitter-appended) ---
"""Pipeline reference for scband-negative-sampling-loss-75668733821259 (READ-ONLY COPY).

The authoritative reference and input builder live on the scoring server;
editing this copy changes nothing except your own understanding.
"""

import jax, jax.numpy as jnp
import numpy as np

B = 16384
K = 5
V = 1000000
D = 64

def setup_inputs(seed: int = 0) -> dict:
    key = jax.random.key(seed)
    k1, k2, k3, k4, k5 = jax.random.split(key, 5)
    target = jax.random.randint(k1, (B,), 0, V)
    context = jax.random.randint(k2, (B,), 0, V)
    neg_samples = jax.random.randint(k3, (B * K,), 0, V)
    in_embed = jax.random.uniform(k4, (V, D), minval=-1.0, maxval=1.0, dtype=jnp.float32)
    out_embed = jax.random.uniform(k5, (V, D), minval=-1.0, maxval=1.0, dtype=jnp.float32)
    return {"target": target, "context": context, "neg_samples": neg_samples, "in_embed": in_embed, "out_embed": out_embed}

def reference(target, context, neg_samples, in_embed, out_embed):
    batch_size = target.shape[0]
    target_embeds = jnp.take(in_embed, target, axis=0)
    context_embeds = jnp.take(out_embed, context, axis=0)
    pos_score = jnp.sum(target_embeds * context_embeds, axis=1)
    pos_loss = jnp.mean(jnp.log(jax.nn.sigmoid(pos_score)))
    neg_embeds = jnp.take(out_embed, neg_samples, axis=0).reshape(batch_size, K, -1)
    neg_score = jnp.einsum('bkd,bd->bk', neg_embeds, target_embeds)
    neg_loss = jnp.mean(jnp.log(jax.nn.sigmoid(-neg_score)))
    return -(pos_loss + neg_loss)

if __name__ == "__main__":
    import jax
    _d = setup_inputs()
    print(jax.jit(kernel)(*tuple(_d.values())))

</pallas_src>

<mosaic_0001>
#map = affine_map<(d0, d1) -> (0)>
#map1 = affine_map<(d0, d1) -> (0, 0)>
module attributes {stable_mosaic.version = 14 : i64} {
  func.func @_score_body(%arg0: i32, %arg1: i32, %arg2: memref<16384xi32, #tpu.memory_space<hbm>>, %arg3: memref<16384xi32, #tpu.memory_space<hbm>>, %arg4: memref<81920xi32, #tpu.memory_space<hbm>>, %arg5: memref<500000x128xf32, #tpu.memory_space<hbm>>, %arg6: memref<500000x128xf32, #tpu.memory_space<hbm>>, %arg7: memref<512x128xf32, #tpu.memory_space<hbm>>, %arg8: memref<512x128xf32, #tpu.memory_space<hbm>>, %arg9: memref<16384xf32, #tpu.memory_space<hbm>>, %arg10: memref<81920xf32, #tpu.memory_space<hbm>>, %arg11: memref<64xi32, #tpu.memory_space<vmem>>, %arg12: memref<64xi32, #tpu.memory_space<vmem>>, %arg13: memref<64xi32, #tpu.memory_space<vmem>>, %arg14: memref<64xi32, #tpu.memory_space<vmem>>, %arg15: memref<64xi32, #tpu.memory_space<vmem>>, %arg16: memref<64xi32, #tpu.memory_space<vmem>>, %arg17: memref<320xi32, #tpu.memory_space<vmem>>, %arg18: memref<320xi32, #tpu.memory_space<vmem>>, %arg19: memref<320xi32, #tpu.memory_space<vmem>>, %arg20: memref<96x128xf32, #tpu.memory_space<vmem>>, %arg21: memref<96x128xf32, #tpu.memory_space<vmem>>, %arg22: memref<352x128xf32, #tpu.memory_space<vmem>>, %arg23: memref<512xf32, #tpu.memory_space<vmem>>, %arg24: memref<2560xf32, #tpu.memory_space<vmem>>, %arg25: memref<!tpu.dma_semaphore, #tpu.memory_space<semaphore_mem>>) attributes {dimension_semantics = [#tpu.dimension_semantics<core_parallel>, #tpu.dimension_semantics<subcore_parallel>], iteration_bounds = array<i64: 2, 16>, scalar_prefetch = 0 : i64, scratch_operands = 15 : i64, tpu.core_type = #tpu.core_type<sc_vector_subcore>, window_params = [{transform_indices = #map}, {transform_indices = #map}, {transform_indices = #map}, {transform_indices = #map1}, {transform_indices = #map1}, {transform_indices = #map1}, {transform_indices = #map1}, {transform_indices = #map}, {transform_indices = #map}]} {
    %mul3A = arith.constant 2 : i32
    %mul3A_0 = arith.muli %arg1, %mul3A : i32
    %add3A = arith.addi %mul3A_0, %arg0 : i32
    %mul3A_1 = arith.constant 512 : i32
    %mul3A_2 = arith.muli %add3A, %mul3A_1 : i32
    %iota3A = tpu.iota {dimensions = array<i32: 0>} : vector<16xi32>
    "tpu.region"() ({
      %run_scoped3A = tpu.sem_alloc : memref<!tpu.dma_semaphore, #tpu.memory_space<semaphore_mem>>
      %dma_start3A_706 = arith.constant 64 : i32
      %dma_start3A_707 = arith.constant 0 : i32
      %dma_start3A_708 = tpu.memref_slice %arg20[%dma_start3A_706, %dma_start3A_707] : memref<96x128xf32, #tpu.memory_space<vmem>> -> memref<32x128xf32, #tpu.memory_space<vmem>>
      %dma_start3A_709 = arith.constant 256 : i32
      %dma_start3A_710 = arith.constant 0 : i32
      %dma_start3A_711 = tpu.memref_slice %arg7[%dma_start3A_709, %dma_start3A_710] : memref<512x128xf32, #tpu.memory_space<hbm>> -> memref<32x128xf32, #tpu.memory_space<hbm>>
      %dma_start3A_712 = arith.constant 64 : i32
      %dma_start3A_713 = arith.constant 0 : i32
      %dma_start3A_714 = tpu.memref_slice %arg20[%dma_start3A_712, %dma_start3A_713] : memref<96x128xf32, #tpu.memory_space<vmem>> -> memref<32x128xf32, #tpu.memory_space<vmem>>
      %dma_start3A_715 = arith.constant 256 : i32
      %dma_start3A_716 = arith.constant 0 : i32
      %dma_start3A_717 = tpu.memref_slice %arg7[%dma_start3A_715, %dma_start3A_716] : memref<512x128xf32, #tpu.memory_space<hbm>> -> memref<32x128xf32, #tpu.memory_space<hbm>>
      tpu.enqueue_dma source(%dma_start3A_717 : memref<32x128xf32, #tpu.memory_space<hbm>>) target(%dma_start3A_714 : memref<32x128xf32, #tpu.memory_space<vmem>>) target_semaphore(%run_scoped3A : memref<!tpu.dma_semaphore, #tpu.memory_space<semaphore_mem>>)
      %dma_wait3A_718 = arith.constant 64 : i32
      %dma_wait3A_719 = arith.constant 0 : i32
      %dma_wait3A_720 = tpu.memref_slice %arg20[%dma_wait3A_718, %dma_wait3A_719] : memref<96x128xf32, #tpu.memory_space<vmem>> -> memref<32x128xf32, #tpu.memory_space<vmem>>
      %dma_wait3A_721 = arith.constant 256 : i32
      %dma_wait3A_722 = arith.constant 0 : i32
      %dma_wait3A_723 = tpu.memref_slice %arg7[%dma_wait3A_721, %dma_wait3A_722] : memref<512x128xf32, #tpu.memory_space<hbm>> -> memref<32x128xf32, #tpu.memory_space<hbm>>
      %dma_wait3A_724 = arith.constant 64 : i32
      %dma_wait3A_725 = arith.constant 0 : i32
      %dma_wait3A_726 = tpu.memref_slice %arg20[%dma_wait3A_724, %dma_wait3A_725] : memref<96x128xf32, #tpu.memory_space<vmem>> -> memref<32x128xf32, #tpu.memory_space<vmem>>
      %dma_wait3A_727 = arith.constant 256 : i32
      %dma_wait3A_728 = arith.constant 0 : i32
      %dma_wait3A_729 = tpu.memref_slice %arg7[%dma_wait3A_727, %dma_wait3A_728] : memref<512x128xf32, #tpu.memory_space<hbm>> -> memref<32x128xf32, #tpu.memory_space<hbm>>
      tpu.wait_dma2 semaphore(%run_scoped3A : memref<!tpu.dma_semaphore, #tpu.memory_space<semaphore_mem>>) src(%dma_wait3A_729 : memref<32x128xf32, #tpu.memory_space<hbm>>) dst(%dma_wait3A_726 : memref<32x128xf32, #tpu.memory_space<vmem>>)
      tpu.yield
    }) : () -> ()
    "tpu.region"() ({
      %run_scoped3A = tpu.sem_alloc : memref<!tpu.dma_semaphore, #tpu.memory_space<semaphore_mem>>
      %dma_start3A_706 = arith.constant 64 : i32
      %dma_start3A_707 = arith.constant 0 : i32
      %dma_start3A_708 = tpu.memref_slice %arg21[%dma_start3A_706, %dma_start3A_707] : memref<96x128xf32, #tpu.memory_space<vmem>> -> memref<32x128xf32, #tpu.memory_space<vmem>>
      %dma_start3A_709 = arith.constant 256 : i32
      %dma_start3A_710 = arith.constant 0 : i32
      %dma_start3A_711 = tpu.memref_slice %arg8[%dma_start3A_709, %dma_start3A_710] : memref<512x128xf32, #tpu.memory_space<hbm>> -> memref<32x128xf32, #tpu.memory_space<hbm>>
      %dma_start3A_712 = arith.constant 64 : i32
      %dma_start3A_713 = arith.constant 0 : i32
      %dma_start3A_714 = tpu.memref_slice %arg21[%dma_start3A_712, %dma_start3A_713] : memref<96x128xf32, #tpu.memory_space<vmem>> -> memref<32x128xf32, #tpu.memory_space<vmem>>
      %dma_start3A_715 = arith.constant 256 : i32
      %dma_start3A_716 = arith.constant 0 : i32
      %dma_start3A_717 = tpu.memref_slice %arg8[%dma_start3A_715, %dma_start3A_716] : memref<512x128xf32, #tpu.memory_space<hbm>> -> memref<32x128xf32, #tpu.memory_space<hbm>>
      tpu.enqueue_dma source(%dma_start3A_717 : memref<32x128xf32, #tpu.memory_space<hbm>>) target(%dma_start3A_714 : memref<32x128xf32, #tpu.memory_space<vmem>>) target_semaphore(%run_scoped3A : memref<!tpu.dma_semaphore, #tpu.memory_space<semaphore_mem>>)
      %dma_wait3A_718 = arith.constant 64 : i32
      %dma_wait3A_719 = arith.constant 0 : i32
      %dma_wait3A_720 = tpu.memref_slice %arg21[%dma_wait3A_718, %dma_wait3A_719] : memref<96x128xf32, #tpu.memory_space<vmem>> -> memref<32x128xf32, #tpu.memory_space<vmem>>
      %dma_wait3A_721 = arith.constant 256 : i32
      %dma_wait3A_722 = arith.constant 0 : i32
      %dma_wait3A_723 = tpu.memref_slice %arg8[%dma_wait3A_721, %dma_wait3A_722] : memref<512x128xf32, #tpu.memory_space<hbm>> -> memref<32x128xf32, #tpu.memory_space<hbm>>
      %dma_wait3A_724 = arith.constant 64 : i32
      %dma_wait3A_725 = arith.constant 0 : i32
      %dma_wait3A_726 = tpu.memref_slice %arg21[%dma_wait3A_724, %dma_wait3A_725] : memref<96x128xf32, #tpu.memory_space<vmem>> -> memref<32x128xf32, #tpu.memory_space<vmem>>
      %dma_wait3A_727 = arith.constant 256 : i32
      %dma_wait3A_728 = arith.constant 0 : i32
      %dma_wait3A_729 = tpu.memref_slice %arg8[%dma_wait3A_727, %dma_wait3A_728] : memref<512x128xf32, #tpu.memory_space<hbm>> -> memref<32x128xf32, #tpu.memory_space<hbm>>
      tpu.wait_dma2 semaphore(%run_scoped3A : memref<!tpu.dma_semaphore, #tpu.memory_space<semaphore_mem>>) src(%dma_wait3A_729 : memref<32x128xf32, #tpu.memory_space<hbm>>) dst(%dma_wait3A_726 : memref<32x128xf32, #tpu.memory_space<vmem>>)
      tpu.yield
    }) : () -> ()
    "tpu.region"() ({
      %run_scoped3A = tpu.sem_alloc : memref<!tpu.dma_semaphore, #tpu.memory_space<semaphore_mem>>
      %dma_start3A_706 = arith.constant 320 : i32
      %dma_start3A_707 = arith.constant 0 : i32
      %dma_start3A_708 = tpu.memref_slice %arg22[%dma_start3A_706, %dma_start3A_707] : memref<352x128xf32, #tpu.memory_space<vmem>> -> memref<32x128xf32, #tpu.memory_space<vmem>>
      %dma_start3A_709 = arith.constant 256 : i32
      %dma_start3A_710 = arith.constant 0 : i32
      %dma_start3A_711 = tpu.memref_slice %arg8[%dma_start3A_709, %dma_start3A_710] : memref<512x128xf32, #tpu.memory_space<hbm>> -> memref<32x128xf32, #tpu.memory_space<hbm>>
      %dma_start3A_712 = arith.constant 320 : i32
      %dma_start3A_713 = arith.constant 0 : i32
      %dma_start3A_714 = tpu.memref_slice %arg22[%dma_start3A_712, %dma_start3A_713] : memref<352x128xf32, #tpu.memory_space<vmem>> -> memref<32x128xf32, #tpu.memory_space<vmem>>
      %dma_start3A_715 = arith.constant 256 : i32
      %dma_start3A_716 = arith.constant 0 : i32
      %dma_start3A_717 = tpu.memref_slice %arg8[%dma_start3A_715, %dma_start3A_716] : memref<512x128xf32, #tpu.memory_space<hbm>> -> memref<32x128xf32, #tpu.memory_space<hbm>>
      tpu.enqueue_dma source(%dma_start3A_717 : memref<32x128xf32, #tpu.memory_space<hbm>>) target(%dma_start3A_714 : memref<32x128xf32, #tpu.memory_space<vmem>>) target_semaphore(%run_scoped3A : memref<!tpu.dma_semaphore, #tpu.memory_space<semaphore_mem>>)
      %dma_wait3A_718 = arith.constant 320 : i32
      %dma_wait3A_719 = arith.constant 0 : i32
      %dma_wait3A_720 = tpu.memref_slice %arg22[%dma_wait3A_718, %dma_wait3A_719] : memref<352x128xf32, #tpu.memory_space<vmem>> -> memref<32x128xf32, #tpu.memory_space<vmem>>
      %dma_wait3A_721 = arith.constant 256 : i32
      %dma_wait3A_722 = arith.constant 0 : i32
      %dma_wait3A_723 = tpu.memref_slice %arg8[%dma_wait3A_721, %dma_wait3A_722] : memref<512x128xf32, #tpu.memory_space<hbm>> -> memref<32x128xf32, #tpu.memory_space<hbm>>
      %dma_wait3A_724 = arith.constant 320 : i32
      %dma_wait3A_725 = arith.constant 0 : i32
      %dma_wait3A_726 = tpu.memref_slice %arg22[%dma_wait3A_724, %dma_wait3A_725] : memref<352x128xf32, #tpu.memory_space<vmem>> -> memref<32x128xf32, #tpu.memory_space<vmem>>
      %dma_wait3A_727 = arith.constant 256 : i32
      %dma_wait3A_728 = arith.constant 0 : i32
      %dma_wait3A_729 = tpu.memref_slice %arg8[%dma_wait3A_727, %dma_wait3A_728] : memref<512x128xf32, #tpu.memory_space<hbm>> -> memref<32x128xf32, #tpu.memory_space<hbm>>
      tpu.wait_dma2 semaphore(%run_scoped3A : memref<!tpu.dma_semaphore, #tpu.memory_space<semaphore_mem>>) src(%dma_wait3A_729 : memref<32x128xf32, #tpu.memory_space<hbm>>) dst(%dma_wait3A_726 : memref<32x128xf32, #tpu.memory_space<vmem>>)
      tpu.yield
    }) : () -> ()
    %add3A_3 = arith.constant 0 : i32
    %add3A_4 = arith.addi %mul3A_2, %add3A_3 : i32
    "tpu.region"() ({
      %run_scoped3A = tpu.sem_alloc : memref<!tpu.dma_semaphore, #tpu.memory_space<semaphore_mem>>
      %dma_start3A_706 = tpu.memref_slice %arg2[%add3A_4] : memref<16384xi32, #tpu.memory_space<hbm>> -> memref<64xi32, #tpu.memory_space<hbm>>
      %dma_start3A_707 = tpu.memref_slice %arg2[%add3A_4] : memref<16384xi32, #tpu.memory_space<hbm>> -> memref<64xi32, #tpu.memory_space<hbm>>
      tpu.enqueue_dma source(%dma_start3A_707 : memref<64xi32, #tpu.memory_space<hbm>>) target(%arg11 : memref<64xi32, #tpu.memory_space<vmem>>) target_semaphore(%run_scoped3A : memref<!tpu.dma_semaphore, #tpu.memory_space<semaphore_mem>>)
      %dma_wait3A_708 = tpu.memref_slice %arg2[%add3A_4] : memref<16384xi32, #tpu.memory_space<hbm>> -> memref<64xi32, #tpu.memory_space<hbm>>
      %dma_wait3A_709 = tpu.memref_slice %arg2[%add3A_4] : memref<16384xi32, #tpu.memory_space<hbm>> -> memref<64xi32, #tpu.memory_space<hbm>>
      tpu.wait_dma2 semaphore(%run_scoped3A : memref<!tpu.dma_semaphore, #tpu.memory_space<semaphore_mem>>) src(%dma_wait3A_709 : memref<64xi32, #tpu.memory_space<hbm>>) dst(%arg11 : memref<64xi32, #tpu.memory_space<vmem>>)
      tpu.yield
    }) : () -> ()
    %scan3A = arith.constant 0 : i32
    %scan3A_5 = arith.constant 0 : i32
    %scan3A_6 = arith.constant 4 : i32
    %scan3A_7 = arith.addi %scan3A_5, %scan3A_6 : i32
    %scan3A_8 = arith.constant 1 : i32
    %scan3A_9 = scf.for %scan3A_706 = %scan3A_5 to %scan3A_7 step %scan3A_8 iter_args(%scan3A_707 = %scan3A) -> (i32)  : i32 {
      %mul3A_708 = arith.constant 16 : i32
      %mul3A_709 = arith.muli %scan3A_706, %mul3A_708 : i32
      %get3A = arith.index_cast %mul3A_709 : i32 to index
      %get3A_710 = tpu.vector_load %arg11[%get3A] {strides = array<i32>} : memref<64xi32, #tpu.memory_space<vmem>>, vector<16xi32>,
      %and3A = arith.constant 1 : i32
      %and3A_711 = vector.broadcast %and3A : i32 to vector<16xi32>
      %and3A_712 = arith.andi %get3A_710, %and3A_711 : vector<16xi32>
      %mul3A_713 = arith.constant 64 : i32
      %mul3A_714 = vector.broadcast %mul3A_713 : i32 to vector<16xi32>
      %mul3A_715 = arith.muli %and3A_712, %mul3A_714 : vector<16xi32>
      %swap3A = arith.index_cast %mul3A_709 : i32 to index
      %swap3A_716 = tpu.vector_load %arg12[%swap3A] {strides = array<i32>} : memref<64xi32, #tpu.memory_space<vmem>>, vector<16xi32>,
      tpu.vector_store %arg12[%swap3A], %mul3A_715 {strides = array<i32>} : memref<64xi32, #tpu.memory_space<vmem>>, vector<16xi32>,
      %shift_right_logical3A = arith.constant 1 : i32
      %shift_right_logical3A_717 = vector.broadcast %shift_right_logical3A : i32 to vector<16xi32>
      %shift_right_logical3A_718 = arith.shrui %get3A_710, %shift_right_logical3A_717 : vector<16xi32>
      %ge3A = arith.constant 500000 : i32
      %ge3A_719 = vector.broadcast %ge3A : i32 to vector<16xi32>
      %ge3A_720 = arith.cmpi sge, %shift_right_logical3A_718, %ge3A_719 : vector<16xi32>
      %sub3A = arith.constant 500000 : i32
      %sub3A_721 = vector.broadcast %sub3A : i32 to vector<16xi32>
      %sub3A_722 = arith.subi %shift_right_logical3A_718, %sub3A_721 : vector<16xi32>
      %add3A_723 = arith.constant 64 : i32
      %add3A_724 = vector.broadcast %add3A_723 : i32 to vector<16xi32>
      %add3A_725 = arith.addi %add3A_724, %sub3A_722 : vector<16xi32>
      %mul3A_726 = arith.constant 16 : i32
      %mul3A_727 = arith.muli %scan3A_706, %mul3A_726 : i32
      %add3A_728 = vector.broadcast %mul3A_727 : i32 to vector<16xi32>
      %add3A_729 = arith.addi %add3A_728, %iota3A : vector<16xi32>
      %select_n3A = arith.select %ge3A_720, %add3A_725, %add3A_729 : vector<16xi1>, vector<16xi32>
      %swap3A_730 = arith.index_cast %mul3A_709 : i32 to index
      %swap3A_731 = tpu.vector_load %arg13[%swap3A_730] {strides = array<i32>} : memref<64xi32, #tpu.memory_space<vmem>>, vector<16xi32>,
      tpu.vector_store %arg13[%swap3A_730], %select_n3A {strides = array<i32>} : memref<64xi32, #tpu.memory_space<vmem>>, vector<16xi32>,
      %jit3A = arith.constant 0 : i32
      %broadcast_in_dim3A = vector.broadcast %jit3A : i32 to vector<16xi32>
      %select_n3A_732 = arith.select %ge3A_720, %broadcast_in_dim3A, %shift_right_logical3A_718 : vector<16xi1>, vector<16xi32>
      %swap3A_733 = arith.index_cast %mul3A_709 : i32 to index
      %swap3A_734 = tpu.vector_load %arg11[%swap3A_733] {strides = array<i32>} : memref<64xi32, #tpu.memory_space<vmem>>, vector<16xi32>,
      tpu.vector_store %arg11[%swap3A_733], %select_n3A_732 {strides = array<i32>} : memref<64xi32, #tpu.memory_space<vmem>>, vector<16xi32>,
      %scan3A_735 = arith.constant 0 : i32
      scf.yield %scan3A_735 : i32
    }
    %scan3A_10 = arith.constant 4 : i32
    "tpu.region"() ({
      %run_scoped3A = tpu.sem_alloc : memref<!tpu.dma_semaphore, #tpu.memory_space<semaphore_mem>>
      %dma_start3A_706 = tpu.memref_slice %arg3[%add3A_4] : memref<16384xi32, #tpu.memory_space<hbm>> -> memref<64xi32, #tpu.memory_space<hbm>>
      %dma_start3A_707 = tpu.memref_slice %arg3[%add3A_4] : memref<16384xi32, #tpu.memory_space<hbm>> -> memref<64xi32, #tpu.memory_space<hbm>>
      tpu.enqueue_dma source(%dma_start3A_707 : memref<64xi32, #tpu.memory_space<hbm>>) target(%arg14 : memref<64xi32, #tpu.memory_space<vmem>>) target_semaphore(%run_scoped3A : memref<!tpu.dma_semaphore, #tpu.memory_space<semaphore_mem>>)
      %dma_wait3A_708 = tpu.memref_slice %arg3[%add3A_4] : memref<16384xi32, #tpu.memory_space<hbm>> -> memref<64xi32, #tpu.memory_space<hbm>>
      %dma_wait3A_709 = tpu.memref_slice %arg3[%add3A_4] : memref<16384xi32, #tpu.memory_space<hbm>> -> memref<64xi32, #tpu.memory_space<hbm>>
      tpu.wait_dma2 semaphore(%run_scoped3A : memref<!tpu.dma_semaphore, #tpu.memory_space<semaphore_mem>>) src(%dma_wait3A_709 : memref<64xi32, #tpu.memory_space<hbm>>) dst(%arg14 : memref<64xi32, #tpu.memory_space<vmem>>)
      tpu.yield
    }) : () -> ()
    %scan3A_11 = arith.constant 0 : i32
    %scan3A_12 = arith.constant 0 : i32
    %scan3A_13 = arith.constant 4 : i32
    %scan3A_14 = arith.addi %scan3A_12, %scan3A_13 : i32
    %scan3A_15 = arith.constant 1 : i32
    %scan3A_16 = scf.for %scan3A_706 = %scan3A_12 to %scan3A_14 step %scan3A_15 iter_args(%scan3A_707 = %scan3A_11) -> (i32)  : i32 {
      %mul3A_708 = arith.constant 16 : i32
      %mul3A_709 = arith.muli %scan3A_706, %mul3A_708 : i32
      %get3A = arith.index_cast %mul3A_709 : i32 to index
      %get3A_710 = tpu.vector_load %arg14[%get3A] {strides = array<i32>} : memref<64xi32, #tpu.memory_space<vmem>>, vector<16xi32>,
      %and3A = arith.constant 1 : i32
      %and3A_711 = vector.broadcast %and3A : i32 to vector<16xi32>
      %and3A_712 = arith.andi %get3A_710, %and3A_711 : vector<16xi32>
      %mul3A_713 = arith.constant 64 : i32
      %mul3A_714 = vector.broadcast %mul3A_713 : i32 to vector<16xi32>
      %mul3A_715 = arith.muli %and3A_712, %mul3A_714 : vector<16xi32>
      %swap3A = arith.index_cast %mul3A_709 : i32 to index
      %swap3A_716 = tpu.vector_load %arg15[%swap3A] {strides = array<i32>} : memref<64xi32, #tpu.memory_space<vmem>>, vector<16xi32>,
      tpu.vector_store %arg15[%swap3A], %mul3A_715 {strides = array<i32>} : memref<64xi32, #tpu.memory_space<vmem>>, vector<16xi32>,
      %shift_right_logical3A = arith.constant 1 : i32
      %shift_right_logical3A_717 = vector.broadcast %shift_right_logical3A : i32 to vector<16xi32>
      %shift_right_logical3A_718 = arith.shrui %get3A_710, %shift_right_logical3A_717 : vector<16xi32>
      %ge3A = arith.constant 500000 : i32
      %ge3A_719 = vector.broadcast %ge3A : i32 to vector<16xi32>
      %ge3A_720 = arith.cmpi sge, %shift_right_logical3A_718, %ge3A_719 : vector<16xi32>
      %sub3A = arith.constant 500000 : i32
      %sub3A_721 = vector.broadcast %sub3A : i32 to vector<16xi32>
      %sub3A_722 = arith.subi %shift_right_logical3A_718, %sub3A_721 : vector<16xi32>
      %add3A_723 = arith.constant 64 : i32
      %add3A_724 = vector.broadcast %add3A_723 : i32 to vector<16xi32>
      %add3A_725 = arith.addi %add3A_724, %sub3A_722 : vector<16xi32>
      %mul3A_726 = arith.constant 16 : i32
      %mul3A_727 = arith.muli %scan3A_706, %mul3A_726 : i32
      %add3A_728 = vector.broadcast %mul3A_727 : i32 to vector<16xi32>
      %add3A_729 = arith.addi %add3A_728, %iota3A : vector<16xi32>
      %select_n3A = arith.select %ge3A_720, %add3A_725, %add3A_729 : vector<16xi1>, vector<16xi32>
      %swap3A_730 = arith.index_cast %mul3A_709 : i32 to index
      %swap3A_731 = tpu.vector_load %arg16[%swap3A_730] {strides = array<i32>} : memref<64xi32, #tpu.memory_space<vmem>>, vector<16xi32>,
      tpu.vector_store %arg16[%swap3A_730], %select_n3A {strides = array<i32>} : memref<64xi32, #tpu.memory_space<vmem>>, vector<16xi32>,
      %jit3A = arith.constant 0 : i32
      %broadcast_in_dim3A = vector.broadcast %jit3A : i32 to vector<16xi32>
      %select_n3A_732 = arith.select %ge3A_720, %broadcast_in_dim3A, %shift_right_logical3A_718 : vector<16xi1>, vector<16xi32>
      %swap3A_733 = arith.index_cast %mul3A_709 : i32 to index
      %swap3A_734 = tpu.vector_load %arg14[%swap3A_733] {strides = array<i32>} : memref<64xi32, #tpu.memory_space<vmem>>, vector<16xi32>,
      tpu.vector_store %arg14[%swap3A_733], %select_n3A_732 {strides = array<i32>} : memref<64xi32, #tpu.memory_space<vmem>>, vector<16xi32>,
      %scan3A_735 = arith.constant 0 : i32
      scf.yield %scan3A_735 : i32
    }
    %scan3A_17 = arith.constant 4 : i32
    %mul3A_18 = arith.constant 5 : i32
    %mul3A_19 = arith.muli %add3A_4, %mul3A_18 : i32
    "tpu.region"() ({
      %run_scoped3A = tpu.sem_alloc : memref<!tpu.dma_semaphore, #tpu.memory_space<semaphore_mem>>
      %dma_start3A_706 = tpu.memref_slice %arg4[%mul3A_19] : memref<81920xi32, #tpu.memory_space<hbm>> -> memref<320xi32, #tpu.memory_space<hbm>>
      %dma_start3A_707 = tpu.memref_slice %arg4[%mul3A_19] : memref<81920xi32, #tpu.memory_space<hbm>> -> memref<320xi32, #tpu.memory_space<hbm>>
      tpu.enqueue_dma source(%dma_start3A_707 : memref<320xi32, #tpu.memory_space<hbm>>) target(%arg17 : memref<320xi32, #tpu.memory_space<vmem>>) target_semaphore(%run_scoped3A : memref<!tpu.dma_semaphore, #tpu.memory_space<semaphore_mem>>)
      %dma_wait3A_708 = tpu.memref_slice %arg4[%mul3A_19] : memref<81920xi32, #tpu.memory_space<hbm>> -> memref<320xi32, #tpu.memory_space<hbm>>
      %dma_wait3A_709 = tpu.memref_slice %arg4[%mul3A_19] : memref<81920xi32, #tpu.memory_space<hbm>> -> memref<320xi32, #tpu.memory_space<hbm>>
      tpu.wait_dma2 semaphore(%run_scoped3A : memref<!tpu.dma_semaphore, #tpu.memory_space<semaphore_mem>>) src(%dma_wait3A_709 : memref<320xi32, #tpu.memory_space<hbm>>) dst(%arg17 : memref<320xi32, #tpu.memory_space<vmem>>)
      tpu.yield
    }) : () -> ()
    %scan3A_20 = arith.constant 0 : i32
    %scan3A_21 = arith.constant 0 : i32
    %scan3A_22 = arith.constant 20 : i32
    %scan3A_23 = arith.addi %scan3A_21, %scan3A_22 : i32
    %scan3A_24 = arith.constant 1 : i32
    %scan3A_25 = scf.for %scan3A_706 = %scan3A_21 to %scan3A_23 step %scan3A_24 iter_args(%scan3A_707 = %scan3A_20) -> (i32)  : i32 {
      %mul3A_708 = arith.constant 16 : i32
      %mul3A_709 = arith.muli %scan3A_706, %mul3A_708 : i32
      %get3A = arith.index_cast %mul3A_709 : i32 to index
      %get3A_710 = tpu.vector_load %arg17[%get3A] {strides = array<i32>} : memref<320xi32, #tpu.memory_space<vmem>>, vector<16xi32>,
      %and3A = arith.constant 1 : i32
      %and3A_711 = vector.broadcast %and3A : i32 to vector<16xi32>
      %and3A_712 = arith.andi %get3A_710, %and3A_711 : vector<16xi32>
      %mul3A_713 = arith.constant 64 : i32
      %mul3A_714 = vector.broadcast %mul3A_713 : i32 to vector<16xi32>
      %mul3A_715 = arith.muli %and3A_712, %mul3A_714 : vector<16xi32>
      %swap3A = arith.index_cast %mul3A_709 : i32 to index
      %swap3A_716 = tpu.vector_load %arg18[%swap3A] {strides = array<i32>} : memref<320xi32, #tpu.memory_space<vmem>>, vector<16xi32>,
      tpu.vector_store %arg18[%swap3A], %mul3A_715 {strides = array<i32>} : memref<320xi32, #tpu.memory_space<vmem>>, vector<16xi32>,
      %shift_right_logical3A = arith.constant 1 : i32
      %shift_right_logical3A_717 = vector.broadcast %shift_right_logical3A : i32 to vector<16xi32>
      %shift_right_logical3A_718 = arith.shrui %get3A_710, %shift_right_logical3A_717 : vector<16xi32>
      %ge3A = arith.constant 500000 : i32
      %ge3A_719 = vector.broadcast %ge3A : i32 to vector<16xi32>
      %ge3A_720 = arith.cmpi sge, %shift_right_logical3A_718, %ge3A_719 : vector<16xi32>
      %sub3A = arith.constant 500000 : i32
      %sub3A_721 = vector.broadcast %sub3A : i32 to vector<16xi32>
      %sub3A_722 = arith.subi %shift_right_logical3A_718, %sub3A_721 : vector<16xi32>
      %add3A_723 = arith.constant 320 : i32
      %add3A_724 = vector.broadcast %add3A_723 : i32 to vector<16xi32>
      %add3A_725 = arith.addi %add3A_724, %sub3A_722 : vector<16xi32>
      %mul3A_726 = arith.constant 16 : i32
      %mul3A_727 = arith.muli %scan3A_706, %mul3A_726 : i32
      %add3A_728 = vector.broadcast %mul3A_727 : i32 to vector<16xi32>
      %add3A_729 = arith.addi %add3A_728, %iota3A : vector<16xi32>
      %select_n3A = arith.select %ge3A_720, %add3A_725, %add3A_729 : vector<16xi1>, vector<16xi32>
      %swap3A_730 = arith.index_cast %mul3A_709 : i32 to index
      %swap3A_731 = tpu.vector_load %arg19[%swap3A_730] {strides = array<i32>} : memref<320xi32, #tpu.memory_space<vmem>>, vector<16xi32>,
      tpu.vector_store %arg19[%swap3A_730], %select_n3A {strides = array<i32>} : memref<320xi32, #tpu.memory_space<vmem>>, vector<16xi32>,
      %jit3A = arith.constant 0 : i32
      %broadcast_in_dim3A = vector.broadcast %jit3A : i32 to vector<16xi32>
      %select_n3A_732 = arith.select %ge3A_720, %broadcast_in_dim3A, %shift_right_logical3A_718 : vector<16xi1>, vector<16xi32>
      %swap3A_733 = arith.index_cast %mul3A_709 : i32 to index
      %swap3A_734 = tpu.vector_load %arg17[%swap3A_733] {strides = array<i32>} : memref<320xi32, #tpu.memory_space<vmem>>, vector<16xi32>,
      tpu.vector_store %arg17[%swap3A_733], %select_n3A_732 {strides = array<i32>} : memref<320xi32, #tpu.memory_space<vmem>>, vector<16xi32>,
      %scan3A_735 = arith.constant 0 : i32
      scf.yield %scan3A_735 : i32
    }
    %scan3A_26 = arith.constant 20 : i32
    %dma_start3A = arith.constant 0 : i32
    %dma_start3A_27 = arith.constant 0 : i32
    %dma_start3A_28 = tpu.memref_slice %arg20[%dma_start3A, %dma_start3A_27] : memref<96x128xf32, #tpu.memory_space<vmem>> -> memref<64x128xf32, #tpu.memory_space<vmem>>
    %dma_start3A_29 = arith.constant 0 : i32
    %dma_start3A_30 = arith.constant 0 : i32
    %dma_start3A_31 = tpu.memref_slice %arg5[%dma_start3A_29, %dma_start3A_30] : memref<500000x128xf32, #tpu.memory_space<hbm>> -> memref<500000x128xf32, #tpu.memory_space<hbm>>
    tpu.enqueue_indirect_dma source(%dma_start3A_31 : memref<500000x128xf32, #tpu.memory_space<hbm>>) target(%dma_start3A_28 : memref<64x128xf32, #tpu.memory_space<vmem>>) offsets(%arg11 : memref<64xi32, #tpu.memory_space<vmem>>) semaphore(%arg25 : memref<!tpu.dma_semaphore, #tpu.memory_space<semaphore_mem>>)
    %dma_start3A_32 = arith.constant 0 : i32
    %dma_start3A_33 = arith.constant 0 : i32
    %dma_start3A_34 = tpu.memref_slice %arg21[%dma_start3A_32, %dma_start3A_33] : memref<96x128xf32, #tpu.memory_space<vmem>> -> memref<64x128xf32, #tpu.memory_space<vmem>>
    %dma_start3A_35 = arith.constant 0 : i32
    %dma_start3A_36 = arith.constant 0 : i32
    %dma_start3A_37 = tpu.memref_slice %arg6[%dma_start3A_35, %dma_start3A_36] : memref<500000x128xf32, #tpu.memory_space<hbm>> -> memref<500000x128xf32, #tpu.memory_space<hbm>>
    tpu.enqueue_indirect_dma source(%dma_start3A_37 : memref<500000x128xf32, #tpu.memory_space<hbm>>) target(%dma_start3A_34 : memref<64x128xf32, #tpu.memory_space<vmem>>) offsets(%arg14 : memref<64xi32, #tpu.memory_space<vmem>>) semaphore(%arg25 : memref<!tpu.dma_semaphore, #tpu.memory_space<semaphore_mem>>)
    %dma_start3A_38 = arith.constant 0 : i32
    %dma_start3A_39 = arith.constant 0 : i32
    %dma_start3A_40 = tpu.memref_slice %arg22[%dma_start3A_38, %dma_start3A_39] : memref<352x128xf32, #tpu.memory_space<vmem>> -> memref<128x128xf32, #tpu.memory_space<vmem>>
    %dma_start3A_41 = arith.constant 0 : i32
    %dma_start3A_42 = tpu.memref_slice %arg17[%dma_start3A_41] : memref<320xi32, #tpu.memory_space<vmem>> -> memref<128xi32, #tpu.memory_space<vmem>>
    %dma_start3A_43 = arith.constant 0 : i32
    %dma_start3A_44 = arith.constant 0 : i32
    %dma_start3A_45 = tpu.memref_slice %arg6[%dma_start3A_43, %dma_start3A_44] : memref<500000x128xf32, #tpu.memory_space<hbm>> -> memref<500000x128xf32, #tpu.memory_space<hbm>>
    tpu.enqueue_indirect_dma source(%dma_start3A_45 : memref<500000x128xf32, #tpu.memory_space<hbm>>) target(%dma_start3A_40 : memref<128x128xf32, #tpu.memory_space<vmem>>) offsets(%dma_start3A_42 : memref<128xi32, #tpu.memory_space<vmem>>) semaphore(%arg25 : memref<!tpu.dma_semaphore, #tpu.memory_space<semaphore_mem>>)
    %dma_start3A_46 = arith.constant 128 : i32
    %dma_start3A_47 = arith.constant 0 : i32
    %dma_start3A_48 = tpu.memref_slice %arg22[%dma_start3A_46, %dma_start3A_47] : memref<352x128xf32, #tpu.memory_space<vmem>> -> memref<128x128xf32, #tpu.memory_space<vmem>>
    %dma_start3A_49 = arith.constant 128 : i32
    %dma_start3A_50 = tpu.memref_slice %arg17[%dma_start3A_49] : memref<320xi32, #tpu.memory_space<vmem>> -> memref<128xi32, #tpu.memory_space<vmem>>
    %dma_start3A_51 = arith.constant 0 : i32
    %dma_start3A_52 = arith.constant 0 : i32
    %dma_start3A_53 = tpu.memref_slice %arg6[%dma_start3A_51, %dma_start3A_52] : memref<500000x128xf32, #tpu.memory_space<hbm>> -> memref<500000x128xf32, #tpu.memory_space<hbm>>
    tpu.enqueue_indirect_dma source(%dma_start3A_53 : memref<500000x128xf32, #tpu.memory_space<hbm>>) target(%dma_start3A_48 : memref<128x128xf32, #tpu.memory_space<vmem>>) offsets(%dma_start3A_50 : memref<128xi32, #tpu.memory_space<vmem>>) semaphore(%arg25 : memref<!tpu.dma_semaphore, #tpu.memory_space<semaphore_mem>>)
    %dma_wait3A = arith.constant 0 : i32
    %dma_wait3A_54 = arith.constant 0 : i32
    %dma_wait3A_55 = tpu.memref_slice %arg20[%dma_wait3A, %dma_wait3A_54] : memref<96x128xf32, #tpu.memory_space<vmem>> -> memref<64x128xf32, #tpu.memory_space<vmem>>
    %dma_wait3A_56 = arith.constant 0 : i32
    %dma_wait3A_57 = arith.constant 0 : i32
    %dma_wait3A_58 = tpu.memref_slice %arg5[%dma_wait3A_56, %dma_wait3A_57] : memref<500000x128xf32, #tpu.memory_space<hbm>> -> memref<500000x128xf32, #tpu.memory_space<hbm>>
    tpu.wait_indirect_dma semaphore(%arg25 : memref<!tpu.dma_semaphore, #tpu.memory_space<semaphore_mem>>) src(%dma_wait3A_58 : memref<500000x128xf32, #tpu.memory_space<hbm>>) dst(%dma_wait3A_55 : memref<64x128xf32, #tpu.memory_space<vmem>>)
    %dma_wait3A_59 = arith.constant 0 : i32
    %dma_wait3A_60 = arith.constant 0 : i32
    %dma_wait3A_61 = tpu.memref_slice %arg21[%dma_wait3A_59, %dma_wait3A_60] : memref<96x128xf32, #tpu.memory_space<vmem>> -> memref<64x128xf32, #tpu.memory_space<vmem>>
    %dma_wait3A_62 = arith.constant 0 : i32
    %dma_wait3A_63 = arith.constant 0 : i32
    %dma_wait3A_64 = tpu.memref_slice %arg6[%dma_wait3A_62, %dma_wait3A_63] : memref<500000x128xf32, #tpu.memory_space<hbm>> -> memref<500000x128xf32, #tpu.memory_space<hbm>>
    tpu.wait_indirect_dma semaphore(%arg25 : memref<!tpu.dma_semaphore, #tpu.memory_space<semaphore_mem>>) src(%dma_wait3A_64 : memref<500000x128xf32, #tpu.memory_space<hbm>>) dst(%dma_wait3A_61 : memref<64x128xf32, #tpu.memory_space<vmem>>)
    %dma_wait3A_65 = arith.constant 0 : i32
    %dma_wait3A_66 = arith.constant 0 : i32
    %dma_wait3A_67 = tpu.memref_slice %arg22[%dma_wait3A_65, %dma_wait3A_66] : memref<352x128xf32, #tpu.memory_space<vmem>> -> memref<128x128xf32, #tpu.memory_space<vmem>>
    %dma_wait3A_68 = arith.constant 0 : i32
    %dma_wait3A_69 = tpu.memref_slice %arg17[%dma_wait3A_68] : memref<320xi32, #tpu.memory_space<vmem>> -> memref<128xi32, #tpu.memory_space<vmem>>
    %dma_wait3A_70 = arith.constant 0 : i32
    %dma_wait3A_71 = arith.constant 0 : i32
    %dma_wait3A_72 = tpu.memref_slice %arg6[%dma_wait3A_70, %dma_wait3A_71] : memref<500000x128xf32, #tpu.memory_space<hbm>> -> memref<500000x128xf32, #tpu.memory_space<hbm>>
    tpu.wait_indirect_dma semaphore(%arg25 : memref<!tpu.dma_semaphore, #tpu.memory_space<semaphore_mem>>) src(%dma_wait3A_72 : memref<500000x128xf32, #tpu.memory_space<hbm>>) dst(%dma_wait3A_67 : memref<128x128xf32, #tpu.memory_space<vmem>>)
    %dma_wait3A_73 = arith.constant 128 : i32
    %dma_wait3A_74 = arith.constant 0 : i32
    %dma_wait3A_75 = tpu.memref_slice %arg22[%dma_wait3A_73, %dma_wait3A_74] : memref<352x128xf32, #tpu.memory_space<vmem>> -> memref<128x128xf32, #tpu.memory_space<vmem>>
    %dma_wait3A_76 = arith.constant 128 : i32
    %dma_wait3A_77 = tpu.memref_slice %arg17[%dma_wait3A_76] : memref<320xi32, #tpu.memory_space<vmem>> -> memref<128xi32, #tpu.memory_space<vmem>>
    %dma_wait3A_78 = arith.constant 0 : i32
    %dma_wait3A_79 = arith.constant 0 : i32
    %dma_wait3A_80 = tpu.memref_slice %arg6[%dma_wait3A_78, %dma_wait3A_79] : memref<500000x128xf32, #tpu.memory_space<hbm>> -> memref<500000x128xf32, #tpu.memory_space<hbm>>
    tpu.wait_indirect_dma semaphore(%arg25 : memref<!tpu.dma_semaphore, #tpu.memory_space<semaphore_mem>>) src(%dma_wait3A_80 : memref<500000x128xf32, #tpu.memory_space<hbm>>) dst(%dma_wait3A_75 : memref<128x128xf32, #tpu.memory_space<vmem>>)
    %scan3A_81 = arith.constant 0 : i32
    %scan3A_82 = arith.constant 0 : i32
    %scan3A_83 = arith.constant 4 : i32
    %scan3A_84 = arith.addi %scan3A_82, %scan3A_83 : i32
    %scan3A_85 = arith.constant 1 : i32
    %scan3A_86 = scf.for %scan3A_706 = %scan3A_82 to %scan3A_84 step %scan3A_85 iter_args(%scan3A_707 = %scan3A_81) -> (i32)  : i32 {
      %mul3A_708 = arith.constant 16 : i32
      %mul3A_709 = arith.muli %scan3A_706, %mul3A_708 : i32
      %get3A = arith.index_cast %mul3A_709 : i32 to index
      %get3A_710 = tpu.vector_load %arg13[%get3A] {strides = array<i32>} : memref<64xi32, #tpu.memory_space<vmem>>, vector<16xi32>,
      %mul3A_711 = arith.constant 16 : i32
      %mul3A_712 = arith.muli %scan3A_706, %mul3A_711 : i32
      %get3A_713 = arith.index_cast %mul3A_712 : i32 to index
      %get3A_714 = tpu.vector_load %arg16[%get3A_713] {strides = array<i32>} : memref<64xi32, #tpu.memory_space<vmem>>, vector<16xi32>,
      %mul3A_715 = arith.constant 16 : i32
      %mul3A_716 = arith.muli %scan3A_706, %mul3A_715 : i32
      %get3A_717 = arith.index_cast %mul3A_716 : i32 to index
      %get3A_718 = tpu.vector_load %arg12[%get3A_717] {strides = array<i32>} : memref<64xi32, #tpu.memory_space<vmem>>, vector<16xi32>,
      %mul3A_719 = arith.constant 16 : i32
      %mul3A_720 = arith.muli %scan3A_706, %mul3A_719 : i32
      %get3A_721 = arith.index_cast %mul3A_720 : i32 to index
      %get3A_722 = tpu.vector_load %arg15[%get3A_721] {strides = array<i32>} : memref<64xi32, #tpu.memory_space<vmem>>, vector<16xi32>,
      %mul3A_723 = arith.constant 16 : i32
      %mul3A_724 = arith.muli %scan3A_706, %mul3A_723 : i32
      %add3A_725 = vector.broadcast %mul3A_724 : i32 to vector<16xi32>
      %add3A_726 = arith.addi %add3A_725, %iota3A : vector<16xi32>
      %mul3A_727 = arith.constant 5 : i32
      %mul3A_728 = vector.broadcast %mul3A_727 : i32 to vector<16xi32>
      %mul3A_729 = arith.muli %add3A_726, %mul3A_728 : vector<16xi32>
      %add3A_730 = arith.constant 0 : i32
      %add3A_731 = vector.broadcast %add3A_730 : i32 to vector<16xi32>
      %add3A_732 = arith.addi %mul3A_729, %add3A_731 : vector<16xi32>
      %gather3A = tpu.vector_load_idx %arg19[%add3A_732] : memref<320xi32, #tpu.memory_space<vmem>>[vector<16xi32>], vector<16xi32>,
      %mul3A_733 = arith.constant 5 : i32
      %mul3A_734 = vector.broadcast %mul3A_733 : i32 to vector<16xi32>
      %mul3A_735 = arith.muli %add3A_726, %mul3A_734 : vector<16xi32>
      %add3A_736 = arith.constant 1 : i32
      %add3A_737 = vector.broadcast %add3A_736 : i32 to vector<16xi32>
      %add3A_738 = arith.addi %mul3A_735, %add3A_737 : vector<16xi32>
      %gather3A_739 = tpu.vector_load_idx %arg19[%add3A_738] : memref<320xi32, #tpu.memory_space<vmem>>[vector<16xi32>], vector<16xi32>,
      %mul3A_740 = arith.constant 5 : i32
      %mul3A_741 = vector.broadcast %mul3A_740 : i32 to vector<16xi32>
      %mul3A_742 = arith.muli %add3A_726, %mul3A_741 : vector<16xi32>
      %add3A_743 = arith.constant 2 : i32
      %add3A_744 = vector.broadcast %add3A_743 : i32 to vector<16xi32>
      %add3A_745 = arith.addi %mul3A_742, %add3A_744 : vector<16xi32>
      %gather3A_746 = tpu.vector_load_idx %arg19[%add3A_745] : memref<320xi32, #tpu.memory_space<vmem>>[vector<16xi32>], vector<16xi32>,
      %mul3A_747 = arith.constant 5 : i32
      %mul3A_748 = vector.broadcast %mul3A_747 : i32 to vector<16xi32>
      %mul3A_749 = arith.muli %add3A_726, %mul3A_748 : vector<16xi32>
      %add3A_750 = arith.constant 3 : i32
      %add3A_751 = vector.broadcast %add3A_750 : i32 to vector<16xi32>
      %add3A_752 = arith.addi %mul3A_749, %add3A_751 : vector<16xi32>
      %gather3A_753 = tpu.vector_load_idx %arg19[%add3A_752] : memref<320xi32, #tpu.memory_space<vmem>>[vector<16xi32>], vector<16xi32>,
      %mul3A_754 = arith.constant 5 : i32
      %mul3A_755 = vector.broadcast %mul3A_754 : i32 to vector<16xi32>
      %mul3A_756 = arith.muli %add3A_726, %mul3A_755 : vector<16xi32>
      %add3A_757 = arith.constant 4 : i32
      %add3A_758 = vector.broadcast %add3A_757 : i32 to vector<16xi32>
      %add3A_759 = arith.addi %mul3A_756, %add3A_758 : vector<16xi32>
      %gather3A_760 = tpu.vector_load_idx %arg19[%add3A_759] : memref<320xi32, #tpu.memory_space<vmem>>[vector<16xi32>], vector<16xi32>,
      %mul3A_761 = arith.constant 5 : i32
      %mul3A_762 = vector.broadcast %mul3A_761 : i32 to vector<16xi32>
      %mul3A_763 = arith.muli %add3A_726, %mul3A_762 : vector<16xi32>
      %add3A_764 = arith.constant 0 : i32
      %add3A_765 = vector.broadcast %add3A_764 : i32 to vector<16xi32>
      %add3A_766 = arith.addi %mul3A_763, %add3A_765 : vector<16xi32>
      %gather3A_767 = tpu.vector_load_idx %arg18[%add3A_766] : memref<320xi32, #tpu.memory_space<vmem>>[vector<16xi32>], vector<16xi32>,
      %mul3A_768 = arith.constant 5 : i32
      %mul3A_769 = vector.broadcast %mul3A_768 : i32 to vector<16xi32>
      %mul3A_770 = arith.muli %add3A_726, %mul3A_769 : vector<16xi32>
      %add3A_771 = arith.constant 1 : i32
      %add3A_772 = vector.broadcast %add3A_771 : i32 to vector<16xi32>
      %add3A_773 = arith.addi %mul3A_770, %add3A_772 : vector<16xi32>
      %gather3A_774 = tpu.vector_load_idx %arg18[%add3A_773] : memref<320xi32, #tpu.memory_space<vmem>>[vector<16xi32>], vector<16xi32>,
      %mul3A_775 = arith.constant 5 : i32
      %mul3A_776 = vector.broadcast %mul3A_775 : i32 to vector<16xi32>
      %mul3A_777 = arith.muli %add3A_726, %mul3A_776 : vector<16xi32>
      %add3A_778 = arith.constant 2 : i32
      %add3A_779 = vector.broadcast %add3A_778 : i32 to vector<16xi32>
      %add3A_780 = arith.addi %mul3A_777, %add3A_779 : vector<16xi32>
      %gather3A_781 = tpu.vector_load_idx %arg18[%add3A_780] : memref<320xi32, #tpu.memory_space<vmem>>[vector<16xi32>], vector<16xi32>,
      %mul3A_782 = arith.constant 5 : i32
      %mul3A_783 = vector.broadcast %mul3A_782 : i32 to vector<16xi32>
      %mul3A_784 = arith.muli %add3A_726, %mul3A_783 : vector<16xi32>
      %add3A_785 = arith.constant 3 : i32
      %add3A_786 = vector.broadcast %add3A_785 : i32 to vector<16xi32>
      %add3A_787 = arith.addi %mul3A_784, %add3A_786 : vector<16xi32>
      %gather3A_788 = tpu.vector_load_idx %arg18[%add3A_787] : memref<320xi32, #tpu.memory_space<vmem>>[vector<16xi32>], vector<16xi32>,
      %mul3A_789 = arith.constant 5 : i32
      %mul3A_790 = vector.broadcast %mul3A_789 : i32 to vector<16xi32>
      %mul3A_791 = arith.muli %add3A_726, %mul3A_790 : vector<16xi32>
      %add3A_792 = arith.constant 4 : i32
      %add3A_793 = vector.broadcast %add3A_792 : i32 to vector<16xi32>
      %add3A_794 = arith.addi %mul3A_791, %add3A_793 : vector<16xi32>
      %gather3A_795 = tpu.vector_load_idx %arg18[%add3A_794] : memref<320xi32, #tpu.memory_space<vmem>>[vector<16xi32>], vector<16xi32>,
      %broadcast_in_dim3A = arith.constant 0.000000e+00 : f32
      %broadcast_in_dim3A_796 = vector.broadcast %broadcast_in_dim3A : f32 to vector<16xf32>
      %scan3A_797 = arith.constant 0 : i32
      %scan3A_798 = arith.constant 64 : i32
      %scan3A_799 = arith.addi %scan3A_797, %scan3A_798 : i32
      %scan3A_800 = arith.constant 1 : i32
      %scan3A_801:6 = scf.for %scan3A_850 = %scan3A_797 to %scan3A_799 step %scan3A_800 iter_args(%scan3A_851 = %broadcast_in_dim3A_796, %scan3A_852 = %broadcast_in_dim3A_796, %scan3A_853 = %broadcast_in_dim3A_796, %scan3A_854 = %broadcast_in_dim3A_796, %scan3A_855 = %broadcast_in_dim3A_796, %scan3A_856 = %broadcast_in_dim3A_796) -> (vector<16xf32>, vector<16xf32>, vector<16xf32>, vector<16xf32>, vector<16xf32>, vector<16xf32>)  : i32 {
        %add3A_857 = vector.broadcast %scan3A_850 : i32 to vector<16xi32>
        %add3A_858 = arith.addi %get3A_718, %add3A_857 : vector<16xi32>
        %gather3A_859 = tpu.vector_load_idx %arg20[%get3A_710, %add3A_858] : memref<96x128xf32, #tpu.memory_space<vmem>>[vector<16xi32>, vector<16xi32>], vector<16xf32>,
        %add3A_860 = vector.broadcast %scan3A_850 : i32 to vector<16xi32>
        %add3A_861 = arith.addi %get3A_722, %add3A_860 : vector<16xi32>
        %gather3A_862 = tpu.vector_load_idx %arg21[%get3A_714, %add3A_861] : memref<96x128xf32, #tpu.memory_space<vmem>>[vector<16xi32>, vector<16xi32>], vector<16xf32>,
        %mul3A_863 = arith.mulf %gather3A_859, %gather3A_862 : vector<16xf32>
        %add3A_864 = arith.addf %scan3A_851, %mul3A_863 : vector<16xf32>
        %add3A_865 = vector.broadcast %scan3A_850 : i32 to vector<16xi32>
        %add3A_866 = arith.addi %gather3A_767, %add3A_865 : vector<16xi32>
        %gather3A_867 = tpu.vector_load_idx %arg22[%gather3A, %add3A_866] : memref<352x128xf32, #tpu.memory_space<vmem>>[vector<16xi32>, vector<16xi32>], vector<16xf32>,
        %mul3A_868 = arith.mulf %gather3A_859, %gather3A_867 : vector<16xf32>
        %add3A_869 = arith.addf %scan3A_852, %mul3A_868 : vector<16xf32>
        %add3A_870 = vector.broadcast %scan3A_850 : i32 to vector<16xi32>
        %add3A_871 = arith.addi %gather3A_774, %add3A_870 : vector<16xi32>
        %gather3A_872 = tpu.vector_load_idx %arg22[%gather3A_739, %add3A_871] : memref<352x128xf32, #tpu.memory_space<vmem>>[vector<16xi32>, vector<16xi32>], vector<16xf32>,
        %mul3A_873 = arith.mulf %gather3A_859, %gather3A_872 : vector<16xf32>
        %add3A_874 = arith.addf %scan3A_853, %mul3A_873 : vector<16xf32>
        %add3A_875 = vector.broadcast %scan3A_850 : i32 to vector<16xi32>
        %add3A_876 = arith.addi %gather3A_781, %add3A_875 : vector<16xi32>
        %gather3A_877 = tpu.vector_load_idx %arg22[%gather3A_746, %add3A_876] : memref<352x128xf32, #tpu.memory_space<vmem>>[vector<16xi32>, vector<16xi32>], vector<16xf32>,
        %mul3A_878 = arith.mulf %gather3A_859, %gather3A_877 : vector<16xf32>
        %add3A_879 = arith.addf %scan3A_854, %mul3A_878 : vector<16xf32>
        %add3A_880 = vector.broadcast %scan3A_850 : i32 to vector<16xi32>
        %add3A_881 = arith.addi %gather3A_788, %add3A_880 : vector<16xi32>
        %gather3A_882 = tpu.vector_load_idx %arg22[%gather3A_753, %add3A_881] : memref<352x128xf32, #tpu.memory_space<vmem>>[vector<16xi32>, vector<16xi32>], vector<16xf32>,
        %mul3A_883 = arith.mulf %gather3A_859, %gather3A_882 : vector<16xf32>
        %add3A_884 = arith.addf %scan3A_855, %mul3A_883 : vector<16xf32>
        %add3A_885 = vector.broadcast %scan3A_850 : i32 to vector<16xi32>
        %add3A_886 = arith.addi %gather3A_795, %add3A_885 : vector<16xi32>
        %gather3A_887 = tpu.vector_load_idx %arg22[%gather3A_760, %add3A_886] : memref<352x128xf32, #tpu.memory_space<vmem>>[vector<16xi32>, vector<16xi32>], vector<16xf32>,
        %mul3A_888 = arith.mulf %gather3A_859, %gather3A_887 : vector<16xf32>
        %add3A_889 = arith.addf %scan3A_856, %mul3A_888 : vector<16xf32>
        scf.yield %add3A_864, %add3A_869, %add3A_874, %add3A_879, %add3A_884, %add3A_889 : vector<16xf32>, vector<16xf32>, vector<16xf32>, vector<16xf32>, vector<16xf32>, vector<16xf32>
      }
      %scan3A_802 = arith.constant 64 : i32
      %mul3A_803 = arith.constant 16 : i32
      %mul3A_804 = arith.muli %scan3A_706, %mul3A_803 : i32
      %add3A_805 = arith.constant 0 : i32
      %add3A_806 = arith.addi %add3A_805, %mul3A_804 : i32
      %add3A_807 = vector.broadcast %add3A_806 : i32 to vector<16xi32>
      %add3A_808 = arith.addi %add3A_807, %iota3A : vector<16xi32>
      tpu.vector_store_idx %arg23[%add3A_808], %scan3A_801#0 : memref<512xf32, #tpu.memory_space<vmem>>[vector<16xi32>], vector<16xf32>,
      %add3A_809 = vector.broadcast %add3A_806 : i32 to vector<16xi32>
      %add3A_810 = arith.addi %add3A_809, %iota3A : vector<16xi32>
      %mul3A_811 = arith.constant 5 : i32
      %mul3A_812 = vector.broadcast %mul3A_811 : i32 to vector<16xi32>
      %mul3A_813 = arith.muli %add3A_810, %mul3A_812 : vector<16xi32>
      %add3A_814 = arith.constant 0 : i32
      %add3A_815 = vector.broadcast %add3A_814 : i32 to vector<16xi32>
      %add3A_816 = arith.addi %mul3A_813, %add3A_815 : vector<16xi32>
      tpu.vector_store_idx %arg24[%add3A_816], %scan3A_801#1 : memref<2560xf32, #tpu.memory_space<vmem>>[vector<16xi32>], vector<16xf32>,
      %add3A_817 = vector.broadcast %add3A_806 : i32 to vector<16xi32>
      %add3A_818 = arith.addi %add3A_817, %iota3A : vector<16xi32>
      %mul3A_819 = arith.constant 5 : i32
      %mul3A_820 = vector.broadcast %mul3A_819 : i32 to vector<16xi32>
      %mul3A_821 = arith.muli %add3A_818, %mul3A_820 : vector<16xi32>
      %add3A_822 = arith.constant 1 : i32
      %add3A_823 = vector.broadcast %add3A_822 : i32 to vector<16xi32>
      %add3A_824 = arith.addi %mul3A_821, %add3A_823 : vector<16xi32>
      tpu.vector_store_idx %arg24[%add3A_824], %scan3A_801#2 : memref<2560xf32, #tpu.memory_space<vmem>>[vector<16xi32>], vector<16xf32>,
      %add3A_825 = vector.broadcast %add3A_806 : i32 to vector<16xi32>
      %add3A_826 = arith.addi %add3A_825, %iota3A : vector<16xi32>
      %mul3A_827 = arith.constant 5 : i32
      %mul3A_828 = vector.broadcast %mul3A_827 : i32 to vector<16xi32>
      %mul3A_829 = arith.muli %add3A_826, %mul3A_828 : vector<16xi32>
      %add3A_830 = arith.constant 2 : i32
      %add3A_831 = vector.broadcast %add3A_830 : i32 to vector<16xi32>
      %add3A_832 = arith.addi %mul3A_829, %add3A_831 : vector<16xi32>
      tpu.vector_store_idx %arg24[%add3A_832], %scan3A_801#3 : memref<2560xf32, #tpu.memory_space<vmem>>[vector<16xi32>], vector<16xf32>,
      %add3A_833 = vector.broadcast %add3A_806 : i32 to vector<16xi32>
      %add3A_834 = arith.addi %add3A_833, %iota3A : vector<16xi32>
      %mul3A_835 = arith.constant 5 : i32
      %mul3A_836 = vector.broadcast %mul3A_835 : i32 to vector<16xi32>
      %mul3A_837 = arith.muli %add3A_834, %mul3A_836 : vector<16xi32>
      %add3A_838 = arith.constant 3 : i32
      %add3A_839 = vector.broadcast %add3A_838 : i32 to vector<16xi32>
      %add3A_840 = arith.addi %mul3A_837, %add3A_839 : vector<16xi32>
      tpu.vector_store_idx %arg24[%add3A_840], %scan3A_801#4 : memref<2560xf32, #tpu.memory_space<vmem>>[vector<16xi32>], vector<16xf32>,
      %add3A_841 = vector.broadcast %add3A_806 : i32 to vector<16xi32>
      %add3A_842 = arith.addi %add3A_841, %iota3A : vector<16xi32>
      %mul3A_843 = arith.constant 5 : i32
      %mul3A_844 = vector.broadcast %mul3A_843 : i32 to vector<16xi32>
      %mul3A_845 = arith.muli %add3A_842, %mul3A_844 : vector<16xi32>
      %add3A_846 = arith.constant 4 : i32
      %add3A_847 = vector.broadcast %add3A_846 : i32 to vector<16xi32>
      %add3A_848 = arith.addi %mul3A_845, %add3A_847 : vector<16xi32>
      tpu.vector_store_idx %arg24[%add3A_848], %scan3A_801#5 : memref<2560xf32, #tpu.memory_space<vmem>>[vector<16xi32>], vector<16xf32>,
      %scan3A_849 = arith.constant 0 : i32
      scf.yield %scan3A_849 : i32
    }
    %scan3A_87 = arith.constant 4 : i32
    %add3A_88 = arith.constant 64 : i32
    %add3A_89 = arith.addi %mul3A_2, %add3A_88 : i32
    "tpu.region"() ({
      %run_scoped3A = tpu.sem_alloc : memref<!tpu.dma_semaphore, #tpu.memory_space<semaphore_mem>>
      %dma_start3A_706 = tpu.memref_slice %arg2[%add3A_89] : memref<16384xi32, #tpu.memory_space<hbm>> -> memref<64xi32, #tpu.memory_space<hbm>>
      %dma_start3A_707 = tpu.memref_slice %arg2[%add3A_89] : memref<16384xi32, #tpu.memory_space<hbm>> -> memref<64xi32, #tpu.memory_space<hbm>>
      tpu.enqueue_dma source(%dma_start3A_707 : memref<64xi32, #tpu.memory_space<hbm>>) target(%arg11 : memref<64xi32, #tpu.memory_space<vmem>>) target_semaphore(%run_scoped3A : memref<!tpu.dma_semaphore, #tpu.memory_space<semaphore_mem>>)
      %dma_wait3A_708 = tpu.memref_slice %arg2[%add3A_89] : memref<16384xi32, #tpu.memory_space<hbm>> -> memref<64xi32, #tpu.memory_space<hbm>>
      %dma_wait3A_709 = tpu.memref_slice %arg2[%add3A_89] : memref<16384xi32, #tpu.memory_space<hbm>> -> memref<64xi32, #tpu.memory_space<hbm>>
      tpu.wait_dma2 semaphore(%run_scoped3A : memref<!tpu.dma_semaphore, #tpu.memory_space<semaphore_mem>>) src(%dma_wait3A_709 : memref<64xi32, #tpu.memory_space<hbm>>) dst(%arg11 : memref<64xi32, #tpu.memory_space<vmem>>)
      tpu.yield
    }) : () -> ()
    %scan3A_90 = arith.constant 0 : i32
    %scan3A_91 = arith.constant 0 : i32
    %scan3A_92 = arith.constant 4 : i32
    %scan3A_93 = arith.addi %scan3A_91, %scan3A_92 : i32
    %scan3A_94 = arith.constant 1 : i32
    %scan3A_95 = scf.for %scan3A_706 = %scan3A_91 to %scan3A_93 step %scan3A_94 iter_args(%scan3A_707 = %scan3A_90) -> (i32)  : i32 {
      %mul3A_708 = arith.constant 16 : i32
      %mul3A_709 = arith.muli %scan3A_706, %mul3A_708 : i32
      %get3A = arith.index_cast %mul3A_709 : i32 to index
      %get3A_710 = tpu.vector_load %arg11[%get3A] {strides = array<i32>} : memref<64xi32, #tpu.memory_space<vmem>>, vector<16xi32>,
      %and3A = arith.constant 1 : i32
      %and3A_711 = vector.broadcast %and3A : i32 to vector<16xi32>
      %and3A_712 = arith.andi %get3A_710, %and3A_711 : vector<16xi32>
      %mul3A_713 = arith.constant 64 : i32
      %mul3A_714 = vector.broadcast %mul3A_713 : i32 to vector<16xi32>
      %mul3A_715 = arith.muli %and3A_712, %mul3A_714 : vector<16xi32>
      %swap3A = arith.index_cast %mul3A_709 : i32 to index
      %swap3A_716 = tpu.vector_load %arg12[%swap3A] {strides = array<i32>} : memref<64xi32, #tpu.memory_space<vmem>>, vector<16xi32>,
      tpu.vector_store %arg12[%swap3A], %mul3A_715 {strides = array<i32>} : memref<64xi32, #tpu.memory_space<vmem>>, vector<16xi32>,
      %shift_right_logical3A = arith.constant 1 : i32
      %shift_right_logical3A_717 = vector.broadcast %shift_right_logical3A : i32 to vector<16xi32>
      %shift_right_logical3A_718 = arith.shrui %get3A_710, %shift_right_logical3A_717 : vector<16xi32>
      %ge3A = arith.constant 500000 : i32
      %ge3A_719 = vector.broadcast %ge3A : i32 to vector<16xi32>
      %ge3A_720 = arith.cmpi sge, %shift_right_logical3A_718, %ge3A_719 : vector<16xi32>
      %sub3A = arith.constant 500000 : i32
      %sub3A_721 = vector.broadcast %sub3A : i32 to vector<16xi32>
      %sub3A_722 = arith.subi %shift_right_logical3A_718, %sub3A_721 : vector<16xi32>
      %add3A_723 = arith.constant 64 : i32
      %add3A_724 = vector.broadcast %add3A_723 : i32 to vector<16xi32>
      %add3A_725 = arith.addi %add3A_724, %sub3A_722 : vector<16xi32>
      %mul3A_726 = arith.constant 16 : i32
      %mul3A_727 = arith.muli %scan3A_706, %mul3A_726 : i32
      %add3A_728 = vector.broadcast %mul3A_727 : i32 to vector<16xi32>
      %add3A_729 = arith.addi %add3A_728, %iota3A : vector<16xi32>
      %select_n3A = arith.select %ge3A_720, %add3A_725, %add3A_729 : vector<16xi1>, vector<16xi32>
      %swap3A_730 = arith.index_cast %mul3A_709 : i32 to index
      %swap3A_731 = tpu.vector_load %arg13[%swap3A_730] {strides = array<i32>} : memref<64xi32, #tpu.memory_space<vmem>>, vector<16xi32>,
      tpu.vector_store %arg13[%swap3A_730], %select_n3A {strides = array<i32>} : memref<64xi32, #tpu.memory_space<vmem>>, vector<16xi32>,
      %jit3A = arith.constant 0 : i32
      %broadcast_in_dim3A = vector.broadcast %jit3A : i32 to vector<16xi32>
      %select_n3A_732 = arith.select %ge3A_720, %broadcast_in_dim3A, %shift_right_logical3A_718 : vector<16xi1>, vector<16xi32>
      %swap3A_733 = arith.index_cast %mul3A_709 : i32 to index
      %swap3A_734 = tpu.vector_load %arg11[%swap3A_733] {strides = array<i32>} : memref<64xi32, #tpu.memory_space<vmem>>, vector<16xi32>,
      tpu.vector_store %arg11[%swap3A_733], %select_n3A_732 {strides = array<i32>} : memref<64xi32, #tpu.memory_space<vmem>>, vector<16xi32>,
      %scan3A_735 = arith.constant 0 : i32
      scf.yield %scan3A_735 : i32
    }
    %scan3A_96 = arith.constant 4 : i32
    "tpu.region"() ({
      %run_scoped3A = tpu.sem_alloc : memref<!tpu.dma_semaphore, #tpu.memory_space<semaphore_mem>>
      %dma_start3A_706 = tpu.memref_slice %arg3[%add3A_89] : memref<16384xi32, #tpu.memory_space<hbm>> -> memref<64xi32, #tpu.memory_space<hbm>>
      %dma_start3A_707 = tpu.memref_slice %arg3[%add3A_89] : memref<16384xi32, #tpu.memory_space<hbm>> -> memref<64xi32, #tpu.memory_space<hbm>>
      tpu.enqueue_dma source(%dma_start3A_707 : memref<64xi32, #tpu.memory_space<hbm>>) target(%arg14 : memref<64xi32, #tpu.memory_space<vmem>>) target_semaphore(%run_scoped3A : memref<!tpu.dma_semaphore, #tpu.memory_space<semaphore_mem>>)
      %dma_wait3A_708 = tpu.memref_slice %arg3[%add3A_89] : memref<16384xi32, #tpu.memory_space<hbm>> -> memref<64xi32, #tpu.memory_space<hbm>>
      %dma_wait3A_709 = tpu.memref_slice %arg3[%add3A_89] : memref<16384xi32, #tpu.memory_space<hbm>> -> memref<64xi32, #tpu.memory_space<hbm>>
      tpu.wait_dma2 semaphore(%run_scoped3A : memref<!tpu.dma_semaphore, #tpu.memory_space<semaphore_mem>>) src(%dma_wait3A_709 : memref<64xi32, #tpu.memory_space<hbm>>) dst(%arg14 : memref<64xi32, #tpu.memory_space<vmem>>)
      tpu.yield
    }) : () -> ()
    %scan3A_97 = arith.constant 0 : i32
    %scan3A_98 = arith.constant 0 : i32
    %scan3A_99 = arith.constant 4 : i32
    %scan3A_100 = arith.addi %scan3A_98, %scan3A_99 : i32
    %scan3A_101 = arith.constant 1 : i32
    %scan3A_102 = scf.for %scan3A_706 = %scan3A_98 to %scan3A_100 step %scan3A_101 iter_args(%scan3A_707 = %scan3A_97) -> (i32)  : i32 {
      %mul3A_708 = arith.constant 16 : i32
      %mul3A_709 = arith.muli %scan3A_706, %mul3A_708 : i32
      %get3A = arith.index_cast %mul3A_709 : i32 to index
      %get3A_710 = tpu.vector_load %arg14[%get3A] {strides = array<i32>} : memref<64xi32, #tpu.memory_space<vmem>>, vector<16xi32>,
      %and3A = arith.constant 1 : i32
      %and3A_711 = vector.broadcast %and3A : i32 to vector<16xi32>
      %and3A_712 = arith.andi %get3A_710, %and3A_711 : vector<16xi32>
      %mul3A_713 = arith.constant 64 : i32
      %mul3A_714 = vector.broadcast %mul3A_713 : i32 to vector<16xi32>
      %mul3A_715 = arith.muli %and3A_712, %mul3A_714 : vector<16xi32>
      %swap3A = arith.index_cast %mul3A_709 : i32 to index
      %swap3A_716 = tpu.vector_load %arg15[%swap3A] {strides = array<i32>} : memref<64xi32, #tpu.memory_space<vmem>>, vector<16xi32>,
      tpu.vector_store %arg15[%swap3A], %mul3A_715 {strides = array<i32>} : memref<64xi32, #tpu.memory_space<vmem>>, vector<16xi32>,
      %shift_right_logical3A = arith.constant 1 : i32
      %shift_right_logical3A_717 = vector.broadcast %shift_right_logical3A : i32 to vector<16xi32>
      %shift_right_logical3A_718 = arith.shrui %get3A_710, %shift_right_logical3A_717 : vector<16xi32>
      %ge3A = arith.constant 500000 : i32
      %ge3A_719 = vector.broadcast %ge3A : i32 to vector<16xi32>
      %ge3A_720 = arith.cmpi sge, %shift_right_logical3A_718, %ge3A_719 : vector<16xi32>
      %sub3A = arith.constant 500000 : i32
      %sub3A_721 = vector.broadcast %sub3A : i32 to vector<16xi32>
      %sub3A_722 = arith.subi %shift_right_logical3A_718, %sub3A_721 : vector<16xi32>
      %add3A_723 = arith.constant 64 : i32
      %add3A_724 = vector.broadcast %add3A_723 : i32 to vector<16xi32>
      %add3A_725 = arith.addi %add3A_724, %sub3A_722 : vector<16xi32>
      %mul3A_726 = arith.constant 16 : i32
      %mul3A_727 = arith.muli %scan3A_706, %mul3A_726 : i32
      %add3A_728 = vector.broadcast %mul3A_727 : i32 to vector<16xi32>
      %add3A_729 = arith.addi %add3A_728, %iota3A : vector<16xi32>
      %select_n3A = arith.select %ge3A_720, %add3A_725, %add3A_729 : vector<16xi1>, vector<16xi32>
      %swap3A_730 = arith.index_cast %mul3A_709 : i32 to index
      %swap3A_731 = tpu.vector_load %arg16[%swap3A_730] {strides = array<i32>} : memref<64xi32, #tpu.memory_space<vmem>>, vector<16xi32>,
      tpu.vector_store %arg16[%swap3A_730], %select_n3A {strides = array<i32>} : memref<64xi32, #tpu.memory_space<vmem>>, vector<16xi32>,
      %jit3A = arith.constant 0 : i32
      %broadcast_in_dim3A = vector.broadcast %jit3A : i32 to vector<16xi32>
      %select_n3A_732 = arith.select %ge3A_720, %broadcast_in_dim3A, %shift_right_logical3A_718 : vector<16xi1>, vector<16xi32>
      %swap3A_733 = arith.index_cast %mul3A_709 : i32 to index
      %swap3A_734 = tpu.vector_load %arg14[%swap3A_733] {strides = array<i32>} : memref<64xi32, #tpu.memory_space<vmem>>, vector<16xi32>,
      tpu.vector_store %arg14[%swap3A_733], %select_n3A_732 {strides = array<i32>} : memref<64xi32, #tpu.memory_space<vmem>>, vector<16xi32>,
      %scan3A_735 = arith.constant 0 : i32
      scf.yield %scan3A_735 : i32
    }
    %scan3A_103 = arith.constant 4 : i32
    %mul3A_104 = arith.constant 5 : i32
    %mul3A_105 = arith.muli %add3A_89, %mul3A_104 : i32
    "tpu.region"() ({
      %run_scoped3A = tpu.sem_alloc : memref<!tpu.dma_semaphore, #tpu.memory_space<semaphore_mem>>
      %dma_start3A_706 = tpu.memref_slice %arg4[%mul3A_105] : memref<81920xi32, #tpu.memory_space<hbm>> -> memref<320xi32, #tpu.memory_space<hbm>>
      %dma_start3A_707 = tpu.memref_slice %arg4[%mul3A_105] : memref<81920xi32, #tpu.memory_space<hbm>> -> memref<320xi32, #tpu.memory_space<hbm>>
      tpu.enqueue_dma source(%dma_start3A_707 : memref<320xi32, #tpu.memory_space<hbm>>) target(%arg17 : memref<320xi32, #tpu.memory_space<vmem>>) target_semaphore(%run_scoped3A : memref<!tpu.dma_semaphore, #tpu.memory_space<semaphore_mem>>)
      %dma_wait3A_708 = tpu.memref_slice %arg4[%mul3A_105] : memref<81920xi32, #tpu.memory_space<hbm>> -> memref<320xi32, #tpu.memory_space<hbm>>
      %dma_wait3A_709 = tpu.memref_slice %arg4[%mul3A_105] : memref<81920xi32, #tpu.memory_space<hbm>> -> memref<320xi32, #tpu.memory_space<hbm>>
      tpu.wait_dma2 semaphore(%run_scoped3A : memref<!tpu.dma_semaphore, #tpu.memory_space<semaphore_mem>>) src(%dma_wait3A_709 : memref<320xi32, #tpu.memory_space<hbm>>) dst(%arg17 : memref<320xi32, #tpu.memory_space<vmem>>)
      tpu.yield
    }) : () -> ()
    %scan3A_106 = arith.constant 0 : i32
    %scan3A_107 = arith.constant 0 : i32
    %scan3A_108 = arith.constant 20 : i32
    %scan3A_109 = arith.addi %scan3A_107, %scan3A_108 : i32
    %scan3A_110 = arith.constant 1 : i32
    %scan3A_111 = scf.for %scan3A_706 = %scan3A_107 to %scan3A_109 step %scan3A_110 iter_args(%scan3A_707 = %scan3A_106) -> (i32)  : i32 {
      %mul3A_708 = arith.constant 16 : i32
      %mul3A_709 = arith.muli %scan3A_706, %mul3A_708 : i32
      %get3A = arith.index_cast %mul3A_709 : i32 to index
      %get3A_710 = tpu.vector_load %arg17[%get3A] {strides = array<i32>} : memref<320xi32, #tpu.memory_space<vmem>>, vector<16xi32>,
      %and3A = arith.constant 1 : i32
      %and3A_711 = vector.broadcast %and3A : i32 to vector<16xi32>
      %and3A_712 = arith.andi %get3A_710, %and3A_711 : vector<16xi32>
      %mul3A_713 = arith.constant 64 : i32
      %mul3A_714 = vector.broadcast %mul3A_713 : i32 to vector<16xi32>
      %mul3A_715 = arith.muli %and3A_712, %mul3A_714 : vector<16xi32>
      %swap3A = arith.index_cast %mul3A_709 : i32 to index
      %swap3A_716 = tpu.vector_load %arg18[%swap3A] {strides = array<i32>} : memref<320xi32, #tpu.memory_space<vmem>>, vector<16xi32>,
      tpu.vector_store %arg18[%swap3A], %mul3A_715 {strides = array<i32>} : memref<320xi32, #tpu.memory_space<vmem>>, vector<16xi32>,
      %shift_right_logical3A = arith.constant 1 : i32
      %shift_right_logical3A_717 = vector.broadcast %shift_right_logical3A : i32 to vector<16xi32>
      %shift_right_logical3A_718 = arith.shrui %get3A_710, %shift_right_logical3A_717 : vector<16xi32>
      %ge3A = arith.constant 500000 : i32
      %ge3A_719 = vector.broadcast %ge3A : i32 to vector<16xi32>
      %ge3A_720 = arith.cmpi sge, %shift_right_logical3A_718, %ge3A_719 : vector<16xi32>
      %sub3A = arith.constant 500000 : i32
      %sub3A_721 = vector.broadcast %sub3A : i32 to vector<16xi32>
      %sub3A_722 = arith.subi %shift_right_logical3A_718, %sub3A_721 : vector<16xi32>
      %add3A_723 = arith.constant 320 : i32
      %add3A_724 = vector.broadcast %add3A_723 : i32 to vector<16xi32>
      %add3A_725 = arith.addi %add3A_724, %sub3A_722 : vector<16xi32>
      %mul3A_726 = arith.constant 16 : i32
      %mul3A_727 = arith.muli %scan3A_706, %mul3A_726 : i32
      %add3A_728 = vector.broadcast %mul3A_727 : i32 to vector<16xi32>
      %add3A_729 = arith.addi %add3A_728, %iota3A : vector<16xi32>
      %select_n3A = arith.select %ge3A_720, %add3A_725, %add3A_729 : vector<16xi1>, vector<16xi32>
      %swap3A_730 = arith.index_cast %mul3A_709 : i32 to index
      %swap3A_731 = tpu.vector_load %arg19[%swap3A_730] {strides = array<i32>} : memref<320xi32, #tpu.memory_space<vmem>>, vector<16xi32>,
      tpu.vector_store %arg19[%swap3A_730], %select_n3A {strides = array<i32>} : memref<320xi32, #tpu.memory_space<vmem>>, vector<16xi32>,
      %jit3A = arith.constant 0 : i32
      %broadcast_in_dim3A = vector.broadcast %jit3A : i32 to vector<16xi32>
      %select_n3A_732 = arith.select %ge3A_720, %broadcast_in_dim3A, %shift_right_logical3A_718 : vector<16xi1>, vector<16xi32>
      %swap3A_733 = arith.index_cast %mul3A_709 : i32 to index
      %swap3A_734 = tpu.vector_load %arg17[%swap3A_733] {strides = array<i32>} : memref<320xi32, #tpu.memory_space<vmem>>, vector<16xi32>,
      tpu.vector_store %arg17[%swap3A_733], %select_n3A_732 {strides = array<i32>} : memref<320xi32, #tpu.memory_space<vmem>>, vector<16xi32>,
      %scan3A_735 = arith.constant 0 : i32
      scf.yield %scan3A_735 : i32
    }
    %scan3A_112 = arith.constant 20 : i32
    %dma_start3A_113 = arith.constant 0 : i32
    %dma_start3A_114 = arith.constant 0 : i32
    %dma_start3A_115 = tpu.memref_slice %arg20[%dma_start3A_113, %dma_start3A_114] : memref<96x128xf32, #tpu.memory_space<vmem>> -> memref<64x128xf32, #tpu.memory_space<vmem>>
    %dma_start3A_116 = arith.constant 0 : i32
    %dma_start3A_117 = arith.constant 0 : i32
    %dma_start3A_118 = tpu.memref_slice %arg5[%dma_start3A_116, %dma_start3A_117] : memref<500000x128xf32, #tpu.memory_space<hbm>> -> memref<500000x128xf32, #tpu.memory_space<hbm>>
    tpu.enqueue_indirect_dma source(%dma_start3A_118 : memref<500000x128xf32, #tpu.memory_space<hbm>>) target(%dma_start3A_115 : memref<64x128xf32, #tpu.memory_space<vmem>>) offsets(%arg11 : memref<64xi32, #tpu.memory_space<vmem>>) semaphore(%arg25 : memref<!tpu.dma_semaphore, #tpu.memory_space<semaphore_mem>>)
    %dma_start3A_119 = arith.constant 0 : i32
    %dma_start3A_120 = arith.constant 0 : i32
    %dma_start3A_121 = tpu.memref_slice %arg21[%dma_start3A_119, %dma_start3A_120] : memref<96x128xf32, #tpu.memory_space<vmem>> -> memref<64x128xf32, #tpu.memory_space<vmem>>
    %dma_start3A_122 = arith.constant 0 : i32
    %dma_start3A_123 = arith.constant 0 : i32
    %dma_start3A_124 = tpu.memref_slice %arg6[%dma_start3A_122, %dma_start3A_123] : memref<500000x128xf32, #tpu.memory_space<hbm>> -> memref<500000x128xf32, #tpu.memory_space<hbm>>
    tpu.enqueue_indirect_dma source(%dma_start3A_124 : memref<500000x128xf32, #tpu.memory_space<hbm>>) target(%dma_start3A_121 : memref<64x128xf32, #tpu.memory_space<vmem>>) offsets(%arg14 : memref<64xi32, #tpu.memory_space<vmem>>) semaphore(%arg25 : memref<!tpu.dma_semaphore, #tpu.memory_space<semaphore_mem>>)
    %dma_start3A_125 = arith.constant 0 : i32
    %dma_start3A_126 = arith.constant 0 : i32
    %dma_start3A_127 = tpu.memref_slice %arg22[%dma_start3A_125, %dma_start3A_126] : memref<352x128xf32, #tpu.memory_space<vmem>> -> memref<128x128xf32, #tpu.memory_space<vmem>>
    %dma_start3A_128 = arith.constant 0 : i32
    %dma_start3A_129 = tpu.memref_slice %arg17[%dma_start3A_128] : memref<320xi32, #tpu.memory_space<vmem>> -> memref<128xi32, #tpu.memory_space<vmem>>
    %dma_start3A_130 = arith.constant 0 : i32
    %dma_start3A_131 = arith.constant 0 : i32
    %dma_start3A_132 = tpu.memref_slice %arg6[%dma_start3A_130, %dma_start3A_131] : memref<500000x128xf32, #tpu.memory_space<hbm>> -> memref<500000x128xf32, #tpu.memory_space<hbm>>
    tpu.enqueue_indirect_dma source(%dma_start3A_132 : memref<500000x128xf32, #tpu.memory_space<hbm>>) target(%dma_start3A_127 : memref<128x128xf32, #tpu.memory_space<vmem>>) offsets(%dma_start3A_129 : memref<128xi32, #tpu.memory_space<vmem>>) semaphore(%arg25 : memref<!tpu.dma_semaphore, #tpu.memory_space<semaphore_mem>>)
    %dma_start3A_133 = arith.constant 128 : i32
    %dma_start3A_134 = arith.constant 0 : i32
    %dma_start3A_135 = tpu.memref_slice %arg22[%dma_start3A_133, %dma_start3A_134] : memref<352x128xf32, #tpu.memory_space<vmem>> -> memref<128x128xf32, #tpu.memory_space<vmem>>
    %dma_start3A_136 = arith.constant 128 : i32
    %dma_start3A_137 = tpu.memref_slice %arg17[%dma_start3A_136] : memref<320xi32, #tpu.memory_space<vmem>> -> memref<128xi32, #tpu.memory_space<vmem>>
    %dma_start3A_138 = arith.constant 0 : i32
    %dma_start3A_139 = arith.constant 0 : i32
    %dma_start3A_140 = tpu.memref_slice %arg6[%dma_start3A_138, %dma_start3A_139] : memref<500000x128xf32, #tpu.memory_space<hbm>> -> memref<500000x128xf32, #tpu.memory_space<hbm>>
    tpu.enqueue_indirect_dma source(%dma_start3A_140 : memref<500000x128xf32, #tpu.memory_space<hbm>>) target(%dma_start3A_135 : memref<128x128xf32, #tpu.memory_space<vmem>>) offsets(%dma_start3A_137 : memref<128xi32, #tpu.memory_space<vmem>>) semaphore(%arg25 : memref<!tpu.dma_semaphore, #tpu.memory_space<semaphore_mem>>)
    %dma_wait3A_141 = arith.constant 0 : i32
    %dma_wait3A_142 = arith.constant 0 : i32
    %dma_wait3A_143 = tpu.memref_slice %arg20[%dma_wait3A_141, %dma_wait3A_142] : memref<96x128xf32, #tpu.memory_space<vmem>> -> memref<64x128xf32, #tpu.memory_space<vmem>>
    %dma_wait3A_144 = arith.constant 0 : i32
    %dma_wait3A_145 = arith.constant 0 : i32
    %dma_wait3A_146 = tpu.memref_slice %arg5[%dma_wait3A_144, %dma_wait3A_145] : memref<500000x128xf32, #tpu.memory_space<hbm>> -> memref<500000x128xf32, #tpu.memory_space<hbm>>
    tpu.wait_indirect_dma semaphore(%arg25 : memref<!tpu.dma_semaphore, #tpu.memory_space<semaphore_mem>>) src(%dma_wait3A_146 : memref<500000x128xf32, #tpu.memory_space<hbm>>) dst(%dma_wait3A_143 : memref<64x128xf32, #tpu.memory_space<vmem>>)
    %dma_wait3A_147 = arith.constant 0 : i32
    %dma_wait3A_148 = arith.constant 0 : i32
    %dma_wait3A_149 = tpu.memref_slice %arg21[%dma_wait3A_147, %dma_wait3A_148] : memref<96x128xf32, #tpu.memory_space<vmem>> -> memref<64x128xf32, #tpu.memory_space<vmem>>
    %dma_wait3A_150 = arith.constant 0 : i32
    %dma_wait3A_151 = arith.constant 0 : i32
    %dma_wait3A_152 = tpu.memref_slice %arg6[%dma_wait3A_150, %dma_wait3A_151] : memref<500000x128xf32, #tpu.memory_space<hbm>> -> memref<500000x128xf32, #tpu.memory_space<hbm>>
    tpu.wait_indirect_dma semaphore(%arg25 : memref<!tpu.dma_semaphore, #tpu.memory_space<semaphore_mem>>) src(%dma_wait3A_152 : memref<500000x128xf32, #tpu.memory_space<hbm>>) dst(%dma_wait3A_149 : memref<64x128xf32, #tpu.memory_space<vmem>>)
    %dma_wait3A_153 = arith.constant 0 : i32
    %dma_wait3A_154 = arith.constant 0 : i32
    %dma_wait3A_155 = tpu.memref_slice %arg22[%dma_wait3A_153, %dma_wait3A_154] : memref<352x128xf32, #tpu.memory_space<vmem>> -> memref<128x128xf32, #tpu.memory_space<vmem>>
    %dma_wait3A_156 = arith.constant 0 : i32
    %dma_wait3A_157 = tpu.memref_slice %arg17[%dma_wait3A_156] : memref<320xi32, #tpu.memory_space<vmem>> -> memref<128xi32, #tpu.memory_space<vmem>>
    %dma_wait3A_158 = arith.constant 0 : i32
    %dma_wait3A_159 = arith.constant 0 : i32
    %dma_wait3A_160 = tpu.memref_slice %arg6[%dma_wait3A_158, %dma_wait3A_159] : memref<500000x128xf32, #tpu.memory_space<hbm>> -> memref<500000x128xf32, #tpu.memory_space<hbm>>
    tpu.wait_indirect_dma semaphore(%arg25 : memref<!tpu.dma_semaphore, #tpu.memory_space<semaphore_mem>>) src(%dma_wait3A_160 : memref<500000x128xf32, #tpu.memory_space<hbm>>) dst(%dma_wait3A_155 : memref<128x128xf32, #tpu.memory_space<vmem>>)
    %dma_wait3A_161 = arith.constant 128 : i32
    %dma_wait3A_162 = arith.constant 0 : i32
    %dma_wait3A_163 = tpu.memref_slice %arg22[%dma_wait3A_161, %dma_wait3A_162] : memref<352x128xf32, #tpu.memory_space<vmem>> -> memref<128x128xf32, #tpu.memory_space<vmem>>
    %dma_wait3A_164 = arith.constant 128 : i32
    %dma_wait3A_165 = tpu.memref_slice %arg17[%dma_wait3A_164] : memref<320xi32, #tpu.memory_space<vmem>> -> memref<128xi32, #tpu.memory_space<vmem>>
    %dma_wait3A_166 = arith.constant 0 : i32
    %dma_wait3A_167 = arith.constant 0 : i32
    %dma_wait3A_168 = tpu.memref_slice %arg6[%dma_wait3A_166, %dma_wait3A_167] : memref<500000x128xf32, #tpu.memory_space<hbm>> -> memref<500000x128xf32, #tpu.memory_space<hbm>>
    tpu.wait_indirect_dma semaphore(%arg25 : memref<!tpu.dma_semaphore, #tpu.memory_space<semaphore_mem>>) src(%dma_wait3A_168 : memref<500000x128xf32, #tpu.memory_space<hbm>>) dst(%dma_wait3A_163 : memref<128x128xf32, #tpu.memory_space<vmem>>)
    %scan3A_169 = arith.constant 0 : i32
    %scan3A_170 = arith.constant 0 : i32
    %scan3A_171 = arith.constant 4 : i32
    %scan3A_172 = arith.addi %scan3A_170, %scan3A_171 : i32
    %scan3A_173 = arith.constant 1 : i32
    %scan3A_174 = scf.for %scan3A_706 = %scan3A_170 to %scan3A_172 step %scan3A_173 iter_args(%scan3A_707 = %scan3A_169) -> (i32)  : i32 {
      %mul3A_708 = arith.constant 16 : i32
      %mul3A_709 = arith.muli %scan3A_706, %mul3A_708 : i32
      %get3A = arith.index_cast %mul3A_709 : i32 to index
      %get3A_710 = tpu.vector_load %arg13[%get3A] {strides = array<i32>} : memref<64xi32, #tpu.memory_space<vmem>>, vector<16xi32>,
      %mul3A_711 = arith.constant 16 : i32
      %mul3A_712 = arith.muli %scan3A_706, %mul3A_711 : i32
      %get3A_713 = arith.index_cast %mul3A_712 : i32 to index
      %get3A_714 = tpu.vector_load %arg16[%get3A_713] {strides = array<i32>} : memref<64xi32, #tpu.memory_space<vmem>>, vector<16xi32>,
      %mul3A_715 = arith.constant 16 : i32
      %mul3A_716 = arith.muli %scan3A_706, %mul3A_715 : i32
      %get3A_717 = arith.index_cast %mul3A_716 : i32 to index
      %get3A_718 = tpu.vector_load %arg12[%get3A_717] {strides = array<i32>} : memref<64xi32, #tpu.memory_space<vmem>>, vector<16xi32>,
      %mul3A_719 = arith.constant 16 : i32
      %mul3A_720 = arith.muli %scan3A_706, %mul3A_719 : i32
      %get3A_721 = arith.index_cast %mul3A_720 : i32 to index
      %get3A_722 = tpu.vector_load %arg15[%get3A_721] {strides = array<i32>} : memref<64xi32, #tpu.memory_space<vmem>>, vector<16xi32>,
      %mul3A_723 = arith.constant 16 : i32
      %mul3A_724 = arith.muli %scan3A_706, %mul3A_723 : i32
      %add3A_725 = vector.broadcast %mul3A_724 : i32 to vector<16xi32>
      %add3A_726 = arith.addi %add3A_725, %iota3A : vector<16xi32>
      %mul3A_727 = arith.constant 5 : i32
      %mul3A_728 = vector.broadcast %mul3A_727 : i32 to vector<16xi32>
      %mul3A_729 = arith.muli %add3A_726, %mul3A_728 : vector<16xi32>
      %add3A_730 = arith.constant 0 : i32
      %add3A_731 = vector.broadcast %add3A_730 : i32 to vector<16xi32>
      %add3A_732 = arith.addi %mul3A_729, %add3A_731 : vector<16xi32>
      %gather3A = tpu.vector_load_idx %arg19[%add3A_732] : memref<320xi32, #tpu.memory_space<vmem>>[vector<16xi32>], vector<16xi32>,
      %mul3A_733 = arith.constant 5 : i32
      %mul3A_734 = vector.broadcast %mul3A_733 : i32 to vector<16xi32>
      %mul3A_735 = arith.muli %add3A_726, %mul3A_734 : vector<16xi32>
      %add3A_736 = arith.constant 1 : i32
      %add3A_737 = vector.broadcast %add3A_736 : i32 to vector<16xi32>
      %add3A_738 = arith.addi %mul3A_735, %add3A_737 : vector<16xi32>
      %gather3A_739 = tpu.vector_load_idx %arg19[%add3A_738] : memref<320xi32, #tpu.memory_space<vmem>>[vector<16xi32>], vector<16xi32>,
      %mul3A_740 = arith.constant 5 : i32
      %mul3A_741 = vector.broadcast %mul3A_740 : i32 to vector<16xi32>
      %mul3A_742 = arith.muli %add3A_726, %mul3A_741 : vector<16xi32>
      %add3A_743 = arith.constant 2 : i32
      %add3A_744 = vector.broadcast %add3A_743 : i32 to vector<16xi32>
      %add3A_745 = arith.addi %mul3A_742, %add3A_744 : vector<16xi32>
      %gather3A_746 = tpu.vector_load_idx %arg19[%add3A_745] : memref<320xi32, #tpu.memory_space<vmem>>[vector<16xi32>], vector<16xi32>,
      %mul3A_747 = arith.constant 5 : i32
      %mul3A_748 = vector.broadcast %mul3A_747 : i32 to vector<16xi32>
      %mul3A_749 = arith.muli %add3A_726, %mul3A_748 : vector<16xi32>
      %add3A_750 = arith.constant 3 : i32
      %add3A_751 = vector.broadcast %add3A_750 : i32 to vector<16xi32>
      %add3A_752 = arith.addi %mul3A_749, %add3A_751 : vector<16xi32>
      %gather3A_753 = tpu.vector_load_idx %arg19[%add3A_752] : memref<320xi32, #tpu.memory_space<vmem>>[vector<16xi32>], vector<16xi32>,
      %mul3A_754 = arith.constant 5 : i32
      %mul3A_755 = vector.broadcast %mul3A_754 : i32 to vector<16xi32>
      %mul3A_756 = arith.muli %add3A_726, %mul3A_755 : vector<16xi32>
      %add3A_757 = arith.constant 4 : i32
      %add3A_758 = vector.broadcast %add3A_757 : i32 to vector<16xi32>
      %add3A_759 = arith.addi %mul3A_756, %add3A_758 : vector<16xi32>
      %gather3A_760 = tpu.vector_load_idx %arg19[%add3A_759] : memref<320xi32, #tpu.memory_space<vmem>>[vector<16xi32>], vector<16xi32>,
      %mul3A_761 = arith.constant 5 : i32
      %mul3A_762 = vector.broadcast %mul3A_761 : i32 to vector<16xi32>
      %mul3A_763 = arith.muli %add3A_726, %mul3A_762 : vector<16xi32>
      %add3A_764 = arith.constant 0 : i32
      %add3A_765 = vector.broadcast %add3A_764 : i32 to vector<16xi32>
      %add3A_766 = arith.addi %mul3A_763, %add3A_765 : vector<16xi32>
      %gather3A_767 = tpu.vector_load_idx %arg18[%add3A_766] : memref<320xi32, #tpu.memory_space<vmem>>[vector<16xi32>], vector<16xi32>,
      %mul3A_768 = arith.constant 5 : i32
      %mul3A_769 = vector.broadcast %mul3A_768 : i32 to vector<16xi32>
      %mul3A_770 = arith.muli %add3A_726, %mul3A_769 : vector<16xi32>
      %add3A_771 = arith.constant 1 : i32
      %add3A_772 = vector.broadcast %add3A_771 : i32 to vector<16xi32>
      %add3A_773 = arith.addi %mul3A_770, %add3A_772 : vector<16xi32>
      %gather3A_774 = tpu.vector_load_idx %arg18[%add3A_773] : memref<320xi32, #tpu.memory_space<vmem>>[vector<16xi32>], vector<16xi32>,
      %mul3A_775 = arith.constant 5 : i32
      %mul3A_776 = vector.broadcast %mul3A_775 : i32 to vector<16xi32>
      %mul3A_777 = arith.muli %add3A_726, %mul3A_776 : vector<16xi32>
      %add3A_778 = arith.constant 2 : i32
      %add3A_779 = vector.broadcast %add3A_778 : i32 to vector<16xi32>
      %add3A_780 = arith.addi %mul3A_777, %add3A_779 : vector<16xi32>
      %gather3A_781 = tpu.vector_load_idx %arg18[%add3A_780] : memref<320xi32, #tpu.memory_space<vmem>>[vector<16xi32>], vector<16xi32>,
      %mul3A_782 = arith.constant 5 : i32
      %mul3A_783 = vector.broadcast %mul3A_782 : i32 to vector<16xi32>
      %mul3A_784 = arith.muli %add3A_726, %mul3A_783 : vector<16xi32>
      %add3A_785 = arith.constant 3 : i32
      %add3A_786 = vector.broadcast %add3A_785 : i32 to vector<16xi32>
      %add3A_787 = arith.addi %mul3A_784, %add3A_786 : vector<16xi32>
      %gather3A_788 = tpu.vector_load_idx %arg18[%add3A_787] : memref<320xi32, #tpu.memory_space<vmem>>[vector<16xi32>], vector<16xi32>,
      %mul3A_789 = arith.constant 5 : i32
      %mul3A_790 = vector.broadcast %mul3A_789 : i32 to vector<16xi32>
      %mul3A_791 = arith.muli %add3A_726, %mul3A_790 : vector<16xi32>
      %add3A_792 = arith.constant 4 : i32
      %add3A_793 = vector.broadcast %add3A_792 : i32 to vector<16xi32>
      %add3A_794 = arith.addi %mul3A_791, %add3A_793 : vector<16xi32>
      %gather3A_795 = tpu.vector_load_idx %arg18[%add3A_794] : memref<320xi32, #tpu.memory_space<vmem>>[vector<16xi32>], vector<16xi32>,
      %broadcast_in_dim3A = arith.constant 0.000000e+00 : f32
      %broadcast_in_dim3A_796 = vector.broadcast %broadcast_in_dim3A : f32 to vector<16xf32>
      %scan3A_797 = arith.constant 0 : i32
      %scan3A_798 = arith.constant 64 : i32
      %scan3A_799 = arith.addi %scan3A_797, %scan3A_798 : i32
      %scan3A_800 = arith.constant 1 : i32
      %scan3A_801:6 = scf.for %scan3A_850 = %scan3A_797 to %scan3A_799 step %scan3A_800 iter_args(%scan3A_851 = %broadcast_in_dim3A_796, %scan3A_852 = %broadcast_in_dim3A_796, %scan3A_853 = %broadcast_in_dim3A_796, %scan3A_854 = %broadcast_in_dim3A_796, %scan3A_855 = %broadcast_in_dim3A_796, %scan3A_856 = %broadcast_in_dim3A_796) -> (vector<16xf32>, vector<16xf32>, vector<16xf32>, vector<16xf32>, vector<16xf32>, vector<16xf32>)  : i32 {
        %add3A_857 = vector.broadcast %scan3A_850 : i32 to vector<16xi32>
        %add3A_858 = arith.addi %get3A_718, %add3A_857 : vector<16xi32>
        %gather3A_859 = tpu.vector_load_idx %arg20[%get3A_710, %add3A_858] : memref<96x128xf32, #tpu.memory_space<vmem>>[vector<16xi32>, vector<16xi32>], vector<16xf32>,
        %add3A_860 = vector.broadcast %scan3A_850 : i32 to vector<16xi32>
        %add3A_861 = arith.addi %get3A_722, %add3A_860 : vector<16xi32>
        %gather3A_862 = tpu.vector_load_idx %arg21[%get3A_714, %add3A_861] : memref<96x128xf32, #tpu.memory_space<vmem>>[vector<16xi32>, vector<16xi32>], vector<16xf32>,
        %mul3A_863 = arith.mulf %gather3A_859, %gather3A_862 : vector<16xf32>
        %add3A_864 = arith.addf %scan3A_851, %mul3A_863 : vector<16xf32>
        %add3A_865 = vector.broadcast %scan3A_850 : i32 to vector<16xi32>
        %add3A_866 = arith.addi %gather3A_767, %add3A_865 : vector<16xi32>
        %gather3A_867 = tpu.vector_load_idx %arg22[%gather3A, %add3A_866] : memref<352x128xf32, #tpu.memory_space<vmem>>[vector<16xi32>, vector<16xi32>], vector<16xf32>,
        %mul3A_868 = arith.mulf %gather3A_859, %gather3A_867 : vector<16xf32>
        %add3A_869 = arith.addf %scan3A_852, %mul3A_868 : vector<16xf32>
        %add3A_870 = vector.broadcast %scan3A_850 : i32 to vector<16xi32>
        %add3A_871 = arith.addi %gather3A_774, %add3A_870 : vector<16xi32>
        %gather3A_872 = tpu.vector_load_idx %arg22[%gather3A_739, %add3A_871] : memref<352x128xf32, #tpu.memory_space<vmem>>[vector<16xi32>, vector<16xi32>], vector<16xf32>,
        %mul3A_873 = arith.mulf %gather3A_859, %gather3A_872 : vector<16xf32>
        %add3A_874 = arith.addf %scan3A_853, %mul3A_873 : vector<16xf32>
        %add3A_875 = vector.broadcast %scan3A_850 : i32 to vector<16xi32>
        %add3A_876 = arith.addi %gather3A_781, %add3A_875 : vector<16xi32>
        %gather3A_877 = tpu.vector_load_idx %arg22[%gather3A_746, %add3A_876] : memref<352x128xf32, #tpu.memory_space<vmem>>[vector<16xi32>, vector<16xi32>], vector<16xf32>,
        %mul3A_878 = arith.mulf %gather3A_859, %gather3A_877 : vector<16xf32>
        %add3A_879 = arith.addf %scan3A_854, %mul3A_878 : vector<16xf32>
        %add3A_880 = vector.broadcast %scan3A_850 : i32 to vector<16xi32>
        %add3A_881 = arith.addi %gather3A_788, %add3A_880 : vector<16xi32>
        %gather3A_882 = tpu.vector_load_idx %arg22[%gather3A_753, %add3A_881] : memref<352x128xf32, #tpu.memory_space<vmem>>[vector<16xi32>, vector<16xi32>], vector<16xf32>,
        %mul3A_883 = arith.mulf %gather3A_859, %gather3A_882 : vector<16xf32>
        %add3A_884 = arith.addf %scan3A_855, %mul3A_883 : vector<16xf32>
        %add3A_885 = vector.broadcast %scan3A_850 : i32 to vector<16xi32>
        %add3A_886 = arith.addi %gather3A_795, %add3A_885 : vector<16xi32>
        %gather3A_887 = tpu.vector_load_idx %arg22[%gather3A_760, %add3A_886] : memref<352x128xf32, #tpu.memory_space<vmem>>[vector<16xi32>, vector<16xi32>], vector<16xf32>,
        %mul3A_888 = arith.mulf %gather3A_859, %gather3A_887 : vector<16xf32>
        %add3A_889 = arith.addf %scan3A_856, %mul3A_888 : vector<16xf32>
        scf.yield %add3A_864, %add3A_869, %add3A_874, %add3A_879, %add3A_884, %add3A_889 : vector<16xf32>, vector<16xf32>, vector<16xf32>, vector<16xf32>, vector<16xf32>, vector<16xf32>
      }
      %scan3A_802 = arith.constant 64 : i32
      %mul3A_803 = arith.constant 16 : i32
      %mul3A_804 = arith.muli %scan3A_706, %mul3A_803 : i32
      %add3A_805 = arith.constant 64 : i32
      %add3A_806 = arith.addi %add3A_805, %mul3A_804 : i32
      %add3A_807 = vector.broadcast %add3A_806 : i32 to vector<16xi32>
      %add3A_808 = arith.addi %add3A_807, %iota3A : vector<16xi32>
      tpu.vector_store_idx %arg23[%add3A_808], %scan3A_801#0 : memref<512xf32, #tpu.memory_space<vmem>>[vector<16xi32>], vector<16xf32>,
      %add3A_809 = vector.broadcast %add3A_806 : i32 to vector<16xi32>
      %add3A_810 = arith.addi %add3A_809, %iota3A : vector<16xi32>
      %mul3A_811 = arith.constant 5 : i32
      %mul3A_812 = vector.broadcast %mul3A_811 : i32 to vector<16xi32>
      %mul3A_813 = arith.muli %add3A_810, %mul3A_812 : vector<16xi32>
      %add3A_814 = arith.constant 0 : i32
      %add3A_815 = vector.broadcast %add3A_814 : i32 to vector<16xi32>
      %add3A_816 = arith.addi %mul3A_813, %add3A_815 : vector<16xi32>
      tpu.vector_store_idx %arg24[%add3A_816], %scan3A_801#1 : memref<2560xf32, #tpu.memory_space<vmem>>[vector<16xi32>], vector<16xf32>,
      %add3A_817 = vector.broadcast %add3A_806 : i32 to vector<16xi32>
      %add3A_818 = arith.addi %add3A_817, %iota3A : vector<16xi32>
      %mul3A_819 = arith.constant 5 : i32
      %mul3A_820 = vector.broadcast %mul3A_819 : i32 to vector<16xi32>
      %mul3A_821 = arith.muli %add3A_818, %mul3A_820 : vector<16xi32>
      %add3A_822 = arith.constant 1 : i32
      %add3A_823 = vector.broadcast %add3A_822 : i32 to vector<16xi32>
      %add3A_824 = arith.addi %mul3A_821, %add3A_823 : vector<16xi32>
      tpu.vector_store_idx %arg24[%add3A_824], %scan3A_801#2 : memref<2560xf32, #tpu.memory_space<vmem>>[vector<16xi32>], vector<16xf32>,
      %add3A_825 = vector.broadcast %add3A_806 : i32 to vector<16xi32>
      %add3A_826 = arith.addi %add3A_825, %iota3A : vector<16xi32>
      %mul3A_827 = arith.constant 5 : i32
      %mul3A_828 = vector.broadcast %mul3A_827 : i32 to vector<16xi32>
      %mul3A_829 = arith.muli %add3A_826, %mul3A_828 : vector<16xi32>
      %add3A_830 = arith.constant 2 : i32
      %add3A_831 = vector.broadcast %add3A_830 : i32 to vector<16xi32>
      %add3A_832 = arith.addi %mul3A_829, %add3A_831 : vector<16xi32>
      tpu.vector_store_idx %arg24[%add3A_832], %scan3A_801#3 : memref<2560xf32, #tpu.memory_space<vmem>>[vector<16xi32>], vector<16xf32>,
      %add3A_833 = vector.broadcast %add3A_806 : i32 to vector<16xi32>
      %add3A_834 = arith.addi %add3A_833, %iota3A : vector<16xi32>
      %mul3A_835 = arith.constant 5 : i32
      %mul3A_836 = vector.broadcast %mul3A_835 : i32 to vector<16xi32>
      %mul3A_837 = arith.muli %add3A_834, %mul3A_836 : vector<16xi32>
      %add3A_838 = arith.constant 3 : i32
      %add3A_839 = vector.broadcast %add3A_838 : i32 to vector<16xi32>
      %add3A_840 = arith.addi %mul3A_837, %add3A_839 : vector<16xi32>
      tpu.vector_store_idx %arg24[%add3A_840], %scan3A_801#4 : memref<2560xf32, #tpu.memory_space<vmem>>[vector<16xi32>], vector<16xf32>,
      %add3A_841 = vector.broadcast %add3A_806 : i32 to vector<16xi32>
      %add3A_842 = arith.addi %add3A_841, %iota3A : vector<16xi32>
      %mul3A_843 = arith.constant 5 : i32
      %mul3A_844 = vector.broadcast %mul3A_843 : i32 to vector<16xi32>
      %mul3A_845 = arith.muli %add3A_842, %mul3A_844 : vector<16xi32>
      %add3A_846 = arith.constant 4 : i32
      %add3A_847 = vector.broadcast %add3A_846 : i32 to vector<16xi32>
      %add3A_848 = arith.addi %mul3A_845, %add3A_847 : vector<16xi32>
      tpu.vector_store_idx %arg24[%add3A_848], %scan3A_801#5 : memref<2560xf32, #tpu.memory_space<vmem>>[vector<16xi32>], vector<16xf32>,
      %scan3A_849 = arith.constant 0 : i32
      scf.yield %scan3A_849 : i32
    }
    %scan3A_175 = arith.constant 4 : i32
    %add3A_176 = arith.constant 128 : i32
    %add3A_177 = arith.addi %mul3A_2, %add3A_176 : i32
    "tpu.region"() ({
      %run_scoped3A = tpu.sem_alloc : memref<!tpu.dma_semaphore, #tpu.memory_space<semaphore_mem>>
      %dma_start3A_706 = tpu.memref_slice %arg2[%add3A_177] : memref<16384xi32, #tpu.memory_space<hbm>> -> memref<64xi32, #tpu.memory_space<hbm>>
      %dma_start3A_707 = tpu.memref_slice %arg2[%add3A_177] : memref<16384xi32, #tpu.memory_space<hbm>> -> memref<64xi32, #tpu.memory_space<hbm>>
      tpu.enqueue_dma source(%dma_start3A_707 : memref<64xi32, #tpu.memory_space<hbm>>) target(%arg11 : memref<64xi32, #tpu.memory_space<vmem>>) target_semaphore(%run_scoped3A : memref<!tpu.dma_semaphore, #tpu.memory_space<semaphore_mem>>)
      %dma_wait3A_708 = tpu.memref_slice %arg2[%add3A_177] : memref<16384xi32, #tpu.memory_space<hbm>> -> memref<64xi32, #tpu.memory_space<hbm>>
      %dma_wait3A_709 = tpu.memref_slice %arg2[%add3A_177] : memref<16384xi32, #tpu.memory_space<hbm>> -> memref<64xi32, #tpu.memory_space<hbm>>
      tpu.wait_dma2 semaphore(%run_scoped3A : memref<!tpu.dma_semaphore, #tpu.memory_space<semaphore_mem>>) src(%dma_wait3A_709 : memref<64xi32, #tpu.memory_space<hbm>>) dst(%arg11 : memref<64xi32, #tpu.memory_space<vmem>>)
      tpu.yield
    }) : () -> ()
    %scan3A_178 = arith.constant 0 : i32
    %scan3A_179 = arith.constant 0 : i32
    %scan3A_180 = arith.constant 4 : i32
    %scan3A_181 = arith.addi %scan3A_179, %scan3A_180 : i32
    %scan3A_182 = arith.constant 1 : i32
    %scan3A_183 = scf.for %scan3A_706 = %scan3A_179 to %scan3A_181 step %scan3A_182 iter_args(%scan3A_707 = %scan3A_178) -> (i32)  : i32 {
      %mul3A_708 = arith.constant 16 : i32
      %mul3A_709 = arith.muli %scan3A_706, %mul3A_708 : i32
      %get3A = arith.index_cast %mul3A_709 : i32 to index
      %get3A_710 = tpu.vector_load %arg11[%get3A] {strides = array<i32>} : memref<64xi32, #tpu.memory_space<vmem>>, vector<16xi32>,
      %and3A = arith.constant 1 : i32
      %and3A_711 = vector.broadcast %and3A : i32 to vector<16xi32>
      %and3A_712 = arith.andi %get3A_710, %and3A_711 : vector<16xi32>
      %mul3A_713 = arith.constant 64 : i32
      %mul3A_714 = vector.broadcast %mul3A_713 : i32 to vector<16xi32>
      %mul3A_715 = arith.muli %and3A_712, %mul3A_714 : vector<16xi32>
      %swap3A = arith.index_cast %mul3A_709 : i32 to index
      %swap3A_716 = tpu.vector_load %arg12[%swap3A] {strides = array<i32>} : memref<64xi32, #tpu.memory_space<vmem>>, vector<16xi32>,
      tpu.vector_store %arg12[%swap3A], %mul3A_715 {strides = array<i32>} : memref<64xi32, #tpu.memory_space<vmem>>, vector<16xi32>,
      %shift_right_logical3A = arith.constant 1 : i32
      %shift_right_logical3A_717 = vector.broadcast %shift_right_logical3A : i32 to vector<16xi32>
      %shift_right_logical3A_718 = arith.shrui %get3A_710, %shift_right_logical3A_717 : vector<16xi32>
      %ge3A = arith.constant 500000 : i32
      %ge3A_719 = vector.broadcast %ge3A : i32 to vector<16xi32>
      %ge3A_720 = arith.cmpi sge, %shift_right_logical3A_718, %ge3A_719 : vector<16xi32>
      %sub3A = arith.constant 500000 : i32
      %sub3A_721 = vector.broadcast %sub3A : i32 to vector<16xi32>
      %sub3A_722 = arith.subi %shift_right_logical3A_718, %sub3A_721 : vector<16xi32>
      %add3A_723 = arith.constant 64 : i32
      %add3A_724 = vector.broadcast %add3A_723 : i32 to vector<16xi32>
      %add3A_725 = arith.addi %add3A_724, %sub3A_722 : vector<16xi32>
      %mul3A_726 = arith.constant 16 : i32
      %mul3A_727 = arith.muli %scan3A_706, %mul3A_726 : i32
      %add3A_728 = vector.broadcast %mul3A_727 : i32 to vector<16xi32>
      %add3A_729 = arith.addi %add3A_728, %iota3A : vector<16xi32>
      %select_n3A = arith.select %ge3A_720, %add3A_725, %add3A_729 : vector<16xi1>, vector<16xi32>
      %swap3A_730 = arith.index_cast %mul3A_709 : i32 to index
      %swap3A_731 = tpu.vector_load %arg13[%swap3A_730] {strides = array<i32>} : memref<64xi32, #tpu.memory_space<vmem>>, vector<16xi32>,
      tpu.vector_store %arg13[%swap3A_730], %select_n3A {strides = array<i32>} : memref<64xi32, #tpu.memory_space<vmem>>, vector<16xi32>,
      %jit3A = arith.constant 0 : i32
      %broadcast_in_dim3A = vector.broadcast %jit3A : i32 to vector<16xi32>
      %select_n3A_732 = arith.select %ge3A_720, %broadcast_in_dim3A, %shift_right_logical3A_718 : vector<16xi1>, vector<16xi32>
      %swap3A_733 = arith.index_cast %mul3A_709 : i32 to index
      %swap3A_734 = tpu.vector_load %arg11[%swap3A_733] {strides = array<i32>} : memref<64xi32, #tpu.memory_space<vmem>>, vector<16xi32>,
      tpu.vector_store %arg11[%swap3A_733], %select_n3A_732 {strides = array<i32>} : memref<64xi32, #tpu.memory_space<vmem>>, vector<16xi32>,
      %scan3A_735 = arith.constant 0 : i32
      scf.yield %scan3A_735 : i32
    }
    %scan3A_184 = arith.constant 4 : i32
    "tpu.region"() ({
      %run_scoped3A = tpu.sem_alloc : memref<!tpu.dma_semaphore, #tpu.memory_space<semaphore_mem>>
      %dma_start3A_706 = tpu.memref_slice %arg3[%add3A_177] : memref<16384xi32, #tpu.memory_space<hbm>> -> memref<64xi32, #tpu.memory_space<hbm>>
      %dma_start3A_707 = tpu.memref_slice %arg3[%add3A_177] : memref<16384xi32, #tpu.memory_space<hbm>> -> memref<64xi32, #tpu.memory_space<hbm>>
      tpu.enqueue_dma source(%dma_start3A_707 : memref<64xi32, #tpu.memory_space<hbm>>) target(%arg14 : memref<64xi32, #tpu.memory_space<vmem>>) target_semaphore(%run_scoped3A : memref<!tpu.dma_semaphore, #tpu.memory_space<semaphore_mem>>)
      %dma_wait3A_708 = tpu.memref_slice %arg3[%add3A_177] : memref<16384xi32, #tpu.memory_space<hbm>> -> memref<64xi32, #tpu.memory_space<hbm>>
      %dma_wait3A_709 = tpu.memref_slice %arg3[%add3A_177] : memref<16384xi32, #tpu.memory_space<hbm>> -> memref<64xi32, #tpu.memory_space<hbm>>
      tpu.wait_dma2 semaphore(%run_scoped3A : memref<!tpu.dma_semaphore, #tpu.memory_space<semaphore_mem>>) src(%dma_wait3A_709 : memref<64xi32, #tpu.memory_space<hbm>>) dst(%arg14 : memref<64xi32, #tpu.memory_space<vmem>>)
      tpu.yield
    }) : () -> ()
    %scan3A_185 = arith.constant 0 : i32
    %scan3A_186 = arith.constant 0 : i32
    %scan3A_187 = arith.constant 4 : i32
    %scan3A_188 = arith.addi %scan3A_186, %scan3A_187 : i32
    %scan3A_189 = arith.constant 1 : i32
    %scan3A_190 = scf.for %scan3A_706 = %scan3A_186 to %scan3A_188 step %scan3A_189 iter_args(%scan3A_707 = %scan3A_185) -> (i32)  : i32 {
      %mul3A_708 = arith.constant 16 : i32
      %mul3A_709 = arith.muli %scan3A_706, %mul3A_708 : i32
      %get3A = arith.index_cast %mul3A_709 : i32 to index
      %get3A_710 = tpu.vector_load %arg14[%get3A] {strides = array<i32>} : memref<64xi32, #tpu.memory_space<vmem>>, vector<16xi32>,
      %and3A = arith.constant 1 : i32
      %and3A_711 = vector.broadcast %and3A : i32 to vector<16xi32>
      %and3A_712 = arith.andi %get3A_710, %and3A_711 : vector<16xi32>
      %mul3A_713 = arith.constant 64 : i32
      %mul3A_714 = vector.broadcast %mul3A_713 : i32 to vector<16xi32>
      %mul3A_715 = arith.muli %and3A_712, %mul3A_714 : vector<16xi32>
      %swap3A = arith.index_cast %mul3A_709 : i32 to index
      %swap3A_716 = tpu.vector_load %arg15[%swap3A] {strides = array<i32>} : memref<64xi32, #tpu.memory_space<vmem>>, vector<16xi32>,
      tpu.vector_store %arg15[%swap3A], %mul3A_715 {strides = array<i32>} : memref<64xi32, #tpu.memory_space<vmem>>, vector<16xi32>,
      %shift_right_logical3A = arith.constant 1 : i32
      %shift_right_logical3A_717 = vector.broadcast %shift_right_logical3A : i32 to vector<16xi32>
      %shift_right_logical3A_718 = arith.shrui %get3A_710, %shift_right_logical3A_717 : vector<16xi32>
      %ge3A = arith.constant 500000 : i32
      %ge3A_719 = vector.broadcast %ge3A : i32 to vector<16xi32>
      %ge3A_720 = arith.cmpi sge, %shift_right_logical3A_718, %ge3A_719 : vector<16xi32>
      %sub3A = arith.constant 500000 : i32
      %sub3A_721 = vector.broadcast %sub3A : i32 to vector<16xi32>
      %sub3A_722 = arith.subi %shift_right_logical3A_718, %sub3A_721 : vector<16xi32>
      %add3A_723 = arith.constant 64 : i32
      %add3A_724 = vector.broadcast %add3A_723 : i32 to vector<16xi32>
      %add3A_725 = arith.addi %add3A_724, %sub3A_722 : vector<16xi32>
      %mul3A_726 = arith.constant 16 : i32
      %mul3A_727 = arith.muli %scan3A_706, %mul3A_726 : i32
      %add3A_728 = vector.broadcast %mul3A_727 : i32 to vector<16xi32>
      %add3A_729 = arith.addi %add3A_728, %iota3A : vector<16xi32>
      %select_n3A = arith.select %ge3A_720, %add3A_725, %add3A_729 : vector<16xi1>, vector<16xi32>
      %swap3A_730 = arith.index_cast %mul3A_709 : i32 to index
      %swap3A_731 = tpu.vector_load %arg16[%swap3A_730] {strides = array<i32>} : memref<64xi32, #tpu.memory_space<vmem>>, vector<16xi32>,
      tpu.vector_store %arg16[%swap3A_730], %select_n3A {strides = array<i32>} : memref<64xi32, #tpu.memory_space<vmem>>, vector<16xi32>,
      %jit3A = arith.constant 0 : i32
      %broadcast_in_dim3A = vector.broadcast %jit3A : i32 to vector<16xi32>
      %select_n3A_732 = arith.select %ge3A_720, %broadcast_in_dim3A, %shift_right_logical3A_718 : vector<16xi1>, vector<16xi32>
      %swap3A_733 = arith.index_cast %mul3A_709 : i32 to index
      %swap3A_734 = tpu.vector_load %arg14[%swap3A_733] {strides = array<i32>} : memref<64xi32, #tpu.memory_space<vmem>>, vector<16xi32>,
      tpu.vector_store %arg14[%swap3A_733], %select_n3A_732 {strides = array<i32>} : memref<64xi32, #tpu.memory_space<vmem>>, vector<16xi32>,
      %scan3A_735 = arith.constant 0 : i32
      scf.yield %scan3A_735 : i32
    }
    %scan3A_191 = arith.constant 4 : i32
    %mul3A_192 = arith.constant 5 : i32
    %mul3A_193 = arith.muli %add3A_177, %mul3A_192 : i32
    "tpu.region"() ({
      %run_scoped3A = tpu.sem_alloc : memref<!tpu.dma_semaphore, #tpu.memory_space<semaphore_mem>>
      %dma_start3A_706 = tpu.memref_slice %arg4[%mul3A_193] : memref<81920xi32, #tpu.memory_space<hbm>> -> memref<320xi32, #tpu.memory_space<hbm>>
      %dma_start3A_707 = tpu.memref_slice %arg4[%mul3A_193] : memref<81920xi32, #tpu.memory_space<hbm>> -> memref<320xi32, #tpu.memory_space<hbm>>
      tpu.enqueue_dma source(%dma_start3A_707 : memref<320xi32, #tpu.memory_space<hbm>>) target(%arg17 : memref<320xi32, #tpu.memory_space<vmem>>) target_semaphore(%run_scoped3A : memref<!tpu.dma_semaphore, #tpu.memory_space<semaphore_mem>>)
      %dma_wait3A_708 = tpu.memref_slice %arg4[%mul3A_193] : memref<81920xi32, #tpu.memory_space<hbm>> -> memref<320xi32, #tpu.memory_space<hbm>>
      %dma_wait3A_709 = tpu.memref_slice %arg4[%mul3A_193] : memref<81920xi32, #tpu.memory_space<hbm>> -> memref<320xi32, #tpu.memory_space<hbm>>
      tpu.wait_dma2 semaphore(%run_scoped3A : memref<!tpu.dma_semaphore, #tpu.memory_space<semaphore_mem>>) src(%dma_wait3A_709 : memref<320xi32, #tpu.memory_space<hbm>>) dst(%arg17 : memref<320xi32, #tpu.memory_space<vmem>>)
      tpu.yield
    }) : () -> ()
    %scan3A_194 = arith.constant 0 : i32
    %scan3A_195 = arith.constant 0 : i32
    %scan3A_196 = arith.constant 20 : i32
    %scan3A_197 = arith.addi %scan3A_195, %scan3A_196 : i32
    %scan3A_198 = arith.constant 1 : i32
    %scan3A_199 = scf.for %scan3A_706 = %scan3A_195 to %scan3A_197 step %scan3A_198 iter_args(%scan3A_707 = %scan3A_194) -> (i32)  : i32 {
      %mul3A_708 = arith.constant 16 : i32
      %mul3A_709 = arith.muli %scan3A_706, %mul3A_708 : i32
      %get3A = arith.index_cast %mul3A_709 : i32 to index
      %get3A_710 = tpu.vector_load %arg17[%get3A] {strides = array<i32>} : memref<320xi32, #tpu.memory_space<vmem>>, vector<16xi32>,
      %and3A = arith.constant 1 : i32
      %and3A_711 = vector.broadcast %and3A : i32 to vector<16xi32>
      %and3A_712 = arith.andi %get3A_710, %and3A_711 : vector<16xi32>
      %mul3A_713 = arith.constant 64 : i32
      %mul3A_714 = vector.broadcast %mul3A_713 : i32 to vector<16xi32>
      %mul3A_715 = arith.muli %and3A_712, %mul3A_714 : vector<16xi32>
      %swap3A = arith.index_cast %mul3A_709 : i32 to index
      %swap3A_716 = tpu.vector_load %arg18[%swap3A] {strides = array<i32>} : memref<320xi32, #tpu.memory_space<vmem>>, vector<16xi32>,
      tpu.vector_store %arg18[%swap3A], %mul3A_715 {strides = array<i32>} : memref<320xi32, #tpu.memory_space<vmem>>, vector<16xi32>,
      %shift_right_logical3A = arith.constant 1 : i32
      %shift_right_logical3A_717 = vector.broadcast %shift_right_logical3A : i32 to vector<16xi32>
      %shift_right_logical3A_718 = arith.shrui %get3A_710, %shift_right_logical3A_717 : vector<16xi32>
      %ge3A = arith.constant 500000 : i32
      %ge3A_719 = vector.broadcast %ge3A : i32 to vector<16xi32>
      %ge3A_720 = arith.cmpi sge, %shift_right_logical3A_718, %ge3A_719 : vector<16xi32>
      %sub3A = arith.constant 500000 : i32
      %sub3A_721 = vector.broadcast %sub3A : i32 to vector<16xi32>
      %sub3A_722 = arith.subi %shift_right_logical3A_718, %sub3A_721 : vector<16xi32>
      %add3A_723 = arith.constant 320 : i32
      %add3A_724 = vector.broadcast %add3A_723 : i32 to vector<16xi32>
      %add3A_725 = arith.addi %add3A_724, %sub3A_722 : vector<16xi32>
      %mul3A_726 = arith.constant 16 : i32
      %mul3A_727 = arith.muli %scan3A_706, %mul3A_726 : i32
      %add3A_728 = vector.broadcast %mul3A_727 : i32 to vector<16xi32>
      %add3A_729 = arith.addi %add3A_728, %iota3A : vector<16xi32>
      %select_n3A = arith.select %ge3A_720, %add3A_725, %add3A_729 : vector<16xi1>, vector<16xi32>
      %swap3A_730 = arith.index_cast %mul3A_709 : i32 to index
      %swap3A_731 = tpu.vector_load %arg19[%swap3A_730] {strides = array<i32>} : memref<320xi32, #tpu.memory_space<vmem>>, vector<16xi32>,
      tpu.vector_store %arg19[%swap3A_730], %select_n3A {strides = array<i32>} : memref<320xi32, #tpu.memory_space<vmem>>, vector<16xi32>,
      %jit3A = arith.constant 0 : i32
      %broadcast_in_dim3A = vector.broadcast %jit3A : i32 to vector<16xi32>
      %select_n3A_732 = arith.select %ge3A_720, %broadcast_in_dim3A, %shift_right_logical3A_718 : vector<16xi1>, vector<16xi32>
      %swap3A_733 = arith.index_cast %mul3A_709 : i32 to index
      %swap3A_734 = tpu.vector_load %arg17[%swap3A_733] {strides = array<i32>} : memref<320xi32, #tpu.memory_space<vmem>>, vector<16xi32>,
      tpu.vector_store %arg17[%swap3A_733], %select_n3A_732 {strides = array<i32>} : memref<320xi32, #tpu.memory_space<vmem>>, vector<16xi32>,
      %scan3A_735 = arith.constant 0 : i32
      scf.yield %scan3A_735 : i32
    }
    %scan3A_200 = arith.constant 20 : i32
    %dma_start3A_201 = arith.constant 0 : i32
    %dma_start3A_202 = arith.constant 0 : i32
    %dma_start3A_203 = tpu.memref_slice %arg20[%dma_start3A_201, %dma_start3A_202] : memref<96x128xf32, #tpu.memory_space<vmem>> -> memref<64x128xf32, #tpu.memory_space<vmem>>
    %dma_start3A_204 = arith.constant 0 : i32
    %dma_start3A_205 = arith.constant 0 : i32
    %dma_start3A_206 = tpu.memref_slice %arg5[%dma_start3A_204, %dma_start3A_205] : memref<500000x128xf32, #tpu.memory_space<hbm>> -> memref<500000x128xf32, #tpu.memory_space<hbm>>
    tpu.enqueue_indirect_dma source(%dma_start3A_206 : memref<500000x128xf32, #tpu.memory_space<hbm>>) target(%dma_start3A_203 : memref<64x128xf32, #tpu.memory_space<vmem>>) offsets(%arg11 : memref<64xi32, #tpu.memory_space<vmem>>) semaphore(%arg25 : memref<!tpu.dma_semaphore, #tpu.memory_space<semaphore_mem>>)
    %dma_start3A_207 = arith.constant 0 : i32
    %dma_start3A_208 = arith.constant 0 : i32
    %dma_start3A_209 = tpu.memref_slice %arg21[%dma_start3A_207, %dma_start3A_208] : memref<96x128xf32, #tpu.memory_space<vmem>> -> memref<64x128xf32, #tpu.memory_space<vmem>>
    %dma_start3A_210 = arith.constant 0 : i32
    %dma_start3A_211 = arith.constant 0 : i32
    %dma_start3A_212 = tpu.memref_slice %arg6[%dma_start3A_210, %dma_start3A_211] : memref<500000x128xf32, #tpu.memory_space<hbm>> -> memref<500000x128xf32, #tpu.memory_space<hbm>>
    tpu.enqueue_indirect_dma source(%dma_start3A_212 : memref<500000x128xf32, #tpu.memory_space<hbm>>) target(%dma_start3A_209 : memref<64x128xf32, #tpu.memory_space<vmem>>) offsets(%arg14 : memref<64xi32, #tpu.memory_space<vmem>>) semaphore(%arg25 : memref<!tpu.dma_semaphore, #tpu.memory_space<semaphore_mem>>)
    %dma_start3A_213 = arith.constant 0 : i32
    %dma_start3A_214 = arith.constant 0 : i32
    %dma_start3A_215 = tpu.memref_slice %arg22[%dma_start3A_213, %dma_start3A_214] : memref<352x128xf32, #tpu.memory_space<vmem>> -> memref<128x128xf32, #tpu.memory_space<vmem>>
    %dma_start3A_216 = arith.constant 0 : i32
    %dma_start3A_217 = tpu.memref_slice %arg17[%dma_start3A_216] : memref<320xi32, #tpu.memory_space<vmem>> -> memref<128xi32, #tpu.memory_space<vmem>>
    %dma_start3A_218 = arith.constant 0 : i32
    %dma_start3A_219 = arith.constant 0 : i32
    %dma_start3A_220 = tpu.memref_slice %arg6[%dma_start3A_218, %dma_start3A_219] : memref<500000x128xf32, #tpu.memory_space<hbm>> -> memref<500000x128xf32, #tpu.memory_space<hbm>>
    tpu.enqueue_indirect_dma source(%dma_start3A_220 : memref<500000x128xf32, #tpu.memory_space<hbm>>) target(%dma_start3A_215 : memref<128x128xf32, #tpu.memory_space<vmem>>) offsets(%dma_start3A_217 : memref<128xi32, #tpu.memory_space<vmem>>) semaphore(%arg25 : memref<!tpu.dma_semaphore, #tpu.memory_space<semaphore_mem>>)
    %dma_start3A_221 = arith.constant 128 : i32
    %dma_start3A_222 = arith.constant 0 : i32
    %dma_start3A_223 = tpu.memref_slice %arg22[%dma_start3A_221, %dma_start3A_222] : memref<352x128xf32, #tpu.memory_space<vmem>> -> memref<128x128xf32, #tpu.memory_space<vmem>>
    %dma_start3A_224 = arith.constant 128 : i32
    %dma_start3A_225 = tpu.memref_slice %arg17[%dma_start3A_224] : memref<320xi32, #tpu.memory_space<vmem>> -> memref<128xi32, #tpu.memory_space<vmem>>
    %dma_start3A_226 = arith.constant 0 : i32
    %dma_start3A_227 = arith.constant 0 : i32
    %dma_start3A_228 = tpu.memref_slice %arg6[%dma_start3A_226, %dma_start3A_227] : memref<500000x128xf32, #tpu.memory_space<hbm>> -> memref<500000x128xf32, #tpu.memory_space<hbm>>
    tpu.enqueue_indirect_dma source(%dma_start3A_228 : memref<500000x128xf32, #tpu.memory_space<hbm>>) target(%dma_start3A_223 : memref<128x128xf32, #tpu.memory_space<vmem>>) offsets(%dma_start3A_225 : memref<128xi32, #tpu.memory_space<vmem>>) semaphore(%arg25 : memref<!tpu.dma_semaphore, #tpu.memory_space<semaphore_mem>>)
    %dma_wait3A_229 = arith.constant 0 : i32
    %dma_wait3A_230 = arith.constant 0 : i32
    %dma_wait3A_231 = tpu.memref_slice %arg20[%dma_wait3A_229, %dma_wait3A_230] : memref<96x128xf32, #tpu.memory_space<vmem>> -> memref<64x128xf32, #tpu.memory_space<vmem>>
    %dma_wait3A_232 = arith.constant 0 : i32
    %dma_wait3A_233 = arith.constant 0 : i32
    %dma_wait3A_234 = tpu.memref_slice %arg5[%dma_wait3A_232, %dma_wait3A_233] : memref<500000x128xf32, #tpu.memory_space<hbm>> -> memref<500000x128xf32, #tpu.memory_space<hbm>>
    tpu.wait_indirect_dma semaphore(%arg25 : memref<!tpu.dma_semaphore, #tpu.memory_space<semaphore_mem>>) src(%dma_wait3A_234 : memref<500000x128xf32, #tpu.memory_space<hbm>>) dst(%dma_wait3A_231 : memref<64x128xf32, #tpu.memory_space<vmem>>)
    %dma_wait3A_235 = arith.constant 0 : i32
    %dma_wait3A_236 = arith.constant 0 : i32
    %dma_wait3A_237 = tpu.memref_slice %arg21[%dma_wait3A_235, %dma_wait3A_236] : memref<96x128xf32, #tpu.memory_space<vmem>> -> memref<64x128xf32, #tpu.memory_space<vmem>>
    %dma_wait3A_238 = arith.constant 0 : i32
    %dma_wait3A_239 = arith.constant 0 : i32
    %dma_wait3A_240 = tpu.memref_slice %arg6[%dma_wait3A_238, %dma_wait3A_239] : memref<500000x128xf32, #tpu.memory_space<hbm>> -> memref<500000x128xf32, #tpu.memory_space<hbm>>
    tpu.wait_indirect_dma semaphore(%arg25 : memref<!tpu.dma_semaphore, #tpu.memory_space<semaphore_mem>>) src(%dma_wait3A_240 : memref<500000x128xf32, #tpu.memory_space<hbm>>) dst(%dma_wait3A_237 : memref<64x128xf32, #tpu.memory_space<vmem>>)
    %dma_wait3A_241 = arith.constant 0 : i32
    %dma_wait3A_242 = arith.constant 0 : i32
    %dma_wait3A_243 = tpu.memref_slice %arg22[%dma_wait3A_241, %dma_wait3A_242] : memref<352x128xf32, #tpu.memory_space<vmem>> -> memref<128x128xf32, #tpu.memory_space<vmem>>
    %dma_wait3A_244 = arith.constant 0 : i32
    %dma_wait3A_245 = tpu.memref_slice %arg17[%dma_wait3A_244] : memref<320xi32, #tpu.memory_space<vmem>> -> memref<128xi32, #tpu.memory_space<vmem>>
    %dma_wait3A_246 = arith.constant 0 : i32
    %dma_wait3A_247 = arith.constant 0 : i32
    %dma_wait3A_248 = tpu.memref_slice %arg6[%dma_wait3A_246, %dma_wait3A_247] : memref<500000x128xf32, #tpu.memory_space<hbm>> -> memref<500000x128xf32, #tpu.memory_space<hbm>>
    tpu.wait_indirect_dma semaphore(%arg25 : memref<!tpu.dma_semaphore, #tpu.memory_space<semaphore_mem>>) src(%dma_wait3A_248 : memref<500000x128xf32, #tpu.memory_space<hbm>>) dst(%dma_wait3A_243 : memref<128x128xf32, #tpu.memory_space<vmem>>)
    %dma_wait3A_249 = arith.constant 128 : i32
    %dma_wait3A_250 = arith.constant 0 : i32
    %dma_wait3A_251 = tpu.memref_slice %arg22[%dma_wait3A_249, %dma_wait3A_250] : memref<352x128xf32, #tpu.memory_space<vmem>> -> memref<128x128xf32, #tpu.memory_space<vmem>>
    %dma_wait3A_252 = arith.constant 128 : i32
    %dma_wait3A_253 = tpu.memref_slice %arg17[%dma_wait3A_252] : memref<320xi32, #tpu.memory_space<vmem>> -> memref<128xi32, #tpu.memory_space<vmem>>
    %dma_wait3A_254 = arith.constant 0 : i32
    %dma_wait3A_255 = arith.constant 0 : i32
    %dma_wait3A_256 = tpu.memref_slice %arg6[%dma_wait3A_254, %dma_wait3A_255] : memref<500000x128xf32, #tpu.memory_space<hbm>> -> memref<500000x128xf32, #tpu.memory_space<hbm>>
    tpu.wait_indirect_dma semaphore(%arg25 : memref<!tpu.dma_semaphore, #tpu.memory_space<semaphore_mem>>) src(%dma_wait3A_256 : memref<500000x128xf32, #tpu.memory_space<hbm>>) dst(%dma_wait3A_251 : memref<128x128xf32, #tpu.memory_space<vmem>>)
    %scan3A_257 = arith.constant 0 : i32
    %scan3A_258 = arith.constant 0 : i32
    %scan3A_259 = arith.constant 4 : i32
    %scan3A_260 = arith.addi %scan3A_258, %scan3A_259 : i32
    %scan3A_261 = arith.constant 1 : i32
    %scan3A_262 = scf.for %scan3A_706 = %scan3A_258 to %scan3A_260 step %scan3A_261 iter_args(%scan3A_707 = %scan3A_257) -> (i32)  : i32 {
      %mul3A_708 = arith.constant 16 : i32
      %mul3A_709 = arith.muli %scan3A_706, %mul3A_708 : i32
      %get3A = arith.index_cast %mul3A_709 : i32 to index
      %get3A_710 = tpu.vector_load %arg13[%get3A] {strides = array<i32>} : memref<64xi32, #tpu.memory_space<vmem>>, vector<16xi32>,
      %mul3A_711 = arith.constant 16 : i32
      %mul3A_712 = arith.muli %scan3A_706, %mul3A_711 : i32
      %get3A_713 = arith.index_cast %mul3A_712 : i32 to index
      %get3A_714 = tpu.vector_load %arg16[%get3A_713] {strides = array<i32>} : memref<64xi32, #tpu.memory_space<vmem>>, vector<16xi32>,
      %mul3A_715 = arith.constant 16 : i32
      %mul3A_716 = arith.muli %scan3A_706, %mul3A_715 : i32
      %get3A_717 = arith.index_cast %mul3A_716 : i32 to index
      %get3A_718 = tpu.vector_load %arg12[%get3A_717] {strides = array<i32>} : memref<64xi32, #tpu.memory_space<vmem>>, vector<16xi32>,
      %mul3A_719 = arith.constant 16 : i32
      %mul3A_720 = arith.muli %scan3A_706, %mul3A_719 : i32
      %get3A_721 = arith.index_cast %mul3A_720 : i32 to index
      %get3A_722 = tpu.vector_load %arg15[%get3A_721] {strides = array<i32>} : memref<64xi32, #tpu.memory_space<vmem>>, vector<16xi32>,
      %mul3A_723 = arith.constant 16 : i32
      %mul3A_724 = arith.muli %scan3A_706, %mul3A_723 : i32
      %add3A_725 = vector.broadcast %mul3A_724 : i32 to vector<16xi32>
      %add3A_726 = arith.addi %add3A_725, %iota3A : vector<16xi32>
      %mul3A_727 = arith.constant 5 : i32
      %mul3A_728 = vector.broadcast %mul3A_727 : i32 to vector<16xi32>
      %mul3A_729 = arith.muli %add3A_726, %mul3A_728 : vector<16xi32>
      %add3A_730 = arith.constant 0 : i32
      %add3A_731 = vector.broadcast %add3A_730 : i32 to vector<16xi32>
      %add3A_732 = arith.addi %mul3A_729, %add3A_731 : vector<16xi32>
      %gather3A = tpu.vector_load_idx %arg19[%add3A_732] : memref<320xi32, #tpu.memory_space<vmem>>[vector<16xi32>], vector<16xi32>,
      %mul3A_733 = arith.constant 5 : i32
      %mul3A_734 = vector.broadcast %mul3A_733 : i32 to vector<16xi32>
      %mul3A_735 = arith.muli %add3A_726, %mul3A_734 : vector<16xi32>
      %add3A_736 = arith.constant 1 : i32
      %add3A_737 = vector.broadcast %add3A_736 : i32 to vector<16xi32>
      %add3A_738 = arith.addi %mul3A_735, %add3A_737 : vector<16xi32>
      %gather3A_739 = tpu.vector_load_idx %arg19[%add3A_738] : memref<320xi32, #tpu.memory_space<vmem>>[vector<16xi32>], vector<16xi32>,
      %mul3A_740 = arith.constant 5 : i32
      %mul3A_741 = vector.broadcast %mul3A_740 : i32 to vector<16xi32>
      %mul3A_742 = arith.muli %add3A_726, %mul3A_741 : vector<16xi32>
      %add3A_743 = arith.constant 2 : i32
      %add3A_744 = vector.broadcast %add3A_743 : i32 to vector<16xi32>
      %add3A_745 = arith.addi %mul3A_742, %add3A_744 : vector<16xi32>
      %gather3A_746 = tpu.vector_load_idx %arg19[%add3A_745] : memref<320xi32, #tpu.memory_space<vmem>>[vector<16xi32>], vector<16xi32>,
      %mul3A_747 = arith.constant 5 : i32
      %mul3A_748 = vector.broadcast %mul3A_747 : i32 to vector<16xi32>
      %mul3A_749 = arith.muli %add3A_726, %mul3A_748 : vector<16xi32>
      %add3A_750 = arith.constant 3 : i32
      %add3A_751 = vector.broadcast %add3A_750 : i32 to vector<16xi32>
      %add3A_752 = arith.addi %mul3A_749, %add3A_751 : vector<16xi32>
      %gather3A_753 = tpu.vector_load_idx %arg19[%add3A_752] : memref<320xi32, #tpu.memory_space<vmem>>[vector<16xi32>], vector<16xi32>,
      %mul3A_754 = arith.constant 5 : i32
      %mul3A_755 = vector.broadcast %mul3A_754 : i32 to vector<16xi32>
      %mul3A_756 = arith.muli %add3A_726, %mul3A_755 : vector<16xi32>
      %add3A_757 = arith.constant 4 : i32
      %add3A_758 = vector.broadcast %add3A_757 : i32 to vector<16xi32>
      %add3A_759 = arith.addi %mul3A_756, %add3A_758 : vector<16xi32>
      %gather3A_760 = tpu.vector_load_idx %arg19[%add3A_759] : memref<320xi32, #tpu.memory_space<vmem>>[vector<16xi32>], vector<16xi32>,
      %mul3A_761 = arith.constant 5 : i32
      %mul3A_762 = vector.broadcast %mul3A_761 : i32 to vector<16xi32>
      %mul3A_763 = arith.muli %add3A_726, %mul3A_762 : vector<16xi32>
      %add3A_764 = arith.constant 0 : i32
      %add3A_765 = vector.broadcast %add3A_764 : i32 to vector<16xi32>
      %add3A_766 = arith.addi %mul3A_763, %add3A_765 : vector<16xi32>
      %gather3A_767 = tpu.vector_load_idx %arg18[%add3A_766] : memref<320xi32, #tpu.memory_space<vmem>>[vector<16xi32>], vector<16xi32>,
      %mul3A_768 = arith.constant 5 : i32
      %mul3A_769 = vector.broadcast %mul3A_768 : i32 to vector<16xi32>
      %mul3A_770 = arith.muli %add3A_726, %mul3A_769 : vector<16xi32>
      %add3A_771 = arith.constant 1 : i32
      %add3A_772 = vector.broadcast %add3A_771 : i32 to vector<16xi32>
      %add3A_773 = arith.addi %mul3A_770, %add3A_772 : vector<16xi32>
      %gather3A_774 = tpu.vector_load_idx %arg18[%add3A_773] : memref<320xi32, #tpu.memory_space<vmem>>[vector<16xi32>], vector<16xi32>,
      %mul3A_775 = arith.constant 5 : i32
      %mul3A_776 = vector.broadcast %mul3A_775 : i32 to vector<16xi32>
      %mul3A_777 = arith.muli %add3A_726, %mul3A_776 : vector<16xi32>
      %add3A_778 = arith.constant 2 : i32
      %add3A_779 = vector.broadcast %add3A_778 : i32 to vector<16xi32>
      %add3A_780 = arith.addi %mul3A_777, %add3A_779 : vector<16xi32>
      %gather3A_781 = tpu.vector_load_idx %arg18[%add3A_780] : memref<320xi32, #tpu.memory_space<vmem>>[vector<16xi32>], vector<16xi32>,
      %mul3A_782 = arith.constant 5 : i32
      %mul3A_783 = vector.broadcast %mul3A_782 : i32 to vector<16xi32>
      %mul3A_784 = arith.muli %add3A_726, %mul3A_783 : vector<16xi32>
      %add3A_785 = arith.constant 3 : i32
      %add3A_786 = vector.broadcast %add3A_785 : i32 to vector<16xi32>
      %add3A_787 = arith.addi %mul3A_784, %add3A_786 : vector<16xi32>
      %gather3A_788 = tpu.vector_load_idx %arg18[%add3A_787] : memref<320xi32, #tpu.memory_space<vmem>>[vector<16xi32>], vector<16xi32>,
      %mul3A_789 = arith.constant 5 : i32
      %mul3A_790 = vector.broadcast %mul3A_789 : i32 to vector<16xi32>
      %mul3A_791 = arith.muli %add3A_726, %mul3A_790 : vector<16xi32>
      %add3A_792 = arith.constant 4 : i32
      %add3A_793 = vector.broadcast %add3A_792 : i32 to vector<16xi32>
      %add3A_794 = arith.addi %mul3A_791, %add3A_793 : vector<16xi32>
      %gather3A_795 = tpu.vector_load_idx %arg18[%add3A_794] : memref<320xi32, #tpu.memory_space<vmem>>[vector<16xi32>], vector<16xi32>,
      %broadcast_in_dim3A = arith.constant 0.000000e+00 : f32
      %broadcast_in_dim3A_796 = vector.broadcast %broadcast_in_dim3A : f32 to vector<16xf32>
      %scan3A_797 = arith.constant 0 : i32
      %scan3A_798 = arith.constant 64 : i32
      %scan3A_799 = arith.addi %scan3A_797, %scan3A_798 : i32
      %scan3A_800 = arith.constant 1 : i32
      %scan3A_801:6 = scf.for %scan3A_850 = %scan3A_797 to %scan3A_799 step %scan3A_800 iter_args(%scan3A_851 = %broadcast_in_dim3A_796, %scan3A_852 = %broadcast_in_dim3A_796, %scan3A_853 = %broadcast_in_dim3A_796, %scan3A_854 = %broadcast_in_dim3A_796, %scan3A_855 = %broadcast_in_dim3A_796, %scan3A_856 = %broadcast_in_dim3A_796) -> (vector<16xf32>, vector<16xf32>, vector<16xf32>, vector<16xf32>, vector<16xf32>, vector<16xf32>)  : i32 {
        %add3A_857 = vector.broadcast %scan3A_850 : i32 to vector<16xi32>
        %add3A_858 = arith.addi %get3A_718, %add3A_857 : vector<16xi32>
        %gather3A_859 = tpu.vector_load_idx %arg20[%get3A_710, %add3A_858] : memref<96x128xf32, #tpu.memory_space<vmem>>[vector<16xi32>, vector<16xi32>], vector<16xf32>,
        %add3A_860 = vector.broadcast %scan3A_850 : i32 to vector<16xi32>
        %add3A_861 = arith.addi %get3A_722, %add3A_860 : vector<16xi32>
        %gather3A_862 = tpu.vector_load_idx %arg21[%get3A_714, %add3A_861] : memref<96x128xf32, #tpu.memory_space<vmem>>[vector<16xi32>, vector<16xi32>], vector<16xf32>,
        %mul3A_863 = arith.mulf %gather3A_859, %gather3A_862 : vector<16xf32>
        %add3A_864 = arith.addf %scan3A_851, %mul3A_863 : vector<16xf32>
        %add3A_865 = vector.broadcast %scan3A_850 : i32 to vector<16xi32>
        %add3A_866 = arith.addi %gather3A_767, %add3A_865 : vector<16xi32>
        %gather3A_867 = tpu.vector_load_idx %arg22[%gather3A, %add3A_866] : memref<352x128xf32, #tpu.memory_space<vmem>>[vector<16xi32>, vector<16xi32>], vector<16xf32>,
        %mul3A_868 = arith.mulf %gather3A_859, %gather3A_867 : vector<16xf32>
        %add3A_869 = arith.addf %scan3A_852, %mul3A_868 : vector<16xf32>
        %add3A_870 = vector.broadcast %scan3A_850 : i32 to vector<16xi32>
        %add3A_871 = arith.addi %gather3A_774, %add3A_870 : vector<16xi32>
        %gather3A_872 = tpu.vector_load_idx %arg22[%gather3A_739, %add3A_871] : memref<352x128xf32, #tpu.memory_space<vmem>>[vector<16xi32>, vector<16xi32>], vector<16xf32>,
        %mul3A_873 = arith.mulf %gather3A_859, %gather3A_872 : vector<16xf32>
        %add3A_874 = arith.addf %scan3A_853, %mul3A_873 : vector<16xf32>
        %add3A_875 = vector.broadcast %scan3A_850 : i32 to vector<16xi32>
        %add3A_876 = arith.addi %gather3A_781, %add3A_875 : vector<16xi32>
        %gather3A_877 = tpu.vector_load_idx %arg22[%gather3A_746, %add3A_876] : memref<352x128xf32, #tpu.memory_space<vmem>>[vector<16xi32>, vector<16xi32>], vector<16xf32>,
        %mul3A_878 = arith.mulf %gather3A_859, %gather3A_877 : vector<16xf32>
        %add3A_879 = arith.addf %scan3A_854, %mul3A_878 : vector<16xf32>
        %add3A_880 = vector.broadcast %scan3A_850 : i32 to vector<16xi32>
        %add3A_881 = arith.addi %gather3A_788, %add3A_880 : vector<16xi32>
        %gather3A_882 = tpu.vector_load_idx %arg22[%gather3A_753, %add3A_881] : memref<352x128xf32, #tpu.memory_space<vmem>>[vector<16xi32>, vector<16xi32>], vector<16xf32>,
        %mul3A_883 = arith.mulf %gather3A_859, %gather3A_882 : vector<16xf32>
        %add3A_884 = arith.addf %scan3A_855, %mul3A_883 : vector<16xf32>
        %add3A_885 = vector.broadcast %scan3A_850 : i32 to vector<16xi32>
        %add3A_886 = arith.addi %gather3A_795, %add3A_885 : vector<16xi32>
        %gather3A_887 = tpu.vector_load_idx %arg22[%gather3A_760, %add3A_886] : memref<352x128xf32, #tpu.memory_space<vmem>>[vector<16xi32>, vector<16xi32>], vector<16xf32>,
        %mul3A_888 = arith.mulf %gather3A_859, %gather3A_887 : vector<16xf32>
        %add3A_889 = arith.addf %scan3A_856, %mul3A_888 : vector<16xf32>
        scf.yield %add3A_864, %add3A_869, %add3A_874, %add3A_879, %add3A_884, %add3A_889 : vector<16xf32>, vector<16xf32>, vector<16xf32>, vector<16xf32>, vector<16xf32>, vector<16xf32>
      }
      %scan3A_802 = arith.constant 64 : i32
      %mul3A_803 = arith.constant 16 : i32
      %mul3A_804 = arith.muli %scan3A_706, %mul3A_803 : i32
      %add3A_805 = arith.constant 128 : i32
      %add3A_806 = arith.addi %add3A_805, %mul3A_804 : i32
      %add3A_807 = vector.broadcast %add3A_806 : i32 to vector<16xi32>
      %add3A_808 = arith.addi %add3A_807, %iota3A : vector<16xi32>
      tpu.vector_store_idx %arg23[%add3A_808], %scan3A_801#0 : memref<512xf32, #tpu.memory_space<vmem>>[vector<16xi32>], vector<16xf32>,
      %add3A_809 = vector.broadcast %add3A_806 : i32 to vector<16xi32>
      %add3A_810 = arith.addi %add3A_809, %iota3A : vector<16xi32>
      %mul3A_811 = arith.constant 5 : i32
      %mul3A_812 = vector.broadcast %mul3A_811 : i32 to vector<16xi32>
      %mul3A_813 = arith.muli %add3A_810, %mul3A_812 : vector<16xi32>
      %add3A_814 = arith.constant 0 : i32
      %add3A_815 = vector.broadcast %add3A_814 : i32 to vector<16xi32>
      %add3A_816 = arith.addi %mul3A_813, %add3A_815 : vector<16xi32>
      tpu.vector_store_idx %arg24[%add3A_816], %scan3A_801#1 : memref<2560xf32, #tpu.memory_space<vmem>>[vector<16xi32>], vector<16xf32>,
      %add3A_817 = vector.broadcast %add3A_806 : i32 to vector<16xi32>
      %add3A_818 = arith.addi %add3A_817, %iota3A : vector<16xi32>
      %mul3A_819 = arith.constant 5 : i32
      %mul3A_820 = vector.broadcast %mul3A_819 : i32 to vector<16xi32>
      %mul3A_821 = arith.muli %add3A_818, %mul3A_820 : vector<16xi32>
      %add3A_822 = arith.constant 1 : i32
      %add3A_823 = vector.broadcast %add3A_822 : i32 to vector<16xi32>
      %add3A_824 = arith.addi %mul3A_821, %add3A_823 : vector<16xi32>
      tpu.vector_store_idx %arg24[%add3A_824], %scan3A_801#2 : memref<2560xf32, #tpu.memory_space<vmem>>[vector<16xi32>], vector<16xf32>,
      %add3A_825 = vector.broadcast %add3A_806 : i32 to vector<16xi32>
      %add3A_826 = arith.addi %add3A_825, %iota3A : vector<16xi32>
      %mul3A_827 = arith.constant 5 : i32
      %mul3A_828 = vector.broadcast %mul3A_827 : i32 to vector<16xi32>
      %mul3A_829 = arith.muli %add3A_826, %mul3A_828 : vector<16xi32>
      %add3A_830 = arith.constant 2 : i32
      %add3A_831 = vector.broadcast %add3A_830 : i32 to vector<16xi32>
      %add3A_832 = arith.addi %mul3A_829, %add3A_831 : vector<16xi32>
      tpu.vector_store_idx %arg24[%add3A_832], %scan3A_801#3 : memref<2560xf32, #tpu.memory_space<vmem>>[vector<16xi32>], vector<16xf32>,
      %add3A_833 = vector.broadcast %add3A_806 : i32 to vector<16xi32>
      %add3A_834 = arith.addi %add3A_833, %iota3A : vector<16xi32>
      %mul3A_835 = arith.constant 5 : i32
      %mul3A_836 = vector.broadcast %mul3A_835 : i32 to vector<16xi32>
      %mul3A_837 = arith.muli %add3A_834, %mul3A_836 : vector<16xi32>
      %add3A_838 = arith.constant 3 : i32
      %add3A_839 = vector.broadcast %add3A_838 : i32 to vector<16xi32>
      %add3A_840 = arith.addi %mul3A_837, %add3A_839 : vector<16xi32>
      tpu.vector_store_idx %arg24[%add3A_840], %scan3A_801#4 : memref<2560xf32, #tpu.memory_space<vmem>>[vector<16xi32>], vector<16xf32>,
      %add3A_841 = vector.broadcast %add3A_806 : i32 to vector<16xi32>
      %add3A_842 = arith.addi %add3A_841, %iota3A : vector<16xi32>
      %mul3A_843 = arith.constant 5 : i32
      %mul3A_844 = vector.broadcast %mul3A_843 : i32 to vector<16xi32>
      %mul3A_845 = arith.muli %add3A_842, %mul3A_844 : vector<16xi32>
      %add3A_846 = arith.constant 4 : i32
      %add3A_847 = vector.broadcast %add3A_846 : i32 to vector<16xi32>
      %add3A_848 = arith.addi %mul3A_845, %add3A_847 : vector<16xi32>
      tpu.vector_store_idx %arg24[%add3A_848], %scan3A_801#5 : memref<2560xf32, #tpu.memory_space<vmem>>[vector<16xi32>], vector<16xf32>,
      %scan3A_849 = arith.constant 0 : i32
      scf.yield %scan3A_849 : i32
    }
    %scan3A_263 = arith.constant 4 : i32
    %add3A_264 = arith.constant 192 : i32
    %add3A_265 = arith.addi %mul3A_2, %add3A_264 : i32
    "tpu.region"() ({
      %run_scoped3A = tpu.sem_alloc : memref<!tpu.dma_semaphore, #tpu.memory_space<semaphore_mem>>
      %dma_start3A_706 = tpu.memref_slice %arg2[%add3A_265] : memref<16384xi32, #tpu.memory_space<hbm>> -> memref<64xi32, #tpu.memory_space<hbm>>
      %dma_start3A_707 = tpu.memref_slice %arg2[%add3A_265] : memref<16384xi32, #tpu.memory_space<hbm>> -> memref<64xi32, #tpu.memory_space<hbm>>
      tpu.enqueue_dma source(%dma_start3A_707 : memref<64xi32, #tpu.memory_space<hbm>>) target(%arg11 : memref<64xi32, #tpu.memory_space<vmem>>) target_semaphore(%run_scoped3A : memref<!tpu.dma_semaphore, #tpu.memory_space<semaphore_mem>>)
      %dma_wait3A_708 = tpu.memref_slice %arg2[%add3A_265] : memref<16384xi32, #tpu.memory_space<hbm>> -> memref<64xi32, #tpu.memory_space<hbm>>
      %dma_wait3A_709 = tpu.memref_slice %arg2[%add3A_265] : memref<16384xi32, #tpu.memory_space<hbm>> -> memref<64xi32, #tpu.memory_space<hbm>>
      tpu.wait_dma2 semaphore(%run_scoped3A : memref<!tpu.dma_semaphore, #tpu.memory_space<semaphore_mem>>) src(%dma_wait3A_709 : memref<64xi32, #tpu.memory_space<hbm>>) dst(%arg11 : memref<64xi32, #tpu.memory_space<vmem>>)
      tpu.yield
    }) : () -> ()
    %scan3A_266 = arith.constant 0 : i32
    %scan3A_267 = arith.constant 0 : i32
    %scan3A_268 = arith.constant 4 : i32
    %scan3A_269 = arith.addi %scan3A_267, %scan3A_268 : i32
    %scan3A_270 = arith.constant 1 : i32
    %scan3A_271 = scf.for %scan3A_706 = %scan3A_267 to %scan3A_269 step %scan3A_270 iter_args(%scan3A_707 = %scan3A_266) -> (i32)  : i32 {
      %mul3A_708 = arith.constant 16 : i32
      %mul3A_709 = arith.muli %scan3A_706, %mul3A_708 : i32
      %get3A = arith.index_cast %mul3A_709 : i32 to index
      %get3A_710 = tpu.vector_load %arg11[%get3A] {strides = array<i32>} : memref<64xi32, #tpu.memory_space<vmem>>, vector<16xi32>,
      %and3A = arith.constant 1 : i32
      %and3A_711 = vector.broadcast %and3A : i32 to vector<16xi32>
      %and3A_712 = arith.andi %get3A_710, %and3A_711 : vector<16xi32>
      %mul3A_713 = arith.constant 64 : i32
      %mul3A_714 = vector.broadcast %mul3A_713 : i32 to vector<16xi32>
      %mul3A_715 = arith.muli %and3A_712, %mul3A_714 : vector<16xi32>
      %swap3A = arith.index_cast %mul3A_709 : i32 to index
      %swap3A_716 = tpu.vector_load %arg12[%swap3A] {strides = array<i32>} : memref<64xi32, #tpu.memory_space<vmem>>, vector<16xi32>,
      tpu.vector_store %arg12[%swap3A], %mul3A_715 {strides = array<i32>} : memref<64xi32, #tpu.memory_space<vmem>>, vector<16xi32>,
      %shift_right_logical3A = arith.constant 1 : i32
      %shift_right_logical3A_717 = vector.broadcast %shift_right_logical3A : i32 to vector<16xi32>
      %shift_right_logical3A_718 = arith.shrui %get3A_710, %shift_right_logical3A_717 : vector<16xi32>
      %ge3A = arith.constant 500000 : i32
      %ge3A_719 = vector.broadcast %ge3A : i32 to vector<16xi32>
      %ge3A_720 = arith.cmpi sge, %shift_right_logical3A_718, %ge3A_719 : vector<16xi32>
      %sub3A = arith.constant 500000 : i32
      %sub3A_721 = vector.broadcast %sub3A : i32 to vector<16xi32>
      %sub3A_722 = arith.subi %shift_right_logical3A_718, %sub3A_721 : vector<16xi32>
      %add3A_723 = arith.constant 64 : i32
      %add3A_724 = vector.broadcast %add3A_723 : i32 to vector<16xi32>
      %add3A_725 = arith.addi %add3A_724, %sub3A_722 : vector<16xi32>
      %mul3A_726 = arith.constant 16 : i32
      %mul3A_727 = arith.muli %scan3A_706, %mul3A_726 : i32
      %add3A_728 = vector.broadcast %mul3A_727 : i32 to vector<16xi32>
      %add3A_729 = arith.addi %add3A_728, %iota3A : vector<16xi32>
      %select_n3A = arith.select %ge3A_720, %add3A_725, %add3A_729 : vector<16xi1>, vector<16xi32>
      %swap3A_730 = arith.index_cast %mul3A_709 : i32 to index
      %swap3A_731 = tpu.vector_load %arg13[%swap3A_730] {strides = array<i32>} : memref<64xi32, #tpu.memory_space<vmem>>, vector<16xi32>,
      tpu.vector_store %arg13[%swap3A_730], %select_n3A {strides = array<i32>} : memref<64xi32, #tpu.memory_space<vmem>>, vector<16xi32>,
      %jit3A = arith.constant 0 : i32
      %broadcast_in_dim3A = vector.broadcast %jit3A : i32 to vector<16xi32>
      %select_n3A_732 = arith.select %ge3A_720, %broadcast_in_dim3A, %shift_right_logical3A_718 : vector<16xi1>, vector<16xi32>
      %swap3A_733 = arith.index_cast %mul3A_709 : i32 to index
      %swap3A_734 = tpu.vector_load %arg11[%swap3A_733] {strides = array<i32>} : memref<64xi32, #tpu.memory_space<vmem>>, vector<16xi32>,
      tpu.vector_store %arg11[%swap3A_733], %select_n3A_732 {strides = array<i32>} : memref<64xi32, #tpu.memory_space<vmem>>, vector<16xi32>,
      %scan3A_735 = arith.constant 0 : i32
      scf.yield %scan3A_735 : i32
    }
    %scan3A_272 = arith.constant 4 : i32
    "tpu.region"() ({
      %run_scoped3A = tpu.sem_alloc : memref<!tpu.dma_semaphore, #tpu.memory_space<semaphore_mem>>
      %dma_start3A_706 = tpu.memref_slice %arg3[%add3A_265] : memref<16384xi32, #tpu.memory_space<hbm>> -> memref<64xi32, #tpu.memory_space<hbm>>
      %dma_start3A_707 = tpu.memref_slice %arg3[%add3A_265] : memref<16384xi32, #tpu.memory_space<hbm>> -> memref<64xi32, #tpu.memory_space<hbm>>
      tpu.enqueue_dma source(%dma_start3A_707 : memref<64xi32, #tpu.memory_space<hbm>>) target(%arg14 : memref<64xi32, #tpu.memory_space<vmem>>) target_semaphore(%run_scoped3A : memref<!tpu.dma_semaphore, #tpu.memory_space<semaphore_mem>>)
      %dma_wait3A_708 = tpu.memref_slice %arg3[%add3A_265] : memref<16384xi32, #tpu.memory_space<hbm>> -> memref<64xi32, #tpu.memory_space<hbm>>
      %dma_wait3A_709 = tpu.memref_slice %arg3[%add3A_265] : memref<16384xi32, #tpu.memory_space<hbm>> -> memref<64xi32, #tpu.memory_space<hbm>>
      tpu.wait_dma2 semaphore(%run_scoped3A : memref<!tpu.dma_semaphore, #tpu.memory_space<semaphore_mem>>) src(%dma_wait3A_709 : memref<64xi32, #tpu.memory_space<hbm>>) dst(%arg14 : memref<64xi32, #tpu.memory_space<vmem>>)
      tpu.yield
    }) : () -> ()
    %scan3A_273 = arith.constant 0 : i32
    %scan3A_274 = arith.constant 0 : i32
    %scan3A_275 = arith.constant 4 : i32
    %scan3A_276 = arith.addi %scan3A_274, %scan3A_275 : i32
    %scan3A_277 = arith.constant 1 : i32
    %scan3A_278 = scf.for %scan3A_706 = %scan3A_274 to %scan3A_276 step %scan3A_277 iter_args(%scan3A_707 = %scan3A_273) -> (i32)  : i32 {
      %mul3A_708 = arith.constant 16 : i32
      %mul3A_709 = arith.muli %scan3A_706, %mul3A_708 : i32
      %get3A = arith.index_cast %mul3A_709 : i32 to index
      %get3A_710 = tpu.vector_load %arg14[%get3A] {strides = array<i32>} : memref<64xi32, #tpu.memory_space<vmem>>, vector<16xi32>,
      %and3A = arith.constant 1 : i32
      %and3A_711 = vector.broadcast %and3A : i32 to vector<16xi32>
      %and3A_712 = arith.andi %get3A_710, %and3A_711 : vector<16xi32>
      %mul3A_713 = arith.constant 64 : i32
      %mul3A_714 = vector.broadcast %mul3A_713 : i32 to vector<16xi32>
      %mul3A_715 = arith.muli %and3A_712, %mul3A_714 : vector<16xi32>
      %swap3A = arith.index_cast %mul3A_709 : i32 to index
      %swap3A_716 = tpu.vector_load %arg15[%swap3A] {strides = array<i32>} : memref<64xi32, #tpu.memory_space<vmem>>, vector<16xi32>,
      tpu.vector_store %arg15[%swap3A], %mul3A_715 {strides = array<i32>} : memref<64xi32, #tpu.memory_space<vmem>>, vector<16xi32>,
      %shift_right_logical3A = arith.constant 1 : i32
      %shift_right_logical3A_717 = vector.broadcast %shift_right_logical3A : i32 to vector<16xi32>
      %shift_right_logical3A_718 = arith.shrui %get3A_710, %shift_right_logical3A_717 : vector<16xi32>
      %ge3A = arith.constant 500000 : i32
      %ge3A_719 = vector.broadcast %ge3A : i32 to vector<16xi32>
      %ge3A_720 = arith.cmpi sge, %shift_right_logical3A_718, %ge3A_719 : vector<16xi32>
      %sub3A = arith.constant 500000 : i32
      %sub3A_721 = vector.broadcast %sub3A : i32 to vector<16xi32>
      %sub3A_722 = arith.subi %shift_right_logical3A_718, %sub3A_721 : vector<16xi32>
      %add3A_723 = arith.constant 64 : i32
      %add3A_724 = vector.broadcast %add3A_723 : i32 to vector<16xi32>
      %add3A_725 = arith.addi %add3A_724, %sub3A_722 : vector<16xi32>
      %mul3A_726 = arith.constant 16 : i32
      %mul3A_727 = arith.muli %scan3A_706, %mul3A_726 : i32
      %add3A_728 = vector.broadcast %mul3A_727 : i32 to vector<16xi32>
      %add3A_729 = arith.addi %add3A_728, %iota3A : vector<16xi32>
      %select_n3A = arith.select %ge3A_720, %add3A_725, %add3A_729 : vector<16xi1>, vector<16xi32>
      %swap3A_730 = arith.index_cast %mul3A_709 : i32 to index
      %swap3A_731 = tpu.vector_load %arg16[%swap3A_730] {strides = array<i32>} : memref<64xi32, #tpu.memory_space<vmem>>, vector<16xi32>,
      tpu.vector_store %arg16[%swap3A_730], %select_n3A {strides = array<i32>} : memref<64xi32, #tpu.memory_space<vmem>>, vector<16xi32>,
      %jit3A = arith.constant 0 : i32
      %broadcast_in_dim3A = vector.broadcast %jit3A : i32 to vector<16xi32>
      %select_n3A_732 = arith.select %ge3A_720, %broadcast_in_dim3A, %shift_right_logical3A_718 : vector<16xi1>, vector<16xi32>
      %swap3A_733 = arith.index_cast %mul3A_709 : i32 to index
      %swap3A_734 = tpu.vector_load %arg14[%swap3A_733] {strides = array<i32>} : memref<64xi32, #tpu.memory_space<vmem>>, vector<16xi32>,
      tpu.vector_store %arg14[%swap3A_733], %select_n3A_732 {strides = array<i32>} : memref<64xi32, #tpu.memory_space<vmem>>, vector<16xi32>,
      %scan3A_735 = arith.constant 0 : i32
      scf.yield %scan3A_735 : i32
    }
    %scan3A_279 = arith.constant 4 : i32
    %mul3A_280 = arith.constant 5 : i32
    %mul3A_281 = arith.muli %add3A_265, %mul3A_280 : i32
    "tpu.region"() ({
      %run_scoped3A = tpu.sem_alloc : memref<!tpu.dma_semaphore, #tpu.memory_space<semaphore_mem>>
      %dma_start3A_706 = tpu.memref_slice %arg4[%mul3A_281] : memref<81920xi32, #tpu.memory_space<hbm>> -> memref<320xi32, #tpu.memory_space<hbm>>
      %dma_start3A_707 = tpu.memref_slice %arg4[%mul3A_281] : memref<81920xi32, #tpu.memory_space<hbm>> -> memref<320xi32, #tpu.memory_space<hbm>>
      tpu.enqueue_dma source(%dma_start3A_707 : memref<320xi32, #tpu.memory_space<hbm>>) target(%arg17 : memref<320xi32, #tpu.memory_space<vmem>>) target_semaphore(%run_scoped3A : memref<!tpu.dma_semaphore, #tpu.memory_space<semaphore_mem>>)
      %dma_wait3A_708 = tpu.memref_slice %arg4[%mul3A_281] : memref<81920xi32, #tpu.memory_space<hbm>> -> memref<320xi32, #tpu.memory_space<hbm>>
      %dma_wait3A_709 = tpu.memref_slice %arg4[%mul3A_281] : memref<81920xi32, #tpu.memory_space<hbm>> -> memref<320xi32, #tpu.memory_space<hbm>>
      tpu.wait_dma2 semaphore(%run_scoped3A : memref<!tpu.dma_semaphore, #tpu.memory_space<semaphore_mem>>) src(%dma_wait3A_709 : memref<320xi32, #tpu.memory_space<hbm>>) dst(%arg17 : memref<320xi32, #tpu.memory_space<vmem>>)
      tpu.yield
    }) : () -> ()
    %scan3A_282 = arith.constant 0 : i32
    %scan3A_283 = arith.constant 0 : i32
    %scan3A_284 = arith.constant 20 : i32
    %scan3A_285 = arith.addi %scan3A_283, %scan3A_284 : i32
    %scan3A_286 = arith.constant 1 : i32
    %scan3A_287 = scf.for %scan3A_706 = %scan3A_283 to %scan3A_285 step %scan3A_286 iter_args(%scan3A_707 = %scan3A_282) -> (i32)  : i32 {
      %mul3A_708 = arith.constant 16 : i32
      %mul3A_709 = arith.muli %scan3A_706, %mul3A_708 : i32
      %get3A = arith.index_cast %mul3A_709 : i32 to index
      %get3A_710 = tpu.vector_load %arg17[%get3A] {strides = array<i32>} : memref<320xi32, #tpu.memory_space<vmem>>, vector<16xi32>,
      %and3A = arith.constant 1 : i32
      %and3A_711 = vector.broadcast %and3A : i32 to vector<16xi32>
      %and3A_712 = arith.andi %get3A_710, %and3A_711 : vector<16xi32>
      %mul3A_713 = arith.constant 64 : i32
      %mul3A_714 = vector.broadcast %mul3A_713 : i32 to vector<16xi32>
      %mul3A_715 = arith.muli %and3A_712, %mul3A_714 : vector<16xi32>
      %swap3A = arith.index_cast %mul3A_709 : i32 to index
      %swap3A_716 = tpu.vector_load %arg18[%swap3A] {strides = array<i32>} : memref<320xi32, #tpu.memory_space<vmem>>, vector<16xi32>,
      tpu.vector_store %arg18[%swap3A], %mul3A_715 {strides = array<i32>} : memref<320xi32, #tpu.memory_space<vmem>>, vector<16xi32>,
      %shift_right_logical3A = arith.constant 1 : i32
      %shift_right_logical3A_717 = vector.broadcast %shift_right_logical3A : i32 to vector<16xi32>
      %shift_right_logical3A_718 = arith.shrui %get3A_710, %shift_right_logical3A_717 : vector<16xi32>
      %ge3A = arith.constant 500000 : i32
      %ge3A_719 = vector.broadcast %ge3A : i32 to vector<16xi32>
      %ge3A_720 = arith.cmpi sge, %shift_right_logical3A_718, %ge3A_719 : vector<16xi32>
      %sub3A = arith.constant 500000 : i32
      %sub3A_721 = vector.broadcast %sub3A : i32 to vector<16xi32>
      %sub3A_722 = arith.subi %shift_right_logical3A_718, %sub3A_721 : vector<16xi32>
      %add3A_723 = arith.constant 320 : i32
      %add3A_724 = vector.broadcast %add3A_723 : i32 to vector<16xi32>
      %add3A_725 = arith.addi %add3A_724, %sub3A_722 : vector<16xi32>
      %mul3A_726 = arith.constant 16 : i32
      %mul3A_727 = arith.muli %scan3A_706, %mul3A_726 : i32
      %add3A_728 = vector.broadcast %mul3A_727 : i32 to vector<16xi32>
      %add3A_729 = arith.addi %add3A_728, %iota3A : vector<16xi32>
      %select_n3A = arith.select %ge3A_720, %add3A_725, %add3A_729 : vector<16xi1>, vector<16xi32>
      %swap3A_730 = arith.index_cast %mul3A_709 : i32 to index
      %swap3A_731 = tpu.vector_load %arg19[%swap3A_730] {strides = array<i32>} : memref<320xi32, #tpu.memory_space<vmem>>, vector<16xi32>,
      tpu.vector_store %arg19[%swap3A_730], %select_n3A {strides = array<i32>} : memref<320xi32, #tpu.memory_space<vmem>>, vector<16xi32>,
      %jit3A = arith.constant 0 : i32
      %broadcast_in_dim3A = vector.broadcast %jit3A : i32 to vector<16xi32>
      %select_n3A_732 = arith.select %ge3A_720, %broadcast_in_dim3A, %shift_right_logical3A_718 : vector<16xi1>, vector<16xi32>
      %swap3A_733 = arith.index_cast %mul3A_709 : i32 to index
      %swap3A_734 = tpu.vector_load %arg17[%swap3A_733] {strides = array<i32>} : memref<320xi32, #tpu.memory_space<vmem>>, vector<16xi32>,
      tpu.vector_store %arg17[%swap3A_733], %select_n3A_732 {strides = array<i32>} : memref<320xi32, #tpu.memory_space<vmem>>, vector<16xi32>,
      %scan3A_735 = arith.constant 0 : i32
      scf.yield %scan3A_735 : i32
    }
    %scan3A_288 = arith.constant 20 : i32
    %dma_start3A_289 = arith.constant 0 : i32
    %dma_start3A_290 = arith.constant 0 : i32
    %dma_start3A_291 = tpu.memref_slice %arg20[%dma_start3A_289, %dma_start3A_290] : memref<96x128xf32, #tpu.memory_space<vmem>> -> memref<64x128xf32, #tpu.memory_space<vmem>>
    %dma_start3A_292 = arith.constant 0 : i32
    %dma_start3A_293 = arith.constant 0 : i32
    %dma_start3A_294 = tpu.memref_slice %arg5[%dma_start3A_292, %dma_start3A_293] : memref<500000x128xf32, #tpu.memory_space<hbm>> -> memref<500000x128xf32, #tpu.memory_space<hbm>>
    tpu.enqueue_indirect_dma source(%dma_start3A_294 : memref<500000x128xf32, #tpu.memory_space<hbm>>) target(%dma_start3A_291 : memref<64x128xf32, #tpu.memory_space<vmem>>) offsets(%arg11 : memref<64xi32, #tpu.memory_space<vmem>>) semaphore(%arg25 : memref<!tpu.dma_semaphore, #tpu.memory_space<semaphore_mem>>)
    %dma_start3A_295 = arith.constant 0 : i32
    %dma_start3A_296 = arith.constant 0 : i32
    %dma_start3A_297 = tpu.memref_slice %arg21[%dma_start3A_295, %dma_start3A_296] : memref<96x128xf32, #tpu.memory_space<vmem>> -> memref<64x128xf32, #tpu.memory_space<vmem>>
    %dma_start3A_298 = arith.constant 0 : i32
    %dma_start3A_299 = arith.constant 0 : i32
    %dma_start3A_300 = tpu.memref_slice %arg6[%dma_start3A_298, %dma_start3A_299] : memref<500000x128xf32, #tpu.memory_space<hbm>> -> memref<500000x128xf32, #tpu.memory_space<hbm>>
    tpu.enqueue_indirect_dma source(%dma_start3A_300 : memref<500000x128xf32, #tpu.memory_space<hbm>>) target(%dma_start3A_297 : memref<64x128xf32, #tpu.memory_space<vmem>>) offsets(%arg14 : memref<64xi32, #tpu.memory_space<vmem>>) semaphore(%arg25 : memref<!tpu.dma_semaphore, #tpu.memory_space<semaphore_mem>>)
    %dma_start3A_301 = arith.constant 0 : i32
    %dma_start3A_302 = arith.constant 0 : i32
    %dma_start3A_303 = tpu.memref_slice %arg22[%dma_start3A_301, %dma_start3A_302] : memref<352x128xf32, #tpu.memory_space<vmem>> -> memref<128x128xf32, #tpu.memory_space<vmem>>
    %dma_start3A_304 = arith.constant 0 : i32
    %dma_start3A_305 = tpu.memref_slice %arg17[%dma_start3A_304] : memref<320xi32, #tpu.memory_space<vmem>> -> memref<128xi32, #tpu.memory_space<vmem>>
    %dma_start3A_306 = arith.constant 0 : i32
    %dma_start3A_307 = arith.constant 0 : i32
    %dma_start3A_308 = tpu.memref_slice %arg6[%dma_start3A_306, %dma_start3A_307] : memref<500000x128xf32, #tpu.memory_space<hbm>> -> memref<500000x128xf32, #tpu.memory_space<hbm>>
    tpu.enqueue_indirect_dma source(%dma_start3A_308 : memref<500000x128xf32, #tpu.memory_space<hbm>>) target(%dma_start3A_303 : memref<128x128xf32, #tpu.memory_space<vmem>>) offsets(%dma_start3A_305 : memref<128xi32, #tpu.memory_space<vmem>>) semaphore(%arg25 : memref<!tpu.dma_semaphore, #tpu.memory_space<semaphore_mem>>)
    %dma_start3A_309 = arith.constant 128 : i32
    %dma_start3A_310 = arith.constant 0 : i32
    %dma_start3A_311 = tpu.memref_slice %arg22[%dma_start3A_309, %dma_start3A_310] : memref<352x128xf32, #tpu.memory_space<vmem>> -> memref<128x128xf32, #tpu.memory_space<vmem>>
    %dma_start3A_312 = arith.constant 128 : i32
    %dma_start3A_313 = tpu.memref_slice %arg17[%dma_start3A_312] : memref<320xi32, #tpu.memory_space<vmem>> -> memref<128xi32, #tpu.memory_space<vmem>>
    %dma_start3A_314 = arith.constant 0 : i32
    %dma_start3A_315 = arith.constant 0 : i32
    %dma_start3A_316 = tpu.memref_slice %arg6[%dma_start3A_314, %dma_start3A_315] : memref<500000x128xf32, #tpu.memory_space<hbm>> -> memref<500000x128xf32, #tpu.memory_space<hbm>>
    tpu.enqueue_indirect_dma source(%dma_start3A_316 : memref<500000x128xf32, #tpu.memory_space<hbm>>) target(%dma_start3A_311 : memref<128x128xf32, #tpu.memory_space<vmem>>) offsets(%dma_start3A_313 : memref<128xi32, #tpu.memory_space<vmem>>) semaphore(%arg25 : memref<!tpu.dma_semaphore, #tpu.memory_space<semaphore_mem>>)
    %dma_wait3A_317 = arith.constant 0 : i32
    %dma_wait3A_318 = arith.constant 0 : i32
    %dma_wait3A_319 = tpu.memref_slice %arg20[%dma_wait3A_317, %dma_wait3A_318] : memref<96x128xf32, #tpu.memory_space<vmem>> -> memref<64x128xf32, #tpu.memory_space<vmem>>
    %dma_wait3A_320 = arith.constant 0 : i32
    %dma_wait3A_321 = arith.constant 0 : i32
    %dma_wait3A_322 = tpu.memref_slice %arg5[%dma_wait3A_320, %dma_wait3A_321] : memref<500000x128xf32, #tpu.memory_space<hbm>> -> memref<500000x128xf32, #tpu.memory_space<hbm>>
    tpu.wait_indirect_dma semaphore(%arg25 : memref<!tpu.dma_semaphore, #tpu.memory_space<semaphore_mem>>) src(%dma_wait3A_322 : memref<500000x128xf32, #tpu.memory_space<hbm>>) dst(%dma_wait3A_319 : memref<64x128xf32, #tpu.memory_space<vmem>>)
    %dma_wait3A_323 = arith.constant 0 : i32
    %dma_wait3A_324 = arith.constant 0 : i32
    %dma_wait3A_325 = tpu.memref_slice %arg21[%dma_wait3A_323, %dma_wait3A_324] : memref<96x128xf32, #tpu.memory_space<vmem>> -> memref<64x128xf32, #tpu.memory_space<vmem>>
    %dma_wait3A_326 = arith.constant 0 : i32
    %dma_wait3A_327 = arith.constant 0 : i32
    %dma_wait3A_328 = tpu.memref_slice %arg6[%dma_wait3A_326, %dma_wait3A_327] : memref<500000x128xf32, #tpu.memory_space<hbm>> -> memref<500000x128xf32, #tpu.memory_space<hbm>>
    tpu.wait_indirect_dma semaphore(%arg25 : memref<!tpu.dma_semaphore, #tpu.memory_space<semaphore_mem>>) src(%dma_wait3A_328 : memref<500000x128xf32, #tpu.memory_space<hbm>>) dst(%dma_wait3A_325 : memref<64x128xf32, #tpu.memory_space<vmem>>)
    %dma_wait3A_329 = arith.constant 0 : i32
    %dma_wait3A_330 = arith.constant 0 : i32
    %dma_wait3A_331 = tpu.memref_slice %arg22[%dma_wait3A_329, %dma_wait3A_330] : memref<352x128xf32, #tpu.memory_space<vmem>> -> memref<128x128xf32, #tpu.memory_space<vmem>>
    %dma_wait3A_332 = arith.constant 0 : i32
    %dma_wait3A_333 = tpu.memref_slice %arg17[%dma_wait3A_332] : memref<320xi32, #tpu.memory_space<vmem>> -> memref<128xi32, #tpu.memory_space<vmem>>
    %dma_wait3A_334 = arith.constant 0 : i32
    %dma_wait3A_335 = arith.constant 0 : i32
    %dma_wait3A_336 = tpu.memref_slice %arg6[%dma_wait3A_334, %dma_wait3A_335] : memref<500000x128xf32, #tpu.memory_space<hbm>> -> memref<500000x128xf32, #tpu.memory_space<hbm>>
    tpu.wait_indirect_dma semaphore(%arg25 : memref<!tpu.dma_semaphore, #tpu.memory_space<semaphore_mem>>) src(%dma_wait3A_336 : memref<500000x128xf32, #tpu.memory_space<hbm>>) dst(%dma_wait3A_331 : memref<128x128xf32, #tpu.memory_space<vmem>>)
    %dma_wait3A_337 = arith.constant 128 : i32
    %dma_wait3A_338 = arith.constant 0 : i32
    %dma_wait3A_339 = tpu.memref_slice %arg22[%dma_wait3A_337, %dma_wait3A_338] : memref<352x128xf32, #tpu.memory_space<vmem>> -> memref<128x128xf32, #tpu.memory_space<vmem>>
    %dma_wait3A_340 = arith.constant 128 : i32
    %dma_wait3A_341 = tpu.memref_slice %arg17[%dma_wait3A_340] : memref<320xi32, #tpu.memory_space<vmem>> -> memref<128xi32, #tpu.memory_space<vmem>>
    %dma_wait3A_342 = arith.constant 0 : i32
    %dma_wait3A_343 = arith.constant 0 : i32
    %dma_wait3A_344 = tpu.memref_slice %arg6[%dma_wait3A_342, %dma_wait3A_343] : memref<500000x128xf32, #tpu.memory_space<hbm>> -> memref<500000x128xf32, #tpu.memory_space<hbm>>
    tpu.wait_indirect_dma semaphore(%arg25 : memref<!tpu.dma_semaphore, #tpu.memory_space<semaphore_mem>>) src(%dma_wait3A_344 : memref<500000x128xf32, #tpu.memory_space<hbm>>) dst(%dma_wait3A_339 : memref<128x128xf32, #tpu.memory_space<vmem>>)
    %scan3A_345 = arith.constant 0 : i32
    %scan3A_346 = arith.constant 0 : i32
    %scan3A_347 = arith.constant 4 : i32
    %scan3A_348 = arith.addi %scan3A_346, %scan3A_347 : i32
    %scan3A_349 = arith.constant 1 : i32
    %scan3A_350 = scf.for %scan3A_706 = %scan3A_346 to %scan3A_348 step %scan3A_349 iter_args(%scan3A_707 = %scan3A_345) -> (i32)  : i32 {
      %mul3A_708 = arith.constant 16 : i32
      %mul3A_709 = arith.muli %scan3A_706, %mul3A_708 : i32
      %get3A = arith.index_cast %mul3A_709 : i32 to index
      %get3A_710 = tpu.vector_load %arg13[%get3A] {strides = array<i32>} : memref<64xi32, #tpu.memory_space<vmem>>, vector<16xi32>,
      %mul3A_711 = arith.constant 16 : i32
      %mul3A_712 = arith.muli %scan3A_706, %mul3A_711 : i32
      %get3A_713 = arith.index_cast %mul3A_712 : i32 to index
      %get3A_714 = tpu.vector_load %arg16[%get3A_713] {strides = array<i32>} : memref<64xi32, #tpu.memory_space<vmem>>, vector<16xi32>,
      %mul3A_715 = arith.constant 16 : i32
      %mul3A_716 = arith.muli %scan3A_706, %mul3A_715 : i32
      %get3A_717 = arith.index_cast %mul3A_716 : i32 to index
      %get3A_718 = tpu.vector_load %arg12[%get3A_717] {strides = array<i32>} : memref<64xi32, #tpu.memory_space<vmem>>, vector<16xi32>,
      %mul3A_719 = arith.constant 16 : i32
      %mul3A_720 = arith.muli %scan3A_706, %mul3A_719 : i32
      %get3A_721 = arith.index_cast %mul3A_720 : i32 to index
      %get3A_722 = tpu.vector_load %arg15[%get3A_721] {strides = array<i32>} : memref<64xi32, #tpu.memory_space<vmem>>, vector<16xi32>,
      %mul3A_723 = arith.constant 16 : i32
      %mul3A_724 = arith.muli %scan3A_706, %mul3A_723 : i32
      %add3A_725 = vector.broadcast %mul3A_724 : i32 to vector<16xi32>
      %add3A_726 = arith.addi %add3A_725, %iota3A : vector<16xi32>
      %mul3A_727 = arith.constant 5 : i32
      %mul3A_728 = vector.broadcast %mul3A_727 : i32 to vector<16xi32>
      %mul3A_729 = arith.muli %add3A_726, %mul3A_728 : vector<16xi32>
      %add3A_730 = arith.constant 0 : i32
      %add3A_731 = vector.broadcast %add3A_730 : i32 to vector<16xi32>
      %add3A_732 = arith.addi %mul3A_729, %add3A_731 : vector<16xi32>
      %gather3A = tpu.vector_load_idx %arg19[%add3A_732] : memref<320xi32, #tpu.memory_space<vmem>>[vector<16xi32>], vector<16xi32>,
      %mul3A_733 = arith.constant 5 : i32
      %mul3A_734 = vector.broadcast %mul3A_733 : i32 to vector<16xi32>
      %mul3A_735 = arith.muli %add3A_726, %mul3A_734 : vector<16xi32>
      %add3A_736 = arith.constant 1 : i32
      %add3A_737 = vector.broadcast %add3A_736 : i32 to vector<16xi32>
      %add3A_738 = arith.addi %mul3A_735, %add3A_737 : vector<16xi32>
      %gather3A_739 = tpu.vector_load_idx %arg19[%add3A_738] : memref<320xi32, #tpu.memory_space<vmem>>[vector<16xi32>], vector<16xi32>,
      %mul3A_740 = arith.constant 5 : i32
      %mul3A_741 = vector.broadcast %mul3A_740 : i32 to vector<16xi32>
      %mul3A_742 = arith.muli %add3A_726, %mul3A_741 : vector<16xi32>
      %add3A_743 = arith.constant 2 : i32
      %add3A_744 = vector.broadcast %add3A_743 : i32 to vector<16xi32>
      %add3A_745 = arith.addi %mul3A_742, %add3A_744 : vector<16xi32>
      %gather3A_746 = tpu.vector_load_idx %arg19[%add3A_745] : memref<320xi32, #tpu.memory_space<vmem>>[vector<16xi32>], vector<16xi32>,
      %mul3A_747 = arith.constant 5 : i32
      %mul3A_748 = vector.broadcast %mul3A_747 : i32 to vector<16xi32>
      %mul3A_749 = arith.muli %add3A_726, %mul3A_748 : vector<16xi32>
      %add3A_750 = arith.constant 3 : i32
      %add3A_751 = vector.broadcast %add3A_750 : i32 to vector<16xi32>
      %add3A_752 = arith.addi %mul3A_749, %add3A_751 : vector<16xi32>
      %gather3A_753 = tpu.vector_load_idx %arg19[%add3A_752] : memref<320xi32, #tpu.memory_space<vmem>>[vector<16xi32>], vector<16xi32>,
      %mul3A_754 = arith.constant 5 : i32
      %mul3A_755 = vector.broadcast %mul3A_754 : i32 to vector<16xi32>
      %mul3A_756 = arith.muli %add3A_726, %mul3A_755 : vector<16xi32>
      %add3A_757 = arith.constant 4 : i32
      %add3A_758 = vector.broadcast %add3A_757 : i32 to vector<16xi32>
      %add3A_759 = arith.addi %mul3A_756, %add3A_758 : vector<16xi32>
      %gather3A_760 = tpu.vector_load_idx %arg19[%add3A_759] : memref<320xi32, #tpu.memory_space<vmem>>[vector<16xi32>], vector<16xi32>,
      %mul3A_761 = arith.constant 5 : i32
      %mul3A_762 = vector.broadcast %mul3A_761 : i32 to vector<16xi32>
      %mul3A_763 = arith.muli %add3A_726, %mul3A_762 : vector<16xi32>
      %add3A_764 = arith.constant 0 : i32
      %add3A_765 = vector.broadcast %add3A_764 : i32 to vector<16xi32>
      %add3A_766 = arith.addi %mul3A_763, %add3A_765 : vector<16xi32>
      %gather3A_767 = tpu.vector_load_idx %arg18[%add3A_766] : memref<320xi32, #tpu.memory_space<vmem>>[vector<16xi32>], vector<16xi32>,
      %mul3A_768 = arith.constant 5 : i32
      %mul3A_769 = vector.broadcast %mul3A_768 : i32 to vector<16xi32>
      %mul3A_770 = arith.muli %add3A_726, %mul3A_769 : vector<16xi32>
      %add3A_771 = arith.constant 1 : i32
      %add3A_772 = vector.broadcast %add3A_771 : i32 to vector<16xi32>
      %add3A_773 = arith.addi %mul3A_770, %add3A_772 : vector<16xi32>
      %gather3A_774 = tpu.vector_load_idx %arg18[%add3A_773] : memref<320xi32, #tpu.memory_space<vmem>>[vector<16xi32>], vector<16xi32>,
      %mul3A_775 = arith.constant 5 : i32
      %mul3A_776 = vector.broadcast %mul3A_775 : i32 to vector<16xi32>
      %mul3A_777 = arith.muli %add3A_726, %mul3A_776 : vector<16xi32>
      %add3A_778 = arith.constant 2 : i32
      %add3A_779 = vector.broadcast %add3A_778 : i32 to vector<16xi32>
      %add3A_780 = arith.addi %mul3A_777, %add3A_779 : vector<16xi32>
      %gather3A_781 = tpu.vector_load_idx %arg18[%add3A_780] : memref<320xi32, #tpu.memory_space<vmem>>[vector<16xi32>], vector<16xi32>,
      %mul3A_782 = arith.constant 5 : i32
      %mul3A_783 = vector.broadcast %mul3A_782 : i32 to vector<16xi32>
      %mul3A_784 = arith.muli %add3A_726, %mul3A_783 : vector<16xi32>
      %add3A_785 = arith.constant 3 : i32
      %add3A_786 = vector.broadcast %add3A_785 : i32 to vector<16xi32>
      %add3A_787 = arith.addi %mul3A_784, %add3A_786 : vector<16xi32>
      %gather3A_788 = tpu.vector_load_idx %arg18[%add3A_787] : memref<320xi32, #tpu.memory_space<vmem>>[vector<16xi32>], vector<16xi32>,
      %mul3A_789 = arith.constant 5 : i32
      %mul3A_790 = vector.broadcast %mul3A_789 : i32 to vector<16xi32>
      %mul3A_791 = arith.muli %add3A_726, %mul3A_790 : vector<16xi32>
      %add3A_792 = arith.constant 4 : i32
      %add3A_793 = vector.broadcast %add3A_792 : i32 to vector<16xi32>
      %add3A_794 = arith.addi %mul3A_791, %add3A_793 : vector<16xi32>
      %gather3A_795 = tpu.vector_load_idx %arg18[%add3A_794] : memref<320xi32, #tpu.memory_space<vmem>>[vector<16xi32>], vector<16xi32>,
      %broadcast_in_dim3A = arith.constant 0.000000e+00 : f32
      %broadcast_in_dim3A_796 = vector.broadcast %broadcast_in_dim3A : f32 to vector<16xf32>
      %scan3A_797 = arith.constant 0 : i32
      %scan3A_798 = arith.constant 64 : i32
      %scan3A_799 = arith.addi %scan3A_797, %scan3A_798 : i32
      %scan3A_800 = arith.constant 1 : i32
      %scan3A_801:6 = scf.for %scan3A_850 = %scan3A_797 to %scan3A_799 step %scan3A_800 iter_args(%scan3A_851 = %broadcast_in_dim3A_796, %scan3A_852 = %broadcast_in_dim3A_796, %scan3A_853 = %broadcast_in_dim3A_796, %scan3A_854 = %broadcast_in_dim3A_796, %scan3A_855 = %broadcast_in_dim3A_796, %scan3A_856 = %broadcast_in_dim3A_796) -> (vector<16xf32>, vector<16xf32>, vector<16xf32>, vector<16xf32>, vector<16xf32>, vector<16xf32>)  : i32 {
        %add3A_857 = vector.broadcast %scan3A_850 : i32 to vector<16xi32>
        %add3A_858 = arith.addi %get3A_718, %add3A_857 : vector<16xi32>
        %gather3A_859 = tpu.vector_load_idx %arg20[%get3A_710, %add3A_858] : memref<96x128xf32, #tpu.memory_space<vmem>>[vector<16xi32>, vector<16xi32>], vector<16xf32>,
        %add3A_860 = vector.broadcast %scan3A_850 : i32 to vector<16xi32>
        %add3A_861 = arith.addi %get3A_722, %add3A_860 : vector<16xi32>
        %gather3A_862 = tpu.vector_load_idx %arg21[%get3A_714, %add3A_861] : memref<96x128xf32, #tpu.memory_space<vmem>>[vector<16xi32>, vector<16xi32>], vector<16xf32>,
        %mul3A_863 = arith.mulf %gather3A_859, %gather3A_862 : vector<16xf32>
        %add3A_864 = arith.addf %scan3A_851, %mul3A_863 : vector<16xf32>
        %add3A_865 = vector.broadcast %scan3A_850 : i32 to vector<16xi32>
        %add3A_866 = arith.addi %gather3A_767, %add3A_865 : vector<16xi32>
        %gather3A_867 = tpu.vector_load_idx %arg22[%gather3A, %add3A_866] : memref<352x128xf32, #tpu.memory_space<vmem>>[vector<16xi32>, vector<16xi32>], vector<16xf32>,
        %mul3A_868 = arith.mulf %gather3A_859, %gather3A_867 : vector<16xf32>
        %add3A_869 = arith.addf %scan3A_852, %mul3A_868 : vector<16xf32>
        %add3A_870 = vector.broadcast %scan3A_850 : i32 to vector<16xi32>
        %add3A_871 = arith.addi %gather3A_774, %add3A_870 : vector<16xi32>
        %gather3A_872 = tpu.vector_load_idx %arg22[%gather3A_739, %add3A_871] : memref<352x128xf32, #tpu.memory_space<vmem>>[vector<16xi32>, vector<16xi32>], vector<16xf32>,
        %mul3A_873 = arith.mulf %gather3A_859, %gather3A_872 : vector<16xf32>
        %add3A_874 = arith.addf %scan3A_853, %mul3A_873 : vector<16xf32>
        %add3A_875 = vector.broadcast %scan3A_850 : i32 to vector<16xi32>
        %add3A_876 = arith.addi %gather3A_781, %add3A_875 : vector<16xi32>
        %gather3A_877 = tpu.vector_load_idx %arg22[%gather3A_746, %add3A_876] : memref<352x128xf32, #tpu.memory_space<vmem>>[vector<16xi32>, vector<16xi32>], vector<16xf32>,
        %mul3A_878 = arith.mulf %gather3A_859, %gather3A_877 : vector<16xf32>
        %add3A_879 = arith.addf %scan3A_854, %mul3A_878 : vector<16xf32>
        %add3A_880 = vector.broadcast %scan3A_850 : i32 to vector<16xi32>
        %add3A_881 = arith.addi %gather3A_788, %add3A_880 : vector<16xi32>
        %gather3A_882 = tpu.vector_load_idx %arg22[%gather3A_753, %add3A_881] : memref<352x128xf32, #tpu.memory_space<vmem>>[vector<16xi32>, vector<16xi32>], vector<16xf32>,
        %mul3A_883 = arith.mulf %gather3A_859, %gather3A_882 : vector<16xf32>
        %add3A_884 = arith.addf %scan3A_855, %mul3A_883 : vector<16xf32>
        %add3A_885 = vector.broadcast %scan3A_850 : i32 to vector<16xi32>
        %add3A_886 = arith.addi %gather3A_795, %add3A_885 : vector<16xi32>
        %gather3A_887 = tpu.vector_load_idx %arg22[%gather3A_760, %add3A_886] : memref<352x128xf32, #tpu.memory_space<vmem>>[vector<16xi32>, vector<16xi32>], vector<16xf32>,
        %mul3A_888 = arith.mulf %gather3A_859, %gather3A_887 : vector<16xf32>
        %add3A_889 = arith.addf %scan3A_856, %mul3A_888 : vector<16xf32>
        scf.yield %add3A_864, %add3A_869, %add3A_874, %add3A_879, %add3A_884, %add3A_889 : vector<16xf32>, vector<16xf32>, vector<16xf32>, vector<16xf32>, vector<16xf32>, vector<16xf32>
      }
      %scan3A_802 = arith.constant 64 : i32
      %mul3A_803 = arith.constant 16 : i32
      %mul3A_804 = arith.muli %scan3A_706, %mul3A_803 : i32
      %add3A_805 = arith.constant 192 : i32
      %add3A_806 = arith.addi %add3A_805, %mul3A_804 : i32
      %add3A_807 = vector.broadcast %add3A_806 : i32 to vector<16xi32>
      %add3A_808 = arith.addi %add3A_807, %iota3A : vector<16xi32>
      tpu.vector_store_idx %arg23[%add3A_808], %scan3A_801#0 : memref<512xf32, #tpu.memory_space<vmem>>[vector<16xi32>], vector<16xf32>,
      %add3A_809 = vector.broadcast %add3A_806 : i32 to vector<16xi32>
      %add3A_810 = arith.addi %add3A_809, %iota3A : vector<16xi32>
      %mul3A_811 = arith.constant 5 : i32
      %mul3A_812 = vector.broadcast %mul3A_811 : i32 to vector<16xi32>
      %mul3A_813 = arith.muli %add3A_810, %mul3A_812 : vector<16xi32>
      %add3A_814 = arith.constant 0 : i32
      %add3A_815 = vector.broadcast %add3A_814 : i32 to vector<16xi32>
      %add3A_816 = arith.addi %mul3A_813, %add3A_815 : vector<16xi32>
      tpu.vector_store_idx %arg24[%add3A_816], %scan3A_801#1 : memref<2560xf32, #tpu.memory_space<vmem>>[vector<16xi32>], vector<16xf32>,
      %add3A_817 = vector.broadcast %add3A_806 : i32 to vector<16xi32>
      %add3A_818 = arith.addi %add3A_817, %iota3A : vector<16xi32>
      %mul3A_819 = arith.constant 5 : i32
      %mul3A_820 = vector.broadcast %mul3A_819 : i32 to vector<16xi32>
      %mul3A_821 = arith.muli %add3A_818, %mul3A_820 : vector<16xi32>
      %add3A_822 = arith.constant 1 : i32
      %add3A_823 = vector.broadcast %add3A_822 : i32 to vector<16xi32>
      %add3A_824 = arith.addi %mul3A_821, %add3A_823 : vector<16xi32>
      tpu.vector_store_idx %arg24[%add3A_824], %scan3A_801#2 : memref<2560xf32, #tpu.memory_space<vmem>>[vector<16xi32>], vector<16xf32>,
      %add3A_825 = vector.broadcast %add3A_806 : i32 to vector<16xi32>
      %add3A_826 = arith.addi %add3A_825, %iota3A : vector<16xi32>
      %mul3A_827 = arith.constant 5 : i32
      %mul3A_828 = vector.broadcast %mul3A_827 : i32 to vector<16xi32>
      %mul3A_829 = arith.muli %add3A_826, %mul3A_828 : vector<16xi32>
      %add3A_830 = arith.constant 2 : i32
      %add3A_831 = vector.broadcast %add3A_830 : i32 to vector<16xi32>
      %add3A_832 = arith.addi %mul3A_829, %add3A_831 : vector<16xi32>
      tpu.vector_store_idx %arg24[%add3A_832], %scan3A_801#3 : memref<2560xf32, #tpu.memory_space<vmem>>[vector<16xi32>], vector<16xf32>,
      %add3A_833 = vector.broadcast %add3A_806 : i32 to vector<16xi32>
      %add3A_834 = arith.addi %add3A_833, %iota3A : vector<16xi32>
      %mul3A_835 = arith.constant 5 : i32
      %mul3A_836 = vector.broadcast %mul3A_835 : i32 to vector<16xi32>
      %mul3A_837 = arith.muli %add3A_834, %mul3A_836 : vector<16xi32>
      %add3A_838 = arith.constant 3 : i32
      %add3A_839 = vector.broadcast %add3A_838 : i32 to vector<16xi32>
      %add3A_840 = arith.addi %mul3A_837, %add3A_839 : vector<16xi32>
      tpu.vector_store_idx %arg24[%add3A_840], %scan3A_801#4 : memref<2560xf32, #tpu.memory_space<vmem>>[vector<16xi32>], vector<16xf32>,
      %add3A_841 = vector.broadcast %add3A_806 : i32 to vector<16xi32>
      %add3A_842 = arith.addi %add3A_841, %iota3A : vector<16xi32>
      %mul3A_843 = arith.constant 5 : i32
      %mul3A_844 = vector.broadcast %mul3A_843 : i32 to vector<16xi32>
      %mul3A_845 = arith.muli %add3A_842, %mul3A_844 : vector<16xi32>
      %add3A_846 = arith.constant 4 : i32
      %add3A_847 = vector.broadcast %add3A_846 : i32 to vector<16xi32>
      %add3A_848 = arith.addi %mul3A_845, %add3A_847 : vector<16xi32>
      tpu.vector_store_idx %arg24[%add3A_848], %scan3A_801#5 : memref<2560xf32, #tpu.memory_space<vmem>>[vector<16xi32>], vector<16xf32>,
      %scan3A_849 = arith.constant 0 : i32
      scf.yield %scan3A_849 : i32
    }
    %scan3A_351 = arith.constant 4 : i32
    %add3A_352 = arith.constant 256 : i32
    %add3A_353 = arith.addi %mul3A_2, %add3A_352 : i32
    "tpu.region"() ({
      %run_scoped3A = tpu.sem_alloc : memref<!tpu.dma_semaphore, #tpu.memory_space<semaphore_mem>>
      %dma_start3A_706 = tpu.memref_slice %arg2[%add3A_353] : memref<16384xi32, #tpu.memory_space<hbm>> -> memref<64xi32, #tpu.memory_space<hbm>>
      %dma_start3A_707 = tpu.memref_slice %arg2[%add3A_353] : memref<16384xi32, #tpu.memory_space<hbm>> -> memref<64xi32, #tpu.memory_space<hbm>>
      tpu.enqueue_dma source(%dma_start3A_707 : memref<64xi32, #tpu.memory_space<hbm>>) target(%arg11 : memref<64xi32, #tpu.memory_space<vmem>>) target_semaphore(%run_scoped3A : memref<!tpu.dma_semaphore, #tpu.memory_space<semaphore_mem>>)
      %dma_wait3A_708 = tpu.memref_slice %arg2[%add3A_353] : memref<16384xi32, #tpu.memory_space<hbm>> -> memref<64xi32, #tpu.memory_space<hbm>>
      %dma_wait3A_709 = tpu.memref_slice %arg2[%add3A_353] : memref<16384xi32, #tpu.memory_space<hbm>> -> memref<64xi32, #tpu.memory_space<hbm>>
      tpu.wait_dma2 semaphore(%run_scoped3A : memref<!tpu.dma_semaphore, #tpu.memory_space<semaphore_mem>>) src(%dma_wait3A_709 : memref<64xi32, #tpu.memory_space<hbm>>) dst(%arg11 : memref<64xi32, #tpu.memory_space<vmem>>)
      tpu.yield
    }) : () -> ()
    %scan3A_354 = arith.constant 0 : i32
    %scan3A_355 = arith.constant 0 : i32
    %scan3A_356 = arith.constant 4 : i32
    %scan3A_357 = arith.addi %scan3A_355, %scan3A_356 : i32
    %scan3A_358 = arith.constant 1 : i32
    %scan3A_359 = scf.for %scan3A_706 = %scan3A_355 to %scan3A_357 step %scan3A_358 iter_args(%scan3A_707 = %scan3A_354) -> (i32)  : i32 {
      %mul3A_708 = arith.constant 16 : i32
      %mul3A_709 = arith.muli %scan3A_706, %mul3A_708 : i32
      %get3A = arith.index_cast %mul3A_709 : i32 to index
      %get3A_710 = tpu.vector_load %arg11[%get3A] {strides = array<i32>} : memref<64xi32, #tpu.memory_space<vmem>>, vector<16xi32>,
      %and3A = arith.constant 1 : i32
      %and3A_711 = vector.broadcast %and3A : i32 to vector<16xi32>
      %and3A_712 = arith.andi %get3A_710, %and3A_711 : vector<16xi32>
      %mul3A_713 = arith.constant 64 : i32
      %mul3A_714 = vector.broadcast %mul3A_713 : i32 to vector<16xi32>
      %mul3A_715 = arith.muli %and3A_712, %mul3A_714 : vector<16xi32>
      %swap3A = arith.index_cast %mul3A_709 : i32 to index
      %swap3A_716 = tpu.vector_load %arg12[%swap3A] {strides = array<i32>} : memref<64xi32, #tpu.memory_space<vmem>>, vector<16xi32>,
      tpu.vector_store %arg12[%swap3A], %mul3A_715 {strides = array<i32>} : memref<64xi32, #tpu.memory_space<vmem>>, vector<16xi32>,
      %shift_right_logical3A = arith.constant 1 : i32
      %shift_right_logical3A_717 = vector.broadcast %shift_right_logical3A : i32 to vector<16xi32>
      %shift_right_logical3A_718 = arith.shrui %get3A_710, %shift_right_logical3A_717 : vector<16xi32>
      %ge3A = arith.constant 500000 : i32
      %ge3A_719 = vector.broadcast %ge3A : i32 to vector<16xi32>
      %ge3A_720 = arith.cmpi sge, %shift_right_logical3A_718, %ge3A_719 : vector<16xi32>
      %sub3A = arith.constant 500000 : i32
      %sub3A_721 = vector.broadcast %sub3A : i32 to vector<16xi32>
      %sub3A_722 = arith.subi %shift_right_logical3A_718, %sub3A_721 : vector<16xi32>
      %add3A_723 = arith.constant 64 : i32
      %add3A_724 = vector.broadcast %add3A_723 : i32 to vector<16xi32>
      %add3A_725 = arith.addi %add3A_724, %sub3A_722 : vector<16xi32>
      %mul3A_726 = arith.constant 16 : i32
      %mul3A_727 = arith.muli %scan3A_706, %mul3A_726 : i32
      %add3A_728 = vector.broadcast %mul3A_727 : i32 to vector<16xi32>
      %add3A_729 = arith.addi %add3A_728, %iota3A : vector<16xi32>
      %select_n3A = arith.select %ge3A_720, %add3A_725, %add3A_729 : vector<16xi1>, vector<16xi32>
      %swap3A_730 = arith.index_cast %mul3A_709 : i32 to index
      %swap3A_731 = tpu.vector_load %arg13[%swap3A_730] {strides = array<i32>} : memref<64xi32, #tpu.memory_space<vmem>>, vector<16xi32>,
      tpu.vector_store %arg13[%swap3A_730], %select_n3A {strides = array<i32>} : memref<64xi32, #tpu.memory_space<vmem>>, vector<16xi32>,
      %jit3A = arith.constant 0 : i32
      %broadcast_in_dim3A = vector.broadcast %jit3A : i32 to vector<16xi32>
      %select_n3A_732 = arith.select %ge3A_720, %broadcast_in_dim3A, %shift_right_logical3A_718 : vector<16xi1>, vector<16xi32>
      %swap3A_733 = arith.index_cast %mul3A_709 : i32 to index
      %swap3A_734 = tpu.vector_load %arg11[%swap3A_733] {strides = array<i32>} : memref<64xi32, #tpu.memory_space<vmem>>, vector<16xi32>,
      tpu.vector_store %arg11[%swap3A_733], %select_n3A_732 {strides = array<i32>} : memref<64xi32, #tpu.memory_space<vmem>>, vector<16xi32>,
      %scan3A_735 = arith.constant 0 : i32
      scf.yield %scan3A_735 : i32
    }
    %scan3A_360 = arith.constant 4 : i32
    "tpu.region"() ({
      %run_scoped3A = tpu.sem_alloc : memref<!tpu.dma_semaphore, #tpu.memory_space<semaphore_mem>>
      %dma_start3A_706 = tpu.memref_slice %arg3[%add3A_353] : memref<16384xi32, #tpu.memory_space<hbm>> -> memref<64xi32, #tpu.memory_space<hbm>>
      %dma_start3A_707 = tpu.memref_slice %arg3[%add3A_353] : memref<16384xi32, #tpu.memory_space<hbm>> -> memref<64xi32, #tpu.memory_space<hbm>>
      tpu.enqueue_dma source(%dma_start3A_707 : memref<64xi32, #tpu.memory_space<hbm>>) target(%arg14 : memref<64xi32, #tpu.memory_space<vmem>>) target_semaphore(%run_scoped3A : memref<!tpu.dma_semaphore, #tpu.memory_space<semaphore_mem>>)
      %dma_wait3A_708 = tpu.memref_slice %arg3[%add3A_353] : memref<16384xi32, #tpu.memory_space<hbm>> -> memref<64xi32, #tpu.memory_space<hbm>>
      %dma_wait3A_709 = tpu.memref_slice %arg3[%add3A_353] : memref<16384xi32, #tpu.memory_space<hbm>> -> memref<64xi32, #tpu.memory_space<hbm>>
      tpu.wait_dma2 semaphore(%run_scoped3A : memref<!tpu.dma_semaphore, #tpu.memory_space<semaphore_mem>>) src(%dma_wait3A_709 : memref<64xi32, #tpu.memory_space<hbm>>) dst(%arg14 : memref<64xi32, #tpu.memory_space<vmem>>)
      tpu.yield
    }) : () -> ()
    %scan3A_361 = arith.constant 0 : i32
    %scan3A_362 = arith.constant 0 : i32
    %scan3A_363 = arith.constant 4 : i32
    %scan3A_364 = arith.addi %scan3A_362, %scan3A_363 : i32
    %scan3A_365 = arith.constant 1 : i32
    %scan3A_366 = scf.for %scan3A_706 = %scan3A_362 to %scan3A_364 step %scan3A_365 iter_args(%scan3A_707 = %scan3A_361) -> (i32)  : i32 {
      %mul3A_708 = arith.constant 16 : i32
      %mul3A_709 = arith.muli %scan3A_706, %mul3A_708 : i32
      %get3A = arith.index_cast %mul3A_709 : i32 to index
      %get3A_710 = tpu.vector_load %arg14[%get3A] {strides = array<i32>} : memref<64xi32, #tpu.memory_space<vmem>>, vector<16xi32>,
      %and3A = arith.constant 1 : i32
      %and3A_711 = vector.broadcast %and3A : i32 to vector<16xi32>
      %and3A_712 = arith.andi %get3A_710, %and3A_711 : vector<16xi32>
      %mul3A_713 = arith.constant 64 : i32
      %mul3A_714 = vector.broadcast %mul3A_713 : i32 to vector<16xi32>
      %mul3A_715 = arith.muli %and3A_712, %mul3A_714 : vector<16xi32>
      %swap3A = arith.index_cast %mul3A_709 : i32 to index
      %swap3A_716 = tpu.vector_load %arg15[%swap3A] {strides = array<i32>} : memref<64xi32, #tpu.memory_space<vmem>>, vector<16xi32>,
      tpu.vector_store %arg15[%swap3A], %mul3A_715 {strides = array<i32>} : memref<64xi32, #tpu.memory_space<vmem>>, vector<16xi32>,
      %shift_right_logical3A = arith.constant 1 : i32
      %shift_right_logical3A_717 = vector.broadcast %shift_right_logical3A : i32 to vector<16xi32>
      %shift_right_logical3A_718 = arith.shrui %get3A_710, %shift_right_logical3A_717 : vector<16xi32>
      %ge3A = arith.constant 500000 : i32
      %ge3A_719 = vector.broadcast %ge3A : i32 to vector<16xi32>
      %ge3A_720 = arith.cmpi sge, %shift_right_logical3A_718, %ge3A_719 : vector<16xi32>
      %sub3A = arith.constant 500000 : i32
      %sub3A_721 = vector.broadcast %sub3A : i32 to vector<16xi32>
      %sub3A_722 = arith.subi %shift_right_logical3A_718, %sub3A_721 : vector<16xi32>
      %add3A_723 = arith.constant 64 : i32
      %add3A_724 = vector.broadcast %add3A_723 : i32 to vector<16xi32>
      %add3A_725 = arith.addi %add3A_724, %sub3A_722 : vector<16xi32>
      %mul3A_726 = arith.constant 16 : i32
      %mul3A_727 = arith.muli %scan3A_706, %mul3A_726 : i32
      %add3A_728 = vector.broadcast %mul3A_727 : i32 to vector<16xi32>
      %add3A_729 = arith.addi %add3A_728, %iota3A : vector<16xi32>
      %select_n3A = arith.select %ge3A_720, %add3A_725, %add3A_729 : vector<16xi1>, vector<16xi32>
      %swap3A_730 = arith.index_cast %mul3A_709 : i32 to index
      %swap3A_731 = tpu.vector_load %arg16[%swap3A_730] {strides = array<i32>} : memref<64xi32, #tpu.memory_space<vmem>>, vector<16xi32>,
      tpu.vector_store %arg16[%swap3A_730], %select_n3A {strides = array<i32>} : memref<64xi32, #tpu.memory_space<vmem>>, vector<16xi32>,
      %jit3A = arith.constant 0 : i32
      %broadcast_in_dim3A = vector.broadcast %jit3A : i32 to vector<16xi32>
      %select_n3A_732 = arith.select %ge3A_720, %broadcast_in_dim3A, %shift_right_logical3A_718 : vector<16xi1>, vector<16xi32>
      %swap3A_733 = arith.index_cast %mul3A_709 : i32 to index
      %swap3A_734 = tpu.vector_load %arg14[%swap3A_733] {strides = array<i32>} : memref<64xi32, #tpu.memory_space<vmem>>, vector<16xi32>,
      tpu.vector_store %arg14[%swap3A_733], %select_n3A_732 {strides = array<i32>} : memref<64xi32, #tpu.memory_space<vmem>>, vector<16xi32>,
      %scan3A_735 = arith.constant 0 : i32
      scf.yield %scan3A_735 : i32
    }
    %scan3A_367 = arith.constant 4 : i32
    %mul3A_368 = arith.constant 5 : i32
    %mul3A_369 = arith.muli %add3A_353, %mul3A_368 : i32
    "tpu.region"() ({
      %run_scoped3A = tpu.sem_alloc : memref<!tpu.dma_semaphore, #tpu.memory_space<semaphore_mem>>
      %dma_start3A_706 = tpu.memref_slice %arg4[%mul3A_369] : memref<81920xi32, #tpu.memory_space<hbm>> -> memref<320xi32, #tpu.memory_space<hbm>>
      %dma_start3A_707 = tpu.memref_slice %arg4[%mul3A_369] : memref<81920xi32, #tpu.memory_space<hbm>> -> memref<320xi32, #tpu.memory_space<hbm>>
      tpu.enqueue_dma source(%dma_start3A_707 : memref<320xi32, #tpu.memory_space<hbm>>) target(%arg17 : memref<320xi32, #tpu.memory_space<vmem>>) target_semaphore(%run_scoped3A : memref<!tpu.dma_semaphore, #tpu.memory_space<semaphore_mem>>)
      %dma_wait3A_708 = tpu.memref_slice %arg4[%mul3A_369] : memref<81920xi32, #tpu.memory_space<hbm>> -> memref<320xi32, #tpu.memory_space<hbm>>
      %dma_wait3A_709 = tpu.memref_slice %arg4[%mul3A_369] : memref<81920xi32, #tpu.memory_space<hbm>> -> memref<320xi32, #tpu.memory_space<hbm>>
      tpu.wait_dma2 semaphore(%run_scoped3A : memref<!tpu.dma_semaphore, #tpu.memory_space<semaphore_mem>>) src(%dma_wait3A_709 : memref<320xi32, #tpu.memory_space<hbm>>) dst(%arg17 : memref<320xi32, #tpu.memory_space<vmem>>)
      tpu.yield
    }) : () -> ()
    %scan3A_370 = arith.constant 0 : i32
    %scan3A_371 = arith.constant 0 : i32
    %scan3A_372 = arith.constant 20 : i32
    %scan3A_373 = arith.addi %scan3A_371, %scan3A_372 : i32
    %scan3A_374 = arith.constant 1 : i32
    %scan3A_375 = scf.for %scan3A_706 = %scan3A_371 to %scan3A_373 step %scan3A_374 iter_args(%scan3A_707 = %scan3A_370) -> (i32)  : i32 {
      %mul3A_708 = arith.constant 16 : i32
      %mul3A_709 = arith.muli %scan3A_706, %mul3A_708 : i32
      %get3A = arith.index_cast %mul3A_709 : i32 to index
      %get3A_710 = tpu.vector_load %arg17[%get3A] {strides = array<i32>} : memref<320xi32, #tpu.memory_space<vmem>>, vector<16xi32>,
      %and3A = arith.constant 1 : i32
      %and3A_711 = vector.broadcast %and3A : i32 to vector<16xi32>
      %and3A_712 = arith.andi %get3A_710, %and3A_711 : vector<16xi32>
      %mul3A_713 = arith.constant 64 : i32
      %mul3A_714 = vector.broadcast %mul3A_713 : i32 to vector<16xi32>
      %mul3A_715 = arith.muli %and3A_712, %mul3A_714 : vector<16xi32>
      %swap3A = arith.index_cast %mul3A_709 : i32 to index
      %swap3A_716 = tpu.vector_load %arg18[%swap3A] {strides = array<i32>} : memref<320xi32, #tpu.memory_space<vmem>>, vector<16xi32>,
      tpu.vector_store %arg18[%swap3A], %mul3A_715 {strides = array<i32>} : memref<320xi32, #tpu.memory_space<vmem>>, vector<16xi32>,
      %shift_right_logical3A = arith.constant 1 : i32
      %shift_right_logical3A_717 = vector.broadcast %shift_right_logical3A : i32 to vector<16xi32>
      %shift_right_logical3A_718 = arith.shrui %get3A_710, %shift_right_logical3A_717 : vector<16xi32>
      %ge3A = arith.constant 500000 : i32
      %ge3A_719 = vector.broadcast %ge3A : i32 to vector<16xi32>
      %ge3A_720 = arith.cmpi sge, %shift_right_logical3A_718, %ge3A_719 : vector<16xi32>
      %sub3A = arith.constant 500000 : i32
      %sub3A_721 = vector.broadcast %sub3A : i32 to vector<16xi32>
      %sub3A_722 = arith.subi %shift_right_logical3A_718, %sub3A_721 : vector<16xi32>
      %add3A_723 = arith.constant 320 : i32
      %add3A_724 = vector.broadcast %add3A_723 : i32 to vector<16xi32>
      %add3A_725 = arith.addi %add3A_724, %sub3A_722 : vector<16xi32>
      %mul3A_726 = arith.constant 16 : i32
      %mul3A_727 = arith.muli %scan3A_706, %mul3A_726 : i32
      %add3A_728 = vector.broadcast %mul3A_727 : i32 to vector<16xi32>
      %add3A_729 = arith.addi %add3A_728, %iota3A : vector<16xi32>
      %select_n3A = arith.select %ge3A_720, %add3A_725, %add3A_729 : vector<16xi1>, vector<16xi32>
      %swap3A_730 = arith.index_cast %mul3A_709 : i32 to index
      %swap3A_731 = tpu.vector_load %arg19[%swap3A_730] {strides = array<i32>} : memref<320xi32, #tpu.memory_space<vmem>>, vector<16xi32>,
      tpu.vector_store %arg19[%swap3A_730], %select_n3A {strides = array<i32>} : memref<320xi32, #tpu.memory_space<vmem>>, vector<16xi32>,
      %jit3A = arith.constant 0 : i32
      %broadcast_in_dim3A = vector.broadcast %jit3A : i32 to vector<16xi32>
      %select_n3A_732 = arith.select %ge3A_720, %broadcast_in_dim3A, %shift_right_logical3A_718 : vector<16xi1>, vector<16xi32>
      %swap3A_733 = arith.index_cast %mul3A_709 : i32 to index
      %swap3A_734 = tpu.vector_load %arg17[%swap3A_733] {strides = array<i32>} : memref<320xi32, #tpu.memory_space<vmem>>, vector<16xi32>,
      tpu.vector_store %arg17[%swap3A_733], %select_n3A_732 {strides = array<i32>} : memref<320xi32, #tpu.memory_space<vmem>>, vector<16xi32>,
      %scan3A_735 = arith.constant 0 : i32
      scf.yield %scan3A_735 : i32
    }
    %scan3A_376 = arith.constant 20 : i32
    %dma_start3A_377 = arith.constant 0 : i32
    %dma_start3A_378 = arith.constant 0 : i32
    %dma_start3A_379 = tpu.memref_slice %arg20[%dma_start3A_377, %dma_start3A_378] : memref<96x128xf32, #tpu.memory_space<vmem>> -> memref<64x128xf32, #tpu.memory_space<vmem>>
    %dma_start3A_380 = arith.constant 0 : i32
    %dma_start3A_381 = arith.constant 0 : i32
    %dma_start3A_382 = tpu.memref_slice %arg5[%dma_start3A_380, %dma_start3A_381] : memref<500000x128xf32, #tpu.memory_space<hbm>> -> memref<500000x128xf32, #tpu.memory_space<hbm>>
    tpu.enqueue_indirect_dma source(%dma_start3A_382 : memref<500000x128xf32, #tpu.memory_space<hbm>>) target(%dma_start3A_379 : memref<64x128xf32, #tpu.memory_space<vmem>>) offsets(%arg11 : memref<64xi32, #tpu.memory_space<vmem>>) semaphore(%arg25 : memref<!tpu.dma_semaphore, #tpu.memory_space<semaphore_mem>>)
    %dma_start3A_383 = arith.constant 0 : i32
    %dma_start3A_384 = arith.constant 0 : i32
    %dma_start3A_385 = tpu.memref_slice %arg21[%dma_start3A_383, %dma_start3A_384] : memref<96x128xf32, #tpu.memory_space<vmem>> -> memref<64x128xf32, #tpu.memory_space<vmem>>
    %dma_start3A_386 = arith.constant 0 : i32
    %dma_start3A_387 = arith.constant 0 : i32
    %dma_start3A_388 = tpu.memref_slice %arg6[%dma_start3A_386, %dma_start3A_387] : memref<500000x128xf32, #tpu.memory_space<hbm>> -> memref<500000x128xf32, #tpu.memory_space<hbm>>
    tpu.enqueue_indirect_dma source(%dma_start3A_388 : memref<500000x128xf32, #tpu.memory_space<hbm>>) target(%dma_start3A_385 : memref<64x128xf32, #tpu.memory_space<vmem>>) offsets(%arg14 : memref<64xi32, #tpu.memory_space<vmem>>) semaphore(%arg25 : memref<!tpu.dma_semaphore, #tpu.memory_space<semaphore_mem>>)
    %dma_start3A_389 = arith.constant 0 : i32
    %dma_start3A_390 = arith.constant 0 : i32
    %dma_start3A_391 = tpu.memref_slice %arg22[%dma_start3A_389, %dma_start3A_390] : memref<352x128xf32, #tpu.memory_space<vmem>> -> memref<128x128xf32, #tpu.memory_space<vmem>>
    %dma_start3A_392 = arith.constant 0 : i32
    %dma_start3A_393 = tpu.memref_slice %arg17[%dma_start3A_392] : memref<320xi32, #tpu.memory_space<vmem>> -> memref<128xi32, #tpu.memory_space<vmem>>
    %dma_start3A_394 = arith.constant 0 : i32
    %dma_start3A_395 = arith.constant 0 : i32
    %dma_start3A_396 = tpu.memref_slice %arg6[%dma_start3A_394, %dma_start3A_395] : memref<500000x128xf32, #tpu.memory_space<hbm>> -> memref<500000x128xf32, #tpu.memory_space<hbm>>
    tpu.enqueue_indirect_dma source(%dma_start3A_396 : memref<500000x128xf32, #tpu.memory_space<hbm>>) target(%dma_start3A_391 : memref<128x128xf32, #tpu.memory_space<vmem>>) offsets(%dma_start3A_393 : memref<128xi32, #tpu.memory_space<vmem>>) semaphore(%arg25 : memref<!tpu.dma_semaphore, #tpu.memory_space<semaphore_mem>>)
    %dma_start3A_397 = arith.constant 128 : i32
    %dma_start3A_398 = arith.constant 0 : i32
    %dma_start3A_399 = tpu.memref_slice %arg22[%dma_start3A_397, %dma_start3A_398] : memref<352x128xf32, #tpu.memory_space<vmem>> -> memref<128x128xf32, #tpu.memory_space<vmem>>
    %dma_start3A_400 = arith.constant 128 : i32
    %dma_start3A_401 = tpu.memref_slice %arg17[%dma_start3A_400] : memref<320xi32, #tpu.memory_space<vmem>> -> memref<128xi32, #tpu.memory_space<vmem>>
    %dma_start3A_402 = arith.constant 0 : i32
    %dma_start3A_403 = arith.constant 0 : i32
    %dma_start3A_404 = tpu.memref_slice %arg6[%dma_start3A_402, %dma_start3A_403] : memref<500000x128xf32, #tpu.memory_space<hbm>> -> memref<500000x128xf32, #tpu.memory_space<hbm>>
    tpu.enqueue_indirect_dma source(%dma_start3A_404 : memref<500000x128xf32, #tpu.memory_space<hbm>>) target(%dma_start3A_399 : memref<128x128xf32, #tpu.memory_space<vmem>>) offsets(%dma_start3A_401 : memref<128xi32, #tpu.memory_space<vmem>>) semaphore(%arg25 : memref<!tpu.dma_semaphore, #tpu.memory_space<semaphore_mem>>)
    %dma_wait3A_405 = arith.constant 0 : i32
    %dma_wait3A_406 = arith.constant 0 : i32
    %dma_wait3A_407 = tpu.memref_slice %arg20[%dma_wait3A_405, %dma_wait3A_406] : memref<96x128xf32, #tpu.memory_space<vmem>> -> memref<64x128xf32, #tpu.memory_space<vmem>>
    %dma_wait3A_408 = arith.constant 0 : i32
    %dma_wait3A_409 = arith.constant 0 : i32
    %dma_wait3A_410 = tpu.memref_slice %arg5[%dma_wait3A_408, %dma_wait3A_409] : memref<500000x128xf32, #tpu.memory_space<hbm>> -> memref<500000x128xf32, #tpu.memory_space<hbm>>
    tpu.wait_indirect_dma semaphore(%arg25 : memref<!tpu.dma_semaphore, #tpu.memory_space<semaphore_mem>>) src(%dma_wait3A_410 : memref<500000x128xf32, #tpu.memory_space<hbm>>) dst(%dma_wait3A_407 : memref<64x128xf32, #tpu.memory_space<vmem>>)
    %dma_wait3A_411 = arith.constant 0 : i32
    %dma_wait3A_412 = arith.constant 0 : i32
    %dma_wait3A_413 = tpu.memref_slice %arg21[%dma_wait3A_411, %dma_wait3A_412] : memref<96x128xf32, #tpu.memory_space<vmem>> -> memref<64x128xf32, #tpu.memory_space<vmem>>
    %dma_wait3A_414 = arith.constant 0 : i32
    %dma_wait3A_415 = arith.constant 0 : i32
    %dma_wait3A_416 = tpu.memref_slice %arg6[%dma_wait3A_414, %dma_wait3A_415] : memref<500000x128xf32, #tpu.memory_space<hbm>> -> memref<500000x128xf32, #tpu.memory_space<hbm>>
    tpu.wait_indirect_dma semaphore(%arg25 : memref<!tpu.dma_semaphore, #tpu.memory_space<semaphore_mem>>) src(%dma_wait3A_416 : memref<500000x128xf32, #tpu.memory_space<hbm>>) dst(%dma_wait3A_413 : memref<64x128xf32, #tpu.memory_space<vmem>>)
    %dma_wait3A_417 = arith.constant 0 : i32
    %dma_wait3A_418 = arith.constant 0 : i32
    %dma_wait3A_419 = tpu.memref_slice %arg22[%dma_wait3A_417, %dma_wait3A_418] : memref<352x128xf32, #tpu.memory_space<vmem>> -> memref<128x128xf32, #tpu.memory_space<vmem>>
    %dma_wait3A_420 = arith.constant 0 : i32
    %dma_wait3A_421 = tpu.memref_slice %arg17[%dma_wait3A_420] : memref<320xi32, #tpu.memory_space<vmem>> -> memref<128xi32, #tpu.memory_space<vmem>>
    %dma_wait3A_422 = arith.constant 0 : i32
    %dma_wait3A_423 = arith.constant 0 : i32
    %dma_wait3A_424 = tpu.memref_slice %arg6[%dma_wait3A_422, %dma_wait3A_423] : memref<500000x128xf32, #tpu.memory_space<hbm>> -> memref<500000x128xf32, #tpu.memory_space<hbm>>
    tpu.wait_indirect_dma semaphore(%arg25 : memref<!tpu.dma_semaphore, #tpu.memory_space<semaphore_mem>>) src(%dma_wait3A_424 : memref<500000x128xf32, #tpu.memory_space<hbm>>) dst(%dma_wait3A_419 : memref<128x128xf32, #tpu.memory_space<vmem>>)
    %dma_wait3A_425 = arith.constant 128 : i32
    %dma_wait3A_426 = arith.constant 0 : i32
    %dma_wait3A_427 = tpu.memref_slice %arg22[%dma_wait3A_425, %dma_wait3A_426] : memref<352x128xf32, #tpu.memory_space<vmem>> -> memref<128x128xf32, #tpu.memory_space<vmem>>
    %dma_wait3A_428 = arith.constant 128 : i32
    %dma_wait3A_429 = tpu.memref_slice %arg17[%dma_wait3A_428] : memref<320xi32, #tpu.memory_space<vmem>> -> memref<128xi32, #tpu.memory_space<vmem>>
    %dma_wait3A_430 = arith.constant 0 : i32
    %dma_wait3A_431 = arith.constant 0 : i32
    %dma_wait3A_432 = tpu.memref_slice %arg6[%dma_wait3A_430, %dma_wait3A_431] : memref<500000x128xf32, #tpu.memory_space<hbm>> -> memref<500000x128xf32, #tpu.memory_space<hbm>>
    tpu.wait_indirect_dma semaphore(%arg25 : memref<!tpu.dma_semaphore, #tpu.memory_space<semaphore_mem>>) src(%dma_wait3A_432 : memref<500000x128xf32, #tpu.memory_space<hbm>>) dst(%dma_wait3A_427 : memref<128x128xf32, #tpu.memory_space<vmem>>)
    %scan3A_433 = arith.constant 0 : i32
    %scan3A_434 = arith.constant 0 : i32
    %scan3A_435 = arith.constant 4 : i32
    %scan3A_436 = arith.addi %scan3A_434, %scan3A_435 : i32
    %scan3A_437 = arith.constant 1 : i32
    %scan3A_438 = scf.for %scan3A_706 = %scan3A_434 to %scan3A_436 step %scan3A_437 iter_args(%scan3A_707 = %scan3A_433) -> (i32)  : i32 {
      %mul3A_708 = arith.constant 16 : i32
      %mul3A_709 = arith.muli %scan3A_706, %mul3A_708 : i32
      %get3A = arith.index_cast %mul3A_709 : i32 to index
      %get3A_710 = tpu.vector_load %arg13[%get3A] {strides = array<i32>} : memref<64xi32, #tpu.memory_space<vmem>>, vector<16xi32>,
      %mul3A_711 = arith.constant 16 : i32
      %mul3A_712 = arith.muli %scan3A_706, %mul3A_711 : i32
      %get3A_713 = arith.index_cast %mul3A_712 : i32 to index
      %get3A_714 = tpu.vector_load %arg16[%get3A_713] {strides = array<i32>} : memref<64xi32, #tpu.memory_space<vmem>>, vector<16xi32>,
      %mul3A_715 = arith.constant 16 : i32
      %mul3A_716 = arith.muli %scan3A_706, %mul3A_715 : i32
      %get3A_717 = arith.index_cast %mul3A_716 : i32 to index
      %get3A_718 = tpu.vector_load %arg12[%get3A_717] {strides = array<i32>} : memref<64xi32, #tpu.memory_space<vmem>>, vector<16xi32>,
      %mul3A_719 = arith.constant 16 : i32
      %mul3A_720 = arith.muli %scan3A_706, %mul3A_719 : i32
      %get3A_721 = arith.index_cast %mul3A_720 : i32 to index
      %get3A_722 = tpu.vector_load %arg15[%get3A_721] {strides = array<i32>} : memref<64xi32, #tpu.memory_space<vmem>>, vector<16xi32>,
      %mul3A_723 = arith.constant 16 : i32
      %mul3A_724 = arith.muli %scan3A_706, %mul3A_723 : i32
      %add3A_725 = vector.broadcast %mul3A_724 : i32 to vector<16xi32>
      %add3A_726 = arith.addi %add3A_725, %iota3A : vector<16xi32>
      %mul3A_727 = arith.constant 5 : i32
      %mul3A_728 = vector.broadcast %mul3A_727 : i32 to vector<16xi32>
      %mul3A_729 = arith.muli %add3A_726, %mul3A_728 : vector<16xi32>
      %add3A_730 = arith.constant 0 : i32
      %add3A_731 = vector.broadcast %add3A_730 : i32 to vector<16xi32>
      %add3A_732 = arith.addi %mul3A_729, %add3A_731 : vector<16xi32>
      %gather3A = tpu.vector_load_idx %arg19[%add3A_732] : memref<320xi32, #tpu.memory_space<vmem>>[vector<16xi32>], vector<16xi32>,
      %mul3A_733 = arith.constant 5 : i32
      %mul3A_734 = vector.broadcast %mul3A_733 : i32 to vector<16xi32>
      %mul3A_735 = arith.muli %add3A_726, %mul3A_734 : vector<16xi32>
      %add3A_736 = arith.constant 1 : i32
      %add3A_737 = vector.broadcast %add3A_736 : i32 to vector<16xi32>
      %add3A_738 = arith.addi %mul3A_735, %add3A_737 : vector<16xi32>
      %gather3A_739 = tpu.vector_load_idx %arg19[%add3A_738] : memref<320xi32, #tpu.memory_space<vmem>>[vector<16xi32>], vector<16xi32>,
      %mul3A_740 = arith.constant 5 : i32
      %mul3A_741 = vector.broadcast %mul3A_740 : i32 to vector<16xi32>
      %mul3A_742 = arith.muli %add3A_726, %mul3A_741 : vector<16xi32>
      %add3A_743 = arith.constant 2 : i32
      %add3A_744 = vector.broadcast %add3A_743 : i32 to vector<16xi32>
      %add3A_745 = arith.addi %mul3A_742, %add3A_744 : vector<16xi32>
      %gather3A_746 = tpu.vector_load_idx %arg19[%add3A_745] : memref<320xi32, #tpu.memory_space<vmem>>[vector<16xi32>], vector<16xi32>,
      %mul3A_747 = arith.constant 5 : i32
      %mul3A_748 = vector.broadcast %mul3A_747 : i32 to vector<16xi32>
      %mul3A_749 = arith.muli %add3A_726, %mul3A_748 : vector<16xi32>
      %add3A_750 = arith.constant 3 : i32
      %add3A_751 = vector.broadcast %add3A_750 : i32 to vector<16xi32>
      %add3A_752 = arith.addi %mul3A_749, %add3A_751 : vector<16xi32>
      %gather3A_753 = tpu.vector_load_idx %arg19[%add3A_752] : memref<320xi32, #tpu.memory_space<vmem>>[vector<16xi32>], vector<16xi32>,
      %mul3A_754 = arith.constant 5 : i32
      %mul3A_755 = vector.broadcast %mul3A_754 : i32 to vector<16xi32>
      %mul3A_756 = arith.muli %add3A_726, %mul3A_755 : vector<16xi32>
      %add3A_757 = arith.constant 4 : i32
      %add3A_758 = vector.broadcast %add3A_757 : i32 to vector<16xi32>
      %add3A_759 = arith.addi %mul3A_756, %add3A_758 : vector<16xi32>
      %gather3A_760 = tpu.vector_load_idx %arg19[%add3A_759] : memref<320xi32, #tpu.memory_space<vmem>>[vector<16xi32>], vector<16xi32>,
      %mul3A_761 = arith.constant 5 : i32
      %mul3A_762 = vector.broadcast %mul3A_761 : i32 to vector<16xi32>
      %mul3A_763 = arith.muli %add3A_726, %mul3A_762 : vector<16xi32>
      %add3A_764 = arith.constant 0 : i32
      %add3A_765 = vector.broadcast %add3A_764 : i32 to vector<16xi32>
      %add3A_766 = arith.addi %mul3A_763, %add3A_765 : vector<16xi32>
      %gather3A_767 = tpu.vector_load_idx %arg18[%add3A_766] : memref<320xi32, #tpu.memory_space<vmem>>[vector<16xi32>], vector<16xi32>,
      %mul3A_768 = arith.constant 5 : i32
      %mul3A_769 = vector.broadcast %mul3A_768 : i32 to vector<16xi32>
      %mul3A_770 = arith.muli %add3A_726, %mul3A_769 : vector<16xi32>
      %add3A_771 = arith.constant 1 : i32
      %add3A_772 = vector.broadcast %add3A_771 : i32 to vector<16xi32>
      %add3A_773 = arith.addi %mul3A_770, %add3A_772 : vector<16xi32>
      %gather3A_774 = tpu.vector_load_idx %arg18[%add3A_773] : memref<320xi32, #tpu.memory_space<vmem>>[vector<16xi32>], vector<16xi32>,
      %mul3A_775 = arith.constant 5 : i32
      %mul3A_776 = vector.broadcast %mul3A_775 : i32 to vector<16xi32>
      %mul3A_777 = arith.muli %add3A_726, %mul3A_776 : vector<16xi32>
      %add3A_778 = arith.constant 2 : i32
      %add3A_779 = vector.broadcast %add3A_778 : i32 to vector<16xi32>
      %add3A_780 = arith.addi %mul3A_777, %add3A_779 : vector<16xi32>
      %gather3A_781 = tpu.vector_load_idx %arg18[%add3A_780] : memref<320xi32, #tpu.memory_space<vmem>>[vector<16xi32>], vector<16xi32>,
      %mul3A_782 = arith.constant 5 : i32
      %mul3A_783 = vector.broadcast %mul3A_782 : i32 to vector<16xi32>
      %mul3A_784 = arith.muli %add3A_726, %mul3A_783 : vector<16xi32>
      %add3A_785 = arith.constant 3 : i32
      %add3A_786 = vector.broadcast %add3A_785 : i32 to vector<16xi32>
      %add3A_787 = arith.addi %mul3A_784, %add3A_786 : vector<16xi32>
      %gather3A_788 = tpu.vector_load_idx %arg18[%add3A_787] : memref<320xi32, #tpu.memory_space<vmem>>[vector<16xi32>], vector<16xi32>,
      %mul3A_789 = arith.constant 5 : i32
      %mul3A_790 = vector.broadcast %mul3A_789 : i32 to vector<16xi32>
      %mul3A_791 = arith.muli %add3A_726, %mul3A_790 : vector<16xi32>
      %add3A_792 = arith.constant 4 : i32
      %add3A_793 = vector.broadcast %add3A_792 : i32 to vector<16xi32>
      %add3A_794 = arith.addi %mul3A_791, %add3A_793 : vector<16xi32>
      %gather3A_795 = tpu.vector_load_idx %arg18[%add3A_794] : memref<320xi32, #tpu.memory_space<vmem>>[vector<16xi32>], vector<16xi32>,
      %broadcast_in_dim3A = arith.constant 0.000000e+00 : f32
      %broadcast_in_dim3A_796 = vector.broadcast %broadcast_in_dim3A : f32 to vector<16xf32>
      %scan3A_797 = arith.constant 0 : i32
      %scan3A_798 = arith.constant 64 : i32
      %scan3A_799 = arith.addi %scan3A_797, %scan3A_798 : i32
      %scan3A_800 = arith.constant 1 : i32
      %scan3A_801:6 = scf.for %scan3A_850 = %scan3A_797 to %scan3A_799 step %scan3A_800 iter_args(%scan3A_851 = %broadcast_in_dim3A_796, %scan3A_852 = %broadcast_in_dim3A_796, %scan3A_853 = %broadcast_in_dim3A_796, %scan3A_854 = %broadcast_in_dim3A_796, %scan3A_855 = %broadcast_in_dim3A_796, %scan3A_856 = %broadcast_in_dim3A_796) -> (vector<16xf32>, vector<16xf32>, vector<16xf32>, vector<16xf32>, vector<16xf32>, vector<16xf32>)  : i32 {
        %add3A_857 = vector.broadcast %scan3A_850 : i32 to vector<16xi32>
        %add3A_858 = arith.addi %get3A_718, %add3A_857 : vector<16xi32>
        %gather3A_859 = tpu.vector_load_idx %arg20[%get3A_710, %add3A_858] : memref<96x128xf32, #tpu.memory_space<vmem>>[vector<16xi32>, vector<16xi32>], vector<16xf32>,
        %add3A_860 = vector.broadcast %scan3A_850 : i32 to vector<16xi32>
        %add3A_861 = arith.addi %get3A_722, %add3A_860 : vector<16xi32>
        %gather3A_862 = tpu.vector_load_idx %arg21[%get3A_714, %add3A_861] : memref<96x128xf32, #tpu.memory_space<vmem>>[vector<16xi32>, vector<16xi32>], vector<16xf32>,
        %mul3A_863 = arith.mulf %gather3A_859, %gather3A_862 : vector<16xf32>
        %add3A_864 = arith.addf %scan3A_851, %mul3A_863 : vector<16xf32>
        %add3A_865 = vector.broadcast %scan3A_850 : i32 to vector<16xi32>
        %add3A_866 = arith.addi %gather3A_767, %add3A_865 : vector<16xi32>
        %gather3A_867 = tpu.vector_load_idx %arg22[%gather3A, %add3A_866] : memref<352x128xf32, #tpu.memory_space<vmem>>[vector<16xi32>, vector<16xi32>], vector<16xf32>,
        %mul3A_868 = arith.mulf %gather3A_859, %gather3A_867 : vector<16xf32>
        %add3A_869 = arith.addf %scan3A_852, %mul3A_868 : vector<16xf32>
        %add3A_870 = vector.broadcast %scan3A_850 : i32 to vector<16xi32>
        %add3A_871 = arith.addi %gather3A_774, %add3A_870 : vector<16xi32>
        %gather3A_872 = tpu.vector_load_idx %arg22[%gather3A_739, %add3A_871] : memref<352x128xf32, #tpu.memory_space<vmem>>[vector<16xi32>, vector<16xi32>], vector<16xf32>,
        %mul3A_873 = arith.mulf %gather3A_859, %gather3A_872 : vector<16xf32>
        %add3A_874 = arith.addf %scan3A_853, %mul3A_873 : vector<16xf32>
        %add3A_875 = vector.broadcast %scan3A_850 : i32 to vector<16xi32>
        %add3A_876 = arith.addi %gather3A_781, %add3A_875 : vector<16xi32>
        %gather3A_877 = tpu.vector_load_idx %arg22[%gather3A_746, %add3A_876] : memref<352x128xf32, #tpu.memory_space<vmem>>[vector<16xi32>, vector<16xi32>], vector<16xf32>,
        %mul3A_878 = arith.mulf %gather3A_859, %gather3A_877 : vector<16xf32>
        %add3A_879 = arith.addf %scan3A_854, %mul3A_878 : vector<16xf32>
        %add3A_880 = vector.broadcast %scan3A_850 : i32 to vector<16xi32>
        %add3A_881 = arith.addi %gather3A_788, %add3A_880 : vector<16xi32>
        %gather3A_882 = tpu.vector_load_idx %arg22[%gather3A_753, %add3A_881] : memref<352x128xf32, #tpu.memory_space<vmem>>[vector<16xi32>, vector<16xi32>], vector<16xf32>,
        %mul3A_883 = arith.mulf %gather3A_859, %gather3A_882 : vector<16xf32>
        %add3A_884 = arith.addf %scan3A_855, %mul3A_883 : vector<16xf32>
        %add3A_885 = vector.broadcast %scan3A_850 : i32 to vector<16xi32>
        %add3A_886 = arith.addi %gather3A_795, %add3A_885 : vector<16xi32>
        %gather3A_887 = tpu.vector_load_idx %arg22[%gather3A_760, %add3A_886] : memref<352x128xf32, #tpu.memory_space<vmem>>[vector<16xi32>, vector<16xi32>], vector<16xf32>,
        %mul3A_888 = arith.mulf %gather3A_859, %gather3A_887 : vector<16xf32>
        %add3A_889 = arith.addf %scan3A_856, %mul3A_888 : vector<16xf32>
        scf.yield %add3A_864, %add3A_869, %add3A_874, %add3A_879, %add3A_884, %add3A_889 : vector<16xf32>, vector<16xf32>, vector<16xf32>, vector<16xf32>, vector<16xf32>, vector<16xf32>
      }
      %scan3A_802 = arith.constant 64 : i32
      %mul3A_803 = arith.constant 16 : i32
      %mul3A_804 = arith.muli %scan3A_706, %mul3A_803 : i32
      %add3A_805 = arith.constant 256 : i32
      %add3A_806 = arith.addi %add3A_805, %mul3A_804 : i32
      %add3A_807 = vector.broadcast %add3A_806 : i32 to vector<16xi32>
      %add3A_808 = arith.addi %add3A_807, %iota3A : vector<16xi32>
      tpu.vector_store_idx %arg23[%add3A_808], %scan3A_801#0 : memref<512xf32, #tpu.memory_space<vmem>>[vector<16xi32>], vector<16xf32>,
      %add3A_809 = vector.broadcast %add3A_806 : i32 to vector<16xi32>
      %add3A_810 = arith.addi %add3A_809, %iota3A : vector<16xi32>
      %mul3A_811 = arith.constant 5 : i32
      %mul3A_812 = vector.broadcast %mul3A_811 : i32 to vector<16xi32>
      %mul3A_813 = arith.muli %add3A_810, %mul3A_812 : vector<16xi32>
      %add3A_814 = arith.constant 0 : i32
      %add3A_815 = vector.broadcast %add3A_814 : i32 to vector<16xi32>
      %add3A_816 = arith.addi %mul3A_813, %add3A_815 : vector<16xi32>
      tpu.vector_store_idx %arg24[%add3A_816], %scan3A_801#1 : memref<2560xf32, #tpu.memory_space<vmem>>[vector<16xi32>], vector<16xf32>,
      %add3A_817 = vector.broadcast %add3A_806 : i32 to vector<16xi32>
      %add3A_818 = arith.addi %add3A_817, %iota3A : vector<16xi32>
      %mul3A_819 = arith.constant 5 : i32
      %mul3A_820 = vector.broadcast %mul3A_819 : i32 to vector<16xi32>
      %mul3A_821 = arith.muli %add3A_818, %mul3A_820 : vector<16xi32>
      %add3A_822 = arith.constant 1 : i32
      %add3A_823 = vector.broadcast %add3A_822 : i32 to vector<16xi32>
      %add3A_824 = arith.addi %mul3A_821, %add3A_823 : vector<16xi32>
      tpu.vector_store_idx %arg24[%add3A_824], %scan3A_801#2 : memref<2560xf32, #tpu.memory_space<vmem>>[vector<16xi32>], vector<16xf32>,
      %add3A_825 = vector.broadcast %add3A_806 : i32 to vector<16xi32>
      %add3A_826 = arith.addi %add3A_825, %iota3A : vector<16xi32>
      %mul3A_827 = arith.constant 5 : i32
      %mul3A_828 = vector.broadcast %mul3A_827 : i32 to vector<16xi32>
      %mul3A_829 = arith.muli %add3A_826, %mul3A_828 : vector<16xi32>
      %add3A_830 = arith.constant 2 : i32
      %add3A_831 = vector.broadcast %add3A_830 : i32 to vector<16xi32>
      %add3A_832 = arith.addi %mul3A_829, %add3A_831 : vector<16xi32>
      tpu.vector_store_idx %arg24[%add3A_832], %scan3A_801#3 : memref<2560xf32, #tpu.memory_space<vmem>>[vector<16xi32>], vector<16xf32>,
      %add3A_833 = vector.broadcast %add3A_806 : i32 to vector<16xi32>
      %add3A_834 = arith.addi %add3A_833, %iota3A : vector<16xi32>
      %mul3A_835 = arith.constant 5 : i32
      %mul3A_836 = vector.broadcast %mul3A_835 : i32 to vector<16xi32>
      %mul3A_837 = arith.muli %add3A_834, %mul3A_836 : vector<16xi32>
      %add3A_838 = arith.constant 3 : i32
      %add3A_839 = vector.broadcast %add3A_838 : i32 to vector<16xi32>
      %add3A_840 = arith.addi %mul3A_837, %add3A_839 : vector<16xi32>
      tpu.vector_store_idx %arg24[%add3A_840], %scan3A_801#4 : memref<2560xf32, #tpu.memory_space<vmem>>[vector<16xi32>], vector<16xf32>,
      %add3A_841 = vector.broadcast %add3A_806 : i32 to vector<16xi32>
      %add3A_842 = arith.addi %add3A_841, %iota3A : vector<16xi32>
      %mul3A_843 = arith.constant 5 : i32
      %mul3A_844 = vector.broadcast %mul3A_843 : i32 to vector<16xi32>
      %mul3A_845 = arith.muli %add3A_842, %mul3A_844 : vector<16xi32>
      %add3A_846 = arith.constant 4 : i32
      %add3A_847 = vector.broadcast %add3A_846 : i32 to vector<16xi32>
      %add3A_848 = arith.addi %mul3A_845, %add3A_847 : vector<16xi32>
      tpu.vector_store_idx %arg24[%add3A_848], %scan3A_801#5 : memref<2560xf32, #tpu.memory_space<vmem>>[vector<16xi32>], vector<16xf32>,
      %scan3A_849 = arith.constant 0 : i32
      scf.yield %scan3A_849 : i32
    }
    %scan3A_439 = arith.constant 4 : i32
    %add3A_440 = arith.constant 320 : i32
    %add3A_441 = arith.addi %mul3A_2, %add3A_440 : i32
    "tpu.region"() ({
      %run_scoped3A = tpu.sem_alloc : memref<!tpu.dma_semaphore, #tpu.memory_space<semaphore_mem>>
      %dma_start3A_706 = tpu.memref_slice %arg2[%add3A_441] : memref<16384xi32, #tpu.memory_space<hbm>> -> memref<64xi32, #tpu.memory_space<hbm>>
      %dma_start3A_707 = tpu.memref_slice %arg2[%add3A_441] : memref<16384xi32, #tpu.memory_space<hbm>> -> memref<64xi32, #tpu.memory_space<hbm>>
      tpu.enqueue_dma source(%dma_start3A_707 : memref<64xi32, #tpu.memory_space<hbm>>) target(%arg11 : memref<64xi32, #tpu.memory_space<vmem>>) target_semaphore(%run_scoped3A : memref<!tpu.dma_semaphore, #tpu.memory_space<semaphore_mem>>)
      %dma_wait3A_708 = tpu.memref_slice %arg2[%add3A_441] : memref<16384xi32, #tpu.memory_space<hbm>> -> memref<64xi32, #tpu.memory_space<hbm>>
      %dma_wait3A_709 = tpu.memref_slice %arg2[%add3A_441] : memref<16384xi32, #tpu.memory_space<hbm>> -> memref<64xi32, #tpu.memory_space<hbm>>
      tpu.wait_dma2 semaphore(%run_scoped3A : memref<!tpu.dma_semaphore, #tpu.memory_space<semaphore_mem>>) src(%dma_wait3A_709 : memref<64xi32, #tpu.memory_space<hbm>>) dst(%arg11 : memref<64xi32, #tpu.memory_space<vmem>>)
      tpu.yield
    }) : () -> ()
    %scan3A_442 = arith.constant 0 : i32
    %scan3A_443 = arith.constant 0 : i32
    %scan3A_444 = arith.constant 4 : i32
    %scan3A_445 = arith.addi %scan3A_443, %scan3A_444 : i32
    %scan3A_446 = arith.constant 1 : i32
    %scan3A_447 = scf.for %scan3A_706 = %scan3A_443 to %scan3A_445 step %scan3A_446 iter_args(%scan3A_707 = %scan3A_442) -> (i32)  : i32 {
      %mul3A_708 = arith.constant 16 : i32
      %mul3A_709 = arith.muli %scan3A_706, %mul3A_708 : i32
      %get3A = arith.index_cast %mul3A_709 : i32 to index
      %get3A_710 = tpu.vector_load %arg11[%get3A] {strides = array<i32>} : memref<64xi32, #tpu.memory_space<vmem>>, vector<16xi32>,
      %and3A = arith.constant 1 : i32
      %and3A_711 = vector.broadcast %and3A : i32 to vector<16xi32>
      %and3A_712 = arith.andi %get3A_710, %and3A_711 : vector<16xi32>
      %mul3A_713 = arith.constant 64 : i32
      %mul3A_714 = vector.broadcast %mul3A_713 : i32 to vector<16xi32>
      %mul3A_715 = arith.muli %and3A_712, %mul3A_714 : vector<16xi32>
      %swap3A = arith.index_cast %mul3A_709 : i32 to index
      %swap3A_716 = tpu.vector_load %arg12[%swap3A] {strides = array<i32>} : memref<64xi32, #tpu.memory_space<vmem>>, vector<16xi32>,
      tpu.vector_store %arg12[%swap3A], %mul3A_715 {strides = array<i32>} : memref<64xi32, #tpu.memory_space<vmem>>, vector<16xi32>,
      %shift_right_logical3A = arith.constant 1 : i32
      %shift_right_logical3A_717 = vector.broadcast %shift_right_logical3A : i32 to vector<16xi32>
      %shift_right_logical3A_718 = arith.shrui %get3A_710, %shift_right_logical3A_717 : vector<16xi32>
      %ge3A = arith.constant 500000 : i32
      %ge3A_719 = vector.broadcast %ge3A : i32 to vector<16xi32>
      %ge3A_720 = arith.cmpi sge, %shift_right_logical3A_718, %ge3A_719 : vector<16xi32>
      %sub3A = arith.constant 500000 : i32
      %sub3A_721 = vector.broadcast %sub3A : i32 to vector<16xi32>
      %sub3A_722 = arith.subi %shift_right_logical3A_718, %sub3A_721 : vector<16xi32>
      %add3A_723 = arith.constant 64 : i32
      %add3A_724 = vector.broadcast %add3A_723 : i32 to vector<16xi32>
      %add3A_725 = arith.addi %add3A_724, %sub3A_722 : vector<16xi32>
      %mul3A_726 = arith.constant 16 : i32
      %mul3A_727 = arith.muli %scan3A_706, %mul3A_726 : i32
      %add3A_728 = vector.broadcast %mul3A_727 : i32 to vector<16xi32>
      %add3A_729 = arith.addi %add3A_728, %iota3A : vector<16xi32>
      %select_n3A = arith.select %ge3A_720, %add3A_725, %add3A_729 : vector<16xi1>, vector<16xi32>
      %swap3A_730 = arith.index_cast %mul3A_709 : i32 to index
      %swap3A_731 = tpu.vector_load %arg13[%swap3A_730] {strides = array<i32>} : memref<64xi32, #tpu.memory_space<vmem>>, vector<16xi32>,
      tpu.vector_store %arg13[%swap3A_730], %select_n3A {strides = array<i32>} : memref<64xi32, #tpu.memory_space<vmem>>, vector<16xi32>,
      %jit3A = arith.constant 0 : i32
      %broadcast_in_dim3A = vector.broadcast %jit3A : i32 to vector<16xi32>
      %select_n3A_732 = arith.select %ge3A_720, %broadcast_in_dim3A, %shift_right_logical3A_718 : vector<16xi1>, vector<16xi32>
      %swap3A_733 = arith.index_cast %mul3A_709 : i32 to index
      %swap3A_734 = tpu.vector_load %arg11[%swap3A_733] {strides = array<i32>} : memref<64xi32, #tpu.memory_space<vmem>>, vector<16xi32>,
      tpu.vector_store %arg11[%swap3A_733], %select_n3A_732 {strides = array<i32>} : memref<64xi32, #tpu.memory_space<vmem>>, vector<16xi32>,
      %scan3A_735 = arith.constant 0 : i32
      scf.yield %scan3A_735 : i32
    }
    %scan3A_448 = arith.constant 4 : i32
    "tpu.region"() ({
      %run_scoped3A = tpu.sem_alloc : memref<!tpu.dma_semaphore, #tpu.memory_space<semaphore_mem>>
      %dma_start3A_706 = tpu.memref_slice %arg3[%add3A_441] : memref<16384xi32, #tpu.memory_space<hbm>> -> memref<64xi32, #tpu.memory_space<hbm>>
      %dma_start3A_707 = tpu.memref_slice %arg3[%add3A_441] : memref<16384xi32, #tpu.memory_space<hbm>> -> memref<64xi32, #tpu.memory_space<hbm>>
      tpu.enqueue_dma source(%dma_start3A_707 : memref<64xi32, #tpu.memory_space<hbm>>) target(%arg14 : memref<64xi32, #tpu.memory_space<vmem>>) target_semaphore(%run_scoped3A : memref<!tpu.dma_semaphore, #tpu.memory_space<semaphore_mem>>)
      %dma_wait3A_708 = tpu.memref_slice %arg3[%add3A_441] : memref<16384xi32, #tpu.memory_space<hbm>> -> memref<64xi32, #tpu.memory_space<hbm>>
      %dma_wait3A_709 = tpu.memref_slice %arg3[%add3A_441] : memref<16384xi32, #tpu.memory_space<hbm>> -> memref<64xi32, #tpu.memory_space<hbm>>
      tpu.wait_dma2 semaphore(%run_scoped3A : memref<!tpu.dma_semaphore, #tpu.memory_space<semaphore_mem>>) src(%dma_wait3A_709 : memref<64xi32, #tpu.memory_space<hbm>>) dst(%arg14 : memref<64xi32, #tpu.memory_space<vmem>>)
      tpu.yield
    }) : () -> ()
    %scan3A_449 = arith.constant 0 : i32
    %scan3A_450 = arith.constant 0 : i32
    %scan3A_451 = arith.constant 4 : i32
    %scan3A_452 = arith.addi %scan3A_450, %scan3A_451 : i32
    %scan3A_453 = arith.constant 1 : i32
    %scan3A_454 = scf.for %scan3A_706 = %scan3A_450 to %scan3A_452 step %scan3A_453 iter_args(%scan3A_707 = %scan3A_449) -> (i32)  : i32 {
      %mul3A_708 = arith.constant 16 : i32
      %mul3A_709 = arith.muli %scan3A_706, %mul3A_708 : i32
      %get3A = arith.index_cast %mul3A_709 : i32 to index
      %get3A_710 = tpu.vector_load %arg14[%get3A] {strides = array<i32>} : memref<64xi32, #tpu.memory_space<vmem>>, vector<16xi32>,
      %and3A = arith.constant 1 : i32
      %and3A_711 = vector.broadcast %and3A : i32 to vector<16xi32>
      %and3A_712 = arith.andi %get3A_710, %and3A_711 : vector<16xi32>
      %mul3A_713 = arith.constant 64 : i32
      %mul3A_714 = vector.broadcast %mul3A_713 : i32 to vector<16xi32>
      %mul3A_715 = arith.muli %and3A_712, %mul3A_714 : vector<16xi32>
      %swap3A = arith.index_cast %mul3A_709 : i32 to index
      %swap3A_716 = tpu.vector_load %arg15[%swap3A] {strides = array<i32>} : memref<64xi32, #tpu.memory_space<vmem>>, vector<16xi32>,
      tpu.vector_store %arg15[%swap3A], %mul3A_715 {strides = array<i32>} : memref<64xi32, #tpu.memory_space<vmem>>, vector<16xi32>,
      %shift_right_logical3A = arith.constant 1 : i32
      %shift_right_logical3A_717 = vector.broadcast %shift_right_logical3A : i32 to vector<16xi32>
      %shift_right_logical3A_718 = arith.shrui %get3A_710, %shift_right_logical3A_717 : vector<16xi32>
      %ge3A = arith.constant 500000 : i32
      %ge3A_719 = vector.broadcast %ge3A : i32 to vector<16xi32>
      %ge3A_720 = arith.cmpi sge, %shift_right_logical3A_718, %ge3A_719 : vector<16xi32>
      %sub3A = arith.constant 500000 : i32
      %sub3A_721 = vector.broadcast %sub3A : i32 to vector<16xi32>
      %sub3A_722 = arith.subi %shift_right_logical3A_718, %sub3A_721 : vector<16xi32>
      %add3A_723 = arith.constant 64 : i32
      %add3A_724 = vector.broadcast %add3A_723 : i32 to vector<16xi32>
      %add3A_725 = arith.addi %add3A_724, %sub3A_722 : vector<16xi32>
      %mul3A_726 = arith.constant 16 : i32
      %mul3A_727 = arith.muli %scan3A_706, %mul3A_726 : i32
      %add3A_728 = vector.broadcast %mul3A_727 : i32 to vector<16xi32>
      %add3A_729 = arith.addi %add3A_728, %iota3A : vector<16xi32>
      %select_n3A = arith.select %ge3A_720, %add3A_725, %add3A_729 : vector<16xi1>, vector<16xi32>
      %swap3A_730 = arith.index_cast %mul3A_709 : i32 to index
      %swap3A_731 = tpu.vector_load %arg16[%swap3A_730] {strides = array<i32>} : memref<64xi32, #tpu.memory_space<vmem>>, vector<16xi32>,
      tpu.vector_store %arg16[%swap3A_730], %select_n3A {strides = array<i32>} : memref<64xi32, #tpu.memory_space<vmem>>, vector<16xi32>,
      %jit3A = arith.constant 0 : i32
      %broadcast_in_dim3A = vector.broadcast %jit3A : i32 to vector<16xi32>
      %select_n3A_732 = arith.select %ge3A_720, %broadcast_in_dim3A, %shift_right_logical3A_718 : vector<16xi1>, vector<16xi32>
      %swap3A_733 = arith.index_cast %mul3A_709 : i32 to index
      %swap3A_734 = tpu.vector_load %arg14[%swap3A_733] {strides = array<i32>} : memref<64xi32, #tpu.memory_space<vmem>>, vector<16xi32>,
      tpu.vector_store %arg14[%swap3A_733], %select_n3A_732 {strides = array<i32>} : memref<64xi32, #tpu.memory_space<vmem>>, vector<16xi32>,
      %scan3A_735 = arith.constant 0 : i32
      scf.yield %scan3A_735 : i32
    }
    %scan3A_455 = arith.constant 4 : i32
    %mul3A_456 = arith.constant 5 : i32
    %mul3A_457 = arith.muli %add3A_441, %mul3A_456 : i32
    "tpu.region"() ({
      %run_scoped3A = tpu.sem_alloc : memref<!tpu.dma_semaphore, #tpu.memory_space<semaphore_mem>>
      %dma_start3A_706 = tpu.memref_slice %arg4[%mul3A_457] : memref<81920xi32, #tpu.memory_space<hbm>> -> memref<320xi32, #tpu.memory_space<hbm>>
      %dma_start3A_707 = tpu.memref_slice %arg4[%mul3A_457] : memref<81920xi32, #tpu.memory_space<hbm>> -> memref<320xi32, #tpu.memory_space<hbm>>
      tpu.enqueue_dma source(%dma_start3A_707 : memref<320xi32, #tpu.memory_space<hbm>>) target(%arg17 : memref<320xi32, #tpu.memory_space<vmem>>) target_semaphore(%run_scoped3A : memref<!tpu.dma_semaphore, #tpu.memory_space<semaphore_mem>>)
      %dma_wait3A_708 = tpu.memref_slice %arg4[%mul3A_457] : memref<81920xi32, #tpu.memory_space<hbm>> -> memref<320xi32, #tpu.memory_space<hbm>>
      %dma_wait3A_709 = tpu.memref_slice %arg4[%mul3A_457] : memref<81920xi32, #tpu.memory_space<hbm>> -> memref<320xi32, #tpu.memory_space<hbm>>
      tpu.wait_dma2 semaphore(%run_scoped3A : memref<!tpu.dma_semaphore, #tpu.memory_space<semaphore_mem>>) src(%dma_wait3A_709 : memref<320xi32, #tpu.memory_space<hbm>>) dst(%arg17 : memref<320xi32, #tpu.memory_space<vmem>>)
      tpu.yield
    }) : () -> ()
    %scan3A_458 = arith.constant 0 : i32
    %scan3A_459 = arith.constant 0 : i32
    %scan3A_460 = arith.constant 20 : i32
    %scan3A_461 = arith.addi %scan3A_459, %scan3A_460 : i32
    %scan3A_462 = arith.constant 1 : i32
    %scan3A_463 = scf.for %scan3A_706 = %scan3A_459 to %scan3A_461 step %scan3A_462 iter_args(%scan3A_707 = %scan3A_458) -> (i32)  : i32 {
      %mul3A_708 = arith.constant 16 : i32
      %mul3A_709 = arith.muli %scan3A_706, %mul3A_708 : i32
      %get3A = arith.index_cast %mul3A_709 : i32 to index
      %get3A_710 = tpu.vector_load %arg17[%get3A] {strides = array<i32>} : memref<320xi32, #tpu.memory_space<vmem>>, vector<16xi32>,
      %and3A = arith.constant 1 : i32
      %and3A_711 = vector.broadcast %and3A : i32 to vector<16xi32>
      %and3A_712 = arith.andi %get3A_710, %and3A_711 : vector<16xi32>
      %mul3A_713 = arith.constant 64 : i32
      %mul3A_714 = vector.broadcast %mul3A_713 : i32 to vector<16xi32>
      %mul3A_715 = arith.muli %and3A_712, %mul3A_714 : vector<16xi32>
      %swap3A = arith.index_cast %mul3A_709 : i32 to index
      %swap3A_716 = tpu.vector_load %arg18[%swap3A] {strides = array<i32>} : memref<320xi32, #tpu.memory_space<vmem>>, vector<16xi32>,
      tpu.vector_store %arg18[%swap3A], %mul3A_715 {strides = array<i32>} : memref<320xi32, #tpu.memory_space<vmem>>, vector<16xi32>,
      %shift_right_logical3A = arith.constant 1 : i32
      %shift_right_logical3A_717 = vector.broadcast %shift_right_logical3A : i32 to vector<16xi32>
      %shift_right_logical3A_718 = arith.shrui %get3A_710, %shift_right_logical3A_717 : vector<16xi32>
      %ge3A = arith.constant 500000 : i32
      %ge3A_719 = vector.broadcast %ge3A : i32 to vector<16xi32>
      %ge3A_720 = arith.cmpi sge, %shift_right_logical3A_718, %ge3A_719 : vector<16xi32>
      %sub3A = arith.constant 500000 : i32
      %sub3A_721 = vector.broadcast %sub3A : i32 to vector<16xi32>
      %sub3A_722 = arith.subi %shift_right_logical3A_718, %sub3A_721 : vector<16xi32>
      %add3A_723 = arith.constant 320 : i32
      %add3A_724 = vector.broadcast %add3A_723 : i32 to vector<16xi32>
      %add3A_725 = arith.addi %add3A_724, %sub3A_722 : vector<16xi32>
      %mul3A_726 = arith.constant 16 : i32
      %mul3A_727 = arith.muli %scan3A_706, %mul3A_726 : i32
      %add3A_728 = vector.broadcast %mul3A_727 : i32 to vector<16xi32>
      %add3A_729 = arith.addi %add3A_728, %iota3A : vector<16xi32>
      %select_n3A = arith.select %ge3A_720, %add3A_725, %add3A_729 : vector<16xi1>, vector<16xi32>
      %swap3A_730 = arith.index_cast %mul3A_709 : i32 to index
      %swap3A_731 = tpu.vector_load %arg19[%swap3A_730] {strides = array<i32>} : memref<320xi32, #tpu.memory_space<vmem>>, vector<16xi32>,
      tpu.vector_store %arg19[%swap3A_730], %select_n3A {strides = array<i32>} : memref<320xi32, #tpu.memory_space<vmem>>, vector<16xi32>,
      %jit3A = arith.constant 0 : i32
      %broadcast_in_dim3A = vector.broadcast %jit3A : i32 to vector<16xi32>
      %select_n3A_732 = arith.select %ge3A_720, %broadcast_in_dim3A, %shift_right_logical3A_718 : vector<16xi1>, vector<16xi32>
      %swap3A_733 = arith.index_cast %mul3A_709 : i32 to index
      %swap3A_734 = tpu.vector_load %arg17[%swap3A_733] {strides = array<i32>} : memref<320xi32, #tpu.memory_space<vmem>>, vector<16xi32>,
      tpu.vector_store %arg17[%swap3A_733], %select_n3A_732 {strides = array<i32>} : memref<320xi32, #tpu.memory_space<vmem>>, vector<16xi32>,
      %scan3A_735 = arith.constant 0 : i32
      scf.yield %scan3A_735 : i32
    }
    %scan3A_464 = arith.constant 20 : i32
    %dma_start3A_465 = arith.constant 0 : i32
    %dma_start3A_466 = arith.constant 0 : i32
    %dma_start3A_467 = tpu.memref_slice %arg20[%dma_start3A_465, %dma_start3A_466] : memref<96x128xf32, #tpu.memory_space<vmem>> -> memref<64x128xf32, #tpu.memory_space<vmem>>
    %dma_start3A_468 = arith.constant 0 : i32
    %dma_start3A_469 = arith.constant 0 : i32
    %dma_start3A_470 = tpu.memref_slice %arg5[%dma_start3A_468, %dma_start3A_469] : memref<500000x128xf32, #tpu.memory_space<hbm>> -> memref<500000x128xf32, #tpu.memory_space<hbm>>
    tpu.enqueue_indirect_dma source(%dma_start3A_470 : memref<500000x128xf32, #tpu.memory_space<hbm>>) target(%dma_start3A_467 : memref<64x128xf32, #tpu.memory_space<vmem>>) offsets(%arg11 : memref<64xi32, #tpu.memory_space<vmem>>) semaphore(%arg25 : memref<!tpu.dma_semaphore, #tpu.memory_space<semaphore_mem>>)
    %dma_start3A_471 = arith.constant 0 : i32
    %dma_start3A_472 = arith.constant 0 : i32
    %dma_start3A_473 = tpu.memref_slice %arg21[%dma_start3A_471, %dma_start3A_472] : memref<96x128xf32, #tpu.memory_space<vmem>> -> memref<64x128xf32, #tpu.memory_space<vmem>>
    %dma_start3A_474 = arith.constant 0 : i32
    %dma_start3A_475 = arith.constant 0 : i32
    %dma_start3A_476 = tpu.memref_slice %arg6[%dma_start3A_474, %dma_start3A_475] : memref<500000x128xf32, #tpu.memory_space<hbm>> -> memref<500000x128xf32, #tpu.memory_space<hbm>>
    tpu.enqueue_indirect_dma source(%dma_start3A_476 : memref<500000x128xf32, #tpu.memory_space<hbm>>) target(%dma_start3A_473 : memref<64x128xf32, #tpu.memory_space<vmem>>) offsets(%arg14 : memref<64xi32, #tpu.memory_space<vmem>>) semaphore(%arg25 : memref<!tpu.dma_semaphore, #tpu.memory_space<semaphore_mem>>)
    %dma_start3A_477 = arith.constant 0 : i32
    %dma_start3A_478 = arith.constant 0 : i32
    %dma_start3A_479 = tpu.memref_slice %arg22[%dma_start3A_477, %dma_start3A_478] : memref<352x128xf32, #tpu.memory_space<vmem>> -> memref<128x128xf32, #tpu.memory_space<vmem>>
    %dma_start3A_480 = arith.constant 0 : i32
    %dma_start3A_481 = tpu.memref_slice %arg17[%dma_start3A_480] : memref<320xi32, #tpu.memory_space<vmem>> -> memref<128xi32, #tpu.memory_space<vmem>>
    %dma_start3A_482 = arith.constant 0 : i32
    %dma_start3A_483 = arith.constant 0 : i32
    %dma_start3A_484 = tpu.memref_slice %arg6[%dma_start3A_482, %dma_start3A_483] : memref<500000x128xf32, #tpu.memory_space<hbm>> -> memref<500000x128xf32, #tpu.memory_space<hbm>>
    tpu.enqueue_indirect_dma source(%dma_start3A_484 : memref<500000x128xf32, #tpu.memory_space<hbm>>) target(%dma_start3A_479 : memref<128x128xf32, #tpu.memory_space<vmem>>) offsets(%dma_start3A_481 : memref<128xi32, #tpu.memory_space<vmem>>) semaphore(%arg25 : memref<!tpu.dma_semaphore, #tpu.memory_space<semaphore_mem>>)
    %dma_start3A_485 = arith.constant 128 : i32
    %dma_start3A_486 = arith.constant 0 : i32
    %dma_start3A_487 = tpu.memref_slice %arg22[%dma_start3A_485, %dma_start3A_486] : memref<352x128xf32, #tpu.memory_space<vmem>> -> memref<128x128xf32, #tpu.memory_space<vmem>>
    %dma_start3A_488 = arith.constant 128 : i32
    %dma_start3A_489 = tpu.memref_slice %arg17[%dma_start3A_488] : memref<320xi32, #tpu.memory_space<vmem>> -> memref<128xi32, #tpu.memory_space<vmem>>
    %dma_start3A_490 = arith.constant 0 : i32
    %dma_start3A_491 = arith.constant 0 : i32
    %dma_start3A_492 = tpu.memref_slice %arg6[%dma_start3A_490, %dma_start3A_491] : memref<500000x128xf32, #tpu.memory_space<hbm>> -> memref<500000x128xf32, #tpu.memory_space<hbm>>
    tpu.enqueue_indirect_dma source(%dma_start3A_492 : memref<500000x128xf32, #tpu.memory_space<hbm>>) target(%dma_start3A_487 : memref<128x128xf32, #tpu.memory_space<vmem>>) offsets(%dma_start3A_489 : memref<128xi32, #tpu.memory_space<vmem>>) semaphore(%arg25 : memref<!tpu.dma_semaphore, #tpu.memory_space<semaphore_mem>>)
    %dma_wait3A_493 = arith.constant 0 : i32
    %dma_wait3A_494 = arith.constant 0 : i32
    %dma_wait3A_495 = tpu.memref_slice %arg20[%dma_wait3A_493, %dma_wait3A_494] : memref<96x128xf32, #tpu.memory_space<vmem>> -> memref<64x128xf32, #tpu.memory_space<vmem>>
    %dma_wait3A_496 = arith.constant 0 : i32
    %dma_wait3A_497 = arith.constant 0 : i32
    %dma_wait3A_498 = tpu.memref_slice %arg5[%dma_wait3A_496, %dma_wait3A_497] : memref<500000x128xf32, #tpu.memory_space<hbm>> -> memref<500000x128xf32, #tpu.memory_space<hbm>>
    tpu.wait_indirect_dma semaphore(%arg25 : memref<!tpu.dma_semaphore, #tpu.memory_space<semaphore_mem>>) src(%dma_wait3A_498 : memref<500000x128xf32, #tpu.memory_space<hbm>>) dst(%dma_wait3A_495 : memref<64x128xf32, #tpu.memory_space<vmem>>)
    %dma_wait3A_499 = arith.constant 0 : i32
    %dma_wait3A_500 = arith.constant 0 : i32
    %dma_wait3A_501 = tpu.memref_slice %arg21[%dma_wait3A_499, %dma_wait3A_500] : memref<96x128xf32, #tpu.memory_space<vmem>> -> memref<64x128xf32, #tpu.memory_space<vmem>>
    %dma_wait3A_502 = arith.constant 0 : i32
    %dma_wait3A_503 = arith.constant 0 : i32
    %dma_wait3A_504 = tpu.memref_slice %arg6[%dma_wait3A_502, %dma_wait3A_503] : memref<500000x128xf32, #tpu.memory_space<hbm>> -> memref<500000x128xf32, #tpu.memory_space<hbm>>
    tpu.wait_indirect_dma semaphore(%arg25 : memref<!tpu.dma_semaphore, #tpu.memory_space<semaphore_mem>>) src(%dma_wait3A_504 : memref<500000x128xf32, #tpu.memory_space<hbm>>) dst(%dma_wait3A_501 : memref<64x128xf32, #tpu.memory_space<vmem>>)
    %dma_wait3A_505 = arith.constant 0 : i32
    %dma_wait3A_506 = arith.constant 0 : i32
    %dma_wait3A_507 = tpu.memref_slice %arg22[%dma_wait3A_505, %dma_wait3A_506] : memref<352x128xf32, #tpu.memory_space<vmem>> -> memref<128x128xf32, #tpu.memory_space<vmem>>
    %dma_wait3A_508 = arith.constant 0 : i32
    %dma_wait3A_509 = tpu.memref_slice %arg17[%dma_wait3A_508] : memref<320xi32, #tpu.memory_space<vmem>> -> memref<128xi32, #tpu.memory_space<vmem>>
    %dma_wait3A_510 = arith.constant 0 : i32
    %dma_wait3A_511 = arith.constant 0 : i32
    %dma_wait3A_512 = tpu.memref_slice %arg6[%dma_wait3A_510, %dma_wait3A_511] : memref<500000x128xf32, #tpu.memory_space<hbm>> -> memref<500000x128xf32, #tpu.memory_space<hbm>>
    tpu.wait_indirect_dma semaphore(%arg25 : memref<!tpu.dma_semaphore, #tpu.memory_space<semaphore_mem>>) src(%dma_wait3A_512 : memref<500000x128xf32, #tpu.memory_space<hbm>>) dst(%dma_wait3A_507 : memref<128x128xf32, #tpu.memory_space<vmem>>)
    %dma_wait3A_513 = arith.constant 128 : i32
    %dma_wait3A_514 = arith.constant 0 : i32
    %dma_wait3A_515 = tpu.memref_slice %arg22[%dma_wait3A_513, %dma_wait3A_514] : memref<352x128xf32, #tpu.memory_space<vmem>> -> memref<128x128xf32, #tpu.memory_space<vmem>>
    %dma_wait3A_516 = arith.constant 128 : i32
    %dma_wait3A_517 = tpu.memref_slice %arg17[%dma_wait3A_516] : memref<320xi32, #tpu.memory_space<vmem>> -> memref<128xi32, #tpu.memory_space<vmem>>
    %dma_wait3A_518 = arith.constant 0 : i32
    %dma_wait3A_519 = arith.constant 0 : i32
    %dma_wait3A_520 = tpu.memref_slice %arg6[%dma_wait3A_518, %dma_wait3A_519] : memref<500000x128xf32, #tpu.memory_space<hbm>> -> memref<500000x128xf32, #tpu.memory_space<hbm>>
    tpu.wait_indirect_dma semaphore(%arg25 : memref<!tpu.dma_semaphore, #tpu.memory_space<semaphore_mem>>) src(%dma_wait3A_520 : memref<500000x128xf32, #tpu.memory_space<hbm>>) dst(%dma_wait3A_515 : memref<128x128xf32, #tpu.memory_space<vmem>>)
    %scan3A_521 = arith.constant 0 : i32
    %scan3A_522 = arith.constant 0 : i32
    %scan3A_523 = arith.constant 4 : i32
    %scan3A_524 = arith.addi %scan3A_522, %scan3A_523 : i32
    %scan3A_525 = arith.constant 1 : i32
    %scan3A_526 = scf.for %scan3A_706 = %scan3A_522 to %scan3A_524 step %scan3A_525 iter_args(%scan3A_707 = %scan3A_521) -> (i32)  : i32 {
      %mul3A_708 = arith.constant 16 : i32
      %mul3A_709 = arith.muli %scan3A_706, %mul3A_708 : i32
      %get3A = arith.index_cast %mul3A_709 : i32 to index
      %get3A_710 = tpu.vector_load %arg13[%get3A] {strides = array<i32>} : memref<64xi32, #tpu.memory_space<vmem>>, vector<16xi32>,
      %mul3A_711 = arith.constant 16 : i32
      %mul3A_712 = arith.muli %scan3A_706, %mul3A_711 : i32
      %get3A_713 = arith.index_cast %mul3A_712 : i32 to index
      %get3A_714 = tpu.vector_load %arg16[%get3A_713] {strides = array<i32>} : memref<64xi32, #tpu.memory_space<vmem>>, vector<16xi32>,
      %mul3A_715 = arith.constant 16 : i32
      %mul3A_716 = arith.muli %scan3A_706, %mul3A_715 : i32
      %get3A_717 = arith.index_cast %mul3A_716 : i32 to index
      %get3A_718 = tpu.vector_load %arg12[%get3A_717] {strides = array<i32>} : memref<64xi32, #tpu.memory_space<vmem>>, vector<16xi32>,
      %mul3A_719 = arith.constant 16 : i32
      %mul3A_720 = arith.muli %scan3A_706, %mul3A_719 : i32
      %get3A_721 = arith.index_cast %mul3A_720 : i32 to index
      %get3A_722 = tpu.vector_load %arg15[%get3A_721] {strides = array<i32>} : memref<64xi32, #tpu.memory_space<vmem>>, vector<16xi32>,
      %mul3A_723 = arith.constant 16 : i32
      %mul3A_724 = arith.muli %scan3A_706, %mul3A_723 : i32
      %add3A_725 = vector.broadcast %mul3A_724 : i32 to vector<16xi32>
      %add3A_726 = arith.addi %add3A_725, %iota3A : vector<16xi32>
      %mul3A_727 = arith.constant 5 : i32
      %mul3A_728 = vector.broadcast %mul3A_727 : i32 to vector<16xi32>
      %mul3A_729 = arith.muli %add3A_726, %mul3A_728 : vector<16xi32>
      %add3A_730 = arith.constant 0 : i32
      %add3A_731 = vector.broadcast %add3A_730 : i32 to vector<16xi32>
      %add3A_732 = arith.addi %mul3A_729, %add3A_731 : vector<16xi32>
      %gather3A = tpu.vector_load_idx %arg19[%add3A_732] : memref<320xi32, #tpu.memory_space<vmem>>[vector<16xi32>], vector<16xi32>,
      %mul3A_733 = arith.constant 5 : i32
      %mul3A_734 = vector.broadcast %mul3A_733 : i32 to vector<16xi32>
      %mul3A_735 = arith.muli %add3A_726, %mul3A_734 : vector<16xi32>
      %add3A_736 = arith.constant 1 : i32
      %add3A_737 = vector.broadcast %add3A_736 : i32 to vector<16xi32>
      %add3A_738 = arith.addi %mul3A_735, %add3A_737 : vector<16xi32>
      %gather3A_739 = tpu.vector_load_idx %arg19[%add3A_738] : memref<320xi32, #tpu.memory_space<vmem>>[vector<16xi32>], vector<16xi32>,
      %mul3A_740 = arith.constant 5 : i32
      %mul3A_741 = vector.broadcast %mul3A_740 : i32 to vector<16xi32>
      %mul3A_742 = arith.muli %add3A_726, %mul3A_741 : vector<16xi32>
      %add3A_743 = arith.constant 2 : i32
      %add3A_744 = vector.broadcast %add3A_743 : i32 to vector<16xi32>
      %add3A_745 = arith.addi %mul3A_742, %add3A_744 : vector<16xi32>
      %gather3A_746 = tpu.vector_load_idx %arg19[%add3A_745] : memref<320xi32, #tpu.memory_space<vmem>>[vector<16xi32>], vector<16xi32>,
      %mul3A_747 = arith.constant 5 : i32
      %mul3A_748 = vector.broadcast %mul3A_747 : i32 to vector<16xi32>
      %mul3A_749 = arith.muli %add3A_726, %mul3A_748 : vector<16xi32>
      %add3A_750 = arith.constant 3 : i32
      %add3A_751 = vector.broadcast %add3A_750 : i32 to vector<16xi32>
      %add3A_752 = arith.addi %mul3A_749, %add3A_751 : vector<16xi32>
      %gather3A_753 = tpu.vector_load_idx %arg19[%add3A_752] : memref<320xi32, #tpu.memory_space<vmem>>[vector<16xi32>], vector<16xi32>,
      %mul3A_754 = arith.constant 5 : i32
      %mul3A_755 = vector.broadcast %mul3A_754 : i32 to vector<16xi32>
      %mul3A_756 = arith.muli %add3A_726, %mul3A_755 : vector<16xi32>
      %add3A_757 = arith.constant 4 : i32
      %add3A_758 = vector.broadcast %add3A_757 : i32 to vector<16xi32>
      %add3A_759 = arith.addi %mul3A_756, %add3A_758 : vector<16xi32>
      %gather3A_760 = tpu.vector_load_idx %arg19[%add3A_759] : memref<320xi32, #tpu.memory_space<vmem>>[vector<16xi32>], vector<16xi32>,
      %mul3A_761 = arith.constant 5 : i32
      %mul3A_762 = vector.broadcast %mul3A_761 : i32 to vector<16xi32>
      %mul3A_763 = arith.muli %add3A_726, %mul3A_762 : vector<16xi32>
      %add3A_764 = arith.constant 0 : i32
      %add3A_765 = vector.broadcast %add3A_764 : i32 to vector<16xi32>
      %add3A_766 = arith.addi %mul3A_763, %add3A_765 : vector<16xi32>
      %gather3A_767 = tpu.vector_load_idx %arg18[%add3A_766] : memref<320xi32, #tpu.memory_space<vmem>>[vector<16xi32>], vector<16xi32>,
      %mul3A_768 = arith.constant 5 : i32
      %mul3A_769 = vector.broadcast %mul3A_768 : i32 to vector<16xi32>
      %mul3A_770 = arith.muli %add3A_726, %mul3A_769 : vector<16xi32>
      %add3A_771 = arith.constant 1 : i32
      %add3A_772 = vector.broadcast %add3A_771 : i32 to vector<16xi32>
      %add3A_773 = arith.addi %mul3A_770, %add3A_772 : vector<16xi32>
      %gather3A_774 = tpu.vector_load_idx %arg18[%add3A_773] : memref<320xi32, #tpu.memory_space<vmem>>[vector<16xi32>], vector<16xi32>,
      %mul3A_775 = arith.constant 5 : i32
      %mul3A_776 = vector.broadcast %mul3A_775 : i32 to vector<16xi32>
      %mul3A_777 = arith.muli %add3A_726, %mul3A_776 : vector<16xi32>
      %add3A_778 = arith.constant 2 : i32
      %add3A_779 = vector.broadcast %add3A_778 : i32 to vector<16xi32>
      %add3A_780 = arith.addi %mul3A_777, %add3A_779 : vector<16xi32>
      %gather3A_781 = tpu.vector_load_idx %arg18[%add3A_780] : memref<320xi32, #tpu.memory_space<vmem>>[vector<16xi32>], vector<16xi32>,
      %mul3A_782 = arith.constant 5 : i32
      %mul3A_783 = vector.broadcast %mul3A_782 : i32 to vector<16xi32>
      %mul3A_784 = arith.muli %add3A_726, %mul3A_783 : vector<16xi32>
      %add3A_785 = arith.constant 3 : i32
      %add3A_786 = vector.broadcast %add3A_785 : i32 to vector<16xi32>
      %add3A_787 = arith.addi %mul3A_784, %add3A_786 : vector<16xi32>
      %gather3A_788 = tpu.vector_load_idx %arg18[%add3A_787] : memref<320xi32, #tpu.memory_space<vmem>>[vector<16xi32>], vector<16xi32>,
      %mul3A_789 = arith.constant 5 : i32
      %mul3A_790 = vector.broadcast %mul3A_789 : i32 to vector<16xi32>
      %mul3A_791 = arith.muli %add3A_726, %mul3A_790 : vector<16xi32>
      %add3A_792 = arith.constant 4 : i32
      %add3A_793 = vector.broadcast %add3A_792 : i32 to vector<16xi32>
      %add3A_794 = arith.addi %mul3A_791, %add3A_793 : vector<16xi32>
      %gather3A_795 = tpu.vector_load_idx %arg18[%add3A_794] : memref<320xi32, #tpu.memory_space<vmem>>[vector<16xi32>], vector<16xi32>,
      %broadcast_in_dim3A = arith.constant 0.000000e+00 : f32
      %broadcast_in_dim3A_796 = vector.broadcast %broadcast_in_dim3A : f32 to vector<16xf32>
      %scan3A_797 = arith.constant 0 : i32
      %scan3A_798 = arith.constant 64 : i32
      %scan3A_799 = arith.addi %scan3A_797, %scan3A_798 : i32
      %scan3A_800 = arith.constant 1 : i32
      %scan3A_801:6 = scf.for %scan3A_850 = %scan3A_797 to %scan3A_799 step %scan3A_800 iter_args(%scan3A_851 = %broadcast_in_dim3A_796, %scan3A_852 = %broadcast_in_dim3A_796, %scan3A_853 = %broadcast_in_dim3A_796, %scan3A_854 = %broadcast_in_dim3A_796, %scan3A_855 = %broadcast_in_dim3A_796, %scan3A_856 = %broadcast_in_dim3A_796) -> (vector<16xf32>, vector<16xf32>, vector<16xf32>, vector<16xf32>, vector<16xf32>, vector<16xf32>)  : i32 {
        %add3A_857 = vector.broadcast %scan3A_850 : i32 to vector<16xi32>
        %add3A_858 = arith.addi %get3A_718, %add3A_857 : vector<16xi32>
        %gather3A_859 = tpu.vector_load_idx %arg20[%get3A_710, %add3A_858] : memref<96x128xf32, #tpu.memory_space<vmem>>[vector<16xi32>, vector<16xi32>], vector<16xf32>,
        %add3A_860 = vector.broadcast %scan3A_850 : i32 to vector<16xi32>
        %add3A_861 = arith.addi %get3A_722, %add3A_860 : vector<16xi32>
        %gather3A_862 = tpu.vector_load_idx %arg21[%get3A_714, %add3A_861] : memref<96x128xf32, #tpu.memory_space<vmem>>[vector<16xi32>, vector<16xi32>], vector<16xf32>,
        %mul3A_863 = arith.mulf %gather3A_859, %gather3A_862 : vector<16xf32>
        %add3A_864 = arith.addf %scan3A_851, %mul3A_863 : vector<16xf32>
        %add3A_865 = vector.broadcast %scan3A_850 : i32 to vector<16xi32>
        %add3A_866 = arith.addi %gather3A_767, %add3A_865 : vector<16xi32>
        %gather3A_867 = tpu.vector_load_idx %arg22[%gather3A, %add3A_866] : memref<352x128xf32, #tpu.memory_space<vmem>>[vector<16xi32>, vector<16xi32>], vector<16xf32>,
        %mul3A_868 = arith.mulf %gather3A_859, %gather3A_867 : vector<16xf32>
        %add3A_869 = arith.addf %scan3A_852, %mul3A_868 : vector<16xf32>
        %add3A_870 = vector.broadcast %scan3A_850 : i32 to vector<16xi32>
        %add3A_871 = arith.addi %gather3A_774, %add3A_870 : vector<16xi32>
        %gather3A_872 = tpu.vector_load_idx %arg22[%gather3A_739, %add3A_871] : memref<352x128xf32, #tpu.memory_space<vmem>>[vector<16xi32>, vector<16xi32>], vector<16xf32>,
        %mul3A_873 = arith.mulf %gather3A_859, %gather3A_872 : vector<16xf32>
        %add3A_874 = arith.addf %scan3A_853, %mul3A_873 : vector<16xf32>
        %add3A_875 = vector.broadcast %scan3A_850 : i32 to vector<16xi32>
        %add3A_876 = arith.addi %gather3A_781, %add3A_875 : vector<16xi32>
        %gather3A_877 = tpu.vector_load_idx %arg22[%gather3A_746, %add3A_876] : memref<352x128xf32, #tpu.memory_space<vmem>>[vector<16xi32>, vector<16xi32>], vector<16xf32>,
        %mul3A_878 = arith.mulf %gather3A_859, %gather3A_877 : vector<16xf32>
        %add3A_879 = arith.addf %scan3A_854, %mul3A_878 : vector<16xf32>
        %add3A_880 = vector.broadcast %scan3A_850 : i32 to vector<16xi32>
        %add3A_881 = arith.addi %gather3A_788, %add3A_880 : vector<16xi32>
        %gather3A_882 = tpu.vector_load_idx %arg22[%gather3A_753, %add3A_881] : memref<352x128xf32, #tpu.memory_space<vmem>>[vector<16xi32>, vector<16xi32>], vector<16xf32>,
        %mul3A_883 = arith.mulf %gather3A_859, %gather3A_882 : vector<16xf32>
        %add3A_884 = arith.addf %scan3A_855, %mul3A_883 : vector<16xf32>
        %add3A_885 = vector.broadcast %scan3A_850 : i32 to vector<16xi32>
        %add3A_886 = arith.addi %gather3A_795, %add3A_885 : vector<16xi32>
        %gather3A_887 = tpu.vector_load_idx %arg22[%gather3A_760, %add3A_886] : memref<352x128xf32, #tpu.memory_space<vmem>>[vector<16xi32>, vector<16xi32>], vector<16xf32>,
        %mul3A_888 = arith.mulf %gather3A_859, %gather3A_887 : vector<16xf32>
        %add3A_889 = arith.addf %scan3A_856, %mul3A_888 : vector<16xf32>
        scf.yield %add3A_864, %add3A_869, %add3A_874, %add3A_879, %add3A_884, %add3A_889 : vector<16xf32>, vector<16xf32>, vector<16xf32>, vector<16xf32>, vector<16xf32>, vector<16xf32>
      }
      %scan3A_802 = arith.constant 64 : i32
      %mul3A_803 = arith.constant 16 : i32
      %mul3A_804 = arith.muli %scan3A_706, %mul3A_803 : i32
      %add3A_805 = arith.constant 320 : i32
      %add3A_806 = arith.addi %add3A_805, %mul3A_804 : i32
      %add3A_807 = vector.broadcast %add3A_806 : i32 to vector<16xi32>
      %add3A_808 = arith.addi %add3A_807, %iota3A : vector<16xi32>
      tpu.vector_store_idx %arg23[%add3A_808], %scan3A_801#0 : memref<512xf32, #tpu.memory_space<vmem>>[vector<16xi32>], vector<16xf32>,
      %add3A_809 = vector.broadcast %add3A_806 : i32 to vector<16xi32>
      %add3A_810 = arith.addi %add3A_809, %iota3A : vector<16xi32>
      %mul3A_811 = arith.constant 5 : i32
      %mul3A_812 = vector.broadcast %mul3A_811 : i32 to vector<16xi32>
      %mul3A_813 = arith.muli %add3A_810, %mul3A_812 : vector<16xi32>
      %add3A_814 = arith.constant 0 : i32
      %add3A_815 = vector.broadcast %add3A_814 : i32 to vector<16xi32>
      %add3A_816 = arith.addi %mul3A_813, %add3A_815 : vector<16xi32>
      tpu.vector_store_idx %arg24[%add3A_816], %scan3A_801#1 : memref<2560xf32, #tpu.memory_space<vmem>>[vector<16xi32>], vector<16xf32>,
      %add3A_817 = vector.broadcast %add3A_806 : i32 to vector<16xi32>
      %add3A_818 = arith.addi %add3A_817, %iota3A : vector<16xi32>
      %mul3A_819 = arith.constant 5 : i32
      %mul3A_820 = vector.broadcast %mul3A_819 : i32 to vector<16xi32>
      %mul3A_821 = arith.muli %add3A_818, %mul3A_820 : vector<16xi32>
      %add3A_822 = arith.constant 1 : i32
      %add3A_823 = vector.broadcast %add3A_822 : i32 to vector<16xi32>
      %add3A_824 = arith.addi %mul3A_821, %add3A_823 : vector<16xi32>
      tpu.vector_store_idx %arg24[%add3A_824], %scan3A_801#2 : memref<2560xf32, #tpu.memory_space<vmem>>[vector<16xi32>], vector<16xf32>,
      %add3A_825 = vector.broadcast %add3A_806 : i32 to vector<16xi32>
      %add3A_826 = arith.addi %add3A_825, %iota3A : vector<16xi32>
      %mul3A_827 = arith.constant 5 : i32
      %mul3A_828 = vector.broadcast %mul3A_827 : i32 to vector<16xi32>
      %mul3A_829 = arith.muli %add3A_826, %mul3A_828 : vector<16xi32>
      %add3A_830 = arith.constant 2 : i32
      %add3A_831 = vector.broadcast %add3A_830 : i32 to vector<16xi32>
      %add3A_832 = arith.addi %mul3A_829, %add3A_831 : vector<16xi32>
      tpu.vector_store_idx %arg24[%add3A_832], %scan3A_801#3 : memref<2560xf32, #tpu.memory_space<vmem>>[vector<16xi32>], vector<16xf32>,
      %add3A_833 = vector.broadcast %add3A_806 : i32 to vector<16xi32>
      %add3A_834 = arith.addi %add3A_833, %iota3A : vector<16xi32>
      %mul3A_835 = arith.constant 5 : i32
      %mul3A_836 = vector.broadcast %mul3A_835 : i32 to vector<16xi32>
      %mul3A_837 = arith.muli %add3A_834, %mul3A_836 : vector<16xi32>
      %add3A_838 = arith.constant 3 : i32
      %add3A_839 = vector.broadcast %add3A_838 : i32 to vector<16xi32>
      %add3A_840 = arith.addi %mul3A_837, %add3A_839 : vector<16xi32>
      tpu.vector_store_idx %arg24[%add3A_840], %scan3A_801#4 : memref<2560xf32, #tpu.memory_space<vmem>>[vector<16xi32>], vector<16xf32>,
      %add3A_841 = vector.broadcast %add3A_806 : i32 to vector<16xi32>
      %add3A_842 = arith.addi %add3A_841, %iota3A : vector<16xi32>
      %mul3A_843 = arith.constant 5 : i32
      %mul3A_844 = vector.broadcast %mul3A_843 : i32 to vector<16xi32>
      %mul3A_845 = arith.muli %add3A_842, %mul3A_844 : vector<16xi32>
      %add3A_846 = arith.constant 4 : i32
      %add3A_847 = vector.broadcast %add3A_846 : i32 to vector<16xi32>
      %add3A_848 = arith.addi %mul3A_845, %add3A_847 : vector<16xi32>
      tpu.vector_store_idx %arg24[%add3A_848], %scan3A_801#5 : memref<2560xf32, #tpu.memory_space<vmem>>[vector<16xi32>], vector<16xf32>,
      %scan3A_849 = arith.constant 0 : i32
      scf.yield %scan3A_849 : i32
    }
    %scan3A_527 = arith.constant 4 : i32
    %add3A_528 = arith.constant 384 : i32
    %add3A_529 = arith.addi %mul3A_2, %add3A_528 : i32
    "tpu.region"() ({
      %run_scoped3A = tpu.sem_alloc : memref<!tpu.dma_semaphore, #tpu.memory_space<semaphore_mem>>
      %dma_start3A_706 = tpu.memref_slice %arg2[%add3A_529] : memref<16384xi32, #tpu.memory_space<hbm>> -> memref<64xi32, #tpu.memory_space<hbm>>
      %dma_start3A_707 = tpu.memref_slice %arg2[%add3A_529] : memref<16384xi32, #tpu.memory_space<hbm>> -> memref<64xi32, #tpu.memory_space<hbm>>
      tpu.enqueue_dma source(%dma_start3A_707 : memref<64xi32, #tpu.memory_space<hbm>>) target(%arg11 : memref<64xi32, #tpu.memory_space<vmem>>) target_semaphore(%run_scoped3A : memref<!tpu.dma_semaphore, #tpu.memory_space<semaphore_mem>>)
      %dma_wait3A_708 = tpu.memref_slice %arg2[%add3A_529] : memref<16384xi32, #tpu.memory_space<hbm>> -> memref<64xi32, #tpu.memory_space<hbm>>
      %dma_wait3A_709 = tpu.memref_slice %arg2[%add3A_529] : memref<16384xi32, #tpu.memory_space<hbm>> -> memref<64xi32, #tpu.memory_space<hbm>>
      tpu.wait_dma2 semaphore(%run_scoped3A : memref<!tpu.dma_semaphore, #tpu.memory_space<semaphore_mem>>) src(%dma_wait3A_709 : memref<64xi32, #tpu.memory_space<hbm>>) dst(%arg11 : memref<64xi32, #tpu.memory_space<vmem>>)
      tpu.yield
    }) : () -> ()
    %scan3A_530 = arith.constant 0 : i32
    %scan3A_531 = arith.constant 0 : i32
    %scan3A_532 = arith.constant 4 : i32
    %scan3A_533 = arith.addi %scan3A_531, %scan3A_532 : i32
    %scan3A_534 = arith.constant 1 : i32
    %scan3A_535 = scf.for %scan3A_706 = %scan3A_531 to %scan3A_533 step %scan3A_534 iter_args(%scan3A_707 = %scan3A_530) -> (i32)  : i32 {
      %mul3A_708 = arith.constant 16 : i32
      %mul3A_709 = arith.muli %scan3A_706, %mul3A_708 : i32
      %get3A = arith.index_cast %mul3A_709 : i32 to index
      %get3A_710 = tpu.vector_load %arg11[%get3A] {strides = array<i32>} : memref<64xi32, #tpu.memory_space<vmem>>, vector<16xi32>,
      %and3A = arith.constant 1 : i32
      %and3A_711 = vector.broadcast %and3A : i32 to vector<16xi32>
      %and3A_712 = arith.andi %get3A_710, %and3A_711 : vector<16xi32>
      %mul3A_713 = arith.constant 64 : i32
      %mul3A_714 = vector.broadcast %mul3A_713 : i32 to vector<16xi32>
      %mul3A_715 = arith.muli %and3A_712, %mul3A_714 : vector<16xi32>
      %swap3A = arith.index_cast %mul3A_709 : i32 to index
      %swap3A_716 = tpu.vector_load %arg12[%swap3A] {strides = array<i32>} : memref<64xi32, #tpu.memory_space<vmem>>, vector<16xi32>,
      tpu.vector_store %arg12[%swap3A], %mul3A_715 {strides = array<i32>} : memref<64xi32, #tpu.memory_space<vmem>>, vector<16xi32>,
      %shift_right_logical3A = arith.constant 1 : i32
      %shift_right_logical3A_717 = vector.broadcast %shift_right_logical3A : i32 to vector<16xi32>
      %shift_right_logical3A_718 = arith.shrui %get3A_710, %shift_right_logical3A_717 : vector<16xi32>
      %ge3A = arith.constant 500000 : i32
      %ge3A_719 = vector.broadcast %ge3A : i32 to vector<16xi32>
      %ge3A_720 = arith.cmpi sge, %shift_right_logical3A_718, %ge3A_719 : vector<16xi32>
      %sub3A = arith.constant 500000 : i32
      %sub3A_721 = vector.broadcast %sub3A : i32 to vector<16xi32>
      %sub3A_722 = arith.subi %shift_right_logical3A_718, %sub3A_721 : vector<16xi32>
      %add3A_723 = arith.constant 64 : i32
      %add3A_724 = vector.broadcast %add3A_723 : i32 to vector<16xi32>
      %add3A_725 = arith.addi %add3A_724, %sub3A_722 : vector<16xi32>
      %mul3A_726 = arith.constant 16 : i32
      %mul3A_727 = arith.muli %scan3A_706, %mul3A_726 : i32
      %add3A_728 = vector.broadcast %mul3A_727 : i32 to vector<16xi32>
      %add3A_729 = arith.addi %add3A_728, %iota3A : vector<16xi32>
      %select_n3A = arith.select %ge3A_720, %add3A_725, %add3A_729 : vector<16xi1>, vector<16xi32>
      %swap3A_730 = arith.index_cast %mul3A_709 : i32 to index
      %swap3A_731 = tpu.vector_load %arg13[%swap3A_730] {strides = array<i32>} : memref<64xi32, #tpu.memory_space<vmem>>, vector<16xi32>,
      tpu.vector_store %arg13[%swap3A_730], %select_n3A {strides = array<i32>} : memref<64xi32, #tpu.memory_space<vmem>>, vector<16xi32>,
      %jit3A = arith.constant 0 : i32
      %broadcast_in_dim3A = vector.broadcast %jit3A : i32 to vector<16xi32>
      %select_n3A_732 = arith.select %ge3A_720, %broadcast_in_dim3A, %shift_right_logical3A_718 : vector<16xi1>, vector<16xi32>
      %swap3A_733 = arith.index_cast %mul3A_709 : i32 to index
      %swap3A_734 = tpu.vector_load %arg11[%swap3A_733] {strides = array<i32>} : memref<64xi32, #tpu.memory_space<vmem>>, vector<16xi32>,
      tpu.vector_store %arg11[%swap3A_733], %select_n3A_732 {strides = array<i32>} : memref<64xi32, #tpu.memory_space<vmem>>, vector<16xi32>,
      %scan3A_735 = arith.constant 0 : i32
      scf.yield %scan3A_735 : i32
    }
    %scan3A_536 = arith.constant 4 : i32
    "tpu.region"() ({
      %run_scoped3A = tpu.sem_alloc : memref<!tpu.dma_semaphore, #tpu.memory_space<semaphore_mem>>
      %dma_start3A_706 = tpu.memref_slice %arg3[%add3A_529] : memref<16384xi32, #tpu.memory_space<hbm>> -> memref<64xi32, #tpu.memory_space<hbm>>
      %dma_start3A_707 = tpu.memref_slice %arg3[%add3A_529] : memref<16384xi32, #tpu.memory_space<hbm>> -> memref<64xi32, #tpu.memory_space<hbm>>
      tpu.enqueue_dma source(%dma_start3A_707 : memref<64xi32, #tpu.memory_space<hbm>>) target(%arg14 : memref<64xi32, #tpu.memory_space<vmem>>) target_semaphore(%run_scoped3A : memref<!tpu.dma_semaphore, #tpu.memory_space<semaphore_mem>>)
      %dma_wait3A_708 = tpu.memref_slice %arg3[%add3A_529] : memref<16384xi32, #tpu.memory_space<hbm>> -> memref<64xi32, #tpu.memory_space<hbm>>
      %dma_wait3A_709 = tpu.memref_slice %arg3[%add3A_529] : memref<16384xi32, #tpu.memory_space<hbm>> -> memref<64xi32, #tpu.memory_space<hbm>>
      tpu.wait_dma2 semaphore(%run_scoped3A : memref<!tpu.dma_semaphore, #tpu.memory_space<semaphore_mem>>) src(%dma_wait3A_709 : memref<64xi32, #tpu.memory_space<hbm>>) dst(%arg14 : memref<64xi32, #tpu.memory_space<vmem>>)
      tpu.yield
    }) : () -> ()
    %scan3A_537 = arith.constant 0 : i32
    %scan3A_538 = arith.constant 0 : i32
    %scan3A_539 = arith.constant 4 : i32
    %scan3A_540 = arith.addi %scan3A_538, %scan3A_539 : i32
    %scan3A_541 = arith.constant 1 : i32
    %scan3A_542 = scf.for %scan3A_706 = %scan3A_538 to %scan3A_540 step %scan3A_541 iter_args(%scan3A_707 = %scan3A_537) -> (i32)  : i32 {
      %mul3A_708 = arith.constant 16 : i32
      %mul3A_709 = arith.muli %scan3A_706, %mul3A_708 : i32
      %get3A = arith.index_cast %mul3A_709 : i32 to index
      %get3A_710 = tpu.vector_load %arg14[%get3A] {strides = array<i32>} : memref<64xi32, #tpu.memory_space<vmem>>, vector<16xi32>,
      %and3A = arith.constant 1 : i32
      %and3A_711 = vector.broadcast %and3A : i32 to vector<16xi32>
      %and3A_712 = arith.andi %get3A_710, %and3A_711 : vector<16xi32>
      %mul3A_713 = arith.constant 64 : i32
      %mul3A_714 = vector.broadcast %mul3A_713 : i32 to vector<16xi32>
      %mul3A_715 = arith.muli %and3A_712, %mul3A_714 : vector<16xi32>
      %swap3A = arith.index_cast %mul3A_709 : i32 to index
      %swap3A_716 = tpu.vector_load %arg15[%swap3A] {strides = array<i32>} : memref<64xi32, #tpu.memory_space<vmem>>, vector<16xi32>,
      tpu.vector_store %arg15[%swap3A], %mul3A_715 {strides = array<i32>} : memref<64xi32, #tpu.memory_space<vmem>>, vector<16xi32>,
      %shift_right_logical3A = arith.constant 1 : i32
      %shift_right_logical3A_717 = vector.broadcast %shift_right_logical3A : i32 to vector<16xi32>
      %shift_right_logical3A_718 = arith.shrui %get3A_710, %shift_right_logical3A_717 : vector<16xi32>
      %ge3A = arith.constant 500000 : i32
      %ge3A_719 = vector.broadcast %ge3A : i32 to vector<16xi32>
      %ge3A_720 = arith.cmpi sge, %shift_right_logical3A_718, %ge3A_719 : vector<16xi32>
      %sub3A = arith.constant 500000 : i32
      %sub3A_721 = vector.broadcast %sub3A : i32 to vector<16xi32>
      %sub3A_722 = arith.subi %shift_right_logical3A_718, %sub3A_721 : vector<16xi32>
      %add3A_723 = arith.constant 64 : i32
      %add3A_724 = vector.broadcast %add3A_723 : i32 to vector<16xi32>
      %add3A_725 = arith.addi %add3A_724, %sub3A_722 : vector<16xi32>
      %mul3A_726 = arith.constant 16 : i32
      %mul3A_727 = arith.muli %scan3A_706, %mul3A_726 : i32
      %add3A_728 = vector.broadcast %mul3A_727 : i32 to vector<16xi32>
      %add3A_729 = arith.addi %add3A_728, %iota3A : vector<16xi32>
      %select_n3A = arith.select %ge3A_720, %add3A_725, %add3A_729 : vector<16xi1>, vector<16xi32>
      %swap3A_730 = arith.index_cast %mul3A_709 : i32 to index
      %swap3A_731 = tpu.vector_load %arg16[%swap3A_730] {strides = array<i32>} : memref<64xi32, #tpu.memory_space<vmem>>, vector<16xi32>,
      tpu.vector_store %arg16[%swap3A_730], %select_n3A {strides = array<i32>} : memref<64xi32, #tpu.memory_space<vmem>>, vector<16xi32>,
      %jit3A = arith.constant 0 : i32
      %broadcast_in_dim3A = vector.broadcast %jit3A : i32 to vector<16xi32>
      %select_n3A_732 = arith.select %ge3A_720, %broadcast_in_dim3A, %shift_right_logical3A_718 : vector<16xi1>, vector<16xi32>
      %swap3A_733 = arith.index_cast %mul3A_709 : i32 to index
      %swap3A_734 = tpu.vector_load %arg14[%swap3A_733] {strides = array<i32>} : memref<64xi32, #tpu.memory_space<vmem>>, vector<16xi32>,
      tpu.vector_store %arg14[%swap3A_733], %select_n3A_732 {strides = array<i32>} : memref<64xi32, #tpu.memory_space<vmem>>, vector<16xi32>,
      %scan3A_735 = arith.constant 0 : i32
      scf.yield %scan3A_735 : i32
    }
    %scan3A_543 = arith.constant 4 : i32
    %mul3A_544 = arith.constant 5 : i32
    %mul3A_545 = arith.muli %add3A_529, %mul3A_544 : i32
    "tpu.region"() ({
      %run_scoped3A = tpu.sem_alloc : memref<!tpu.dma_semaphore, #tpu.memory_space<semaphore_mem>>
      %dma_start3A_706 = tpu.memref_slice %arg4[%mul3A_545] : memref<81920xi32, #tpu.memory_space<hbm>> -> memref<320xi32, #tpu.memory_space<hbm>>
      %dma_start3A_707 = tpu.memref_slice %arg4[%mul3A_545] : memref<81920xi32, #tpu.memory_space<hbm>> -> memref<320xi32, #tpu.memory_space<hbm>>
      tpu.enqueue_dma source(%dma_start3A_707 : memref<320xi32, #tpu.memory_space<hbm>>) target(%arg17 : memref<320xi32, #tpu.memory_space<vmem>>) target_semaphore(%run_scoped3A : memref<!tpu.dma_semaphore, #tpu.memory_space<semaphore_mem>>)
      %dma_wait3A_708 = tpu.memref_slice %arg4[%mul3A_545] : memref<81920xi32, #tpu.memory_space<hbm>> -> memref<320xi32, #tpu.memory_space<hbm>>
      %dma_wait3A_709 = tpu.memref_slice %arg4[%mul3A_545] : memref<81920xi32, #tpu.memory_space<hbm>> -> memref<320xi32, #tpu.memory_space<hbm>>
      tpu.wait_dma2 semaphore(%run_scoped3A : memref<!tpu.dma_semaphore, #tpu.memory_space<semaphore_mem>>) src(%dma_wait3A_709 : memref<320xi32, #tpu.memory_space<hbm>>) dst(%arg17 : memref<320xi32, #tpu.memory_space<vmem>>)
      tpu.yield
    }) : () -> ()
    %scan3A_546 = arith.constant 0 : i32
    %scan3A_547 = arith.constant 0 : i32
    %scan3A_548 = arith.constant 20 : i32
    %scan3A_549 = arith.addi %scan3A_547, %scan3A_548 : i32
    %scan3A_550 = arith.constant 1 : i32
    %scan3A_551 = scf.for %scan3A_706 = %scan3A_547 to %scan3A_549 step %scan3A_550 iter_args(%scan3A_707 = %scan3A_546) -> (i32)  : i32 {
      %mul3A_708 = arith.constant 16 : i32
      %mul3A_709 = arith.muli %scan3A_706, %mul3A_708 : i32
      %get3A = arith.index_cast %mul3A_709 : i32 to index
      %get3A_710 = tpu.vector_load %arg17[%get3A] {strides = array<i32>} : memref<320xi32, #tpu.memory_space<vmem>>, vector<16xi32>,
      %and3A = arith.constant 1 : i32
      %and3A_711 = vector.broadcast %and3A : i32 to vector<16xi32>
      %and3A_712 = arith.andi %get3A_710, %and3A_711 : vector<16xi32>
      %mul3A_713 = arith.constant 64 : i32
      %mul3A_714 = vector.broadcast %mul3A_713 : i32 to vector<16xi32>
      %mul3A_715 = arith.muli %and3A_712, %mul3A_714 : vector<16xi32>
      %swap3A = arith.index_cast %mul3A_709 : i32 to index
      %swap3A_716 = tpu.vector_load %arg18[%swap3A] {strides = array<i32>} : memref<320xi32, #tpu.memory_space<vmem>>, vector<16xi32>,
      tpu.vector_store %arg18[%swap3A], %mul3A_715 {strides = array<i32>} : memref<320xi32, #tpu.memory_space<vmem>>, vector<16xi32>,
      %shift_right_logical3A = arith.constant 1 : i32
      %shift_right_logical3A_717 = vector.broadcast %shift_right_logical3A : i32 to vector<16xi32>
      %shift_right_logical3A_718 = arith.shrui %get3A_710, %shift_right_logical3A_717 : vector<16xi32>
      %ge3A = arith.constant 500000 : i32
      %ge3A_719 = vector.broadcast %ge3A : i32 to vector<16xi32>
      %ge3A_720 = arith.cmpi sge, %shift_right_logical3A_718, %ge3A_719 : vector<16xi32>
      %sub3A = arith.constant 500000 : i32
      %sub3A_721 = vector.broadcast %sub3A : i32 to vector<16xi32>
      %sub3A_722 = arith.subi %shift_right_logical3A_718, %sub3A_721 : vector<16xi32>
      %add3A_723 = arith.constant 320 : i32
      %add3A_724 = vector.broadcast %add3A_723 : i32 to vector<16xi32>
      %add3A_725 = arith.addi %add3A_724, %sub3A_722 : vector<16xi32>
      %mul3A_726 = arith.constant 16 : i32
      %mul3A_727 = arith.muli %scan3A_706, %mul3A_726 : i32
      %add3A_728 = vector.broadcast %mul3A_727 : i32 to vector<16xi32>
      %add3A_729 = arith.addi %add3A_728, %iota3A : vector<16xi32>
      %select_n3A = arith.select %ge3A_720, %add3A_725, %add3A_729 : vector<16xi1>, vector<16xi32>
      %swap3A_730 = arith.index_cast %mul3A_709 : i32 to index
      %swap3A_731 = tpu.vector_load %arg19[%swap3A_730] {strides = array<i32>} : memref<320xi32, #tpu.memory_space<vmem>>, vector<16xi32>,
      tpu.vector_store %arg19[%swap3A_730], %select_n3A {strides = array<i32>} : memref<320xi32, #tpu.memory_space<vmem>>, vector<16xi32>,
      %jit3A = arith.constant 0 : i32
      %broadcast_in_dim3A = vector.broadcast %jit3A : i32 to vector<16xi32>
      %select_n3A_732 = arith.select %ge3A_720, %broadcast_in_dim3A, %shift_right_logical3A_718 : vector<16xi1>, vector<16xi32>
      %swap3A_733 = arith.index_cast %mul3A_709 : i32 to index
      %swap3A_734 = tpu.vector_load %arg17[%swap3A_733] {strides = array<i32>} : memref<320xi32, #tpu.memory_space<vmem>>, vector<16xi32>,
      tpu.vector_store %arg17[%swap3A_733], %select_n3A_732 {strides = array<i32>} : memref<320xi32, #tpu.memory_space<vmem>>, vector<16xi32>,
      %scan3A_735 = arith.constant 0 : i32
      scf.yield %scan3A_735 : i32
    }
    %scan3A_552 = arith.constant 20 : i32
    %dma_start3A_553 = arith.constant 0 : i32
    %dma_start3A_554 = arith.constant 0 : i32
    %dma_start3A_555 = tpu.memref_slice %arg20[%dma_start3A_553, %dma_start3A_554] : memref<96x128xf32, #tpu.memory_space<vmem>> -> memref<64x128xf32, #tpu.memory_space<vmem>>
    %dma_start3A_556 = arith.constant 0 : i32
    %dma_start3A_557 = arith.constant 0 : i32
    %dma_start3A_558 = tpu.memref_slice %arg5[%dma_start3A_556, %dma_start3A_557] : memref<500000x128xf32, #tpu.memory_space<hbm>> -> memref<500000x128xf32, #tpu.memory_space<hbm>>
    tpu.enqueue_indirect_dma source(%dma_start3A_558 : memref<500000x128xf32, #tpu.memory_space<hbm>>) target(%dma_start3A_555 : memref<64x128xf32, #tpu.memory_space<vmem>>) offsets(%arg11 : memref<64xi32, #tpu.memory_space<vmem>>) semaphore(%arg25 : memref<!tpu.dma_semaphore, #tpu.memory_space<semaphore_mem>>)
    %dma_start3A_559 = arith.constant 0 : i32
    %dma_start3A_560 = arith.constant 0 : i32
    %dma_start3A_561 = tpu.memref_slice %arg21[%dma_start3A_559, %dma_start3A_560] : memref<96x128xf32, #tpu.memory_space<vmem>> -> memref<64x128xf32, #tpu.memory_space<vmem>>
    %dma_start3A_562 = arith.constant 0 : i32
    %dma_start3A_563 = arith.constant 0 : i32
    %dma_start3A_564 = tpu.memref_slice %arg6[%dma_start3A_562, %dma_start3A_563] : memref<500000x128xf32, #tpu.memory_space<hbm>> -> memref<500000x128xf32, #tpu.memory_space<hbm>>
    tpu.enqueue_indirect_dma source(%dma_start3A_564 : memref<500000x128xf32, #tpu.memory_space<hbm>>) target(%dma_start3A_561 : memref<64x128xf32, #tpu.memory_space<vmem>>) offsets(%arg14 : memref<64xi32, #tpu.memory_space<vmem>>) semaphore(%arg25 : memref<!tpu.dma_semaphore, #tpu.memory_space<semaphore_mem>>)
    %dma_start3A_565 = arith.constant 0 : i32
    %dma_start3A_566 = arith.constant 0 : i32
    %dma_start3A_567 = tpu.memref_slice %arg22[%dma_start3A_565, %dma_start3A_566] : memref<352x128xf32, #tpu.memory_space<vmem>> -> memref<128x128xf32, #tpu.memory_space<vmem>>
    %dma_start3A_568 = arith.constant 0 : i32
    %dma_start3A_569 = tpu.memref_slice %arg17[%dma_start3A_568] : memref<320xi32, #tpu.memory_space<vmem>> -> memref<128xi32, #tpu.memory_space<vmem>>
    %dma_start3A_570 = arith.constant 0 : i32
    %dma_start3A_571 = arith.constant 0 : i32
    %dma_start3A_572 = tpu.memref_slice %arg6[%dma_start3A_570, %dma_start3A_571] : memref<500000x128xf32, #tpu.memory_space<hbm>> -> memref<500000x128xf32, #tpu.memory_space<hbm>>
    tpu.enqueue_indirect_dma source(%dma_start3A_572 : memref<500000x128xf32, #tpu.memory_space<hbm>>) target(%dma_start3A_567 : memref<128x128xf32, #tpu.memory_space<vmem>>) offsets(%dma_start3A_569 : memref<128xi32, #tpu.memory_space<vmem>>) semaphore(%arg25 : memref<!tpu.dma_semaphore, #tpu.memory_space<semaphore_mem>>)
    %dma_start3A_573 = arith.constant 128 : i32
    %dma_start3A_574 = arith.constant 0 : i32
    %dma_start3A_575 = tpu.memref_slice %arg22[%dma_start3A_573, %dma_start3A_574] : memref<352x128xf32, #tpu.memory_space<vmem>> -> memref<128x128xf32, #tpu.memory_space<vmem>>
    %dma_start3A_576 = arith.constant 128 : i32
    %dma_start3A_577 = tpu.memref_slice %arg17[%dma_start3A_576] : memref<320xi32, #tpu.memory_space<vmem>> -> memref<128xi32, #tpu.memory_space<vmem>>
    %dma_start3A_578 = arith.constant 0 : i32
    %dma_start3A_579 = arith.constant 0 : i32
    %dma_start3A_580 = tpu.memref_slice %arg6[%dma_start3A_578, %dma_start3A_579] : memref<500000x128xf32, #tpu.memory_space<hbm>> -> memref<500000x128xf32, #tpu.memory_space<hbm>>
    tpu.enqueue_indirect_dma source(%dma_start3A_580 : memref<500000x128xf32, #tpu.memory_space<hbm>>) target(%dma_start3A_575 : memref<128x128xf32, #tpu.memory_space<vmem>>) offsets(%dma_start3A_577 : memref<128xi32, #tpu.memory_space<vmem>>) semaphore(%arg25 : memref<!tpu.dma_semaphore, #tpu.memory_space<semaphore_mem>>)
    %dma_wait3A_581 = arith.constant 0 : i32
    %dma_wait3A_582 = arith.constant 0 : i32
    %dma_wait3A_583 = tpu.memref_slice %arg20[%dma_wait3A_581, %dma_wait3A_582] : memref<96x128xf32, #tpu.memory_space<vmem>> -> memref<64x128xf32, #tpu.memory_space<vmem>>
    %dma_wait3A_584 = arith.constant 0 : i32
    %dma_wait3A_585 = arith.constant 0 : i32
    %dma_wait3A_586 = tpu.memref_slice %arg5[%dma_wait3A_584, %dma_wait3A_585] : memref<500000x128xf32, #tpu.memory_space<hbm>> -> memref<500000x128xf32, #tpu.memory_space<hbm>>
    tpu.wait_indirect_dma semaphore(%arg25 : memref<!tpu.dma_semaphore, #tpu.memory_space<semaphore_mem>>) src(%dma_wait3A_586 : memref<500000x128xf32, #tpu.memory_space<hbm>>) dst(%dma_wait3A_583 : memref<64x128xf32, #tpu.memory_space<vmem>>)
    %dma_wait3A_587 = arith.constant 0 : i32
    %dma_wait3A_588 = arith.constant 0 : i32
    %dma_wait3A_589 = tpu.memref_slice %arg21[%dma_wait3A_587, %dma_wait3A_588] : memref<96x128xf32, #tpu.memory_space<vmem>> -> memref<64x128xf32, #tpu.memory_space<vmem>>
    %dma_wait3A_590 = arith.constant 0 : i32
    %dma_wait3A_591 = arith.constant 0 : i32
    %dma_wait3A_592 = tpu.memref_slice %arg6[%dma_wait3A_590, %dma_wait3A_591] : memref<500000x128xf32, #tpu.memory_space<hbm>> -> memref<500000x128xf32, #tpu.memory_space<hbm>>
    tpu.wait_indirect_dma semaphore(%arg25 : memref<!tpu.dma_semaphore, #tpu.memory_space<semaphore_mem>>) src(%dma_wait3A_592 : memref<500000x128xf32, #tpu.memory_space<hbm>>) dst(%dma_wait3A_589 : memref<64x128xf32, #tpu.memory_space<vmem>>)
    %dma_wait3A_593 = arith.constant 0 : i32
    %dma_wait3A_594 = arith.constant 0 : i32
    %dma_wait3A_595 = tpu.memref_slice %arg22[%dma_wait3A_593, %dma_wait3A_594] : memref<352x128xf32, #tpu.memory_space<vmem>> -> memref<128x128xf32, #tpu.memory_space<vmem>>
    %dma_wait3A_596 = arith.constant 0 : i32
    %dma_wait3A_597 = tpu.memref_slice %arg17[%dma_wait3A_596] : memref<320xi32, #tpu.memory_space<vmem>> -> memref<128xi32, #tpu.memory_space<vmem>>
    %dma_wait3A_598 = arith.constant 0 : i32
    %dma_wait3A_599 = arith.constant 0 : i32
    %dma_wait3A_600 = tpu.memref_slice %arg6[%dma_wait3A_598, %dma_wait3A_599] : memref<500000x128xf32, #tpu.memory_space<hbm>> -> memref<500000x128xf32, #tpu.memory_space<hbm>>
    tpu.wait_indirect_dma semaphore(%arg25 : memref<!tpu.dma_semaphore, #tpu.memory_space<semaphore_mem>>) src(%dma_wait3A_600 : memref<500000x128xf32, #tpu.memory_space<hbm>>) dst(%dma_wait3A_595 : memref<128x128xf32, #tpu.memory_space<vmem>>)
    %dma_wait3A_601 = arith.constant 128 : i32
    %dma_wait3A_602 = arith.constant 0 : i32
    %dma_wait3A_603 = tpu.memref_slice %arg22[%dma_wait3A_601, %dma_wait3A_602] : memref<352x128xf32, #tpu.memory_space<vmem>> -> memref<128x128xf32, #tpu.memory_space<vmem>>
    %dma_wait3A_604 = arith.constant 128 : i32
    %dma_wait3A_605 = tpu.memref_slice %arg17[%dma_wait3A_604] : memref<320xi32, #tpu.memory_space<vmem>> -> memref<128xi32, #tpu.memory_space<vmem>>
    %dma_wait3A_606 = arith.constant 0 : i32
    %dma_wait3A_607 = arith.constant 0 : i32
    %dma_wait3A_608 = tpu.memref_slice %arg6[%dma_wait3A_606, %dma_wait3A_607] : memref<500000x128xf32, #tpu.memory_space<hbm>> -> memref<500000x128xf32, #tpu.memory_space<hbm>>
    tpu.wait_indirect_dma semaphore(%arg25 : memref<!tpu.dma_semaphore, #tpu.memory_space<semaphore_mem>>) src(%dma_wait3A_608 : memref<500000x128xf32, #tpu.memory_space<hbm>>) dst(%dma_wait3A_603 : memref<128x128xf32, #tpu.memory_space<vmem>>)
    %scan3A_609 = arith.constant 0 : i32
    %scan3A_610 = arith.constant 0 : i32
    %scan3A_611 = arith.constant 4 : i32
    %scan3A_612 = arith.addi %scan3A_610, %scan3A_611 : i32
    %scan3A_613 = arith.constant 1 : i32
    %scan3A_614 = scf.for %scan3A_706 = %scan3A_610 to %scan3A_612 step %scan3A_613 iter_args(%scan3A_707 = %scan3A_609) -> (i32)  : i32 {
      %mul3A_708 = arith.constant 16 : i32
      %mul3A_709 = arith.muli %scan3A_706, %mul3A_708 : i32
      %get3A = arith.index_cast %mul3A_709 : i32 to index
      %get3A_710 = tpu.vector_load %arg13[%get3A] {strides = array<i32>} : memref<64xi32, #tpu.memory_space<vmem>>, vector<16xi32>,
      %mul3A_711 = arith.constant 16 : i32
      %mul3A_712 = arith.muli %scan3A_706, %mul3A_711 : i32
      %get3A_713 = arith.index_cast %mul3A_712 : i32 to index
      %get3A_714 = tpu.vector_load %arg16[%get3A_713] {strides = array<i32>} : memref<64xi32, #tpu.memory_space<vmem>>, vector<16xi32>,
      %mul3A_715 = arith.constant 16 : i32
      %mul3A_716 = arith.muli %scan3A_706, %mul3A_715 : i32
      %get3A_717 = arith.index_cast %mul3A_716 : i32 to index
      %get3A_718 = tpu.vector_load %arg12[%get3A_717] {strides = array<i32>} : memref<64xi32, #tpu.memory_space<vmem>>, vector<16xi32>,
      %mul3A_719 = arith.constant 16 : i32
      %mul3A_720 = arith.muli %scan3A_706, %mul3A_719 : i32
      %get3A_721 = arith.index_cast %mul3A_720 : i32 to index
      %get3A_722 = tpu.vector_load %arg15[%get3A_721] {strides = array<i32>} : memref<64xi32, #tpu.memory_space<vmem>>, vector<16xi32>,
      %mul3A_723 = arith.constant 16 : i32
      %mul3A_724 = arith.muli %scan3A_706, %mul3A_723 : i32
      %add3A_725 = vector.broadcast %mul3A_724 : i32 to vector<16xi32>
      %add3A_726 = arith.addi %add3A_725, %iota3A : vector<16xi32>
      %mul3A_727 = arith.constant 5 : i32
      %mul3A_728 = vector.broadcast %mul3A_727 : i32 to vector<16xi32>
      %mul3A_729 = arith.muli %add3A_726, %mul3A_728 : vector<16xi32>
      %add3A_730 = arith.constant 0 : i32
      %add3A_731 = vector.broadcast %add3A_730 : i32 to vector<16xi32>
      %add3A_732 = arith.addi %mul3A_729, %add3A_731 : vector<16xi32>
      %gather3A = tpu.vector_load_idx %arg19[%add3A_732] : memref<320xi32, #tpu.memory_space<vmem>>[vector<16xi32>], vector<16xi32>,
      %mul3A_733 = arith.constant 5 : i32
      %mul3A_734 = vector.broadcast %mul3A_733 : i32 to vector<16xi32>
      %mul3A_735 = arith.muli %add3A_726, %mul3A_734 : vector<16xi32>
      %add3A_736 = arith.constant 1 : i32
      %add3A_737 = vector.broadcast %add3A_736 : i32 to vector<16xi32>
      %add3A_738 = arith.addi %mul3A_735, %add3A_737 : vector<16xi32>
      %gather3A_739 = tpu.vector_load_idx %arg19[%add3A_738] : memref<320xi32, #tpu.memory_space<vmem>>[vector<16xi32>], vector<16xi32>,
      %mul3A_740 = arith.constant 5 : i32
      %mul3A_741 = vector.broadcast %mul3A_740 : i32 to vector<16xi32>
      %mul3A_742 = arith.muli %add3A_726, %mul3A_741 : vector<16xi32>
      %add3A_743 = arith.constant 2 : i32
      %add3A_744 = vector.broadcast %add3A_743 : i32 to vector<16xi32>
      %add3A_745 = arith.addi %mul3A_742, %add3A_744 : vector<16xi32>
      %gather3A_746 = tpu.vector_load_idx %arg19[%add3A_745] : memref<320xi32, #tpu.memory_space<vmem>>[vector<16xi32>], vector<16xi32>,
      %mul3A_747 = arith.constant 5 : i32
      %mul3A_748 = vector.broadcast %mul3A_747 : i32 to vector<16xi32>
      %mul3A_749 = arith.muli %add3A_726, %mul3A_748 : vector<16xi32>
      %add3A_750 = arith.constant 3 : i32
      %add3A_751 = vector.broadcast %add3A_750 : i32 to vector<16xi32>
      %add3A_752 = arith.addi %mul3A_749, %add3A_751 : vector<16xi32>
      %gather3A_753 = tpu.vector_load_idx %arg19[%add3A_752] : memref<320xi32, #tpu.memory_space<vmem>>[vector<16xi32>], vector<16xi32>,
      %mul3A_754 = arith.constant 5 : i32
      %mul3A_755 = vector.broadcast %mul3A_754 : i32 to vector<16xi32>
      %mul3A_756 = arith.muli %add3A_726, %mul3A_755 : vector<16xi32>
      %add3A_757 = arith.constant 4 : i32
      %add3A_758 = vector.broadcast %add3A_757 : i32 to vector<16xi32>
      %add3A_759 = arith.addi %mul3A_756, %add3A_758 : vector<16xi32>
      %gather3A_760 = tpu.vector_load_idx %arg19[%add3A_759] : memref<320xi32, #tpu.memory_space<vmem>>[vector<16xi32>], vector<16xi32>,
      %mul3A_761 = arith.constant 5 : i32
      %mul3A_762 = vector.broadcast %mul3A_761 : i32 to vector<16xi32>
      %mul3A_763 = arith.muli %add3A_726, %mul3A_762 : vector<16xi32>
      %add3A_764 = arith.constant 0 : i32
      %add3A_765 = vector.broadcast %add3A_764 : i32 to vector<16xi32>
      %add3A_766 = arith.addi %mul3A_763, %add3A_765 : vector<16xi32>
      %gather3A_767 = tpu.vector_load_idx %arg18[%add3A_766] : memref<320xi32, #tpu.memory_space<vmem>>[vector<16xi32>], vector<16xi32>,
      %mul3A_768 = arith.constant 5 : i32
      %mul3A_769 = vector.broadcast %mul3A_768 : i32 to vector<16xi32>
      %mul3A_770 = arith.muli %add3A_726, %mul3A_769 : vector<16xi32>
      %add3A_771 = arith.constant 1 : i32
      %add3A_772 = vector.broadcast %add3A_771 : i32 to vector<16xi32>
      %add3A_773 = arith.addi %mul3A_770, %add3A_772 : vector<16xi32>
      %gather3A_774 = tpu.vector_load_idx %arg18[%add3A_773] : memref<320xi32, #tpu.memory_space<vmem>>[vector<16xi32>], vector<16xi32>,
      %mul3A_775 = arith.constant 5 : i32
      %mul3A_776 = vector.broadcast %mul3A_775 : i32 to vector<16xi32>
      %mul3A_777 = arith.muli %add3A_726, %mul3A_776 : vector<16xi32>
      %add3A_778 = arith.constant 2 : i32
      %add3A_779 = vector.broadcast %add3A_778 : i32 to vector<16xi32>
      %add3A_780 = arith.addi %mul3A_777, %add3A_779 : vector<16xi32>
      %gather3A_781 = tpu.vector_load_idx %arg18[%add3A_780] : memref<320xi32, #tpu.memory_space<vmem>>[vector<16xi32>], vector<16xi32>,
      %mul3A_782 = arith.constant 5 : i32
      %mul3A_783 = vector.broadcast %mul3A_782 : i32 to vector<16xi32>
      %mul3A_784 = arith.muli %add3A_726, %mul3A_783 : vector<16xi32>
      %add3A_785 = arith.constant 3 : i32
      %add3A_786 = vector.broadcast %add3A_785 : i32 to vector<16xi32>
      %add3A_787 = arith.addi %mul3A_784, %add3A_786 : vector<16xi32>
      %gather3A_788 = tpu.vector_load_idx %arg18[%add3A_787] : memref<320xi32, #tpu.memory_space<vmem>>[vector<16xi32>], vector<16xi32>,
      %mul3A_789 = arith.constant 5 : i32
      %mul3A_790 = vector.broadcast %mul3A_789 : i32 to vector<16xi32>
      %mul3A_791 = arith.muli %add3A_726, %mul3A_790 : vector<16xi32>
      %add3A_792 = arith.constant 4 : i32
      %add3A_793 = vector.broadcast %add3A_792 : i32 to vector<16xi32>
      %add3A_794 = arith.addi %mul3A_791, %add3A_793 : vector<16xi32>
      %gather3A_795 = tpu.vector_load_idx %arg18[%add3A_794] : memref<320xi32, #tpu.memory_space<vmem>>[vector<16xi32>], vector<16xi32>,
      %broadcast_in_dim3A = arith.constant 0.000000e+00 : f32
      %broadcast_in_dim3A_796 = vector.broadcast %broadcast_in_dim3A : f32 to vector<16xf32>
      %scan3A_797 = arith.constant 0 : i32
      %scan3A_798 = arith.constant 64 : i32
      %scan3A_799 = arith.addi %scan3A_797, %scan3A_798 : i32
      %scan3A_800 = arith.constant 1 : i32
      %scan3A_801:6 = scf.for %scan3A_850 = %scan3A_797 to %scan3A_799 step %scan3A_800 iter_args(%scan3A_851 = %broadcast_in_dim3A_796, %scan3A_852 = %broadcast_in_dim3A_796, %scan3A_853 = %broadcast_in_dim3A_796, %scan3A_854 = %broadcast_in_dim3A_796, %scan3A_855 = %broadcast_in_dim3A_796, %scan3A_856 = %broadcast_in_dim3A_796) -> (vector<16xf32>, vector<16xf32>, vector<16xf32>, vector<16xf32>, vector<16xf32>, vector<16xf32>)  : i32 {
        %add3A_857 = vector.broadcast %scan3A_850 : i32 to vector<16xi32>
        %add3A_858 = arith.addi %get3A_718, %add3A_857 : vector<16xi32>
        %gather3A_859 = tpu.vector_load_idx %arg20[%get3A_710, %add3A_858] : memref<96x128xf32, #tpu.memory_space<vmem>>[vector<16xi32>, vector<16xi32>], vector<16xf32>,
        %add3A_860 = vector.broadcast %scan3A_850 : i32 to vector<16xi32>
        %add3A_861 = arith.addi %get3A_722, %add3A_860 : vector<16xi32>
        %gather3A_862 = tpu.vector_load_idx %arg21[%get3A_714, %add3A_861] : memref<96x128xf32, #tpu.memory_space<vmem>>[vector<16xi32>, vector<16xi32>], vector<16xf32>,
        %mul3A_863 = arith.mulf %gather3A_859, %gather3A_862 : vector<16xf32>
        %add3A_864 = arith.addf %scan3A_851, %mul3A_863 : vector<16xf32>
        %add3A_865 = vector.broadcast %scan3A_850 : i32 to vector<16xi32>
        %add3A_866 = arith.addi %gather3A_767, %add3A_865 : vector<16xi32>
        %gather3A_867 = tpu.vector_load_idx %arg22[%gather3A, %add3A_866] : memref<352x128xf32, #tpu.memory_space<vmem>>[vector<16xi32>, vector<16xi32>], vector<16xf32>,
        %mul3A_868 = arith.mulf %gather3A_859, %gather3A_867 : vector<16xf32>
        %add3A_869 = arith.addf %scan3A_852, %mul3A_868 : vector<16xf32>
        %add3A_870 = vector.broadcast %scan3A_850 : i32 to vector<16xi32>
        %add3A_871 = arith.addi %gather3A_774, %add3A_870 : vector<16xi32>
        %gather3A_872 = tpu.vector_load_idx %arg22[%gather3A_739, %add3A_871] : memref<352x128xf32, #tpu.memory_space<vmem>>[vector<16xi32>, vector<16xi32>], vector<16xf32>,
        %mul3A_873 = arith.mulf %gather3A_859, %gather3A_872 : vector<16xf32>
        %add3A_874 = arith.addf %scan3A_853, %mul3A_873 : vector<16xf32>
        %add3A_875 = vector.broadcast %scan3A_850 : i32 to vector<16xi32>
        %add3A_876 = arith.addi %gather3A_781, %add3A_875 : vector<16xi32>
        %gather3A_877 = tpu.vector_load_idx %arg22[%gather3A_746, %add3A_876] : memref<352x128xf32, #tpu.memory_space<vmem>>[vector<16xi32>, vector<16xi32>], vector<16xf32>,
        %mul3A_878 = arith.mulf %gather3A_859, %gather3A_877 : vector<16xf32>
        %add3A_879 = arith.addf %scan3A_854, %mul3A_878 : vector<16xf32>
        %add3A_880 = vector.broadcast %scan3A_850 : i32 to vector<16xi32>
        %add3A_881 = arith.addi %gather3A_788, %add3A_880 : vector<16xi32>
        %gather3A_882 = tpu.vector_load_idx %arg22[%gather3A_753, %add3A_881] : memref<352x128xf32, #tpu.memory_space<vmem>>[vector<16xi32>, vector<16xi32>], vector<16xf32>,
        %mul3A_883 = arith.mulf %gather3A_859, %gather3A_882 : vector<16xf32>
        %add3A_884 = arith.addf %scan3A_855, %mul3A_883 : vector<16xf32>
        %add3A_885 = vector.broadcast %scan3A_850 : i32 to vector<16xi32>
        %add3A_886 = arith.addi %gather3A_795, %add3A_885 : vector<16xi32>
        %gather3A_887 = tpu.vector_load_idx %arg22[%gather3A_760, %add3A_886] : memref<352x128xf32, #tpu.memory_space<vmem>>[vector<16xi32>, vector<16xi32>], vector<16xf32>,
        %mul3A_888 = arith.mulf %gather3A_859, %gather3A_887 : vector<16xf32>
        %add3A_889 = arith.addf %scan3A_856, %mul3A_888 : vector<16xf32>
        scf.yield %add3A_864, %add3A_869, %add3A_874, %add3A_879, %add3A_884, %add3A_889 : vector<16xf32>, vector<16xf32>, vector<16xf32>, vector<16xf32>, vector<16xf32>, vector<16xf32>
      }
      %scan3A_802 = arith.constant 64 : i32
      %mul3A_803 = arith.constant 16 : i32
      %mul3A_804 = arith.muli %scan3A_706, %mul3A_803 : i32
      %add3A_805 = arith.constant 384 : i32
      %add3A_806 = arith.addi %add3A_805, %mul3A_804 : i32
      %add3A_807 = vector.broadcast %add3A_806 : i32 to vector<16xi32>
      %add3A_808 = arith.addi %add3A_807, %iota3A : vector<16xi32>
      tpu.vector_store_idx %arg23[%add3A_808], %scan3A_801#0 : memref<512xf32, #tpu.memory_space<vmem>>[vector<16xi32>], vector<16xf32>,
      %add3A_809 = vector.broadcast %add3A_806 : i32 to vector<16xi32>
      %add3A_810 = arith.addi %add3A_809, %iota3A : vector<16xi32>
      %mul3A_811 = arith.constant 5 : i32
      %mul3A_812 = vector.broadcast %mul3A_811 : i32 to vector<16xi32>
      %mul3A_813 = arith.muli %add3A_810, %mul3A_812 : vector<16xi32>
      %add3A_814 = arith.constant 0 : i32
      %add3A_815 = vector.broadcast %add3A_814 : i32 to vector<16xi32>
      %add3A_816 = arith.addi %mul3A_813, %add3A_815 : vector<16xi32>
      tpu.vector_store_idx %arg24[%add3A_816], %scan3A_801#1 : memref<2560xf32, #tpu.memory_space<vmem>>[vector<16xi32>], vector<16xf32>,
      %add3A_817 = vector.broadcast %add3A_806 : i32 to vector<16xi32>
      %add3A_818 = arith.addi %add3A_817, %iota3A : vector<16xi32>
      %mul3A_819 = arith.constant 5 : i32
      %mul3A_820 = vector.broadcast %mul3A_819 : i32 to vector<16xi32>
      %mul3A_821 = arith.muli %add3A_818, %mul3A_820 : vector<16xi32>
      %add3A_822 = arith.constant 1 : i32
      %add3A_823 = vector.broadcast %add3A_822 : i32 to vector<16xi32>
      %add3A_824 = arith.addi %mul3A_821, %add3A_823 : vector<16xi32>
      tpu.vector_store_idx %arg24[%add3A_824], %scan3A_801#2 : memref<2560xf32, #tpu.memory_space<vmem>>[vector<16xi32>], vector<16xf32>,
      %add3A_825 = vector.broadcast %add3A_806 : i32 to vector<16xi32>
      %add3A_826 = arith.addi %add3A_825, %iota3A : vector<16xi32>
      %mul3A_827 = arith.constant 5 : i32
      %mul3A_828 = vector.broadcast %mul3A_827 : i32 to vector<16xi32>
      %mul3A_829 = arith.muli %add3A_826, %mul3A_828 : vector<16xi32>
      %add3A_830 = arith.constant 2 : i32
      %add3A_831 = vector.broadcast %add3A_830 : i32 to vector<16xi32>
      %add3A_832 = arith.addi %mul3A_829, %add3A_831 : vector<16xi32>
      tpu.vector_store_idx %arg24[%add3A_832], %scan3A_801#3 : memref<2560xf32, #tpu.memory_space<vmem>>[vector<16xi32>], vector<16xf32>,
      %add3A_833 = vector.broadcast %add3A_806 : i32 to vector<16xi32>
      %add3A_834 = arith.addi %add3A_833, %iota3A : vector<16xi32>
      %mul3A_835 = arith.constant 5 : i32
      %mul3A_836 = vector.broadcast %mul3A_835 : i32 to vector<16xi32>
      %mul3A_837 = arith.muli %add3A_834, %mul3A_836 : vector<16xi32>
      %add3A_838 = arith.constant 3 : i32
      %add3A_839 = vector.broadcast %add3A_838 : i32 to vector<16xi32>
      %add3A_840 = arith.addi %mul3A_837, %add3A_839 : vector<16xi32>
      tpu.vector_store_idx %arg24[%add3A_840], %scan3A_801#4 : memref<2560xf32, #tpu.memory_space<vmem>>[vector<16xi32>], vector<16xf32>,
      %add3A_841 = vector.broadcast %add3A_806 : i32 to vector<16xi32>
      %add3A_842 = arith.addi %add3A_841, %iota3A : vector<16xi32>
      %mul3A_843 = arith.constant 5 : i32
      %mul3A_844 = vector.broadcast %mul3A_843 : i32 to vector<16xi32>
      %mul3A_845 = arith.muli %add3A_842, %mul3A_844 : vector<16xi32>
      %add3A_846 = arith.constant 4 : i32
      %add3A_847 = vector.broadcast %add3A_846 : i32 to vector<16xi32>
      %add3A_848 = arith.addi %mul3A_845, %add3A_847 : vector<16xi32>
      tpu.vector_store_idx %arg24[%add3A_848], %scan3A_801#5 : memref<2560xf32, #tpu.memory_space<vmem>>[vector<16xi32>], vector<16xf32>,
      %scan3A_849 = arith.constant 0 : i32
      scf.yield %scan3A_849 : i32
    }
    %scan3A_615 = arith.constant 4 : i32
    %add3A_616 = arith.constant 448 : i32
    %add3A_617 = arith.addi %mul3A_2, %add3A_616 : i32
    "tpu.region"() ({
      %run_scoped3A = tpu.sem_alloc : memref<!tpu.dma_semaphore, #tpu.memory_space<semaphore_mem>>
      %dma_start3A_706 = tpu.memref_slice %arg2[%add3A_617] : memref<16384xi32, #tpu.memory_space<hbm>> -> memref<64xi32, #tpu.memory_space<hbm>>
      %dma_start3A_707 = tpu.memref_slice %arg2[%add3A_617] : memref<16384xi32, #tpu.memory_space<hbm>> -> memref<64xi32, #tpu.memory_space<hbm>>
      tpu.enqueue_dma source(%dma_start3A_707 : memref<64xi32, #tpu.memory_space<hbm>>) target(%arg11 : memref<64xi32, #tpu.memory_space<vmem>>) target_semaphore(%run_scoped3A : memref<!tpu.dma_semaphore, #tpu.memory_space<semaphore_mem>>)
      %dma_wait3A_708 = tpu.memref_slice %arg2[%add3A_617] : memref<16384xi32, #tpu.memory_space<hbm>> -> memref<64xi32, #tpu.memory_space<hbm>>
      %dma_wait3A_709 = tpu.memref_slice %arg2[%add3A_617] : memref<16384xi32, #tpu.memory_space<hbm>> -> memref<64xi32, #tpu.memory_space<hbm>>
      tpu.wait_dma2 semaphore(%run_scoped3A : memref<!tpu.dma_semaphore, #tpu.memory_space<semaphore_mem>>) src(%dma_wait3A_709 : memref<64xi32, #tpu.memory_space<hbm>>) dst(%arg11 : memref<64xi32, #tpu.memory_space<vmem>>)
      tpu.yield
    }) : () -> ()
    %scan3A_618 = arith.constant 0 : i32
    %scan3A_619 = arith.constant 0 : i32
    %scan3A_620 = arith.constant 4 : i32
    %scan3A_621 = arith.addi %scan3A_619, %scan3A_620 : i32
    %scan3A_622 = arith.constant 1 : i32
    %scan3A_623 = scf.for %scan3A_706 = %scan3A_619 to %scan3A_621 step %scan3A_622 iter_args(%scan3A_707 = %scan3A_618) -> (i32)  : i32 {
      %mul3A_708 = arith.constant 16 : i32
      %mul3A_709 = arith.muli %scan3A_706, %mul3A_708 : i32
      %get3A = arith.index_cast %mul3A_709 : i32 to index
      %get3A_710 = tpu.vector_load %arg11[%get3A] {strides = array<i32>} : memref<64xi32, #tpu.memory_space<vmem>>, vector<16xi32>,
      %and3A = arith.constant 1 : i32
      %and3A_711 = vector.broadcast %and3A : i32 to vector<16xi32>
      %and3A_712 = arith.andi %get3A_710, %and3A_711 : vector<16xi32>
      %mul3A_713 = arith.constant 64 : i32
      %mul3A_714 = vector.broadcast %mul3A_713 : i32 to vector<16xi32>
      %mul3A_715 = arith.muli %and3A_712, %mul3A_714 : vector<16xi32>
      %swap3A = arith.index_cast %mul3A_709 : i32 to index
      %swap3A_716 = tpu.vector_load %arg12[%swap3A] {strides = array<i32>} : memref<64xi32, #tpu.memory_space<vmem>>, vector<16xi32>,
      tpu.vector_store %arg12[%swap3A], %mul3A_715 {strides = array<i32>} : memref<64xi32, #tpu.memory_space<vmem>>, vector<16xi32>,
      %shift_right_logical3A = arith.constant 1 : i32
      %shift_right_logical3A_717 = vector.broadcast %shift_right_logical3A : i32 to vector<16xi32>
      %shift_right_logical3A_718 = arith.shrui %get3A_710, %shift_right_logical3A_717 : vector<16xi32>
      %ge3A = arith.constant 500000 : i32
      %ge3A_719 = vector.broadcast %ge3A : i32 to vector<16xi32>
      %ge3A_720 = arith.cmpi sge, %shift_right_logical3A_718, %ge3A_719 : vector<16xi32>
      %sub3A = arith.constant 500000 : i32
      %sub3A_721 = vector.broadcast %sub3A : i32 to vector<16xi32>
      %sub3A_722 = arith.subi %shift_right_logical3A_718, %sub3A_721 : vector<16xi32>
      %add3A_723 = arith.constant 64 : i32
      %add3A_724 = vector.broadcast %add3A_723 : i32 to vector<16xi32>
      %add3A_725 = arith.addi %add3A_724, %sub3A_722 : vector<16xi32>
      %mul3A_726 = arith.constant 16 : i32
      %mul3A_727 = arith.muli %scan3A_706, %mul3A_726 : i32
      %add3A_728 = vector.broadcast %mul3A_727 : i32 to vector<16xi32>
      %add3A_729 = arith.addi %add3A_728, %iota3A : vector<16xi32>
      %select_n3A = arith.select %ge3A_720, %add3A_725, %add3A_729 : vector<16xi1>, vector<16xi32>
      %swap3A_730 = arith.index_cast %mul3A_709 : i32 to index
      %swap3A_731 = tpu.vector_load %arg13[%swap3A_730] {strides = array<i32>} : memref<64xi32, #tpu.memory_space<vmem>>, vector<16xi32>,
      tpu.vector_store %arg13[%swap3A_730], %select_n3A {strides = array<i32>} : memref<64xi32, #tpu.memory_space<vmem>>, vector<16xi32>,
      %jit3A = arith.constant 0 : i32
      %broadcast_in_dim3A = vector.broadcast %jit3A : i32 to vector<16xi32>
      %select_n3A_732 = arith.select %ge3A_720, %broadcast_in_dim3A, %shift_right_logical3A_718 : vector<16xi1>, vector<16xi32>
      %swap3A_733 = arith.index_cast %mul3A_709 : i32 to index
      %swap3A_734 = tpu.vector_load %arg11[%swap3A_733] {strides = array<i32>} : memref<64xi32, #tpu.memory_space<vmem>>, vector<16xi32>,
      tpu.vector_store %arg11[%swap3A_733], %select_n3A_732 {strides = array<i32>} : memref<64xi32, #tpu.memory_space<vmem>>, vector<16xi32>,
      %scan3A_735 = arith.constant 0 : i32
      scf.yield %scan3A_735 : i32
    }
    %scan3A_624 = arith.constant 4 : i32
    "tpu.region"() ({
      %run_scoped3A = tpu.sem_alloc : memref<!tpu.dma_semaphore, #tpu.memory_space<semaphore_mem>>
      %dma_start3A_706 = tpu.memref_slice %arg3[%add3A_617] : memref<16384xi32, #tpu.memory_space<hbm>> -> memref<64xi32, #tpu.memory_space<hbm>>
      %dma_start3A_707 = tpu.memref_slice %arg3[%add3A_617] : memref<16384xi32, #tpu.memory_space<hbm>> -> memref<64xi32, #tpu.memory_space<hbm>>
      tpu.enqueue_dma source(%dma_start3A_707 : memref<64xi32, #tpu.memory_space<hbm>>) target(%arg14 : memref<64xi32, #tpu.memory_space<vmem>>) target_semaphore(%run_scoped3A : memref<!tpu.dma_semaphore, #tpu.memory_space<semaphore_mem>>)
      %dma_wait3A_708 = tpu.memref_slice %arg3[%add3A_617] : memref<16384xi32, #tpu.memory_space<hbm>> -> memref<64xi32, #tpu.memory_space<hbm>>
      %dma_wait3A_709 = tpu.memref_slice %arg3[%add3A_617] : memref<16384xi32, #tpu.memory_space<hbm>> -> memref<64xi32, #tpu.memory_space<hbm>>
      tpu.wait_dma2 semaphore(%run_scoped3A : memref<!tpu.dma_semaphore, #tpu.memory_space<semaphore_mem>>) src(%dma_wait3A_709 : memref<64xi32, #tpu.memory_space<hbm>>) dst(%arg14 : memref<64xi32, #tpu.memory_space<vmem>>)
      tpu.yield
    }) : () -> ()
    %scan3A_625 = arith.constant 0 : i32
    %scan3A_626 = arith.constant 0 : i32
    %scan3A_627 = arith.constant 4 : i32
    %scan3A_628 = arith.addi %scan3A_626, %scan3A_627 : i32
    %scan3A_629 = arith.constant 1 : i32
    %scan3A_630 = scf.for %scan3A_706 = %scan3A_626 to %scan3A_628 step %scan3A_629 iter_args(%scan3A_707 = %scan3A_625) -> (i32)  : i32 {
      %mul3A_708 = arith.constant 16 : i32
      %mul3A_709 = arith.muli %scan3A_706, %mul3A_708 : i32
      %get3A = arith.index_cast %mul3A_709 : i32 to index
      %get3A_710 = tpu.vector_load %arg14[%get3A] {strides = array<i32>} : memref<64xi32, #tpu.memory_space<vmem>>, vector<16xi32>,
      %and3A = arith.constant 1 : i32
      %and3A_711 = vector.broadcast %and3A : i32 to vector<16xi32>
      %and3A_712 = arith.andi %get3A_710, %and3A_711 : vector<16xi32>
      %mul3A_713 = arith.constant 64 : i32
      %mul3A_714 = vector.broadcast %mul3A_713 : i32 to vector<16xi32>
      %mul3A_715 = arith.muli %and3A_712, %mul3A_714 : vector<16xi32>
      %swap3A = arith.index_cast %mul3A_709 : i32 to index
      %swap3A_716 = tpu.vector_load %arg15[%swap3A] {strides = array<i32>} : memref<64xi32, #tpu.memory_space<vmem>>, vector<16xi32>,
      tpu.vector_store %arg15[%swap3A], %mul3A_715 {strides = array<i32>} : memref<64xi32, #tpu.memory_space<vmem>>, vector<16xi32>,
      %shift_right_logical3A = arith.constant 1 : i32
      %shift_right_logical3A_717 = vector.broadcast %shift_right_logical3A : i32 to vector<16xi32>
      %shift_right_logical3A_718 = arith.shrui %get3A_710, %shift_right_logical3A_717 : vector<16xi32>
      %ge3A = arith.constant 500000 : i32
      %ge3A_719 = vector.broadcast %ge3A : i32 to vector<16xi32>
      %ge3A_720 = arith.cmpi sge, %shift_right_logical3A_718, %ge3A_719 : vector<16xi32>
      %sub3A = arith.constant 500000 : i32
      %sub3A_721 = vector.broadcast %sub3A : i32 to vector<16xi32>
      %sub3A_722 = arith.subi %shift_right_logical3A_718, %sub3A_721 : vector<16xi32>
      %add3A_723 = arith.constant 64 : i32
      %add3A_724 = vector.broadcast %add3A_723 : i32 to vector<16xi32>
      %add3A_725 = arith.addi %add3A_724, %sub3A_722 : vector<16xi32>
      %mul3A_726 = arith.constant 16 : i32
      %mul3A_727 = arith.muli %scan3A_706, %mul3A_726 : i32
      %add3A_728 = vector.broadcast %mul3A_727 : i32 to vector<16xi32>
      %add3A_729 = arith.addi %add3A_728, %iota3A : vector<16xi32>
      %select_n3A = arith.select %ge3A_720, %add3A_725, %add3A_729 : vector<16xi1>, vector<16xi32>
      %swap3A_730 = arith.index_cast %mul3A_709 : i32 to index
      %swap3A_731 = tpu.vector_load %arg16[%swap3A_730] {strides = array<i32>} : memref<64xi32, #tpu.memory_space<vmem>>, vector<16xi32>,
      tpu.vector_store %arg16[%swap3A_730], %select_n3A {strides = array<i32>} : memref<64xi32, #tpu.memory_space<vmem>>, vector<16xi32>,
      %jit3A = arith.constant 0 : i32
      %broadcast_in_dim3A = vector.broadcast %jit3A : i32 to vector<16xi32>
      %select_n3A_732 = arith.select %ge3A_720, %broadcast_in_dim3A, %shift_right_logical3A_718 : vector<16xi1>, vector<16xi32>
      %swap3A_733 = arith.index_cast %mul3A_709 : i32 to index
      %swap3A_734 = tpu.vector_load %arg14[%swap3A_733] {strides = array<i32>} : memref<64xi32, #tpu.memory_space<vmem>>, vector<16xi32>,
      tpu.vector_store %arg14[%swap3A_733], %select_n3A_732 {strides = array<i32>} : memref<64xi32, #tpu.memory_space<vmem>>, vector<16xi32>,
      %scan3A_735 = arith.constant 0 : i32
      scf.yield %scan3A_735 : i32
    }
    %scan3A_631 = arith.constant 4 : i32
    %mul3A_632 = arith.constant 5 : i32
    %mul3A_633 = arith.muli %add3A_617, %mul3A_632 : i32
    "tpu.region"() ({
      %run_scoped3A = tpu.sem_alloc : memref<!tpu.dma_semaphore, #tpu.memory_space<semaphore_mem>>
      %dma_start3A_706 = tpu.memref_slice %arg4[%mul3A_633] : memref<81920xi32, #tpu.memory_space<hbm>> -> memref<320xi32, #tpu.memory_space<hbm>>
      %dma_start3A_707 = tpu.memref_slice %arg4[%mul3A_633] : memref<81920xi32, #tpu.memory_space<hbm>> -> memref<320xi32, #tpu.memory_space<hbm>>
      tpu.enqueue_dma source(%dma_start3A_707 : memref<320xi32, #tpu.memory_space<hbm>>) target(%arg17 : memref<320xi32, #tpu.memory_space<vmem>>) target_semaphore(%run_scoped3A : memref<!tpu.dma_semaphore, #tpu.memory_space<semaphore_mem>>)
      %dma_wait3A_708 = tpu.memref_slice %arg4[%mul3A_633] : memref<81920xi32, #tpu.memory_space<hbm>> -> memref<320xi32, #tpu.memory_space<hbm>>
      %dma_wait3A_709 = tpu.memref_slice %arg4[%mul3A_633] : memref<81920xi32, #tpu.memory_space<hbm>> -> memref<320xi32, #tpu.memory_space<hbm>>
      tpu.wait_dma2 semaphore(%run_scoped3A : memref<!tpu.dma_semaphore, #tpu.memory_space<semaphore_mem>>) src(%dma_wait3A_709 : memref<320xi32, #tpu.memory_space<hbm>>) dst(%arg17 : memref<320xi32, #tpu.memory_space<vmem>>)
      tpu.yield
    }) : () -> ()
    %scan3A_634 = arith.constant 0 : i32
    %scan3A_635 = arith.constant 0 : i32
    %scan3A_636 = arith.constant 20 : i32
    %scan3A_637 = arith.addi %scan3A_635, %scan3A_636 : i32
    %scan3A_638 = arith.constant 1 : i32
    %scan3A_639 = scf.for %scan3A_706 = %scan3A_635 to %scan3A_637 step %scan3A_638 iter_args(%scan3A_707 = %scan3A_634) -> (i32)  : i32 {
      %mul3A_708 = arith.constant 16 : i32
      %mul3A_709 = arith.muli %scan3A_706, %mul3A_708 : i32
      %get3A = arith.index_cast %mul3A_709 : i32 to index
      %get3A_710 = tpu.vector_load %arg17[%get3A] {strides = array<i32>} : memref<320xi32, #tpu.memory_space<vmem>>, vector<16xi32>,
      %and3A = arith.constant 1 : i32
      %and3A_711 = vector.broadcast %and3A : i32 to vector<16xi32>
      %and3A_712 = arith.andi %get3A_710, %and3A_711 : vector<16xi32>
      %mul3A_713 = arith.constant 64 : i32
      %mul3A_714 = vector.broadcast %mul3A_713 : i32 to vector<16xi32>
      %mul3A_715 = arith.muli %and3A_712, %mul3A_714 : vector<16xi32>
      %swap3A = arith.index_cast %mul3A_709 : i32 to index
      %swap3A_716 = tpu.vector_load %arg18[%swap3A] {strides = array<i32>} : memref<320xi32, #tpu.memory_space<vmem>>, vector<16xi32>,
      tpu.vector_store %arg18[%swap3A], %mul3A_715 {strides = array<i32>} : memref<320xi32, #tpu.memory_space<vmem>>, vector<16xi32>,
      %shift_right_logical3A = arith.constant 1 : i32
      %shift_right_logical3A_717 = vector.broadcast %shift_right_logical3A : i32 to vector<16xi32>
      %shift_right_logical3A_718 = arith.shrui %get3A_710, %shift_right_logical3A_717 : vector<16xi32>
      %ge3A = arith.constant 500000 : i32
      %ge3A_719 = vector.broadcast %ge3A : i32 to vector<16xi32>
      %ge3A_720 = arith.cmpi sge, %shift_right_logical3A_718, %ge3A_719 : vector<16xi32>
      %sub3A = arith.constant 500000 : i32
      %sub3A_721 = vector.broadcast %sub3A : i32 to vector<16xi32>
      %sub3A_722 = arith.subi %shift_right_logical3A_718, %sub3A_721 : vector<16xi32>
      %add3A_723 = arith.constant 320 : i32
      %add3A_724 = vector.broadcast %add3A_723 : i32 to vector<16xi32>
      %add3A_725 = arith.addi %add3A_724, %sub3A_722 : vector<16xi32>
      %mul3A_726 = arith.constant 16 : i32
      %mul3A_727 = arith.muli %scan3A_706, %mul3A_726 : i32
      %add3A_728 = vector.broadcast %mul3A_727 : i32 to vector<16xi32>
      %add3A_729 = arith.addi %add3A_728, %iota3A : vector<16xi32>
      %select_n3A = arith.select %ge3A_720, %add3A_725, %add3A_729 : vector<16xi1>, vector<16xi32>
      %swap3A_730 = arith.index_cast %mul3A_709 : i32 to index
      %swap3A_731 = tpu.vector_load %arg19[%swap3A_730] {strides = array<i32>} : memref<320xi32, #tpu.memory_space<vmem>>, vector<16xi32>,
      tpu.vector_store %arg19[%swap3A_730], %select_n3A {strides = array<i32>} : memref<320xi32, #tpu.memory_space<vmem>>, vector<16xi32>,
      %jit3A = arith.constant 0 : i32
      %broadcast_in_dim3A = vector.broadcast %jit3A : i32 to vector<16xi32>
      %select_n3A_732 = arith.select %ge3A_720, %broadcast_in_dim3A, %shift_right_logical3A_718 : vector<16xi1>, vector<16xi32>
      %swap3A_733 = arith.index_cast %mul3A_709 : i32 to index
      %swap3A_734 = tpu.vector_load %arg17[%swap3A_733] {strides = array<i32>} : memref<320xi32, #tpu.memory_space<vmem>>, vector<16xi32>,
      tpu.vector_store %arg17[%swap3A_733], %select_n3A_732 {strides = array<i32>} : memref<320xi32, #tpu.memory_space<vmem>>, vector<16xi32>,
      %scan3A_735 = arith.constant 0 : i32
      scf.yield %scan3A_735 : i32
    }
    %scan3A_640 = arith.constant 20 : i32
    %dma_start3A_641 = arith.constant 0 : i32
    %dma_start3A_642 = arith.constant 0 : i32
    %dma_start3A_643 = tpu.memref_slice %arg20[%dma_start3A_641, %dma_start3A_642] : memref<96x128xf32, #tpu.memory_space<vmem>> -> memref<64x128xf32, #tpu.memory_space<vmem>>
    %dma_start3A_644 = arith.constant 0 : i32
    %dma_start3A_645 = arith.constant 0 : i32
    %dma_start3A_646 = tpu.memref_slice %arg5[%dma_start3A_644, %dma_start3A_645] : memref<500000x128xf32, #tpu.memory_space<hbm>> -> memref<500000x128xf32, #tpu.memory_space<hbm>>
    tpu.enqueue_indirect_dma source(%dma_start3A_646 : memref<500000x128xf32, #tpu.memory_space<hbm>>) target(%dma_start3A_643 : memref<64x128xf32, #tpu.memory_space<vmem>>) offsets(%arg11 : memref<64xi32, #tpu.memory_space<vmem>>) semaphore(%arg25 : memref<!tpu.dma_semaphore, #tpu.memory_space<semaphore_mem>>)
    %dma_start3A_647 = arith.constant 0 : i32
    %dma_start3A_648 = arith.constant 0 : i32
    %dma_start3A_649 = tpu.memref_slice %arg21[%dma_start3A_647, %dma_start3A_648] : memref<96x128xf32, #tpu.memory_space<vmem>> -> memref<64x128xf32, #tpu.memory_space<vmem>>
    %dma_start3A_650 = arith.constant 0 : i32
    %dma_start3A_651 = arith.constant 0 : i32
    %dma_start3A_652 = tpu.memref_slice %arg6[%dma_start3A_650, %dma_start3A_651] : memref<500000x128xf32, #tpu.memory_space<hbm>> -> memref<500000x128xf32, #tpu.memory_space<hbm>>
    tpu.enqueue_indirect_dma source(%dma_start3A_652 : memref<500000x128xf32, #tpu.memory_space<hbm>>) target(%dma_start3A_649 : memref<64x128xf32, #tpu.memory_space<vmem>>) offsets(%arg14 : memref<64xi32, #tpu.memory_space<vmem>>) semaphore(%arg25 : memref<!tpu.dma_semaphore, #tpu.memory_space<semaphore_mem>>)
    %dma_start3A_653 = arith.constant 0 : i32
    %dma_start3A_654 = arith.constant 0 : i32
    %dma_start3A_655 = tpu.memref_slice %arg22[%dma_start3A_653, %dma_start3A_654] : memref<352x128xf32, #tpu.memory_space<vmem>> -> memref<128x128xf32, #tpu.memory_space<vmem>>
    %dma_start3A_656 = arith.constant 0 : i32
    %dma_start3A_657 = tpu.memref_slice %arg17[%dma_start3A_656] : memref<320xi32, #tpu.memory_space<vmem>> -> memref<128xi32, #tpu.memory_space<vmem>>
    %dma_start3A_658 = arith.constant 0 : i32
    %dma_start3A_659 = arith.constant 0 : i32
    %dma_start3A_660 = tpu.memref_slice %arg6[%dma_start3A_658, %dma_start3A_659] : memref<500000x128xf32, #tpu.memory_space<hbm>> -> memref<500000x128xf32, #tpu.memory_space<hbm>>
    tpu.enqueue_indirect_dma source(%dma_start3A_660 : memref<500000x128xf32, #tpu.memory_space<hbm>>) target(%dma_start3A_655 : memref<128x128xf32, #tpu.memory_space<vmem>>) offsets(%dma_start3A_657 : memref<128xi32, #tpu.memory_space<vmem>>) semaphore(%arg25 : memref<!tpu.dma_semaphore, #tpu.memory_space<semaphore_mem>>)
    %dma_start3A_661 = arith.constant 128 : i32
    %dma_start3A_662 = arith.constant 0 : i32
    %dma_start3A_663 = tpu.memref_slice %arg22[%dma_start3A_661, %dma_start3A_662] : memref<352x128xf32, #tpu.memory_space<vmem>> -> memref<128x128xf32, #tpu.memory_space<vmem>>
    %dma_start3A_664 = arith.constant 128 : i32
    %dma_start3A_665 = tpu.memref_slice %arg17[%dma_start3A_664] : memref<320xi32, #tpu.memory_space<vmem>> -> memref<128xi32, #tpu.memory_space<vmem>>
    %dma_start3A_666 = arith.constant 0 : i32
    %dma_start3A_667 = arith.constant 0 : i32
    %dma_start3A_668 = tpu.memref_slice %arg6[%dma_start3A_666, %dma_start3A_667] : memref<500000x128xf32, #tpu.memory_space<hbm>> -> memref<500000x128xf32, #tpu.memory_space<hbm>>
    tpu.enqueue_indirect_dma source(%dma_start3A_668 : memref<500000x128xf32, #tpu.memory_space<hbm>>) target(%dma_start3A_663 : memref<128x128xf32, #tpu.memory_space<vmem>>) offsets(%dma_start3A_665 : memref<128xi32, #tpu.memory_space<vmem>>) semaphore(%arg25 : memref<!tpu.dma_semaphore, #tpu.memory_space<semaphore_mem>>)
    %dma_wait3A_669 = arith.constant 0 : i32
    %dma_wait3A_670 = arith.constant 0 : i32
    %dma_wait3A_671 = tpu.memref_slice %arg20[%dma_wait3A_669, %dma_wait3A_670] : memref<96x128xf32, #tpu.memory_space<vmem>> -> memref<64x128xf32, #tpu.memory_space<vmem>>
    %dma_wait3A_672 = arith.constant 0 : i32
    %dma_wait3A_673 = arith.constant 0 : i32
    %dma_wait3A_674 = tpu.memref_slice %arg5[%dma_wait3A_672, %dma_wait3A_673] : memref<500000x128xf32, #tpu.memory_space<hbm>> -> memref<500000x128xf32, #tpu.memory_space<hbm>>
    tpu.wait_indirect_dma semaphore(%arg25 : memref<!tpu.dma_semaphore, #tpu.memory_space<semaphore_mem>>) src(%dma_wait3A_674 : memref<500000x128xf32, #tpu.memory_space<hbm>>) dst(%dma_wait3A_671 : memref<64x128xf32, #tpu.memory_space<vmem>>)
    %dma_wait3A_675 = arith.constant 0 : i32
    %dma_wait3A_676 = arith.constant 0 : i32
    %dma_wait3A_677 = tpu.memref_slice %arg21[%dma_wait3A_675, %dma_wait3A_676] : memref<96x128xf32, #tpu.memory_space<vmem>> -> memref<64x128xf32, #tpu.memory_space<vmem>>
    %dma_wait3A_678 = arith.constant 0 : i32
    %dma_wait3A_679 = arith.constant 0 : i32
    %dma_wait3A_680 = tpu.memref_slice %arg6[%dma_wait3A_678, %dma_wait3A_679] : memref<500000x128xf32, #tpu.memory_space<hbm>> -> memref<500000x128xf32, #tpu.memory_space<hbm>>
    tpu.wait_indirect_dma semaphore(%arg25 : memref<!tpu.dma_semaphore, #tpu.memory_space<semaphore_mem>>) src(%dma_wait3A_680 : memref<500000x128xf32, #tpu.memory_space<hbm>>) dst(%dma_wait3A_677 : memref<64x128xf32, #tpu.memory_space<vmem>>)
    %dma_wait3A_681 = arith.constant 0 : i32
    %dma_wait3A_682 = arith.constant 0 : i32
    %dma_wait3A_683 = tpu.memref_slice %arg22[%dma_wait3A_681, %dma_wait3A_682] : memref<352x128xf32, #tpu.memory_space<vmem>> -> memref<128x128xf32, #tpu.memory_space<vmem>>
    %dma_wait3A_684 = arith.constant 0 : i32
    %dma_wait3A_685 = tpu.memref_slice %arg17[%dma_wait3A_684] : memref<320xi32, #tpu.memory_space<vmem>> -> memref<128xi32, #tpu.memory_space<vmem>>
    %dma_wait3A_686 = arith.constant 0 : i32
    %dma_wait3A_687 = arith.constant 0 : i32
    %dma_wait3A_688 = tpu.memref_slice %arg6[%dma_wait3A_686, %dma_wait3A_687] : memref<500000x128xf32, #tpu.memory_space<hbm>> -> memref<500000x128xf32, #tpu.memory_space<hbm>>
    tpu.wait_indirect_dma semaphore(%arg25 : memref<!tpu.dma_semaphore, #tpu.memory_space<semaphore_mem>>) src(%dma_wait3A_688 : memref<500000x128xf32, #tpu.memory_space<hbm>>) dst(%dma_wait3A_683 : memref<128x128xf32, #tpu.memory_space<vmem>>)
    %dma_wait3A_689 = arith.constant 128 : i32
    %dma_wait3A_690 = arith.constant 0 : i32
    %dma_wait3A_691 = tpu.memref_slice %arg22[%dma_wait3A_689, %dma_wait3A_690] : memref<352x128xf32, #tpu.memory_space<vmem>> -> memref<128x128xf32, #tpu.memory_space<vmem>>
    %dma_wait3A_692 = arith.constant 128 : i32
    %dma_wait3A_693 = tpu.memref_slice %arg17[%dma_wait3A_692] : memref<320xi32, #tpu.memory_space<vmem>> -> memref<128xi32, #tpu.memory_space<vmem>>
    %dma_wait3A_694 = arith.constant 0 : i32
    %dma_wait3A_695 = arith.constant 0 : i32
    %dma_wait3A_696 = tpu.memref_slice %arg6[%dma_wait3A_694, %dma_wait3A_695] : memref<500000x128xf32, #tpu.memory_space<hbm>> -> memref<500000x128xf32, #tpu.memory_space<hbm>>
    tpu.wait_indirect_dma semaphore(%arg25 : memref<!tpu.dma_semaphore, #tpu.memory_space<semaphore_mem>>) src(%dma_wait3A_696 : memref<500000x128xf32, #tpu.memory_space<hbm>>) dst(%dma_wait3A_691 : memref<128x128xf32, #tpu.memory_space<vmem>>)
    %scan3A_697 = arith.constant 0 : i32
    %scan3A_698 = arith.constant 0 : i32
    %scan3A_699 = arith.constant 4 : i32
    %scan3A_700 = arith.addi %scan3A_698, %scan3A_699 : i32
    %scan3A_701 = arith.constant 1 : i32
    %scan3A_702 = scf.for %scan3A_706 = %scan3A_698 to %scan3A_700 step %scan3A_701 iter_args(%scan3A_707 = %scan3A_697) -> (i32)  : i32 {
      %mul3A_708 = arith.constant 16 : i32
      %mul3A_709 = arith.muli %scan3A_706, %mul3A_708 : i32
      %get3A = arith.index_cast %mul3A_709 : i32 to index
      %get3A_710 = tpu.vector_load %arg13[%get3A] {strides = array<i32>} : memref<64xi32, #tpu.memory_space<vmem>>, vector<16xi32>,
      %mul3A_711 = arith.constant 16 : i32
      %mul3A_712 = arith.muli %scan3A_706, %mul3A_711 : i32
      %get3A_713 = arith.index_cast %mul3A_712 : i32 to index
      %get3A_714 = tpu.vector_load %arg16[%get3A_713] {strides = array<i32>} : memref<64xi32, #tpu.memory_space<vmem>>, vector<16xi32>,
      %mul3A_715 = arith.constant 16 : i32
      %mul3A_716 = arith.muli %scan3A_706, %mul3A_715 : i32
      %get3A_717 = arith.index_cast %mul3A_716 : i32 to index
      %get3A_718 = tpu.vector_load %arg12[%get3A_717] {strides = array<i32>} : memref<64xi32, #tpu.memory_space<vmem>>, vector<16xi32>,
      %mul3A_719 = arith.constant 16 : i32
      %mul3A_720 = arith.muli %scan3A_706, %mul3A_719 : i32
      %get3A_721 = arith.index_cast %mul3A_720 : i32 to index
      %get3A_722 = tpu.vector_load %arg15[%get3A_721] {strides = array<i32>} : memref<64xi32, #tpu.memory_space<vmem>>, vector<16xi32>,
      %mul3A_723 = arith.constant 16 : i32
      %mul3A_724 = arith.muli %scan3A_706, %mul3A_723 : i32
      %add3A_725 = vector.broadcast %mul3A_724 : i32 to vector<16xi32>
      %add3A_726 = arith.addi %add3A_725, %iota3A : vector<16xi32>
      %mul3A_727 = arith.constant 5 : i32
      %mul3A_728 = vector.broadcast %mul3A_727 : i32 to vector<16xi32>
      %mul3A_729 = arith.muli %add3A_726, %mul3A_728 : vector<16xi32>
      %add3A_730 = arith.constant 0 : i32
      %add3A_731 = vector.broadcast %add3A_730 : i32 to vector<16xi32>
      %add3A_732 = arith.addi %mul3A_729, %add3A_731 : vector<16xi32>
      %gather3A = tpu.vector_load_idx %arg19[%add3A_732] : memref<320xi32, #tpu.memory_space<vmem>>[vector<16xi32>], vector<16xi32>,
      %mul3A_733 = arith.constant 5 : i32
      %mul3A_734 = vector.broadcast %mul3A_733 : i32 to vector<16xi32>
      %mul3A_735 = arith.muli %add3A_726, %mul3A_734 : vector<16xi32>
      %add3A_736 = arith.constant 1 : i32
      %add3A_737 = vector.broadcast %add3A_736 : i32 to vector<16xi32>
      %add3A_738 = arith.addi %mul3A_735, %add3A_737 : vector<16xi32>
      %gather3A_739 = tpu.vector_load_idx %arg19[%add3A_738] : memref<320xi32, #tpu.memory_space<vmem>>[vector<16xi32>], vector<16xi32>,
      %mul3A_740 = arith.constant 5 : i32
      %mul3A_741 = vector.broadcast %mul3A_740 : i32 to vector<16xi32>
      %mul3A_742 = arith.muli %add3A_726, %mul3A_741 : vector<16xi32>
      %add3A_743 = arith.constant 2 : i32
      %add3A_744 = vector.broadcast %add3A_743 : i32 to vector<16xi32>
      %add3A_745 = arith.addi %mul3A_742, %add3A_744 : vector<16xi32>
      %gather3A_746 = tpu.vector_load_idx %arg19[%add3A_745] : memref<320xi32, #tpu.memory_space<vmem>>[vector<16xi32>], vector<16xi32>,
      %mul3A_747 = arith.constant 5 : i32
      %mul3A_748 = vector.broadcast %mul3A_747 : i32 to vector<16xi32>
      %mul3A_749 = arith.muli %add3A_726, %mul3A_748 : vector<16xi32>
      %add3A_750 = arith.constant 3 : i32
      %add3A_751 = vector.broadcast %add3A_750 : i32 to vector<16xi32>
      %add3A_752 = arith.addi %mul3A_749, %add3A_751 : vector<16xi32>
      %gather3A_753 = tpu.vector_load_idx %arg19[%add3A_752] : memref<320xi32, #tpu.memory_space<vmem>>[vector<16xi32>], vector<16xi32>,
      %mul3A_754 = arith.constant 5 : i32
      %mul3A_755 = vector.broadcast %mul3A_754 : i32 to vector<16xi32>
      %mul3A_756 = arith.muli %add3A_726, %mul3A_755 : vector<16xi32>
      %add3A_757 = arith.constant 4 : i32
      %add3A_758 = vector.broadcast %add3A_757 : i32 to vector<16xi32>
      %add3A_759 = arith.addi %mul3A_756, %add3A_758 : vector<16xi32>
      %gather3A_760 = tpu.vector_load_idx %arg19[%add3A_759] : memref<320xi32, #tpu.memory_space<vmem>>[vector<16xi32>], vector<16xi32>,
      %mul3A_761 = arith.constant 5 : i32
      %mul3A_762 = vector.broadcast %mul3A_761 : i32 to vector<16xi32>
      %mul3A_763 = arith.muli %add3A_726, %mul3A_762 : vector<16xi32>
      %add3A_764 = arith.constant 0 : i32
      %add3A_765 = vector.broadcast %add3A_764 : i32 to vector<16xi32>
      %add3A_766 = arith.addi %mul3A_763, %add3A_765 : vector<16xi32>
      %gather3A_767 = tpu.vector_load_idx %arg18[%add3A_766] : memref<320xi32, #tpu.memory_space<vmem>>[vector<16xi32>], vector<16xi32>,
      %mul3A_768 = arith.constant 5 : i32
      %mul3A_769 = vector.broadcast %mul3A_768 : i32 to vector<16xi32>
      %mul3A_770 = arith.muli %add3A_726, %mul3A_769 : vector<16xi32>
      %add3A_771 = arith.constant 1 : i32
      %add3A_772 = vector.broadcast %add3A_771 : i32 to vector<16xi32>
      %add3A_773 = arith.addi %mul3A_770, %add3A_772 : vector<16xi32>
      %gather3A_774 = tpu.vector_load_idx %arg18[%add3A_773] : memref<320xi32, #tpu.memory_space<vmem>>[vector<16xi32>], vector<16xi32>,
      %mul3A_775 = arith.constant 5 : i32
      %mul3A_776 = vector.broadcast %mul3A_775 : i32 to vector<16xi32>
      %mul3A_777 = arith.muli %add3A_726, %mul3A_776 : vector<16xi32>
      %add3A_778 = arith.constant 2 : i32
      %add3A_779 = vector.broadcast %add3A_778 : i32 to vector<16xi32>
      %add3A_780 = arith.addi %mul3A_777, %add3A_779 : vector<16xi32>
      %gather3A_781 = tpu.vector_load_idx %arg18[%add3A_780] : memref<320xi32, #tpu.memory_space<vmem>>[vector<16xi32>], vector<16xi32>,
      %mul3A_782 = arith.constant 5 : i32
      %mul3A_783 = vector.broadcast %mul3A_782 : i32 to vector<16xi32>
      %mul3A_784 = arith.muli %add3A_726, %mul3A_783 : vector<16xi32>
      %add3A_785 = arith.constant 3 : i32
      %add3A_786 = vector.broadcast %add3A_785 : i32 to vector<16xi32>
      %add3A_787 = arith.addi %mul3A_784, %add3A_786 : vector<16xi32>
      %gather3A_788 = tpu.vector_load_idx %arg18[%add3A_787] : memref<320xi32, #tpu.memory_space<vmem>>[vector<16xi32>], vector<16xi32>,
      %mul3A_789 = arith.constant 5 : i32
      %mul3A_790 = vector.broadcast %mul3A_789 : i32 to vector<16xi32>
      %mul3A_791 = arith.muli %add3A_726, %mul3A_790 : vector<16xi32>
      %add3A_792 = arith.constant 4 : i32
      %add3A_793 = vector.broadcast %add3A_792 : i32 to vector<16xi32>
      %add3A_794 = arith.addi %mul3A_791, %add3A_793 : vector<16xi32>
      %gather3A_795 = tpu.vector_load_idx %arg18[%add3A_794] : memref<320xi32, #tpu.memory_space<vmem>>[vector<16xi32>], vector<16xi32>,
      %broadcast_in_dim3A = arith.constant 0.000000e+00 : f32
      %broadcast_in_dim3A_796 = vector.broadcast %broadcast_in_dim3A : f32 to vector<16xf32>
      %scan3A_797 = arith.constant 0 : i32
      %scan3A_798 = arith.constant 64 : i32
      %scan3A_799 = arith.addi %scan3A_797, %scan3A_798 : i32
      %scan3A_800 = arith.constant 1 : i32
      %scan3A_801:6 = scf.for %scan3A_850 = %scan3A_797 to %scan3A_799 step %scan3A_800 iter_args(%scan3A_851 = %broadcast_in_dim3A_796, %scan3A_852 = %broadcast_in_dim3A_796, %scan3A_853 = %broadcast_in_dim3A_796, %scan3A_854 = %broadcast_in_dim3A_796, %scan3A_855 = %broadcast_in_dim3A_796, %scan3A_856 = %broadcast_in_dim3A_796) -> (vector<16xf32>, vector<16xf32>, vector<16xf32>, vector<16xf32>, vector<16xf32>, vector<16xf32>)  : i32 {
        %add3A_857 = vector.broadcast %scan3A_850 : i32 to vector<16xi32>
        %add3A_858 = arith.addi %get3A_718, %add3A_857 : vector<16xi32>
        %gather3A_859 = tpu.vector_load_idx %arg20[%get3A_710, %add3A_858] : memref<96x128xf32, #tpu.memory_space<vmem>>[vector<16xi32>, vector<16xi32>], vector<16xf32>,
        %add3A_860 = vector.broadcast %scan3A_850 : i32 to vector<16xi32>
        %add3A_861 = arith.addi %get3A_722, %add3A_860 : vector<16xi32>
        %gather3A_862 = tpu.vector_load_idx %arg21[%get3A_714, %add3A_861] : memref<96x128xf32, #tpu.memory_space<vmem>>[vector<16xi32>, vector<16xi32>], vector<16xf32>,
        %mul3A_863 = arith.mulf %gather3A_859, %gather3A_862 : vector<16xf32>
        %add3A_864 = arith.addf %scan3A_851, %mul3A_863 : vector<16xf32>
        %add3A_865 = vector.broadcast %scan3A_850 : i32 to vector<16xi32>
        %add3A_866 = arith.addi %gather3A_767, %add3A_865 : vector<16xi32>
        %gather3A_867 = tpu.vector_load_idx %arg22[%gather3A, %add3A_866] : memref<352x128xf32, #tpu.memory_space<vmem>>[vector<16xi32>, vector<16xi32>], vector<16xf32>,
        %mul3A_868 = arith.mulf %gather3A_859, %gather3A_867 : vector<16xf32>
        %add3A_869 = arith.addf %scan3A_852, %mul3A_868 : vector<16xf32>
        %add3A_870 = vector.broadcast %scan3A_850 : i32 to vector<16xi32>
        %add3A_871 = arith.addi %gather3A_774, %add3A_870 : vector<16xi32>
        %gather3A_872 = tpu.vector_load_idx %arg22[%gather3A_739, %add3A_871] : memref<352x128xf32, #tpu.memory_space<vmem>>[vector<16xi32>, vector<16xi32>], vector<16xf32>,
        %mul3A_873 = arith.mulf %gather3A_859, %gather3A_872 : vector<16xf32>
        %add3A_874 = arith.addf %scan3A_853, %mul3A_873 : vector<16xf32>
        %add3A_875 = vector.broadcast %scan3A_850 : i32 to vector<16xi32>
        %add3A_876 = arith.addi %gather3A_781, %add3A_875 : vector<16xi32>
        %gather3A_877 = tpu.vector_load_idx %arg22[%gather3A_746, %add3A_876] : memref<352x128xf32, #tpu.memory_space<vmem>>[vector<16xi32>, vector<16xi32>], vector<16xf32>,
        %mul3A_878 = arith.mulf %gather3A_859, %gather3A_877 : vector<16xf32>
        %add3A_879 = arith.addf %scan3A_854, %mul3A_878 : vector<16xf32>
        %add3A_880 = vector.broadcast %scan3A_850 : i32 to vector<16xi32>
        %add3A_881 = arith.addi %gather3A_788, %add3A_880 : vector<16xi32>
        %gather3A_882 = tpu.vector_load_idx %arg22[%gather3A_753, %add3A_881] : memref<352x128xf32, #tpu.memory_space<vmem>>[vector<16xi32>, vector<16xi32>], vector<16xf32>,
        %mul3A_883 = arith.mulf %gather3A_859, %gather3A_882 : vector<16xf32>
        %add3A_884 = arith.addf %scan3A_855, %mul3A_883 : vector<16xf32>
        %add3A_885 = vector.broadcast %scan3A_850 : i32 to vector<16xi32>
        %add3A_886 = arith.addi %gather3A_795, %add3A_885 : vector<16xi32>
        %gather3A_887 = tpu.vector_load_idx %arg22[%gather3A_760, %add3A_886] : memref<352x128xf32, #tpu.memory_space<vmem>>[vector<16xi32>, vector<16xi32>], vector<16xf32>,
        %mul3A_888 = arith.mulf %gather3A_859, %gather3A_887 : vector<16xf32>
        %add3A_889 = arith.addf %scan3A_856, %mul3A_888 : vector<16xf32>
        scf.yield %add3A_864, %add3A_869, %add3A_874, %add3A_879, %add3A_884, %add3A_889 : vector<16xf32>, vector<16xf32>, vector<16xf32>, vector<16xf32>, vector<16xf32>, vector<16xf32>
      }
      %scan3A_802 = arith.constant 64 : i32
      %mul3A_803 = arith.constant 16 : i32
      %mul3A_804 = arith.muli %scan3A_706, %mul3A_803 : i32
      %add3A_805 = arith.constant 448 : i32
      %add3A_806 = arith.addi %add3A_805, %mul3A_804 : i32
      %add3A_807 = vector.broadcast %add3A_806 : i32 to vector<16xi32>
      %add3A_808 = arith.addi %add3A_807, %iota3A : vector<16xi32>
      tpu.vector_store_idx %arg23[%add3A_808], %scan3A_801#0 : memref<512xf32, #tpu.memory_space<vmem>>[vector<16xi32>], vector<16xf32>,
      %add3A_809 = vector.broadcast %add3A_806 : i32 to vector<16xi32>
      %add3A_810 = arith.addi %add3A_809, %iota3A : vector<16xi32>
      %mul3A_811 = arith.constant 5 : i32
      %mul3A_812 = vector.broadcast %mul3A_811 : i32 to vector<16xi32>
      %mul3A_813 = arith.muli %add3A_810, %mul3A_812 : vector<16xi32>
      %add3A_814 = arith.constant 0 : i32
      %add3A_815 = vector.broadcast %add3A_814 : i32 to vector<16xi32>
      %add3A_816 = arith.addi %mul3A_813, %add3A_815 : vector<16xi32>
      tpu.vector_store_idx %arg24[%add3A_816], %scan3A_801#1 : memref<2560xf32, #tpu.memory_space<vmem>>[vector<16xi32>], vector<16xf32>,
      %add3A_817 = vector.broadcast %add3A_806 : i32 to vector<16xi32>
      %add3A_818 = arith.addi %add3A_817, %iota3A : vector<16xi32>
      %mul3A_819 = arith.constant 5 : i32
      %mul3A_820 = vector.broadcast %mul3A_819 : i32 to vector<16xi32>
      %mul3A_821 = arith.muli %add3A_818, %mul3A_820 : vector<16xi32>
      %add3A_822 = arith.constant 1 : i32
      %add3A_823 = vector.broadcast %add3A_822 : i32 to vector<16xi32>
      %add3A_824 = arith.addi %mul3A_821, %add3A_823 : vector<16xi32>
      tpu.vector_store_idx %arg24[%add3A_824], %scan3A_801#2 : memref<2560xf32, #tpu.memory_space<vmem>>[vector<16xi32>], vector<16xf32>,
      %add3A_825 = vector.broadcast %add3A_806 : i32 to vector<16xi32>
      %add3A_826 = arith.addi %add3A_825, %iota3A : vector<16xi32>
      %mul3A_827 = arith.constant 5 : i32
      %mul3A_828 = vector.broadcast %mul3A_827 : i32 to vector<16xi32>
      %mul3A_829 = arith.muli %add3A_826, %mul3A_828 : vector<16xi32>
      %add3A_830 = arith.constant 2 : i32
      %add3A_831 = vector.broadcast %add3A_830 : i32 to vector<16xi32>
      %add3A_832 = arith.addi %mul3A_829, %add3A_831 : vector<16xi32>
      tpu.vector_store_idx %arg24[%add3A_832], %scan3A_801#3 : memref<2560xf32, #tpu.memory_space<vmem>>[vector<16xi32>], vector<16xf32>,
      %add3A_833 = vector.broadcast %add3A_806 : i32 to vector<16xi32>
      %add3A_834 = arith.addi %add3A_833, %iota3A : vector<16xi32>
      %mul3A_835 = arith.constant 5 : i32
      %mul3A_836 = vector.broadcast %mul3A_835 : i32 to vector<16xi32>
      %mul3A_837 = arith.muli %add3A_834, %mul3A_836 : vector<16xi32>
      %add3A_838 = arith.constant 3 : i32
      %add3A_839 = vector.broadcast %add3A_838 : i32 to vector<16xi32>
      %add3A_840 = arith.addi %mul3A_837, %add3A_839 : vector<16xi32>
      tpu.vector_store_idx %arg24[%add3A_840], %scan3A_801#4 : memref<2560xf32, #tpu.memory_space<vmem>>[vector<16xi32>], vector<16xf32>,
      %add3A_841 = vector.broadcast %add3A_806 : i32 to vector<16xi32>
      %add3A_842 = arith.addi %add3A_841, %iota3A : vector<16xi32>
      %mul3A_843 = arith.constant 5 : i32
      %mul3A_844 = vector.broadcast %mul3A_843 : i32 to vector<16xi32>
      %mul3A_845 = arith.muli %add3A_842, %mul3A_844 : vector<16xi32>
      %add3A_846 = arith.constant 4 : i32
      %add3A_847 = vector.broadcast %add3A_846 : i32 to vector<16xi32>
      %add3A_848 = arith.addi %mul3A_845, %add3A_847 : vector<16xi32>
      tpu.vector_store_idx %arg24[%add3A_848], %scan3A_801#5 : memref<2560xf32, #tpu.memory_space<vmem>>[vector<16xi32>], vector<16xf32>,
      %scan3A_849 = arith.constant 0 : i32
      scf.yield %scan3A_849 : i32
    }
    %scan3A_703 = arith.constant 4 : i32
    "tpu.region"() ({
      %run_scoped3A = tpu.sem_alloc : memref<!tpu.dma_semaphore, #tpu.memory_space<semaphore_mem>>
      %dma_start3A_706 = tpu.memref_slice %arg9[%mul3A_2] : memref<16384xf32, #tpu.memory_space<hbm>> -> memref<512xf32, #tpu.memory_space<hbm>>
      %dma_start3A_707 = tpu.memref_slice %arg9[%mul3A_2] : memref<16384xf32, #tpu.memory_space<hbm>> -> memref<512xf32, #tpu.memory_space<hbm>>
      tpu.enqueue_dma source(%arg23 : memref<512xf32, #tpu.memory_space<vmem>>) target(%dma_start3A_707 : memref<512xf32, #tpu.memory_space<hbm>>) target_semaphore(%run_scoped3A : memref<!tpu.dma_semaphore, #tpu.memory_space<semaphore_mem>>)
      %dma_wait3A_708 = tpu.memref_slice %arg9[%mul3A_2] : memref<16384xf32, #tpu.memory_space<hbm>> -> memref<512xf32, #tpu.memory_space<hbm>>
      %dma_wait3A_709 = tpu.memref_slice %arg9[%mul3A_2] : memref<16384xf32, #tpu.memory_space<hbm>> -> memref<512xf32, #tpu.memory_space<hbm>>
      tpu.wait_dma2 semaphore(%run_scoped3A : memref<!tpu.dma_semaphore, #tpu.memory_space<semaphore_mem>>) src(%arg23 : memref<512xf32, #tpu.memory_space<vmem>>) dst(%dma_wait3A_709 : memref<512xf32, #tpu.memory_space<hbm>>)
      tpu.yield
    }) : () -> ()
    %mul3A_704 = arith.constant 5 : i32
    %mul3A_705 = arith.muli %mul3A_2, %mul3A_704 : i32
    "tpu.region"() ({
      %run_scoped3A = tpu.sem_alloc : memref<!tpu.dma_semaphore, #tpu.memory_space<semaphore_mem>>
      %dma_start3A_706 = tpu.memref_slice %arg10[%mul3A_705] : memref<81920xf32, #tpu.memory_space<hbm>> -> memref<2560xf32, #tpu.memory_space<hbm>>
      %dma_start3A_707 = tpu.memref_slice %arg10[%mul3A_705] : memref<81920xf32, #tpu.memory_space<hbm>> -> memref<2560xf32, #tpu.memory_space<hbm>>
      tpu.enqueue_dma source(%arg24 : memref<2560xf32, #tpu.memory_space<vmem>>) target(%dma_start3A_707 : memref<2560xf32, #tpu.memory_space<hbm>>) target_semaphore(%run_scoped3A : memref<!tpu.dma_semaphore, #tpu.memory_space<semaphore_mem>>)
      %dma_wait3A_708 = tpu.memref_slice %arg10[%mul3A_705] : memref<81920xf32, #tpu.memory_space<hbm>> -> memref<2560xf32, #tpu.memory_space<hbm>>
      %dma_wait3A_709 = tpu.memref_slice %arg10[%mul3A_705] : memref<81920xf32, #tpu.memory_space<hbm>> -> memref<2560xf32, #tpu.memory_space<hbm>>
      tpu.wait_dma2 semaphore(%run_scoped3A : memref<!tpu.dma_semaphore, #tpu.memory_space<semaphore_mem>>) src(%arg24 : memref<2560xf32, #tpu.memory_space<vmem>>) dst(%dma_wait3A_709 : memref<2560xf32, #tpu.memory_space<hbm>>)
      tpu.yield
    }) : () -> ()
    return
  }
}

module attributes {stable_mosaic.version = 14 : i64} {
  func.func @_tail_body(%arg0: i32, %arg1: memref<64x1024xf32, #tpu.memory_space<vmem>>, %arg2: memref<64x1024xf32, #tpu.memory_space<vmem>>, %arg3: memref<512x128xf32, #tpu.memory_space<vmem>>, %arg4: memref<512x128xf32, #tpu.memory_space<vmem>>) attributes {dimension_semantics = [#tpu.dimension_semantics<arbitrary>], iteration_bounds = array<i64: 1>, scalar_prefetch = 0 : i64, scratch_operands = 0 : i64, tpu.core_type = #tpu.core_type<tc>, window_params = [{transform_indices = @transform_0, window_bounds = array<i64: 64, 1024>}, {transform_indices = @transform_1, window_bounds = array<i64: 64, 1024>}, {pipeline_mode = #tpu.pipeline_mode<synchronous>, transform_indices = @transform_2, window_bounds = array<i64: 512, 128>}, {pipeline_mode = #tpu.pipeline_mode<synchronous>, transform_indices = @transform_3, window_bounds = array<i64: 512, 128>}]} {
    %get3A = arith.constant 0 : index
    %get3A_0 = arith.constant 0 : index
    %get3A_1 = vector.load %arg1[%get3A, %get3A_0] : memref<64x1024xf32, #tpu.memory_space<vmem>>, vector<64x1024xf32>
    %transpose3A = tpu.transpose %get3A_1, [1, 0] : vector<64x1024xf32> -> vector<1024x64xf32>
    %reshape3A = vector.shape_cast %transpose3A : vector<1024x64xf32> to vector<512x2x64xf32>
    %slice3A = vector.extract_strided_slice %reshape3A {offsets = [0, 0, 0], sizes = [512, 1, 64], strides = [1, 1, 1]} : vector<512x2x64xf32> to vector<512x1x64xf32>
    %squeeze3A = vector.shape_cast %slice3A : vector<512x1x64xf32> to vector<512x64xf32>
    %slice3A_2 = vector.extract_strided_slice %reshape3A {offsets = [0, 1, 0], sizes = [512, 1, 64], strides = [1, 1, 1]} : vector<512x2x64xf32> to vector<512x1x64xf32>
    %squeeze3A_3 = vector.shape_cast %slice3A_2 : vector<512x1x64xf32> to vector<512x64xf32>
    %concatenate3A = tpu.concatenate %squeeze3A, %squeeze3A_3 in 1 : vector<512x64xf32>, vector<512x64xf32> -> vector<512x128xf32>
    %swap3A = arith.constant 0 : index
    %swap3A_4 = arith.constant 0 : index
    %swap3A_5 = vector.load %arg3[%swap3A, %swap3A_4] : memref<512x128xf32, #tpu.memory_space<vmem>>, vector<512x128xf32>
    tpu.vector_store %arg3[%swap3A, %swap3A_4], %concatenate3A {strides = array<i32>} : memref<512x128xf32, #tpu.memory_space<vmem>>, vector<512x128xf32>,
    %get3A_6 = arith.constant 0 : index
    %get3A_7 = arith.constant 0 : index
    %get3A_8 = vector.load %arg2[%get3A_6, %get3A_7] : memref<64x1024xf32, #tpu.memory_space<vmem>>, vector<64x1024xf32>
    %transpose3A_9 = tpu.transpose %get3A_8, [1, 0] : vector<64x1024xf32> -> vector<1024x64xf32>
    %reshape3A_10 = vector.shape_cast %transpose3A_9 : vector<1024x64xf32> to vector<512x2x64xf32>
    %slice3A_11 = vector.extract_strided_slice %reshape3A_10 {offsets = [0, 0, 0], sizes = [512, 1, 64], strides = [1, 1, 1]} : vector<512x2x64xf32> to vector<512x1x64xf32>
    %squeeze3A_12 = vector.shape_cast %slice3A_11 : vector<512x1x64xf32> to vector<512x64xf32>
    %slice3A_13 = vector.extract_strided_slice %reshape3A_10 {offsets = [0, 1, 0], sizes = [512, 1, 64], strides = [1, 1, 1]} : vector<512x2x64xf32> to vector<512x1x64xf32>
    %squeeze3A_14 = vector.shape_cast %slice3A_13 : vector<512x1x64xf32> to vector<512x64xf32>
    %concatenate3A_15 = tpu.concatenate %squeeze3A_12, %squeeze3A_14 in 1 : vector<512x64xf32>, vector<512x64xf32> -> vector<512x128xf32>
    %swap3A_16 = arith.constant 0 : index
    %swap3A_17 = arith.constant 0 : index
    %swap3A_18 = vector.load %arg4[%swap3A_16, %swap3A_17] : memref<512x128xf32, #tpu.memory_space<vmem>>, vector<512x128xf32>
    tpu.vector_store %arg4[%swap3A_16, %swap3A_17], %concatenate3A_15 {strides = array<i32>} : memref<512x128xf32, #tpu.memory_space<vmem>>, vector<512x128xf32>,
    return
  }
  func.func @transform_0(%arg0: i32) -> (i32, i32) {
    %c0_i32 = arith.constant 0 : i32
    %c976_i32 = arith.constant 976 : i32
    %c0_i32_0 = arith.constant 0 : i32
    return %c0_i32, %c976_i32 : i32, i32
  }
  func.func @transform_1(%arg0: i32) -> (i32, i32) {
    %c0_i32 = arith.constant 0 : i32
    %c976_i32 = arith.constant 976 : i32
    %c0_i32_0 = arith.constant 0 : i32
    return %c0_i32, %c976_i32 : i32, i32
  }
  func.func @transform_2(%arg0: i32) -> (i32, i32) {
    %c0_i32 = arith.constant 0 : i32
    %c0_i32_0 = arith.constant 0 : i32
    %c0_i32_1 = arith.constant 0 : i32
    return %c0_i32, %c0_i32_0 : i32, i32
  }
  func.func @transform_3(%arg0: i32) -> (i32, i32) {
    %c0_i32 = arith.constant 0 : i32
    %c0_i32_0 = arith.constant 0 : i32
    %c0_i32_1 = arith.constant 0 : i32
    return %c0_i32, %c0_i32_0 : i32, i32
  }
}

module attributes {stable_mosaic.version = 14 : i64} {
  func.func @_tcdiag_body(%arg0: i32, %arg1: memref<64x4096xf32, #tpu.memory_space<vmem>>, %arg2: memref<64x4096xf32, #tpu.memory_space<vmem>>, %arg3: memref<2048x128xf32, #tpu.memory_space<vmem>>, %arg4: memref<2048x128xf32, #tpu.memory_space<vmem>>) attributes {dimension_semantics = [#tpu.dimension_semantics<arbitrary>], iteration_bounds = array<i64: 245>, scalar_prefetch = 0 : i64, scratch_operands = 0 : i64, tpu.core_type = #tpu.core_type<tc>, window_params = [{transform_indices = @transform_0, window_bounds = array<i64: 64, 4096>}, {transform_indices = @transform_1, window_bounds = array<i64: 64, 4096>}, {transform_indices = @transform_2, window_bounds = array<i64: 2048, 128>}, {transform_indices = @transform_3, window_bounds = array<i64: 2048, 128>}]} {
    %get3A = arith.constant 0 : index
    %get3A_0 = arith.constant 0 : index
    %get3A_1 = vector.load %arg1[%get3A, %get3A_0] : memref<64x4096xf32, #tpu.memory_space<vmem>>, vector<64x4096xf32>
    %transpose3A = tpu.transpose %get3A_1, [1, 0] : vector<64x4096xf32> -> vector<4096x64xf32>
    %reshape3A = vector.shape_cast %transpose3A : vector<4096x64xf32> to vector<2048x2x64xf32>
    %slice3A = vector.extract_strided_slice %reshape3A {offsets = [0, 0, 0], sizes = [2048, 1, 64], strides = [1, 1, 1]} : vector<2048x2x64xf32> to vector<2048x1x64xf32>
    %squeeze3A = vector.shape_cast %slice3A : vector<2048x1x64xf32> to vector<2048x64xf32>
    %slice3A_2 = vector.extract_strided_slice %reshape3A {offsets = [0, 1, 0], sizes = [2048, 1, 64], strides = [1, 1, 1]} : vector<2048x2x64xf32> to vector<2048x1x64xf32>
    %squeeze3A_3 = vector.shape_cast %slice3A_2 : vector<2048x1x64xf32> to vector<2048x64xf32>
    %concatenate3A = tpu.concatenate %squeeze3A, %squeeze3A_3 in 1 : vector<2048x64xf32>, vector<2048x64xf32> -> vector<2048x128xf32>
    %swap3A = arith.constant 0 : index
    %swap3A_4 = arith.constant 0 : index
    %swap3A_5 = vector.load %arg3[%swap3A, %swap3A_4] : memref<2048x128xf32, #tpu.memory_space<vmem>>, vector<2048x128xf32>
    tpu.vector_store %arg3[%swap3A, %swap3A_4], %concatenate3A {strides = array<i32>} : memref<2048x128xf32, #tpu.memory_space<vmem>>, vector<2048x128xf32>,
    %get3A_6 = arith.constant 0 : index
    %get3A_7 = arith.constant 0 : index
    %get3A_8 = vector.load %arg2[%get3A_6, %get3A_7] : memref<64x4096xf32, #tpu.memory_space<vmem>>, vector<64x4096xf32>
    %transpose3A_9 = tpu.transpose %get3A_8, [1, 0] : vector<64x4096xf32> -> vector<4096x64xf32>
    %reshape3A_10 = vector.shape_cast %transpose3A_9 : vector<4096x64xf32> to vector<2048x2x64xf32>
    %slice3A_11 = vector.extract_strided_slice %reshape3A_10 {offsets = [0, 0, 0], sizes = [2048, 1, 64], strides = [1, 1, 1]} : vector<2048x2x64xf32> to vector<2048x1x64xf32>
    %squeeze3A_12 = vector.shape_cast %slice3A_11 : vector<2048x1x64xf32> to vector<2048x64xf32>
    %slice3A_13 = vector.extract_strided_slice %reshape3A_10 {offsets = [0, 1, 0], sizes = [2048, 1, 64], strides = [1, 1, 1]} : vector<2048x2x64xf32> to vector<2048x1x64xf32>
    %squeeze3A_14 = vector.shape_cast %slice3A_13 : vector<2048x1x64xf32> to vector<2048x64xf32>
    %concatenate3A_15 = tpu.concatenate %squeeze3A_12, %squeeze3A_14 in 1 : vector<2048x64xf32>, vector<2048x64xf32> -> vector<2048x128xf32>
    %swap3A_16 = arith.constant 0 : index
    %swap3A_17 = arith.constant 0 : index
    %swap3A_18 = vector.load %arg4[%swap3A_16, %swap3A_17] : memref<2048x128xf32, #tpu.memory_space<vmem>>, vector<2048x128xf32>
    tpu.vector_store %arg4[%swap3A_16, %swap3A_17], %concatenate3A_15 {strides = array<i32>} : memref<2048x128xf32, #tpu.memory_space<vmem>>, vector<2048x128xf32>,
    return
  }
  func.func @transform_0(%arg0: i32) -> (i32, i32) {
    %c0_i32 = arith.constant 0 : i32
    %c0_i32_0 = arith.constant 0 : i32
    return %c0_i32, %arg0 : i32, i32
  }
  func.func @transform_1(%arg0: i32) -> (i32, i32) {
    %c0_i32 = arith.constant 0 : i32
    %c0_i32_0 = arith.constant 0 : i32
    return %c0_i32, %arg0 : i32, i32
  }
  func.func @transform_2(%arg0: i32) -> (i32, i32) {
    %c0_i32 = arith.constant 0 : i32
    %c0_i32_0 = arith.constant 0 : i32
    return %arg0, %c0_i32 : i32, i32
  }
  func.func @transform_3(%arg0: i32) -> (i32, i32) {
    %c0_i32 = arith.constant 0 : i32
    %c0_i32_0 = arith.constant 0 : i32
    return %arg0, %c0_i32 : i32, i32
  }
}

module attributes {stable_mosaic.version = 14 : i64} {
  func.func @_loss_body(%arg0: memref<128x128xf32, #tpu.memory_space<vmem>>, %arg1: memref<640x128xf32, #tpu.memory_space<vmem>>, %arg2: memref<1x1xf32, #tpu.memory_space<smem>>) attributes {dimension_semantics = [], scalar_prefetch = 0 : i64, scratch_operands = 0 : i64, tpu.core_type = #tpu.core_type<tc>} {
    %get3A = arith.constant 0 : index
    %get3A_0 = arith.constant 0 : index
    %get3A_1 = vector.load %arg0[%get3A, %get3A_0] : memref<128x128xf32, #tpu.memory_space<vmem>>, vector<128x128xf32>
    %logistic3A = arith.negf %get3A_1 : vector<128x128xf32>
    %logistic3A_2 = math.exp %logistic3A : vector<128x128xf32>
    %logistic3A_3 = arith.constant 1.000000e+00 : f32
    %logistic3A_4 = vector.broadcast %logistic3A_3 : f32 to vector<128x128xf32>
    %logistic3A_5 = arith.addf %logistic3A_4, %logistic3A_2 : vector<128x128xf32>
    %logistic3A_6 = arith.divf %logistic3A_4, %logistic3A_5 : vector<128x128xf32>
    %log3A = math.log %logistic3A_6 : vector<128x128xf32>
    %reduce_sum3A = vector.shape_cast %log3A : vector<128x128xf32> to vector<1x128x128xf32>
    %reduce_sum3A_7 = arith.constant dense<0.000000e+00> : vector<1xf32>
    %reduce_sum3A_8 = vector.multi_reduction <add>, %reduce_sum3A, %reduce_sum3A_7 [1, 2] : vector<1x128x128xf32> to vector<1xf32>
    %reduce_sum3A_9 = vector.shape_cast %reduce_sum3A_8 : vector<1xf32> to vector<1x1x1xf32>
    %reduce_sum3A_10 = vector.extract %reduce_sum3A_9[0, 0, 0] : f32 from vector<1x1x1xf32>
    %get3A_11 = arith.constant 0 : index
    %get3A_12 = arith.constant 0 : index
    %get3A_13 = vector.load %arg1[%get3A_11, %get3A_12] : memref<640x128xf32, #tpu.memory_space<vmem>>, vector<640x128xf32>
    %neg3A = arith.constant 0.000000e+00 : f32
    %neg3A_14 = vector.broadcast %neg3A : f32 to vector<640x128xf32>
    %neg3A_15 = arith.subf %neg3A_14, %get3A_13 : vector<640x128xf32>
    %logistic3A_16 = arith.negf %neg3A_15 : vector<640x128xf32>
    %logistic3A_17 = math.exp %logistic3A_16 : vector<640x128xf32>
    %logistic3A_18 = arith.constant 1.000000e+00 : f32
    %logistic3A_19 = vector.broadcast %logistic3A_18 : f32 to vector<640x128xf32>
    %logistic3A_20 = arith.addf %logistic3A_19, %logistic3A_17 : vector<640x128xf32>
    %logistic3A_21 = arith.divf %logistic3A_19, %logistic3A_20 : vector<640x128xf32>
    %log3A_22 = math.log %logistic3A_21 : vector<640x128xf32>
    %reduce_sum3A_23 = vector.shape_cast %log3A_22 : vector<640x128xf32> to vector<1x640x128xf32>
    %reduce_sum3A_24 = arith.constant dense<0.000000e+00> : vector<1xf32>
    %reduce_sum3A_25 = vector.multi_reduction <add>, %reduce_sum3A_23, %reduce_sum3A_24 [1, 2] : vector<1x640x128xf32> to vector<1xf32>
    %reduce_sum3A_26 = vector.shape_cast %reduce_sum3A_25 : vector<1xf32> to vector<1x1x1xf32>
    %reduce_sum3A_27 = vector.extract %reduce_sum3A_26[0, 0, 0] : f32 from vector<1x1x1xf32>
    %div3A = arith.constant 1.638400e+04 : f32
    %div3A_28 = arith.divf %reduce_sum3A_10, %div3A : f32
    %div3A_29 = arith.constant 8.192000e+04 : f32
    %div3A_30 = arith.divf %reduce_sum3A_27, %div3A_29 : f32
    %add3A = arith.addf %div3A_28, %div3A_30 : f32
    %neg3A_31 = arith.constant 0.000000e+00 : f32
    %neg3A_32 = arith.subf %neg3A_31, %add3A : f32
    %swap3A = arith.constant 0 : index
    %swap3A_33 = arith.constant 0 : index
    %swap3A_34 = memref.load %arg2[%swap3A, %swap3A_33] : memref<1x1xf32, #tpu.memory_space<smem>>
    memref.store %neg3A_32, %arg2[%swap3A, %swap3A_33] : memref<1x1xf32, #tpu.memory_space<smem>>
    return
  }
}

</mosaic_0001>

<sc_bundles>
// kernel: kernel.6.cloned.1.call-start
scs
__scs_entry_jumppad:
0x0: {  	(pc) =	sbr.rel $0x88, $3  }
0x1: {  	(tag) =	ssettag $0x0;
	lr =	simm.s32 $0x1  }
0x2: {  	[smem:$0x3F9C] =	sst lr;
	_ =	strace $0xD0000000  }
0x3: {  	_ = 	snop  }
0x4: {  	_ = 	snop  }
0x5: {  	_ = 	snop  }
0x6: {  	_ = 	snop  }
0x7: {  	_ = 	snop  }
__scs_overlays_trampoline_lowered:
0x8: {  	[smem:$0x3FAB] =	sst s0  }
0x9: {  	[smem:$0x3FAC] =	sst s1  }
0xa: {  	[smem:$0x3FAD] =	sst s2  }
0xb: {  	[smem:$0x3FAE] =	sst s3  }
0xc: {  	[smem:$0x3FAF] =	sst s4  }
0xd: {  	[smem:$0x3FB0] =	sst s5  }
0xe: {  	[smem:$0x3FB1] =	sst s6  }
0xf: {  	[smem:$0x3FB2] =	sst s7  }
0x10: {  	[smem:$0x3FB3] =	sst s8  }
0x11: {  	[smem:$0x3FB4] =	sst s9;
	s0 =	simm.s32 @!p0 $0x0  }
0x12: {  	s1 =	sld [smem:$0x3F9A];
	s0 =	simm.s32 @p0 $0x1  }
0x13: {  	[smem:$0x3FB5] =	sst s0;
	s0 =	simm.s32 @!p1 $0x0  }
0x14: {  	s2 =	sld [smem:$0x3F99];
	s0 =	simm.s32 @p1 $0x1  }
0x15: {  	[smem:$0x3FB6] =	sst s0;
	s0 =	simm.s32 @!p2 $0x0  }
0x16: {  	s3 =	sld [smem:$0x3FDB];
	s0 =	simm.s32 @p2 $0x1  }
0x17: {  	s4 =	simm.s32 $0x1BF5;
	[smem:$0x3FB8] =	sst s0  }
0x18: {  	s0 =	sld [smem:$0x3F9B];
	_ =	swait.ge [sflag:s4], $0x0  }
0x19: {  	s7 =	sld [smem:$0x3F9C]  }
0x1a: {  	s8 =	sadd.s32 $0xFFFFE003, lr  }
0x1b: {  	s9 =	sadd.s32 $0xFFFFFEF7, lr;
	s5 =	simm.s32 $0xFFFFFFFF;
	p2 =	slt.u32 s8, $0xFFFFF086  }
0x1c: {  	p1 =	slt.u32 s9, $0xF7A;
	s5 =	simm.s32 @!p2 $0x0  }
0x1d: {  	s5 =	simm.s32 @p1 $0x1;
	p0 =	seq.s32 s7, s2  }
0x1e: {  	s7 =	smul.u32 @!p0 $0xF7A, s2;
	p2 =	seq.s32 @!p0 s5, $0x0  }
0x1f: {  	s9 =	smul.u32 $0xF7A, s1;
	s8 =	simm.s32 @!p0 $0x1BF5;
	p2 =	por !p2, p0  }
0x20: {  	[sflag:s8] =	ssyncset.s32 @!p0 $0xFFFFF086;
	s6 =	sadd.s32 @!p0 s3, s7;
	s7 =	simm.s32 @!p0 $0x108  }
0x21: {  	s3 =	sadd.s32 s3, s9;
	s6 =	sadd.s32 @!p0 $0x88, s6;
	s7 =	simm.s32 @p2 $0x1082  }
0x22: {  	[simem:s7], [sflag:s8] =	dma.local @!p0 [hbm:s6], $0xF7A  }
0x23: {  	s9 =	sor.u32 $0xD0000000, s2;
	s6 =	simm.s32 $0x108;
	_ =	swait.ge @!p0 [sflag:s8], $0x0  }
0x24: {  	s3 =	sadd.s32 $0x88, s3;
	s6 =	simm.s32 @!p1 $0x1082;
	[sflag:s4] =	ssyncset.s32 $0xFFFFF086  }
0x25: {  	[simem:s6], [sflag:s4] =	dma.local [hbm:s3], $0xF7A  }
0x26: {  	[smem:$0x3F9C] =	sst s1;
	(tag) =	ssettag s2;
	_ =	strace s9  }
0x27: {  	s1 =	sld [smem:$0x3FAC]  }
0x28: {  	s2 =	sld [smem:$0x3FAD]  }
0x29: {  	s4 =	sld [smem:$0x3FAF]  }
0x2a: {  	p0 =	seq.s32 s5, $0x0;
	s5 =	sld [smem:$0x3FB0]  }
0x2b: {  	s6 =	sld [smem:$0x3FB1]  }
0x2c: {  	s7 =	sld [smem:$0x3FB2]  }
0x2d: {  	s3 =	simm.s32 $0x108;
	s8 =	sld [smem:$0x3FB3]  }
0x2e: {  	s3 =	simm.s32 @!p0 $0x1082;
	s9 =	sld [smem:$0x3FB4]  }
0x2f: {  	lr =	sadd.s32 s0, s3;
	s0 =	sld [smem:$0x3FAB]  }
0x30: {  	s3 =	sld [smem:$0x3FAE]  }
0x31: {  	[smem:$0x3FB7] =	sst s10  }
0x32: {  	s10 =	sld [smem:$0x3FB5];
	_ =	sdelay $0x3  }
0x33: {  	p0 =	seq.s32 s10, $0x1;
	s10 =	sld [smem:$0x3FB7];
	_ =	sdelay $0x3  }
0x34: {  	[smem:$0x3FB7] =	sst s10  }
0x35: {  	s10 =	sld [smem:$0x3FB6];
	_ =	sdelay $0x3  }
0x36: {  	p1 =	seq.s32 s10, $0x1;
	s10 =	sld [smem:$0x3FB7];
	_ =	sdelay $0x3  }
0x37: {  	[smem:$0x3FB7] =	sst s10  }
0x38: {  	s10 =	sld [smem:$0x3FB8]  }
0x39: {  	_ = 	snop;
	(pc) =	sbr.ind lr, $3  }
0x3a: {  	_ = 	snop  }
0x3b: {  	_ = 	snop  }
0x3c: {  	p2 =	seq.s32 s10, $0x1;
	s10 =	sld [smem:$0x3FB7]  }
0x3d: {  	_ =	shalt  }
0x3e: {  	_ =	shalt  }
0x3f: {  	_ =	shalt  }
0x40: {  	_ =	shalt  }
0x41: {  	_ =	shalt  }
0x42: {  	_ =	shalt  }
0x43: {  	_ =	shalt  }
0x44: {  	_ =	shalt  }
0x45: {  	_ =	shalt  }
0x46: {  	_ =	shalt  }
0x47: {  	_ =	shalt  }
0x48: {  	_ =	shalt  }
0x49: {  	_ =	shalt  }
0x4a: {  	_ =	shalt  }
0x4b: {  	_ =	shalt  }
0x4c: {  	_ =	shalt  }
0x4d: {  	_ =	shalt  }
0x4e: {  	_ =	shalt  }
0x4f: {  	_ =	shalt  }
0x50: {  	_ =	shalt  }
0x51: {  	_ =	shalt  }
0x52: {  	_ =	shalt  }
0x53: {  	_ =	shalt  }
0x54: {  	_ =	shalt  }
0x55: {  	_ =	shalt  }
0x56: {  	_ =	shalt  }
0x57: {  	_ =	shalt  }
0x58: {  	_ =	shalt  }
0x59: {  	_ =	shalt  }
0x5a: {  	_ =	shalt  }
0x5b: {  	_ =	shalt  }
0x5c: {  	_ =	shalt  }
0x5d: {  	_ =	shalt  }
0x5e: {  	_ =	shalt  }
0x5f: {  	_ =	shalt  }
0x60: {  	_ =	shalt  }
0x61: {  	_ =	shalt  }
0x62: {  	_ =	shalt  }
0x63: {  	_ =	shalt  }
0x64: {  	_ =	shalt  }
0x65: {  	_ =	shalt  }
0x66: {  	_ =	shalt  }
0x67: {  	_ =	shalt  }
0x68: {  	_ =	shalt  }
0x69: {  	_ =	shalt  }
0x6a: {  	_ =	shalt  }
0x6b: {  	_ =	shalt  }
0x6c: {  	_ =	shalt  }
0x6d: {  	_ =	shalt  }
0x6e: {  	_ =	shalt  }
0x6f: {  	_ =	shalt  }
0x70: {  	_ =	shalt  }
0x71: {  	_ =	shalt  }
0x72: {  	_ =	shalt  }
0x73: {  	_ =	shalt  }
0x74: {  	_ =	shalt  }
0x75: {  	_ =	shalt  }
0x76: {  	_ =	shalt  }
0x77: {  	_ =	shalt  }
0x78: {  	_ =	shalt  }
0x79: {  	_ =	shalt  }
0x7a: {  	_ =	shalt  }
0x7b: {  	_ =	shalt  }
0x7c: {  	_ =	shalt  }
0x7d: {  	_ =	shalt  }
0x7e: {  	_ =	shalt  }
0x7f: {  	_ =	shalt  }
0x80: {  	_ =	shalt  }
0x81: {  	_ =	shalt  }
0x82: {  	_ =	shalt  }
0x83: {  	_ =	shalt  }
0x84: {  	_ =	shalt  }
0x85: {  	_ =	shalt  }
0x86: {  	_ =	shalt  }
0x87: {  	_ =	shalt  }
.Lfunc_end0:
.L_simem_size_0:
called_computation_lowered:
.L_overlay_start_0:
0x88: {  	s2 =	sld [smem:$0x3FD9]  }
0x89: {  	s3 =	sld [smem:$0x3FFE];
	_ =	sdelay $0x1  }
0x8a: {  	s1 =	srdreg.scid  }
0x8b: {  	s0 =	sand.u32 $0x1, s1  }
0x8c: {  	s17 =	sshll.u32 s0, $0xA;
	s2 =	sadd.s32 s3, s2  }
0x8d: {  	s2 =	sadd.s32 s2, s17  }
0x8e: {  	[smem:$0x3FC3] =	sst s2  }
0x8f: {  	_ = 	snop  }
0x90: {  	s2 =	sld [smem:$0x3FC9]  }
0x91: {  	s18 =	sld [smem:$0x3FC8]  }
0x92: {  	s4 =	sld [smem:$0x3FC7];
	(tm) =	ssettm $0x1  }
0x93: {  	s5 =	sld [smem:$0x3FFB];
	_ =	sdelay $0x3  }
0x94: {  	_ =	strace s5  }
0x95: {  	s5 =	sld [smem:$0x3FFC];
	_ =	sdelay $0x3  }
0x96: {  	_ =	strace s5  }
0x97: {  	s5 =	sld [smem:$0x3FFD];
	_ =	sdelay $0x3  }
0x98: {  	_ =	strace s5  }
0x99: {  	_ =	strace $0x8FFFFFFF  }
0x9a: {  	s19 =	sld [smem:$0x3FDB];
	_ =	sdelay $0x1  }
0x9b: {  	s6 =	simm.s32 $_scs_section_size  }
0x9c: {  	s7 =	simm.s32 $_size__tile_overlayer_lowered;
	s8 =	simm.s32 $_tile_overlayer_lowered  }
0x9d: {  	s22 =	simm.s32 $0x1BFF;
	s21 =	sshll.u32 s8, $0x1;
	s5 =	sadd.s32 s6, s19  }
0x9e: {  	s9 =	simm.s32 $0x0;
	s20 =	sshll.u32 s7, $0x1;
	s7 =	sadd.s32 s21, s5  }
0x9f: {  	[timem:s9], [sflag:s22] =	dma.local [hbm:s7], s20  }
0xa0: {  	_ =	swait.ge [sflag:s22], s20  }
0xa1: {  	s6 =	ssub.s32 $0x0, s20;
	[sflag:s22] =	ssyncset.done $0x0  }
0xa2: {  	[sflag:s22] =	ssyncadd.s32 s6;
	_ =	sdelay $0x1  }
0xa3: {  	s23 =	simm.s32 $0x1B8B  }
0xa4: {  	_ =	swait.ge [sflag:s23], $0x1  }
0xa5: {  	[sflag:s23] =	ssyncset.done $0x0  }
0xa6: {  	s25 =	simm.s32 $0x1B8E;
	s24 =	sld [smem:$0x3FFE];
	[sflag:s23] =	ssyncadd.s32 $0xFFFFFFFF  }
0xa7: {  	s26 =	simm.s32 $execute0_lowered;
	[smem:$0x3FD2] =	sst s25  }
0xa8: {  	s7 =	sshll.u32 s26, $0x1;
	_ =	strace $0x80000046;
	[dreg:$0x1] =	wrdreg $0xFFFFFFFF  }
0xa9: {  	s28 =	simm.s32 $_size_execute0_lowered;
	s5 =	sadd.s32 s5, s7;
	[dreg:$0x0] =	wrdreg $0x0  }
0xaa: {  	s7 =	sshll.u32 s28, $0x1;
	[dreg:$0x2] =	wrdreg s5  }
0xab: {  	[dreg:$0x3] =	wrdreg s7  }
0xac: {  	[dreg:$0x4] =	wrdreg $0xC0  }
0xad: {  	_ =	task [dreg:s9], $0x5FFFF  }
0xae: {  	[dreg:$0x1] =	wrdreg $0xFFFFFFFF  }
0xaf: {  	[dreg:$0x0] =	wrdreg $0x60  }
0xb0: {  	[dreg:$0x2] =	wrdreg s2  }
0xb1: {  	[dreg:$0x3] =	wrdreg s18  }
0xb2: {  	[dreg:$0x4] =	wrdreg s4  }
0xb3: {  	[dreg:$0x5] =	wrdreg s24  }
0xb4: {  	[dreg:$0x6] =	wrdreg $0x9  }
0xb5: {  	_ =	task.clear_ibuf [dreg:s9], $0x7FFFF;
	_ =	strace $0x90000046  }
0xb6: {  	s29 =	simm.s32 $0x9;
	_ =	strace $0x80000048  }
0xb7: {  	_ =	swait.ge [sflag:s29], $0x1  }
0xb8: {  	[sflag:s29] =	ssyncadd.s32 $0xFFFFFFFF  }
0xb9: {  	_ =	strace $0x90000048  }
0xba: {  	_ =	sfence  }
0xbb: {  	s30 =	sld [smem:$0x0];
	_ =	sdelay $0x2  }
0xbc: {  	s31 =	sshll.u32 s1, $0xD;
	s1 =	sshrl.u32 s1, $0x2  }
0xbd: {  	s3 =	sand.u32 $0x4000, s31;
	s1 =	sadd.s32 s1, s30  }
0xbe: {  	s0 =	sor.u32 s3, s0;
	s1 =	sshll.u32 s1, $0x11  }
0xbf: {  	s0 =	sor.u32 s1, s0  }
0xc0: {  	s0 =	sadd.s32 $0x8F2B, s0  }
0xc1: {  	[sflag:s0] =	ssyncadd.remote.s32 $0x1  }
0xc2: {  	_ =	sfence.sel $0xFFFF  }
0xc3: {  	[dreg:$0x0] =	wrdreg $0xFFFFFFFF;
	(pc) =	sbr.abs _section_cstart, $3  }
0xc4: {  	[dreg:$0x1] =	wrdreg $0xFFFFFFFF  }
0xc5: {  	_ =	task.clear_ibuf [dreg:s9], $0x2FFFF;
	_ =	strace $0x9FFFFFFF  }
0xc6: {  	(tm) =	ssettm $0x7FFFFFFF  }
0xc7: {  	_ =	shalt  }
tec
execute0_lowered:
.L_overlay_start_1:
0x0: {  	(tag) =	ssettag $0x1  }
0x1: {  	s3 =	rddreg [dreg:$0x0]  }
0x2: {  	s4 =	rddreg [dreg:$0x1]  }
0x3: {  	s1 =	rddreg [dreg:$0x2]  }
0x4: {  	s0 =	rddreg [dreg:$0x3]  }
0x5: {  	s5 =	srdreg.scid;
	s6 =	stileid.u32  }
0x6: {  	s2 =	simm.s32 $0x0;
	s5 =	sand.u32 $0x1, s5;
	s6 =	sshll.u32 s6, $0x1  }
0x7: {  	[smem:$0x7FF] =	sst s2;
	s28 =	sadd.s32 $0x5400, s0;
	s29 =	sadd.s32 $0x7A6600, s0  }
0x8: {  	s30 =	sadd.s32 $0x2400, s0;
	s31 =	sadd.s32 $0x4400, s0;
	s6 =	sor.u32 s5, s6  }
0x9: {  	_ =	strace $0x80000047;
	s5 =	ssub.s32 $0x2, s5;
	s7 =	sshll.u32 s6, $0x9  }
0xa: {  	s8 =	sshll.u32 s6, $0x6;
	s9 =	sshrl.u32 s5, $0x1;
	s6 =	smul.u32 $0x140, s6  }
0xb: {  	s10 =	sor.u32 $0x40, s7;
	s5 =	ssub.s32 s5, s9;
	s14 =	sor.u32 $0x80, s7  }
0xc: {  	s12 =	sor.u32 $0xC0, s7;
	s18 =	sor.u32 $0x100, s7;
	s22 =	sor.u32 $0x180, s7  }
0xd: {  	s25 =	sadd.s32 s3, s8;
	s13 =	sshrl.u32 s10, $0x3;
	s10 =	smul.u32 $0x5, s10  }
0xe: {  	s15 =	sshrl.u32 s14, $0x3;
	s16 =	sshrl.u32 s12, $0x3;
	s19 =	sshrl.u32 s18, $0x3  }
0xf: {  	s12 =	smul.u32 $0x5, s12;
	[dreg:$0x11] =	wrdreg s25;
	s11 =	sadd.s32 s3, s13  }
0x10: {  	s23 =	sshrl.u32 s22, $0x3;
	s9 =	sadd.s32 s4, s13;
	[dreg:$0x5] =	wrdreg s11  }
0x11: {  	s13 =	sadd.s32 s3, s15;
	s17 =	sadd.s32 s3, s16;
	[dreg:$0x6] =	wrdreg s9  }
0x12: {  	[dreg:$0x7] =	wrdreg s13;
	s11 =	sadd.s32 s4, s15;
	s9 =	smul.u32 $0x5, s14  }
0x13: {  	[dreg:$0x9] =	wrdreg s17;
	s14 =	sor.u32 $0x140, s7;
	s15 =	sadd.s32 s3, s19  }
0x14: {  	s7 =	sor.u32 $0x1C0, s7;
	s17 =	sshrl.u32 s10, $0x3;
	s10 =	simm.s32 $0x300  }
0x15: {  	s13 =	simm.s32 $0xA780;
	[dreg:$0x8] =	wrdreg s11;
	s11 =	sadd.s32 s4, s16  }
0x16: {  	[dreg:$0xb] =	wrdreg s15;
	s20 =	sshrl.u32 s14, $0x3;
	s16 =	sadd.s32 s3, s23  }
0x17: {  	s24 =	sshrl.u32 s7, $0x3;
	s7 =	smul.u32 $0x5, s7;
	[dreg:$0xa] =	wrdreg s11  }
0x18: {  	s11 =	sadd.s32 s4, s19;
	s21 =	sadd.s32 s3, s20;
	[dreg:$0xf] =	wrdreg s16  }
0x19: {  	s15 =	sadd.s32 s4, s20;
	s3 =	sadd.s32 s3, s24;
	[dreg:$0xc] =	wrdreg s11  }
0x1a: {  	s26 =	sadd.s32 s4, s24;
	s16 =	smul.u32 $0x5, s18;
	[dreg:$0xd] =	wrdreg s21  }
0x1b: {  	s9 =	sshrl.u32 s9, $0x3;
	s18 =	smul.u32 $0x5, s14;
	[dreg:$0xe] =	wrdreg s15  }
0x1c: {  	s20 =	smul.u32 $0x5, s22;
	s24 =	sadd.s32 s6, s0;
	[dreg:$0x12] =	wrdreg s3  }
0x1d: {  	s14 =	simm.s32 $0x1;
	s15 =	sadd.s32 s4, s23;
	[dreg:$0x13] =	wrdreg s26  }
0x1e: {  	s4 =	sadd.s32 s4, s8;
	s19 =	sadd.s32 s1, s9;
	s21 =	sshrl.u32 s12, $0x3  }
0x1f: {  	s7 =	sshrl.u32 s7, $0x3;
	s26 =	sadd.s32 s1, s6;
	s3 =	smax.u32 s5, $0x1  }
0x20: {  	s5 =	simm.s32 $0x180;
	s6 =	simm.s32 $0x40;
	[dreg:$0x10] =	wrdreg s15  }
0x21: {  	s11 =	simm.s32 $0x6780;
	s12 =	simm.s32 $0x380;
	[dreg:$0x14] =	wrdreg s4  }
0x22: {  	s15 =	sadd.s32 s8, s0;
	s8 =	sadd.s32 s1, s17;
	[dreg:$0x16] =	wrdreg s19  }
0x23: {  	s4 =	sshrl.u32 s16, $0x3;
	s9 =	sadd.s32 s1, s21;
	s22 =	sshrl.u32 s18, $0x3  }
0x24: {  	s23 =	sshrl.u32 s20, $0x3;
	s25 =	sadd.s32 s1, s7;
	s7 =	simm.s32 $0x780  }
0x25: {  	s16 =	simm.s32 $0x480;
	s17 =	simm.s32 $0x11780;
	[dreg:$0x15] =	wrdreg s8  }
0x26: {  	v0 =	vlaneseq.u32;
	s18 =	simm.s32 $0x11980;
	s19 =	simm.s32 $0x0;
	[dreg:$0x17] =	wrdreg s9  }
0x27: {  	v1 =	vmul.u32 $0x5, v0;
	s4 =	sadd.s32 s1, s4;
	s0 =	sadd.s32 $0xF4A000, s15;
	s8 =	simm.s32 $0x3780  }
0x28: {  	v2 =	vor.u32 $0x10, v0;
	s9 =	simm.s32 $0x80;
	[dreg:$0x18] =	wrdreg s4;
	s4 =	sadd.s32 s1, s22  }
0x29: {  	v3 =	vor.u32 $0x20, v0;
	v4 =	vor.u32 $0x30, v0;
	v5 =	vadd.s32 $0x1, v1;
	s15 =	simm.s32 $0x600;
	[dreg:$0x19] =	wrdreg s4;
	s4 =	sadd.s32 s1, s23  }
0x2a: {  	v6 =	vadd.s32 $0x2, v1;
	v7 =	vadd.s32 $0x3, v1;
	v8 =	vadd.s32 $0x4, v1;
	s1 =	sadd.s32 $0xF47800, s24;
	[dreg:$0x1a] =	wrdreg s4;
	s4 =	simm.s32 $0x2  }
.LBB2_1:
0x2b: {  	s20 =	simm.s32 $0x2780  }
0x2c: {  	[tilespmem:s20], [sflag:$0x2] =	stream.linear.gather [hbm4b:s30+s2], $0x1000, $0x38;
	[tilespmem:$0x12380] =	vst v63  }
0x2d: {  	_ =	swait.ge [sflag:s4], $0x1000  }
0x2e: {  	[sflag:s4] =	ssyncset.done $0x0  }
0x2f: {  	s21 =	simm.s32 $0x5780;
	[sflag:s4] =	ssyncadd.s32 $0xFFFFF000  }
0x30: {  	[tilespmem:s21], [sflag:$0x2] =	stream.linear.gather [hbm4b:s31+s2], $0x1000, $0x38;
	[tilespmem:$0x12380] =	vst v63  }
0x31: {  	_ =	swait.ge [sflag:s4], $0x1000  }
0x32: {  	[sflag:s4] =	ssyncset.done $0x0  }
0x33: {  	s22 =	simm.s32 $0x10780;
	[sflag:s4] =	ssyncadd.s32 $0xFFFFF000  }
0x34: {  	[tilespmem:s22], [sflag:$0x2] =	stream.linear.gather [hbm4b:s31+s2], $0x1000, $0x38;
	[tilespmem:$0x12380] =	vst v63  }
0x35: {  	_ =	swait.ge [sflag:s4], $0x1000  }
0x36: {  	[sflag:s4] =	ssyncset.done $0x0  }
0x37: {  	s23 =	rddreg [dreg:$0x11];
	[sflag:s4] =	ssyncadd.s32 $0xFFFFF000  }
0x38: {  	[tilespmem:s2], [sflag:$0x2] =	stream.linear.gather [hbm4b:s23+s2], $0x40, $0x38;
	[tilespmem:$0x12380] =	vst v63  }
0x39: {  	_ =	swait.ge [sflag:s4], $0x40  }
0x3a: {  	[sflag:s4] =	ssyncset.done $0x0  }
0x3b: {  	[sflag:s4] =	ssyncadd.s32 $0xFFFFFFC0  }
0x3c: {  	v9 =	vld [tilespmem:$0x0];
	_ =	sdelay $0x2  }
0x3d: {  	v10 =	vld [tilespmem:$0x10];
	_ =	sdelay $0x1  }
0x3e: {  	v11 =	vshll.u32 v9, $0x6;
	v12 =	vshrl.u32 v9, $0x1  }
0x3f: {  	v13 =	vld [tilespmem:$0x20];
	vm0 =	vgt.u32 v9, $0xF423F;
	v11 =	vand.u32 $0x40, v11;
	v9 =	vadd.s32 $0xFFF85F20, v12  }
0x40: {  	[tilespmem:$0x80] =	vst v11;
	v9 =	vsel vm0, v9, v0  }
0x41: {  	v55 =	vshrl.u32 v10, $0x1;
	v11 =	vshll.u32 v10, $0x6;
	[tilespmem:$0x100] =	vst v9;
	v9 =	vsel vm0, $0x0, v12  }
0x42: {  	vm8 =	vgt.u32 v10, $0xF423F;
	v10 =	vadd.s32 $0xFFF85F20, v55;
	[tilespmem:$0x0] =	vst v9;
	v9 =	vand.u32 $0x40, v11;
	v11 =	vld [tilespmem:$0x30]  }
0x43: {  	[tilespmem:$0x90] =	vst v9;
	v9 =	vsel vm8, v10, v2  }
0x44: {  	v56 =	vshrl.u32 v13, $0x1;
	v10 =	vshll.u32 v13, $0x6;
	[tilespmem:$0x110] =	vst v9;
	v9 =	vsel vm8, $0x0, v55  }
0x45: {  	vm9 =	vgt.u32 v13, $0xF423F;
	[tilespmem:$0x10] =	vst v9;
	v9 =	vand.u32 $0x40, v10;
	v10 =	vadd.s32 $0xFFF85F20, v56  }
0x46: {  	[tilespmem:$0xA0] =	vst v9;
	v9 =	vsel vm9, v10, v3  }
0x47: {  	[tilespmem:$0x120] =	vst v9;
	v9 =	vsel vm9, $0x0, v56;
	v10 =	vshll.u32 v11, $0x6;
	v57 =	vshrl.u32 v11, $0x1  }
0x48: {  	vm10 =	vgt.u32 v11, $0xF423F;
	[tilespmem:$0x20] =	vst v9;
	v9 =	vand.u32 $0x40, v10;
	v10 =	vadd.s32 $0xFFF85F20, v57  }
0x49: {  	[tilespmem:$0xB0] =	vst v9;
	v9 =	vsel vm10, v10, v4  }
0x4a: {  	[tilespmem:$0x130] =	vst v9;
	v9 =	vsel vm10, $0x0, v57  }
0x4b: {  	s24 =	rddreg [dreg:$0x14];
	[tilespmem:$0x30] =	vst v9  }
0x4c: {  	[tilespmem:s5], [sflag:$0x2] =	stream.linear.gather [hbm4b:s24+s2], $0x40, $0x38;
	[tilespmem:$0x12380] =	vst v63  }
0x4d: {  	_ =	swait.ge [sflag:s4], $0x40  }
0x4e: {  	[sflag:s4] =	ssyncset.done $0x0  }
0x4f: {  	[sflag:s4] =	ssyncadd.s32 $0xFFFFFFC0  }
0x50: {  	v9 =	vld [tilespmem:$0x180];
	_ =	sdelay $0x2  }
0x51: {  	v10 =	vld [tilespmem:$0x190];
	_ =	sdelay $0x1  }
0x52: {  	v11 =	vshll.u32 v9, $0x6;
	v58 =	vshrl.u32 v9, $0x1  }
0x53: {  	v59 =	vld [tilespmem:$0x1A0];
	vm11 =	vgt.u32 v9, $0xF423F;
	v11 =	vand.u32 $0x40, v11;
	v9 =	vadd.s32 $0xFFF85F20, v58  }
0x54: {  	[tilespmem:$0x200] =	vst v11;
	v9 =	vsel vm11, v9, v0  }
0x55: {  	v60 =	vshrl.u32 v10, $0x1;
	v11 =	vshll.u32 v10, $0x6;
	[tilespmem:$0x280] =	vst v9;
	v9 =	vsel vm11, $0x0, v58  }
0x56: {  	vm12 =	vgt.u32 v10, $0xF423F;
	v10 =	vadd.s32 $0xFFF85F20, v60;
	[tilespmem:$0x180] =	vst v9;
	v9 =	vand.u32 $0x40, v11;
	v11 =	vld [tilespmem:$0x1B0]  }
0x57: {  	[tilespmem:$0x210] =	vst v9;
	v9 =	vsel vm12, v10, v2  }
0x58: {  	v61 =	vshrl.u32 v59, $0x1;
	v10 =	vshll.u32 v59, $0x6;
	[tilespmem:$0x290] =	vst v9;
	v9 =	vsel vm12, $0x0, v60  }
0x59: {  	vm13 =	vgt.u32 v59, $0xF423F;
	[tilespmem:$0x190] =	vst v9;
	v9 =	vand.u32 $0x40, v10;
	v10 =	vadd.s32 $0xFFF85F20, v61  }
0x5a: {  	[tilespmem:$0x220] =	vst v9;
	v9 =	vsel vm13, v10, v3  }
0x5b: {  	[tilespmem:$0x2A0] =	vst v9;
	v9 =	vsel vm13, $0x0, v61;
	v10 =	vshll.u32 v11, $0x6;
	v62 =	vshrl.u32 v11, $0x1  }
0x5c: {  	vm14 =	vgt.u32 v11, $0xF423F;
	[tilespmem:$0x1A0] =	vst v9;
	v9 =	vand.u32 $0x40, v10;
	v10 =	vadd.s32 $0xFFF85F20, v62  }
0x5d: {  	[tilespmem:$0x230] =	vst v9;
	v9 =	vsel vm14, v10, v4  }
0x5e: {  	[tilespmem:$0x2B0] =	vst v9;
	v9 =	vsel vm14, $0x0, v62  }
0x5f: {  	[tilespmem:$0x1B0] =	vst v9  }
0x60: {  	[tilespmem:s10], [sflag:$0x2] =	stream.linear.gather [hbm4b:s26+s2], $0x140, $0x38;
	[tilespmem:$0x12380] =	vst v63  }
0x61: {  	_ =	swait.ge [sflag:s4], $0x140  }
0x62: {  	[sflag:s4] =	ssyncset.done $0x0  }
0x63: {  	[sflag:s4] =	ssyncadd.s32 $0xFFFFFEC0  }
0x64: {  	v9 =	vld [tilespmem:s10+$0x0];
	_ =	sdelay $0x4  }
0x65: {  	v63 =	vor.u32 s2, v0;
	v10 =	vshll.u32 v9, $0x6;
	v11 =	vshrl.u32 v9, $0x1  }
0x66: {  	vm15 =	vgt.u32 v9, $0xF423F;
	v10 =	vand.u32 $0x40, v10;
	v9 =	vadd.s32 $0xFFF86020, v11  }
0x67: {  	[tilespmem:s16+$0x0] =	vst v10;
	v9 =	vsel vm15, v9, v63  }
0x68: {  	[tilespmem:s15+$0x0] =	vst v9;
	v9 =	vsel vm15, $0x0, v11  }
0x69: {  	s20 =	simm.s32 $0x310;
	[tilespmem:s10+$0x0] =	vst v9  }
0x6a: {  	s21 =	simm.s32 $0x600;
	v9 =	vld [tilespmem:s20+$0x0]  }
0x6b: {  	s22 =	simm.s32 $0x10;
	s23 =	simm.s32 $0x480;
	s24 =	simm.s32 $0x20  }
.LBB2_2:
0x6c: {  	p0 =	sne.s32 s24, $0x130;
	_ =	sdelay $0x2  }
0x6d: {  	v12 =	vor.u32 s22, v0;
	s22 =	smov.u32 s24;
	v10 =	vshll.u32 v9, $0x6;
	v11 =	vshrl.u32 v9, $0x1  }
0x6e: {  	s23 =	sadd.s32 $0x10, s23;
	vm0 =	vgt.u32 v9, $0xF423F;
	v10 =	vand.u32 $0x40, v10;
	v9 =	vadd.s32 $0xFFF86020, v11  }
.Ltmp0:
0x6f: {  	s21 =	sadd.s32 $0x10, s21;
	[tilespmem:s23+$0x0] =	vst v10;
	v9 =	vsel vm0, v9, v12;
	(pc) =	sbr.rel @p0 .LBB2_2-.Ltmp0, $4  }
0x70: {  	[tilespmem:s21+$0x0] =	vst v9;
	v9 =	vsel vm0, $0x0, v11  }
0x71: {  	[tilespmem:s20+$0x0] =	vst v9;
	s20 =	sadd.s32 $0x10, s20  }
0x72: {  	v9 =	vld [tilespmem:s20+$0x0]  }
0x73: {  	s24 =	sadd.s32 $0x10, s24  }
0x74: {  	_ =	sdelay $0x2  }
0x75: {  	v12 =	vor.u32 s22, v0;
	v10 =	vshll.u32 v9, $0x6;
	v11 =	vshrl.u32 v9, $0x1  }
0x76: {  	s24 =	sadd.s32 $0x10, s23;
	vm0 =	vgt.u32 v9, $0xF423F;
	v10 =	vand.u32 $0x40, v10;
	v9 =	vadd.s32 $0xFFF86020, v11  }
0x77: {  	s21 =	sadd.s32 $0x10, s21;
	[tilespmem:s24+$0x0] =	vst v10;
	v9 =	vsel vm0, v9, v12  }
0x78: {  	[tilespmem:s21+$0x0] =	vst v9;
	v9 =	vsel vm0, $0x0, v11  }
0x79: {  	[tilespmem:s20+$0x0] =	vst v9;
	s20 =	simm.s32 $0x0  }
0x7a: {  	[tilespmem:s7], [sflag:$0x1] =	stream.indirect.gather [hbm4b:s28+s6], $0x80, s20, s6, $0xb8;
	[tilespmem:$0x12380] =	vst v63  }
0x7b: {  	_ = 	snop  }
0x7c: {  	[tilespmem:s8], [sflag:$0x1] =	stream.indirect.gather [hbm4b:s29+s6], $0x80, s5, s6, $0xb8;
	[tilespmem:$0x12380] =	vst v63  }
0x7d: {  	_ = 	snop  }
0x7e: {  	[tilespmem:s11], [sflag:$0x1] =	stream.indirect.gather [hbm4b:s29+s9], $0x80, s10, s9, $0xb8;
	[tilespmem:$0x12380] =	vst v63  }
0x7f: {  	_ = 	snop  }
0x80: {  	[tilespmem:s13], [sflag:$0x1] =	stream.indirect.gather [hbm4b:s29+s9], $0x80, s12, s9, $0xb8;
	[tilespmem:$0x12380] =	vst v63  }
0x81: {  	_ =	swait.ge [sflag:s14], $0x2000  }
0x82: {  	[sflag:s14] =	ssyncset.done $0x0  }
0x83: {  	[sflag:s14] =	ssyncadd.s32 $0xFFFFE000  }
0x84: {  	_ =	swait.ge [sflag:s14], $0x2000  }
0x85: {  	[sflag:s14] =	ssyncset.done $0x0  }
0x86: {  	[sflag:s14] =	ssyncadd.s32 $0xFFFFE000  }
0x87: {  	_ =	swait.ge [sflag:s14], $0x4000  }
0x88: {  	[sflag:s14] =	ssyncset.done $0x0  }
0x89: {  	[sflag:s14] =	ssyncadd.s32 $0xFFFFC000  }
0x8a: {  	_ =	swait.ge [sflag:s14], $0x4000  }
0x8b: {  	[sflag:s14] =	ssyncset.done $0x0  }
0x8c: {  	s21 =	simm.s32 $0x0;
	[sflag:s14] =	ssyncadd.s32 $0xFFFFC000  }
.LBB2_4:
0x8d: {  	s22 =	sshll.u32 s21, $0x4  }
0x8e: {  	v14 =	vmov s22  }
0x8f: {  	v12 =	vmul.u32 $0x5, v14;
	_ =	sdelay $0x1  }
0x90: {  	v13 =	vadd.s32 v1, v12  }
0x91: {  	v9 =	vadd.s32 v5, v12  }
0x92: {  	v16 =	vld [tilespmem:s22+$0x100];
	v10 =	vadd.s32 v6, v12  }
0x93: {  	v22 =	vld [tilespmem:s22+$0x280];
	v11 =	vadd.s32 v7, v12  }
0x94: {  	v15 =	vld [tilespmem:s22+$0x200];
	v12 =	vadd.s32 v8, v12  }
0x95: {  	v24 =	vld.idx.msk [tilespmem:v13+s15+$0x0], $0xffff  }
0x96: {  	v25 =	vld.idx.msk [tilespmem:v9+s15+$0x0], $0xffff  }
0x97: {  	v26 =	vld.idx.msk [tilespmem:v10+s15+$0x0], $0xffff  }
0x98: {  	v27 =	vld.idx.msk [tilespmem:v11+s15+$0x0], $0xffff  }
0x99: {  	v28 =	vld.idx.msk [tilespmem:v12+s15+$0x0], $0xffff  }
0x9a: {  	v17 =	vld.idx.msk [tilespmem:v13+s16+$0x0], $0xffff  }
0x9b: {  	v18 =	vld.idx.msk [tilespmem:v9+s16+$0x0], $0xffff  }
0x9c: {  	v20 =	vld.idx.msk [tilespmem:v10+s16+$0x0], $0xffff  }
0x9d: {  	v30 =	vadd.s32 s20, v15;
	v21 =	vld.idx.msk [tilespmem:v11+s16+$0x0], $0xffff  }
0x9e: {  	v23 =	vshll.u32 v22, $0x7;
	v34 =	vand.u32 $0x7F, v30;
	v30 =	vand.u32 $0xFFFFFF80, v30;
	v29 =	vld.idx.msk [tilespmem:v12+s16+$0x0], $0xffff  }
0x9f: {  	s24 =	simm.s32 $0x1;
	v19 =	vshll.u32 v16, $0x7;
	v30 =	vadd.s32 v23, v30  }
0xa0: {  	v58 =	vadd.s32 s24, v15;
	v30 =	vor.u32 v34, v30;
	v24 =	vshll.u32 v24, $0x7  }
0xa1: {  	v25 =	vshll.u32 v25, $0x7;
	v26 =	vshll.u32 v26, $0x7;
	v27 =	vshll.u32 v27, $0x7  }
0xa2: {  	v22 =	vshll.u32 v28, $0x7;
	v31 =	vadd.s32 s20, v17;
	v32 =	vadd.s32 s20, v18;
	v28 =	vld [tilespmem:s22+$0x80]  }
0xa3: {  	v33 =	vadd.s32 s20, v20;
	v36 =	vadd.s32 s20, v21;
	v53 =	vadd.s32 s20, v29  }
0xa4: {  	v35 =	vand.u32 $0x7F, v31;
	v37 =	vand.u32 $0x7F, v32;
	v38 =	vand.u32 $0x7F, v33  }
0xa5: {  	v31 =	vand.u32 $0xFFFFFF80, v31;
	v32 =	vand.u32 $0xFFFFFF80, v32;
	v33 =	vand.u32 $0xFFFFFF80, v33  }
0xa6: {  	v39 =	vand.u32 $0xFFFFFF80, v36;
	v54 =	vand.u32 $0xFFFFFF80, v53;
	v31 =	vadd.s32 v24, v31  }
0xa7: {  	v32 =	vadd.s32 v25, v32;
	v31 =	vor.u32 v35, v31;
	v51 =	vadd.s32 s20, v28  }
0xa8: {  	v33 =	vadd.s32 v26, v33;
	v32 =	vor.u32 v37, v32;
	v52 =	vand.u32 $0xFFFFFF80, v51  }
0xa9: {  	v33 =	vor.u32 v38, v33;
	v34 =	vand.u32 $0x7F, v51;
	v35 =	vadd.s32 v19, v52  }
0xaa: {  	v55 =	vand.u32 $0x7F, v53;
	v56 =	vadd.s32 v22, v54;
	v34 =	vor.u32 v34, v35  }
0xab: {  	v30 =	vld.idx.msk [tilespmem:v30+s8+$0x0], $0xffff;
	v36 =	vand.u32 $0x7F, v36;
	v57 =	vadd.s32 v27, v39;
	v37 =	vor.u32 v55, v56  }
0xac: {  	v16 =	vimm.f32 $0.0e+00;
	v42 =	vand.u32 $0x7F, v58;
	v36 =	vor.u32 v36, v57;
	v31 =	vld.idx.msk [tilespmem:v31+s11+$0x0], $0xffff  }
0xad: {  	v59 =	vadd.s32 s24, v17;
	v40 =	vadd.s32 s24, v18;
	v41 =	vadd.s32 s24, v20;
	v32 =	vld.idx.msk [tilespmem:v32+s11+$0x0], $0xffff  }
0xae: {  	v44 =	vadd.s32 s24, v21;
	v43 =	vand.u32 $0x7F, v59;
	v45 =	vand.u32 $0x7F, v40;
	v33 =	vld.idx.msk [tilespmem:v33+s11+$0x0], $0xffff  }
0xaf: {  	v46 =	vand.u32 $0x7F, v41;
	v60 =	vand.u32 $0xFFFFFF80, v59;
	v61 =	vand.u32 $0xFFFFFF80, v40;
	v34 =	vld.idx.msk [tilespmem:v34+s7+$0x0], $0xffff  }
0xb0: {  	v62 =	vand.u32 $0xFFFFFF80, v41;
	v63 =	vand.u32 $0xFFFFFF80, v44;
	v38 =	vand.u32 $0xFFFFFF80, v58;
	v47 =	vld.idx.msk [tilespmem:v37+s11+$0x0], $0xffff  }
0xb1: {  	v39 =	vadd.s32 v25, v61;
	v41 =	vadd.s32 v26, v62;
	v38 =	vadd.s32 v23, v38;
	v48 =	vld.idx.msk [tilespmem:v36+s11+$0x0], $0xffff  }
0xb2: {  	v35 =	vand.u32 $0x7F, v44;
	v37 =	vadd.s32 v24, v60;
	v44 =	vor.u32 v42, v38  }
0xb3: {  	v42 =	vadd.s32 v27, v63;
	v36 =	vor.u32 v45, v39;
	v38 =	vor.u32 v43, v37  }
0xb4: {  	v37 =	vor.u32 v46, v41;
	v43 =	vmul.f32 v30, v34;
	v40 =	vmul.f32 v31, v34  }
0xb5: {  	v46 =	vadd.s32 s24, v28;
	v41 =	vmul.f32 v32, v34;
	v30 =	vmul.f32 v47, v34  }
0xb6: {  	v45 =	vmul.f32 v33, v34;
	v39 =	vmul.f32 v48, v34;
	v48 =	vand.u32 $0xFFFFFF80, v46  }
0xb7: {  	v47 =	vadd.s32 s24, v29;
	v32 =	vimm.f32 $0.0e+00;
	v34 =	vimm.f32 $0.0e+00  }
0xb8: {  	s22 =	simm.s32 $0x2;
	v33 =	vimm.f32 $0.0e+00;
	v31 =	vimm.f32 $0.0e+00;
	v30 =	vadd.f32 v30, v16  }
.LBB2_5:
0xb9: {  	p0 =	sne.s32 s22, $0x3F;
	v46 =	vand.u32 $0x7F, v46;
	v48 =	vadd.s32 v19, v48;
	v49 =	vand.u32 $0xFFFFFF80, v47  }
0xba: {  	v47 =	vand.u32 $0x7F, v47;
	v46 =	vor.u32 v46, v48;
	v48 =	vadd.s32 v22, v49  }
0xbb: {  	v16 =	vadd.f32 v43, v16;
	v32 =	vadd.f32 v40, v32;
	v49 =	vld.idx.msk [tilespmem:v44+s8+$0x0], $0xffff;
	v44 =	vor.u32 v47, v48  }
0xbc: {  	v34 =	vadd.f32 v41, v34;
	v33 =	vadd.f32 v45, v33;
	v40 =	vld.idx.msk [tilespmem:v38+s11+$0x0], $0xffff;
	v38 =	vor.u32 v35, v42  }
0xbd: {  	v41 =	vadd.s32 s22, v15;
	v31 =	vadd.f32 v39, v31;
	v45 =	vld.idx.msk [tilespmem:v36+s11+$0x0], $0xffff  }
0xbe: {  	v39 =	vadd.s32 s22, v18;
	v42 =	vadd.s32 s22, v20;
	v36 =	vadd.s32 s22, v17;
	v47 =	vld.idx.msk [tilespmem:v37+s11+$0x0], $0xffff  }
0xbf: {  	v48 =	vadd.s32 s22, v21;
	v37 =	vand.u32 $0x7F, v41;
	v43 =	vand.u32 $0x7F, v36;
	v50 =	vld.idx.msk [tilespmem:v46+s7+$0x0], $0xffff  }
0xc0: {  	v35 =	vand.u32 $0x7F, v48;
	v51 =	vand.u32 $0x7F, v42;
	v46 =	vand.u32 $0x7F, v39;
	v52 =	vld.idx.msk [tilespmem:v44+s11+$0x0], $0xffff  }
0xc1: {  	v41 =	vand.u32 $0xFFFFFF80, v41;
	v36 =	vand.u32 $0xFFFFFF80, v36;
	v39 =	vand.u32 $0xFFFFFF80, v39;
	v53 =	vld.idx.msk [tilespmem:v38+s11+$0x0], $0xffff  }
0xc2: {  	v38 =	vadd.s32 v23, v41;
	v41 =	vand.u32 $0xFFFFFF80, v42;
	v42 =	vand.u32 $0xFFFFFF80, v48  }
0xc3: {  	v36 =	vadd.s32 v24, v36;
	v39 =	vadd.s32 v25, v39;
	v41 =	vadd.s32 v26, v41  }
.Ltmp1:
0xc4: {  	v44 =	vor.u32 v37, v38;
	v38 =	vor.u32 v43, v36;
	v42 =	vadd.s32 v27, v42;
	(pc) =	sbr.rel @p0 .LBB2_5-.Ltmp1, $4  }
0xc5: {  	v36 =	vor.u32 v46, v39;
	v43 =	vmul.f32 v49, v50;
	v40 =	vmul.f32 v40, v50  }
0xc6: {  	v37 =	vor.u32 v51, v41;
	v41 =	vmul.f32 v45, v50;
	v49 =	vmul.f32 v52, v50  }
0xc7: {  	v46 =	vadd.s32 s22, v28;
	v45 =	vmul.f32 v47, v50;
	v39 =	vmul.f32 v53, v50  }
0xc8: {  	v48 =	vand.u32 $0xFFFFFF80, v46;
	v47 =	vadd.s32 s22, v29;
	s22 =	sadd.s32 $0x1, s22;
	v30 =	vadd.f32 v49, v30  }
0xc9: {  	v15 =	vand.u32 $0x7F, v46;
	v17 =	vadd.s32 v19, v48  }
0xca: {  	v15 =	vor.u32 v15, v17;
	_ =	sdelay $0x2  }
0xcb: {  	v56 =	vand.u32 $0xFFFFFF80, v47  }
0xcc: {  	v18 =	vand.u32 $0x7F, v47;
	v57 =	vld.idx.msk [tilespmem:v44+s8+$0x0], $0xffff;
	v20 =	vor.u32 v35, v42;
	v17 =	vadd.s32 v22, v56  }
0xcd: {  	v17 =	vor.u32 v18, v17;
	v15 =	vld.idx.msk [tilespmem:v15+s7+$0x0], $0xffff  }
0xce: {  	v58 =	vld.idx.msk [tilespmem:v38+s11+$0x0], $0xffff  }
0xcf: {  	v21 =	vld.idx.msk [tilespmem:v36+s11+$0x0], $0xffff  }
0xd0: {  	v59 =	vld.idx.msk [tilespmem:v37+s11+$0x0], $0xffff  }
0xd1: {  	v14 =	vor.u32 v0, v14;
	v20 =	vld.idx.msk [tilespmem:v20+s11+$0x0], $0xffff  }
0xd2: {  	v16 =	vadd.f32 v43, v16;
	v17 =	vld.idx.msk [tilespmem:v17+s11+$0x0], $0xffff;
	v19 =	vmul.f32 v57, v15  }
0xd3: {  	v23 =	vadd.f32 v40, v32;
	v24 =	vadd.f32 v41, v34;
	v18 =	vmul.f32 v58, v15  }
0xd4: {  	v25 =	vadd.f32 v45, v33;
	v21 =	vmul.f32 v21, v15;
	v16 =	vadd.f32 v19, v16  }
0xd5: {  	v60 =	vadd.f32 v39, v31;
	s21 =	sadd.s32 $0x1, s21;
	v22 =	vmul.f32 v59, v15;
	v18 =	vadd.f32 v18, v23  }
0xd6: {  	p0 =	sne.s32 s21, $0x4;
	v20 =	vmul.f32 v20, v15;
	v21 =	vadd.f32 v21, v24;
	[tilespmem:v14+s17+$0x0] =	vst.idx.msk $0xffff, v16  }
.Ltmp2:
0xd7: {  	v61 =	vmul.f32 v17, v15;
	v62 =	vadd.f32 v22, v25;
	[tilespmem:v13+s18+$0x0] =	vst.idx.msk $0xffff, v18;
	(pc) =	sbr.rel @p0 .LBB2_4-.Ltmp2, $4  }
0xd8: {  	v63 =	vadd.f32 v20, v60;
	[tilespmem:v9+s18+$0x0] =	vst.idx.msk $0xffff, v21  }
0xd9: {  	v9 =	vadd.f32 v61, v30;
	[tilespmem:v10+s18+$0x0] =	vst.idx.msk $0xffff, v62  }
0xda: {  	[tilespmem:v11+s18+$0x0] =	vst.idx.msk $0xffff, v63  }
0xdb: {  	[tilespmem:v12+s18+$0x0] =	vst.idx.msk $0xffff, v9  }
0xdc: {  	s20 =	simm.s32 $0x0;
	s21 =	rddreg [dreg:$0x5]  }
0xdd: {  	[tilespmem:s20], [sflag:$0x2] =	stream.linear.gather [hbm4b:s21+s20], $0x40, $0x38;
	[tilespmem:$0x12380] =	vst v63  }
0xde: {  	_ =	swait.ge [sflag:s4], $0x40  }
0xdf: {  	[sflag:s4] =	ssyncset.done $0x0  }
0xe0: {  	[sflag:s4] =	ssyncadd.s32 $0xFFFFFFC0  }
0xe1: {  	v9 =	vld [tilespmem:$0x0];
	_ =	sdelay $0x2  }
0xe2: {  	v10 =	vld [tilespmem:$0x10];
	_ =	sdelay $0x1  }
0xe3: {  	v11 =	vshll.u32 v9, $0x6;
	v12 =	vshrl.u32 v9, $0x1  }
0xe4: {  	v13 =	vld [tilespmem:$0x20];
	vm0 =	vgt.u32 v9, $0xF423F;
	v11 =	vand.u32 $0x40, v11;
	v9 =	vadd.s32 $0xFFF85F20, v12  }
0xe5: {  	[tilespmem:$0x80] =	vst v11;
	v9 =	vsel vm0, v9, v0  }
0xe6: {  	v55 =	vshrl.u32 v10, $0x1;
	v11 =	vshll.u32 v10, $0x6;
	[tilespmem:$0x100] =	vst v9;
	v9 =	vsel vm0, $0x0, v12  }
0xe7: {  	vm8 =	vgt.u32 v10, $0xF423F;
	v10 =	vadd.s32 $0xFFF85F20, v55;
	[tilespmem:$0x0] =	vst v9;
	v9 =	vand.u32 $0x40, v11;
	v11 =	vld [tilespmem:$0x30]  }
0xe8: {  	[tilespmem:$0x90] =	vst v9;
	v9 =	vsel vm8, v10, v2  }
0xe9: {  	v56 =	vshrl.u32 v13, $0x1;
	v10 =	vshll.u32 v13, $0x6;
	[tilespmem:$0x110] =	vst v9;
	v9 =	vsel vm8, $0x0, v55  }
0xea: {  	vm9 =	vgt.u32 v13, $0xF423F;
	[tilespmem:$0x10] =	vst v9;
	v9 =	vand.u32 $0x40, v10;
	v10 =	vadd.s32 $0xFFF85F20, v56  }
0xeb: {  	[tilespmem:$0xA0] =	vst v9;
	v9 =	vsel vm9, v10, v3  }
0xec: {  	[tilespmem:$0x120] =	vst v9;
	v9 =	vsel vm9, $0x0, v56;
	v10 =	vshll.u32 v11, $0x6;
	v57 =	vshrl.u32 v11, $0x1  }
0xed: {  	vm10 =	vgt.u32 v11, $0xF423F;
	[tilespmem:$0x20] =	vst v9;
	v9 =	vand.u32 $0x40, v10;
	v10 =	vadd.s32 $0xFFF85F20, v57  }
0xee: {  	[tilespmem:$0xB0] =	vst v9;
	v9 =	vsel vm10, v10, v4  }
0xef: {  	[tilespmem:$0x130] =	vst v9;
	v9 =	vsel vm10, $0x0, v57  }
0xf0: {  	s23 =	rddreg [dreg:$0x6];
	[tilespmem:$0x30] =	vst v9  }
0xf1: {  	[tilespmem:s5], [sflag:$0x2] =	stream.linear.gather [hbm4b:s23+s20], $0x40, $0x38;
	[tilespmem:$0x12380] =	vst v63  }
0xf2: {  	_ =	swait.ge [sflag:s4], $0x40  }
0xf3: {  	[sflag:s4] =	ssyncset.done $0x0  }
0xf4: {  	[sflag:s4] =	ssyncadd.s32 $0xFFFFFFC0  }
0xf5: {  	v9 =	vld [tilespmem:$0x180];
	_ =	sdelay $0x2  }
0xf6: {  	v10 =	vld [tilespmem:$0x190];
	_ =	sdelay $0x1  }
0xf7: {  	v11 =	vshll.u32 v9, $0x6;
	v58 =	vshrl.u32 v9, $0x1  }
0xf8: {  	v59 =	vld [tilespmem:$0x1A0];
	vm11 =	vgt.u32 v9, $0xF423F;
	v11 =	vand.u32 $0x40, v11;
	v9 =	vadd.s32 $0xFFF85F20, v58  }
0xf9: {  	[tilespmem:$0x200] =	vst v11;
	v9 =	vsel vm11, v9, v0  }
0xfa: {  	v60 =	vshrl.u32 v10, $0x1;
	v11 =	vshll.u32 v10, $0x6;
	[tilespmem:$0x280] =	vst v9;
	v9 =	vsel vm11, $0x0, v58  }
0xfb: {  	vm12 =	vgt.u32 v10, $0xF423F;
	v10 =	vadd.s32 $0xFFF85F20, v60;
	[tilespmem:$0x180] =	vst v9;
	v9 =	vand.u32 $0x40, v11;
	v11 =	vld [tilespmem:$0x1B0]  }
0xfc: {  	[tilespmem:$0x210] =	vst v9;
	v9 =	vsel vm12, v10, v2  }
0xfd: {  	v61 =	vshrl.u32 v59, $0x1;
	v10 =	vshll.u32 v59, $0x6;
	[tilespmem:$0x290] =	vst v9;
	v9 =	vsel vm12, $0x0, v60  }
0xfe: {  	vm13 =	vgt.u32 v59, $0xF423F;
	[tilespmem:$0x190] =	vst v9;
	v9 =	vand.u32 $0x40, v10;
	v10 =	vadd.s32 $0xFFF85F20, v61  }
0xff: {  	[tilespmem:$0x220] =	vst v9;
	v9 =	vsel vm13, v10, v3  }
0x100: {  	[tilespmem:$0x2A0] =	vst v9;
	v9 =	vsel vm13, $0x0, v61;
	v10 =	vshll.u32 v11, $0x6;
	v62 =	vshrl.u32 v11, $0x1  }
0x101: {  	vm14 =	vgt.u32 v11, $0xF423F;
	[tilespmem:$0x1A0] =	vst v9;
	v9 =	vand.u32 $0x40, v10;
	v10 =	vadd.s32 $0xFFF85F20, v62  }
0x102: {  	[tilespmem:$0x230] =	vst v9;
	v9 =	vsel vm14, v10, v4  }
0x103: {  	[tilespmem:$0x2B0] =	vst v9;
	v9 =	vsel vm14, $0x0, v62  }
0x104: {  	s22 =	simm.s32 $0x300;
	s24 =	rddreg [dreg:$0x15];
	[tilespmem:$0x1B0] =	vst v9  }
0x105: {  	[tilespmem:s22], [sflag:$0x2] =	stream.linear.gather [hbm4b:s24+s20], $0x140, $0x38;
	[tilespmem:$0x12380] =	vst v63  }
0x106: {  	_ =	swait.ge [sflag:s4], $0x140  }
0x107: {  	[sflag:s4] =	ssyncset.done $0x0  }
0x108: {  	[sflag:s4] =	ssyncadd.s32 $0xFFFFFEC0  }
0x109: {  	v9 =	vld [tilespmem:s22+$0x0];
	_ =	sdelay $0x4  }
0x10a: {  	v63 =	vor.u32 s20, v0;
	v10 =	vshll.u32 v9, $0x6;
	v11 =	vshrl.u32 v9, $0x1  }
0x10b: {  	s20 =	simm.s32 $0x480;
	vm15 =	vgt.u32 v9, $0xF423F;
	v10 =	vand.u32 $0x40, v10;
	v9 =	vadd.s32 $0xFFF86020, v11  }
0x10c: {  	s21 =	simm.s32 $0x600;
	[tilespmem:s20+$0x0] =	vst v10;
	v9 =	vsel vm15, v9, v63  }
0x10d: {  	[tilespmem:s21+$0x0] =	vst v9;
	v9 =	vsel vm15, $0x0, v11  }
0x10e: {  	[tilespmem:s22+$0x0] =	vst v9;
	s22 =	simm.s32 $0x310  }
0x10f: {  	v9 =	vld [tilespmem:s22+$0x0]  }
0x110: {  	s23 =	simm.s32 $0x10;
	s24 =	simm.s32 $0x20  }
.LBB2_8:
0x111: {  	p0 =	sne.s32 s24, $0x130;
	_ =	sdelay $0x2  }
0x112: {  	v12 =	vor.u32 s23, v0;
	s23 =	smov.u32 s24;
	v10 =	vshll.u32 v9, $0x6;
	v11 =	vshrl.u32 v9, $0x1  }
0x113: {  	s20 =	sadd.s32 $0x10, s20;
	vm0 =	vgt.u32 v9, $0xF423F;
	v10 =	vand.u32 $0x40, v10;
	v9 =	vadd.s32 $0xFFF86020, v11  }
.Ltmp3:
0x114: {  	s21 =	sadd.s32 $0x10, s21;
	[tilespmem:s20+$0x0] =	vst v10;
	v9 =	vsel vm0, v9, v12;
	(pc) =	sbr.rel @p0 .LBB2_8-.Ltmp3, $4  }
0x115: {  	[tilespmem:s21+$0x0] =	vst v9;
	v9 =	vsel vm0, $0x0, v11  }
0x116: {  	[tilespmem:s22+$0x0] =	vst v9;
	s22 =	sadd.s32 $0x10, s22  }
0x117: {  	v9 =	vld [tilespmem:s22+$0x0]  }
0x118: {  	s24 =	sadd.s32 $0x10, s24  }
0x119: {  	_ =	sdelay $0x2  }
0x11a: {  	v12 =	vor.u32 s23, v0;
	v10 =	vshll.u32 v9, $0x6;
	v11 =	vshrl.u32 v9, $0x1  }
0x11b: {  	s20 =	sadd.s32 $0x10, s20;
	vm0 =	vgt.u32 v9, $0xF423F;
	v10 =	vand.u32 $0x40, v10;
	v9 =	vadd.s32 $0xFFF86020, v11  }
0x11c: {  	s24 =	sadd.s32 $0x10, s21;
	[tilespmem:s20+$0x0] =	vst v10;
	v9 =	vsel vm0, v9, v12  }
0x11d: {  	[tilespmem:s24+$0x0] =	vst v9;
	v9 =	vsel vm0, $0x0, v11  }
0x11e: {  	s20 =	simm.s32 $0x0;
	[tilespmem:s22+$0x0] =	vst v9  }
0x11f: {  	[tilespmem:s7], [sflag:$0x1] =	stream.indirect.gather [hbm4b:s28+s6], $0x80, s20, s6, $0xb8;
	[tilespmem:$0x12380] =	vst v63  }
0x120: {  	_ = 	snop  }
0x121: {  	[tilespmem:s8], [sflag:$0x1] =	stream.indirect.gather [hbm4b:s29+s6], $0x80, s5, s6, $0xb8;
	[tilespmem:$0x12380] =	vst v63  }
0x122: {  	_ = 	snop  }
0x123: {  	[tilespmem:s11], [sflag:$0x1] =	stream.indirect.gather [hbm4b:s29+s9], $0x80, s10, s9, $0xb8;
	[tilespmem:$0x12380] =	vst v63  }
0x124: {  	_ = 	snop  }
0x125: {  	[tilespmem:s13], [sflag:$0x1] =	stream.indirect.gather [hbm4b:s29+s9], $0x80, s12, s9, $0xb8;
	[tilespmem:$0x12380] =	vst v63  }
0x126: {  	_ =	swait.ge [sflag:s14], $0x2000  }
0x127: {  	[sflag:s14] =	ssyncset.done $0x0  }
0x128: {  	[sflag:s14] =	ssyncadd.s32 $0xFFFFE000  }
0x129: {  	_ =	swait.ge [sflag:s14], $0x2000  }
0x12a: {  	[sflag:s14] =	ssyncset.done $0x0  }
0x12b: {  	[sflag:s14] =	ssyncadd.s32 $0xFFFFE000  }
0x12c: {  	_ =	swait.ge [sflag:s14], $0x4000  }
0x12d: {  	[sflag:s14] =	ssyncset.done $0x0  }
0x12e: {  	[sflag:s14] =	ssyncadd.s32 $0xFFFFC000  }
0x12f: {  	_ =	swait.ge [sflag:s14], $0x4000  }
0x130: {  	[sflag:s14] =	ssyncset.done $0x0  }
0x131: {  	s21 =	simm.s32 $0x0;
	[sflag:s14] =	ssyncadd.s32 $0xFFFFC000  }
.LBB2_10:
0x132: {  	s22 =	sshll.u32 s21, $0x4  }
0x133: {  	v9 =	vmov s22  }
0x134: {  	v9 =	vmul.u32 $0x5, v9;
	_ =	sdelay $0x1  }
0x135: {  	v10 =	vbroadcast v9, $0x0;
	_ =	sdelay $0x1  }
0x136: {  	v11 =	vadd.s32 v1, v10  }
0x137: {  	v12 =	vadd.s32 v5, v10  }
0x138: {  	v13 =	vld [tilespmem:s22+$0x100];
	v14 =	vadd.s32 v6, v10  }
0x139: {  	v17 =	vld [tilespmem:s22+$0x280];
	v16 =	vadd.s32 v7, v10  }
0x13a: {  	v9 =	vld [tilespmem:s22+$0x200];
	v23 =	vadd.s32 v8, v10  }
0x13b: {  	v10 =	vld.idx.msk [tilespmem:v11+s15+$0x0], $0xffff  }
0x13c: {  	v19 =	vld.idx.msk [tilespmem:v12+s15+$0x0], $0xffff  }
0x13d: {  	v20 =	vld.idx.msk [tilespmem:v14+s15+$0x0], $0xffff  }
0x13e: {  	v21 =	vld.idx.msk [tilespmem:v16+s15+$0x0], $0xffff  }
0x13f: {  	v22 =	vld.idx.msk [tilespmem:v23+s15+$0x0], $0xffff  }
0x140: {  	v11 =	vld.idx.msk [tilespmem:v11+s16+$0x0], $0xffff  }
0x141: {  	v12 =	vld.idx.msk [tilespmem:v12+s16+$0x0], $0xffff  }
0x142: {  	v24 =	vadd.s32 s20, v9;
	v15 =	vld.idx.msk [tilespmem:v14+s16+$0x0], $0xffff  }
0x143: {  	v17 =	vshll.u32 v17, $0x7;
	v28 =	vand.u32 $0x7F, v24;
	v24 =	vand.u32 $0xFFFFFF80, v24;
	v16 =	vld.idx.msk [tilespmem:v16+s16+$0x0], $0xffff  }
0x144: {  	s23 =	simm.s32 $0x1;
	v13 =	vshll.u32 v13, $0x7;
	v24 =	vadd.s32 v17, v24  }
0x145: {  	v59 =	vadd.s32 s23, v9;
	v24 =	vor.u32 v28, v24;
	v18 =	vshll.u32 v10, $0x7  }
0x146: {  	v19 =	vshll.u32 v19, $0x7;
	v20 =	vshll.u32 v20, $0x7;
	v21 =	vshll.u32 v21, $0x7  }
0x147: {  	v14 =	vshll.u32 v22, $0x7;
	v25 =	vadd.s32 s20, v11;
	v26 =	vadd.s32 s20, v12;
	v22 =	vld [tilespmem:s22+$0x80]  }
0x148: {  	v27 =	vadd.s32 s20, v15;
	v30 =	vadd.s32 s20, v16;
	v29 =	vand.u32 $0x7F, v25  }
0x149: {  	v23 =	vld.idx.msk [tilespmem:v23+s16+$0x0], $0xffff;
	v31 =	vand.u32 $0x7F, v26;
	v32 =	vand.u32 $0x7F, v27;
	v25 =	vand.u32 $0xFFFFFF80, v25  }
0x14a: {  	v26 =	vand.u32 $0xFFFFFF80, v26;
	v27 =	vand.u32 $0xFFFFFF80, v27;
	v33 =	vand.u32 $0xFFFFFF80, v30  }
0x14b: {  	v30 =	vand.u32 $0x7F, v30;
	v25 =	vadd.s32 v18, v25;
	v26 =	vadd.s32 v19, v26  }
0x14c: {  	v27 =	vadd.s32 v20, v27;
	v25 =	vor.u32 v29, v25;
	v28 =	vadd.s32 s20, v22  }
0x14d: {  	v26 =	vor.u32 v31, v26;
	v27 =	vor.u32 v32, v27;
	v29 =	vand.u32 $0xFFFFFF80, v28  }
0x14e: {  	v31 =	vadd.s32 s20, v23;
	v28 =	vand.u32 $0x7F, v28;
	v29 =	vadd.s32 v13, v29  }
0x14f: {  	v58 =	vadd.s32 v21, v33;
	v57 =	vand.u32 $0xFFFFFF80, v31;
	v28 =	vor.u32 v28, v29  }
0x150: {  	v24 =	vld.idx.msk [tilespmem:v24+s8+$0x0], $0xffff;
	v30 =	vor.u32 v30, v58;
	v29 =	vand.u32 $0x7F, v31;
	v31 =	vadd.s32 v14, v57  }
0x151: {  	v36 =	vand.u32 $0x7F, v59;
	v10 =	vimm.f32 $0.0e+00;
	v25 =	vld.idx.msk [tilespmem:v25+s11+$0x0], $0xffff;
	v31 =	vor.u32 v29, v31  }
0x152: {  	v60 =	vadd.s32 s23, v11;
	v34 =	vadd.s32 s23, v12;
	v35 =	vadd.s32 s23, v15;
	v26 =	vld.idx.msk [tilespmem:v26+s11+$0x0], $0xffff  }
0x153: {  	v38 =	vadd.s32 s23, v16;
	v37 =	vand.u32 $0x7F, v60;
	v40 =	vand.u32 $0x7F, v34;
	v27 =	vld.idx.msk [tilespmem:v27+s11+$0x0], $0xffff  }
0x154: {  	v41 =	vand.u32 $0x7F, v35;
	v61 =	vand.u32 $0xFFFFFF80, v34;
	v32 =	vand.u32 $0xFFFFFF80, v59;
	v28 =	vld.idx.msk [tilespmem:v28+s7+$0x0], $0xffff  }
0x155: {  	v63 =	vand.u32 $0xFFFFFF80, v38;
	v33 =	vadd.s32 v19, v61;
	v32 =	vadd.s32 v17, v32;
	v62 =	vld.idx.msk [tilespmem:v30+s11+$0x0], $0xffff  }
0x156: {  	v39 =	vor.u32 v36, v32;
	v30 =	vand.u32 $0xFFFFFF80, v35;
	v42 =	vld.idx.msk [tilespmem:v31+s11+$0x0], $0xffff;
	v31 =	vand.u32 $0xFFFFFF80, v60  }
0x157: {  	v29 =	vand.u32 $0x7F, v38;
	v30 =	vadd.s32 v20, v30;
	v31 =	vadd.s32 v18, v31  }
0x158: {  	v30 =	vor.u32 v41, v30;
	v41 =	vadd.s32 s23, v22;
	v32 =	vor.u32 v37, v31  }
0x159: {  	v37 =	vadd.s32 v21, v63;
	v35 =	vmul.f32 v24, v28;
	v36 =	vmul.f32 v25, v28  }
0x15a: {  	v31 =	vor.u32 v40, v33;
	v33 =	vmul.f32 v26, v28;
	v38 =	vmul.f32 v27, v28  }
0x15b: {  	v40 =	vadd.s32 s23, v23;
	v34 =	vmul.f32 v62, v28;
	v24 =	vmul.f32 v42, v28  }
0x15c: {  	v26 =	vimm.f32 $0.0e+00;
	v27 =	vimm.f32 $0.0e+00;
	v25 =	vimm.f32 $0.0e+00  }
0x15d: {  	s23 =	simm.s32 $0x2;
	v42 =	vand.u32 $0xFFFFFF80, v41;
	v28 =	vimm.f32 $0.0e+00;
	v24 =	vadd.f32 v24, v10  }
.LBB2_11:
0x15e: {  	p0 =	sne.s32 s23, $0x3F;
	v41 =	vand.u32 $0x7F, v41;
	v42 =	vadd.s32 v13, v42;
	v43 =	vand.u32 $0xFFFFFF80, v40  }
0x15f: {  	v40 =	vand.u32 $0x7F, v40;
	v41 =	vor.u32 v41, v42;
	v42 =	vadd.s32 v14, v43  }
0x160: {  	v10 =	vadd.f32 v35, v10;
	v28 =	vadd.f32 v36, v28;
	v43 =	vld.idx.msk [tilespmem:v39+s8+$0x0], $0xffff;
	v39 =	vor.u32 v40, v42  }
0x161: {  	v26 =	vadd.f32 v33, v26;
	v27 =	vadd.f32 v38, v27;
	v36 =	vld.idx.msk [tilespmem:v32+s11+$0x0], $0xffff;
	v32 =	vor.u32 v29, v37  }
0x162: {  	v33 =	vadd.s32 s23, v9;
	v25 =	vadd.f32 v34, v25;
	v38 =	vld.idx.msk [tilespmem:v31+s11+$0x0], $0xffff  }
0x163: {  	v34 =	vadd.s32 s23, v12;
	v35 =	vadd.s32 s23, v15;
	v31 =	vadd.s32 s23, v11;
	v40 =	vld.idx.msk [tilespmem:v30+s11+$0x0], $0xffff  }
0x164: {  	v42 =	vadd.s32 s23, v16;
	v30 =	vand.u32 $0x7F, v33;
	v37 =	vand.u32 $0x7F, v31;
	v44 =	vld.idx.msk [tilespmem:v41+s7+$0x0], $0xffff  }
0x165: {  	v45 =	vand.u32 $0x7F, v35;
	v29 =	vand.u32 $0x7F, v42;
	v41 =	vand.u32 $0x7F, v34;
	v46 =	vld.idx.msk [tilespmem:v39+s11+$0x0], $0xffff  }
0x166: {  	v33 =	vand.u32 $0xFFFFFF80, v33;
	v31 =	vand.u32 $0xFFFFFF80, v31;
	v34 =	vand.u32 $0xFFFFFF80, v34;
	v47 =	vld.idx.msk [tilespmem:v32+s11+$0x0], $0xffff  }
0x167: {  	v32 =	vadd.s32 v17, v33;
	v33 =	vand.u32 $0xFFFFFF80, v35;
	v35 =	vand.u32 $0xFFFFFF80, v42  }
0x168: {  	v31 =	vadd.s32 v18, v31;
	v34 =	vadd.s32 v19, v34;
	v33 =	vadd.s32 v20, v33  }
.Ltmp4:
0x169: {  	v39 =	vor.u32 v30, v32;
	v32 =	vor.u32 v37, v31;
	v37 =	vadd.s32 v21, v35;
	(pc) =	sbr.rel @p0 .LBB2_11-.Ltmp4, $4  }
0x16a: {  	v31 =	vor.u32 v41, v34;
	v35 =	vmul.f32 v43, v44;
	v36 =	vmul.f32 v36, v44  }
0x16b: {  	v30 =	vor.u32 v45, v33;
	v33 =	vmul.f32 v38, v44;
	v43 =	vmul.f32 v46, v44  }
0x16c: {  	v41 =	vadd.s32 s23, v22;
	v38 =	vmul.f32 v40, v44;
	v34 =	vmul.f32 v47, v44  }
0x16d: {  	v42 =	vand.u32 $0xFFFFFF80, v41;
	v40 =	vadd.s32 s23, v23;
	s23 =	sadd.s32 $0x1, s23;
	v24 =	vadd.f32 v43, v24  }
0x16e: {  	v9 =	vand.u32 $0x7F, v41;
	v11 =	vadd.s32 v13, v42  }
0x16f: {  	v9 =	vor.u32 v9, v11;
	_ =	sdelay $0x2  }
0x170: {  	v12 =	vld.idx.msk [tilespmem:v39+s8+$0x0], $0xffff;
	v58 =	vor.u32 v29, v37;
	v11 =	vand.u32 $0xFFFFFF80, v40  }
0x171: {  	v15 =	vand.u32 $0x7F, v40;
	v59 =	vld.idx.msk [tilespmem:v32+s11+$0x0], $0xffff;
	v11 =	vadd.s32 v14, v11  }
0x172: {  	v11 =	vor.u32 v15, v11;
	v9 =	vld.idx.msk [tilespmem:v9+s7+$0x0], $0xffff  }
0x173: {  	v60 =	vld.idx.msk [tilespmem:v31+s11+$0x0], $0xffff;
	s22 =	sor.u32 $0x40, s22  }
0x174: {  	v16 =	vld.idx.msk [tilespmem:v30+s11+$0x0], $0xffff;
	v17 =	vmov s22  }
0x175: {  	v10 =	vadd.f32 v35, v10;
	v18 =	vadd.f32 v36, v28;
	v17 =	vmul.u32 $0x5, v17;
	v13 =	vld.idx.msk [tilespmem:v58+s11+$0x0], $0xffff  }
0x176: {  	v19 =	vadd.f32 v33, v26;
	v20 =	vadd.f32 v38, v27;
	v21 =	vor.u32 s22, v0  }
0x177: {  	v22 =	vadd.f32 v34, v25;
	v23 =	vadd.s32 v1, v17;
	v11 =	vld.idx.msk [tilespmem:v11+s11+$0x0], $0xffff;
	v12 =	vmul.f32 v12, v9  }
0x178: {  	v61 =	vadd.s32 v5, v17;
	v62 =	vadd.s32 v6, v17;
	v14 =	vmul.f32 v59, v9  }
0x179: {  	v63 =	vadd.s32 v7, v17;
	v15 =	vmul.f32 v60, v9;
	v10 =	vadd.f32 v12, v10  }
0x17a: {  	s21 =	sadd.s32 $0x1, s21;
	v16 =	vmul.f32 v16, v9;
	v13 =	vmul.f32 v13, v9;
	v14 =	vadd.f32 v14, v18  }
0x17b: {  	p0 =	sne.s32 s21, $0x4;
	v15 =	vadd.f32 v15, v19;
	[tilespmem:v21+s17+$0x0] =	vst.idx.msk $0xffff, v10;
	v10 =	vadd.s32 v8, v17  }
.Ltmp5:
0x17c: {  	v9 =	vmul.f32 v11, v9;
	v11 =	vadd.f32 v16, v20;
	[tilespmem:v23+s18+$0x0] =	vst.idx.msk $0xffff, v14;
	(pc) =	sbr.rel @p0 .LBB2_10-.Ltmp5, $4  }
0x17d: {  	v13 =	vadd.f32 v13, v22;
	[tilespmem:v61+s18+$0x0] =	vst.idx.msk $0xffff, v15  }
0x17e: {  	v9 =	vadd.f32 v9, v24;
	[tilespmem:v62+s18+$0x0] =	vst.idx.msk $0xffff, v11  }
0x17f: {  	[tilespmem:v63+s18+$0x0] =	vst.idx.msk $0xffff, v13  }
0x180: {  	[tilespmem:v10+s18+$0x0] =	vst.idx.msk $0xffff, v9  }
0x181: {  	s20 =	simm.s32 $0x0;
	s21 =	rddreg [dreg:$0x7]  }
0x182: {  	[tilespmem:s20], [sflag:$0x2] =	stream.linear.gather [hbm4b:s21+s20], $0x40, $0x38;
	[tilespmem:$0x12380] =	vst v63  }
0x183: {  	_ =	swait.ge [sflag:s4], $0x40  }
0x184: {  	[sflag:s4] =	ssyncset.done $0x0  }
0x185: {  	[sflag:s4] =	ssyncadd.s32 $0xFFFFFFC0  }
0x186: {  	v9 =	vld [tilespmem:$0x0];
	_ =	sdelay $0x2  }
0x187: {  	v10 =	vld [tilespmem:$0x10];
	_ =	sdelay $0x1  }
0x188: {  	v11 =	vshll.u32 v9, $0x6;
	v12 =	vshrl.u32 v9, $0x1  }
0x189: {  	v13 =	vld [tilespmem:$0x20];
	vm0 =	vgt.u32 v9, $0xF423F;
	v11 =	vand.u32 $0x40, v11;
	v9 =	vadd.s32 $0xFFF85F20, v12  }
0x18a: {  	[tilespmem:$0x80] =	vst v11;
	v9 =	vsel vm0, v9, v0  }
0x18b: {  	v55 =	vshrl.u32 v10, $0x1;
	v11 =	vshll.u32 v10, $0x6;
	[tilespmem:$0x100] =	vst v9;
	v9 =	vsel vm0, $0x0, v12  }
0x18c: {  	vm8 =	vgt.u32 v10, $0xF423F;
	v10 =	vadd.s32 $0xFFF85F20, v55;
	[tilespmem:$0x0] =	vst v9;
	v9 =	vand.u32 $0x40, v11;
	v11 =	vld [tilespmem:$0x30]  }
0x18d: {  	[tilespmem:$0x90] =	vst v9;
	v9 =	vsel vm8, v10, v2  }
0x18e: {  	v56 =	vshrl.u32 v13, $0x1;
	v10 =	vshll.u32 v13, $0x6;
	[tilespmem:$0x110] =	vst v9;
	v9 =	vsel vm8, $0x0, v55  }
0x18f: {  	vm9 =	vgt.u32 v13, $0xF423F;
	[tilespmem:$0x10] =	vst v9;
	v9 =	vand.u32 $0x40, v10;
	v10 =	vadd.s32 $0xFFF85F20, v56  }
0x190: {  	[tilespmem:$0xA0] =	vst v9;
	v9 =	vsel vm9, v10, v3  }
0x191: {  	[tilespmem:$0x120] =	vst v9;
	v9 =	vsel vm9, $0x0, v56;
	v10 =	vshll.u32 v11, $0x6;
	v57 =	vshrl.u32 v11, $0x1  }
0x192: {  	vm10 =	vgt.u32 v11, $0xF423F;
	[tilespmem:$0x20] =	vst v9;
	v9 =	vand.u32 $0x40, v10;
	v10 =	vadd.s32 $0xFFF85F20, v57  }
0x193: {  	[tilespmem:$0xB0] =	vst v9;
	v9 =	vsel vm10, v10, v4  }
0x194: {  	[tilespmem:$0x130] =	vst v9;
	v9 =	vsel vm10, $0x0, v57  }
0x195: {  	s23 =	rddreg [dreg:$0x8];
	[tilespmem:$0x30] =	vst v9  }
0x196: {  	[tilespmem:s5], [sflag:$0x2] =	stream.linear.gather [hbm4b:s23+s20], $0x40, $0x38;
	[tilespmem:$0x12380] =	vst v63  }
0x197: {  	_ =	swait.ge [sflag:s4], $0x40  }
0x198: {  	[sflag:s4] =	ssyncset.done $0x0  }
0x199: {  	[sflag:s4] =	ssyncadd.s32 $0xFFFFFFC0  }
0x19a: {  	v9 =	vld [tilespmem:$0x180];
	_ =	sdelay $0x2  }
0x19b: {  	v10 =	vld [tilespmem:$0x190];
	_ =	sdelay $0x1  }
0x19c: {  	v11 =	vshll.u32 v9, $0x6;
	v58 =	vshrl.u32 v9, $0x1  }
0x19d: {  	v59 =	vld [tilespmem:$0x1A0];
	vm11 =	vgt.u32 v9, $0xF423F;
	v11 =	vand.u32 $0x40, v11;
	v9 =	vadd.s32 $0xFFF85F20, v58  }
0x19e: {  	[tilespmem:$0x200] =	vst v11;
	v9 =	vsel vm11, v9, v0  }
0x19f: {  	v60 =	vshrl.u32 v10, $0x1;
	v11 =	vshll.u32 v10, $0x6;
	[tilespmem:$0x280] =	vst v9;
	v9 =	vsel vm11, $0x0, v58  }
0x1a0: {  	vm12 =	vgt.u32 v10, $0xF423F;
	v10 =	vadd.s32 $0xFFF85F20, v60;
	[tilespmem:$0x180] =	vst v9;
	v9 =	vand.u32 $0x40, v11;
	v11 =	vld [tilespmem:$0x1B0]  }
0x1a1: {  	[tilespmem:$0x210] =	vst v9;
	v9 =	vsel vm12, v10, v2  }
0x1a2: {  	v61 =	vshrl.u32 v59, $0x1;
	v10 =	vshll.u32 v59, $0x6;
	[tilespmem:$0x290] =	vst v9;
	v9 =	vsel vm12, $0x0, v60  }
0x1a3: {  	vm13 =	vgt.u32 v59, $0xF423F;
	[tilespmem:$0x190] =	vst v9;
	v9 =	vand.u32 $0x40, v10;
	v10 =	vadd.s32 $0xFFF85F20, v61  }
0x1a4: {  	[tilespmem:$0x220] =	vst v9;
	v9 =	vsel vm13, v10, v3  }
0x1a5: {  	[tilespmem:$0x2A0] =	vst v9;
	v9 =	vsel vm13, $0x0, v61;
	v10 =	vshll.u32 v11, $0x6;
	v62 =	vshrl.u32 v11, $0x1  }
0x1a6: {  	vm14 =	vgt.u32 v11, $0xF423F;
	[tilespmem:$0x1A0] =	vst v9;
	v9 =	vand.u32 $0x40, v10;
	v10 =	vadd.s32 $0xFFF85F20, v62  }
0x1a7: {  	[tilespmem:$0x230] =	vst v9;
	v9 =	vsel vm14, v10, v4  }
0x1a8: {  	[tilespmem:$0x2B0] =	vst v9;
	v9 =	vsel vm14, $0x0, v62  }
0x1a9: {  	s22 =	simm.s32 $0x300;
	s24 =	rddreg [dreg:$0x16];
	[tilespmem:$0x1B0] =	vst v9  }
0x1aa: {  	[tilespmem:s22], [sflag:$0x2] =	stream.linear.gather [hbm4b:s24+s20], $0x140, $0x38;
	[tilespmem:$0x12380] =	vst v63  }
0x1ab: {  	_ =	swait.ge [sflag:s4], $0x140  }
0x1ac: {  	[sflag:s4] =	ssyncset.done $0x0  }
0x1ad: {  	[sflag:s4] =	ssyncadd.s32 $0xFFFFFEC0  }
0x1ae: {  	v9 =	vld [tilespmem:s22+$0x0];
	_ =	sdelay $0x4  }
0x1af: {  	v63 =	vor.u32 s20, v0;
	v10 =	vshll.u32 v9, $0x6;
	v11 =	vshrl.u32 v9, $0x1  }
0x1b0: {  	s20 =	simm.s32 $0x480;
	vm15 =	vgt.u32 v9, $0xF423F;
	v10 =	vand.u32 $0x40, v10;
	v9 =	vadd.s32 $0xFFF86020, v11  }
0x1b1: {  	s21 =	simm.s32 $0x600;
	[tilespmem:s20+$0x0] =	vst v10;
	v9 =	vsel vm15, v9, v63  }
0x1b2: {  	[tilespmem:s21+$0x0] =	vst v9;
	v9 =	vsel vm15, $0x0, v11  }
0x1b3: {  	[tilespmem:s22+$0x0] =	vst v9;
	s22 =	simm.s32 $0x310  }
0x1b4: {  	v9 =	vld [tilespmem:s22+$0x0]  }
0x1b5: {  	s23 =	simm.s32 $0x10;
	s24 =	simm.s32 $0x20  }
.LBB2_14:
0x1b6: {  	p0 =	sne.s32 s24, $0x130;
	_ =	sdelay $0x2  }
0x1b7: {  	v12 =	vor.u32 s23, v0;
	s23 =	smov.u32 s24;
	v10 =	vshll.u32 v9, $0x6;
	v11 =	vshrl.u32 v9, $0x1  }
0x1b8: {  	s20 =	sadd.s32 $0x10, s20;
	vm0 =	vgt.u32 v9, $0xF423F;
	v10 =	vand.u32 $0x40, v10;
	v9 =	vadd.s32 $0xFFF86020, v11  }
.Ltmp6:
0x1b9: {  	s21 =	sadd.s32 $0x10, s21;
	[tilespmem:s20+$0x0] =	vst v10;
	v9 =	vsel vm0, v9, v12;
	(pc) =	sbr.rel @p0 .LBB2_14-.Ltmp6, $4  }
0x1ba: {  	[tilespmem:s21+$0x0] =	vst v9;
	v9 =	vsel vm0, $0x0, v11  }
0x1bb: {  	[tilespmem:s22+$0x0] =	vst v9;
	s22 =	sadd.s32 $0x10, s22  }
0x1bc: {  	v9 =	vld [tilespmem:s22+$0x0]  }
0x1bd: {  	s24 =	sadd.s32 $0x10, s24  }
0x1be: {  	_ =	sdelay $0x2  }
0x1bf: {  	v12 =	vor.u32 s23, v0;
	v10 =	vshll.u32 v9, $0x6;
	v11 =	vshrl.u32 v9, $0x1  }
0x1c0: {  	s20 =	sadd.s32 $0x10, s20;
	vm0 =	vgt.u32 v9, $0xF423F;
	v10 =	vand.u32 $0x40, v10;
	v9 =	vadd.s32 $0xFFF86020, v11  }
0x1c1: {  	s24 =	sadd.s32 $0x10, s21;
	[tilespmem:s20+$0x0] =	vst v10;
	v9 =	vsel vm0, v9, v12  }
0x1c2: {  	[tilespmem:s24+$0x0] =	vst v9;
	v9 =	vsel vm0, $0x0, v11  }
0x1c3: {  	s20 =	simm.s32 $0x0;
	[tilespmem:s22+$0x0] =	vst v9  }
0x1c4: {  	[tilespmem:s7], [sflag:$0x1] =	stream.indirect.gather [hbm4b:s28+s6], $0x80, s20, s6, $0xb8;
	[tilespmem:$0x12380] =	vst v63  }
0x1c5: {  	_ = 	snop  }
0x1c6: {  	[tilespmem:s8], [sflag:$0x1] =	stream.indirect.gather [hbm4b:s29+s6], $0x80, s5, s6, $0xb8;
	[tilespmem:$0x12380] =	vst v63  }
0x1c7: {  	_ = 	snop  }
0x1c8: {  	[tilespmem:s11], [sflag:$0x1] =	stream.indirect.gather [hbm4b:s29+s9], $0x80, s10, s9, $0xb8;
	[tilespmem:$0x12380] =	vst v63  }
0x1c9: {  	_ = 	snop  }
0x1ca: {  	[tilespmem:s13], [sflag:$0x1] =	stream.indirect.gather [hbm4b:s29+s9], $0x80, s12, s9, $0xb8;
	[tilespmem:$0x12380] =	vst v63  }
0x1cb: {  	_ =	swait.ge [sflag:s14], $0x2000  }
0x1cc: {  	[sflag:s14] =	ssyncset.done $0x0  }
0x1cd: {  	[sflag:s14] =	ssyncadd.s32 $0xFFFFE000  }
0x1ce: {  	_ =	swait.ge [sflag:s14], $0x2000  }
0x1cf: {  	[sflag:s14] =	ssyncset.done $0x0  }
0x1d0: {  	[sflag:s14] =	ssyncadd.s32 $0xFFFFE000  }
0x1d1: {  	_ =	swait.ge [sflag:s14], $0x4000  }
0x1d2: {  	[sflag:s14] =	ssyncset.done $0x0  }
0x1d3: {  	[sflag:s14] =	ssyncadd.s32 $0xFFFFC000  }
0x1d4: {  	_ =	swait.ge [sflag:s14], $0x4000  }
0x1d5: {  	[sflag:s14] =	ssyncset.done $0x0  }
0x1d6: {  	s21 =	simm.s32 $0x0;
	[sflag:s14] =	ssyncadd.s32 $0xFFFFC000  }
.LBB2_16:
0x1d7: {  	s22 =	sshll.u32 s21, $0x4  }
0x1d8: {  	v9 =	vmov s22  }
0x1d9: {  	v9 =	vmul.u32 $0x5, v9;
	_ =	sdelay $0x1  }
0x1da: {  	v10 =	vbroadcast v9, $0x0;
	_ =	sdelay $0x1  }
0x1db: {  	v11 =	vadd.s32 v1, v10  }
0x1dc: {  	v12 =	vadd.s32 v5, v10  }
0x1dd: {  	v13 =	vld [tilespmem:s22+$0x100];
	v14 =	vadd.s32 v6, v10  }
0x1de: {  	v17 =	vld [tilespmem:s22+$0x280];
	v16 =	vadd.s32 v7, v10  }
0x1df: {  	v9 =	vld [tilespmem:s22+$0x200];
	v23 =	vadd.s32 v8, v10  }
0x1e0: {  	v10 =	vld.idx.msk [tilespmem:v11+s15+$0x0], $0xffff  }
0x1e1: {  	v19 =	vld.idx.msk [tilespmem:v12+s15+$0x0], $0xffff  }
0x1e2: {  	v20 =	vld.idx.msk [tilespmem:v14+s15+$0x0], $0xffff  }
0x1e3: {  	v21 =	vld.idx.msk [tilespmem:v16+s15+$0x0], $0xffff  }
0x1e4: {  	v22 =	vld.idx.msk [tilespmem:v23+s15+$0x0], $0xffff  }
0x1e5: {  	v11 =	vld.idx.msk [tilespmem:v11+s16+$0x0], $0xffff  }
0x1e6: {  	v12 =	vld.idx.msk [tilespmem:v12+s16+$0x0], $0xffff  }
0x1e7: {  	v24 =	vadd.s32 s20, v9;
	v15 =	vld.idx.msk [tilespmem:v14+s16+$0x0], $0xffff  }
0x1e8: {  	v17 =	vshll.u32 v17, $0x7;
	v28 =	vand.u32 $0x7F, v24;
	v24 =	vand.u32 $0xFFFFFF80, v24;
	v16 =	vld.idx.msk [tilespmem:v16+s16+$0x0], $0xffff  }
0x1e9: {  	s23 =	simm.s32 $0x1;
	v13 =	vshll.u32 v13, $0x7;
	v24 =	vadd.s32 v17, v24  }
0x1ea: {  	v59 =	vadd.s32 s23, v9;
	v24 =	vor.u32 v28, v24;
	v18 =	vshll.u32 v10, $0x7  }
0x1eb: {  	v19 =	vshll.u32 v19, $0x7;
	v20 =	vshll.u32 v20, $0x7;
	v21 =	vshll.u32 v21, $0x7  }
0x1ec: {  	v14 =	vshll.u32 v22, $0x7;
	v25 =	vadd.s32 s20, v11;
	v26 =	vadd.s32 s20, v12;
	v22 =	vld [tilespmem:s22+$0x80]  }
0x1ed: {  	v27 =	vadd.s32 s20, v15;
	v30 =	vadd.s32 s20, v16;
	v29 =	vand.u32 $0x7F, v25  }
0x1ee: {  	v23 =	vld.idx.msk [tilespmem:v23+s16+$0x0], $0xffff;
	v31 =	vand.u32 $0x7F, v26;
	v32 =	vand.u32 $0x7F, v27;
	v25 =	vand.u32 $0xFFFFFF80, v25  }
0x1ef: {  	v26 =	vand.u32 $0xFFFFFF80, v26;
	v27 =	vand.u32 $0xFFFFFF80, v27;
	v33 =	vand.u32 $0xFFFFFF80, v30  }
0x1f0: {  	v30 =	vand.u32 $0x7F, v30;
	v25 =	vadd.s32 v18, v25;
	v26 =	vadd.s32 v19, v26  }
0x1f1: {  	v27 =	vadd.s32 v20, v27;
	v25 =	vor.u32 v29, v25;
	v28 =	vadd.s32 s20, v22  }
0x1f2: {  	v26 =	vor.u32 v31, v26;
	v27 =	vor.u32 v32, v27;
	v29 =	vand.u32 $0xFFFFFF80, v28  }
0x1f3: {  	v31 =	vadd.s32 s20, v23;
	v28 =	vand.u32 $0x7F, v28;
	v29 =	vadd.s32 v13, v29  }
0x1f4: {  	v58 =	vadd.s32 v21, v33;
	v57 =	vand.u32 $0xFFFFFF80, v31;
	v28 =	vor.u32 v28, v29  }
0x1f5: {  	v24 =	vld.idx.msk [tilespmem:v24+s8+$0x0], $0xffff;
	v30 =	vor.u32 v30, v58;
	v29 =	vand.u32 $0x7F, v31;
	v31 =	vadd.s32 v14, v57  }
0x1f6: {  	v36 =	vand.u32 $0x7F, v59;
	v10 =	vimm.f32 $0.0e+00;
	v25 =	vld.idx.msk [tilespmem:v25+s11+$0x0], $0xffff;
	v31 =	vor.u32 v29, v31  }
0x1f7: {  	v60 =	vadd.s32 s23, v11;
	v34 =	vadd.s32 s23, v12;
	v35 =	vadd.s32 s23, v15;
	v26 =	vld.idx.msk [tilespmem:v26+s11+$0x0], $0xffff  }
0x1f8: {  	v38 =	vadd.s32 s23, v16;
	v37 =	vand.u32 $0x7F, v60;
	v40 =	vand.u32 $0x7F, v34;
	v27 =	vld.idx.msk [tilespmem:v27+s11+$0x0], $0xffff  }
0x1f9: {  	v41 =	vand.u32 $0x7F, v35;
	v61 =	vand.u32 $0xFFFFFF80, v34;
	v32 =	vand.u32 $0xFFFFFF80, v59;
	v28 =	vld.idx.msk [tilespmem:v28+s7+$0x0], $0xffff  }
0x1fa: {  	v63 =	vand.u32 $0xFFFFFF80, v38;
	v33 =	vadd.s32 v19, v61;
	v32 =	vadd.s32 v17, v32;
	v62 =	vld.idx.msk [tilespmem:v30+s11+$0x0], $0xffff  }
0x1fb: {  	v39 =	vor.u32 v36, v32;
	v30 =	vand.u32 $0xFFFFFF80, v35;
	v42 =	vld.idx.msk [tilespmem:v31+s11+$0x0], $0xffff;
	v31 =	vand.u32 $0xFFFFFF80, v60  }
0x1fc: {  	v29 =	vand.u32 $0x7F, v38;
	v30 =	vadd.s32 v20, v30;
	v31 =	vadd.s32 v18, v31  }
0x1fd: {  	v30 =	vor.u32 v41, v30;
	v41 =	vadd.s32 s23, v22;
	v32 =	vor.u32 v37, v31  }
0x1fe: {  	v37 =	vadd.s32 v21, v63;
	v35 =	vmul.f32 v24, v28;
	v36 =	vmul.f32 v25, v28  }
0x1ff: {  	v31 =	vor.u32 v40, v33;
	v33 =	vmul.f32 v26, v28;
	v38 =	vmul.f32 v27, v28  }
0x200: {  	v40 =	vadd.s32 s23, v23;
	v34 =	vmul.f32 v62, v28;
	v24 =	vmul.f32 v42, v28  }
0x201: {  	v26 =	vimm.f32 $0.0e+00;
	v27 =	vimm.f32 $0.0e+00;
	v25 =	vimm.f32 $0.0e+00  }
0x202: {  	s23 =	simm.s32 $0x2;
	v42 =	vand.u32 $0xFFFFFF80, v41;
	v28 =	vimm.f32 $0.0e+00;
	v24 =	vadd.f32 v24, v10  }
.LBB2_17:
0x203: {  	p0 =	sne.s32 s23, $0x3F;
	v41 =	vand.u32 $0x7F, v41;
	v42 =	vadd.s32 v13, v42;
	v43 =	vand.u32 $0xFFFFFF80, v40  }
0x204: {  	v40 =	vand.u32 $0x7F, v40;
	v41 =	vor.u32 v41, v42;
	v42 =	vadd.s32 v14, v43  }
0x205: {  	v10 =	vadd.f32 v35, v10;
	v28 =	vadd.f32 v36, v28;
	v43 =	vld.idx.msk [tilespmem:v39+s8+$0x0], $0xffff;
	v39 =	vor.u32 v40, v42  }
0x206: {  	v26 =	vadd.f32 v33, v26;
	v27 =	vadd.f32 v38, v27;
	v36 =	vld.idx.msk [tilespmem:v32+s11+$0x0], $0xffff;
	v32 =	vor.u32 v29, v37  }
0x207: {  	v33 =	vadd.s32 s23, v9;
	v25 =	vadd.f32 v34, v25;
	v38 =	vld.idx.msk [tilespmem:v31+s11+$0x0], $0xffff  }
0x208: {  	v34 =	vadd.s32 s23, v12;
	v35 =	vadd.s32 s23, v15;
	v31 =	vadd.s32 s23, v11;
	v40 =	vld.idx.msk [tilespmem:v30+s11+$0x0], $0xffff  }
0x209: {  	v42 =	vadd.s32 s23, v16;
	v30 =	vand.u32 $0x7F, v33;
	v37 =	vand.u32 $0x7F, v31;
	v44 =	vld.idx.msk [tilespmem:v41+s7+$0x0], $0xffff  }
0x20a: {  	v45 =	vand.u32 $0x7F, v35;
	v29 =	vand.u32 $0x7F, v42;
	v41 =	vand.u32 $0x7F, v34;
	v46 =	vld.idx.msk [tilespmem:v39+s11+$0x0], $0xffff  }
0x20b: {  	v33 =	vand.u32 $0xFFFFFF80, v33;
	v31 =	vand.u32 $0xFFFFFF80, v31;
	v34 =	vand.u32 $0xFFFFFF80, v34;
	v47 =	vld.idx.msk [tilespmem:v32+s11+$0x0], $0xffff  }
0x20c: {  	v32 =	vadd.s32 v17, v33;
	v33 =	vand.u32 $0xFFFFFF80, v35;
	v35 =	vand.u32 $0xFFFFFF80, v42  }
0x20d: {  	v31 =	vadd.s32 v18, v31;
	v34 =	vadd.s32 v19, v34;
	v33 =	vadd.s32 v20, v33  }
.Ltmp7:
0x20e: {  	v39 =	vor.u32 v30, v32;
	v32 =	vor.u32 v37, v31;
	v37 =	vadd.s32 v21, v35;
	(pc) =	sbr.rel @p0 .LBB2_17-.Ltmp7, $4  }
0x20f: {  	v31 =	vor.u32 v41, v34;
	v35 =	vmul.f32 v43, v44;
	v36 =	vmul.f32 v36, v44  }
0x210: {  	v30 =	vor.u32 v45, v33;
	v33 =	vmul.f32 v38, v44;
	v43 =	vmul.f32 v46, v44  }
0x211: {  	v41 =	vadd.s32 s23, v22;
	v38 =	vmul.f32 v40, v44;
	v34 =	vmul.f32 v47, v44  }
0x212: {  	v42 =	vand.u32 $0xFFFFFF80, v41;
	v40 =	vadd.s32 s23, v23;
	s23 =	sadd.s32 $0x1, s23;
	v24 =	vadd.f32 v43, v24  }
0x213: {  	v9 =	vand.u32 $0x7F, v41;
	v11 =	vadd.s32 v13, v42  }
0x214: {  	v9 =	vor.u32 v9, v11;
	_ =	sdelay $0x2  }
0x215: {  	v12 =	vld.idx.msk [tilespmem:v39+s8+$0x0], $0xffff;
	v58 =	vor.u32 v29, v37;
	v11 =	vand.u32 $0xFFFFFF80, v40  }
0x216: {  	v15 =	vand.u32 $0x7F, v40;
	v59 =	vld.idx.msk [tilespmem:v32+s11+$0x0], $0xffff;
	v11 =	vadd.s32 v14, v11  }
0x217: {  	v11 =	vor.u32 v15, v11;
	v9 =	vld.idx.msk [tilespmem:v9+s7+$0x0], $0xffff  }
0x218: {  	v60 =	vld.idx.msk [tilespmem:v31+s11+$0x0], $0xffff;
	s22 =	sor.u32 $0x80, s22  }
0x219: {  	v16 =	vld.idx.msk [tilespmem:v30+s11+$0x0], $0xffff;
	v17 =	vmov s22  }
0x21a: {  	v10 =	vadd.f32 v35, v10;
	v18 =	vadd.f32 v36, v28;
	v17 =	vmul.u32 $0x5, v17;
	v13 =	vld.idx.msk [tilespmem:v58+s11+$0x0], $0xffff  }
0x21b: {  	v19 =	vadd.f32 v33, v26;
	v20 =	vadd.f32 v38, v27;
	v21 =	vor.u32 s22, v0  }
0x21c: {  	v22 =	vadd.f32 v34, v25;
	v23 =	vadd.s32 v1, v17;
	v11 =	vld.idx.msk [tilespmem:v11+s11+$0x0], $0xffff;
	v12 =	vmul.f32 v12, v9  }
0x21d: {  	v61 =	vadd.s32 v5, v17;
	v62 =	vadd.s32 v6, v17;
	v14 =	vmul.f32 v59, v9  }
0x21e: {  	v63 =	vadd.s32 v7, v17;
	v15 =	vmul.f32 v60, v9;
	v10 =	vadd.f32 v12, v10  }
0x21f: {  	s21 =	sadd.s32 $0x1, s21;
	v16 =	vmul.f32 v16, v9;
	v13 =	vmul.f32 v13, v9;
	v14 =	vadd.f32 v14, v18  }
0x220: {  	p0 =	sne.s32 s21, $0x4;
	v15 =	vadd.f32 v15, v19;
	[tilespmem:v21+s17+$0x0] =	vst.idx.msk $0xffff, v10;
	v10 =	vadd.s32 v8, v17  }
.Ltmp8:
0x221: {  	v9 =	vmul.f32 v11, v9;
	v11 =	vadd.f32 v16, v20;
	[tilespmem:v23+s18+$0x0] =	vst.idx.msk $0xffff, v14;
	(pc) =	sbr.rel @p0 .LBB2_16-.Ltmp8, $4  }
0x222: {  	v13 =	vadd.f32 v13, v22;
	[tilespmem:v61+s18+$0x0] =	vst.idx.msk $0xffff, v15  }
0x223: {  	v9 =	vadd.f32 v9, v24;
	[tilespmem:v62+s18+$0x0] =	vst.idx.msk $0xffff, v11  }
0x224: {  	[tilespmem:v63+s18+$0x0] =	vst.idx.msk $0xffff, v13  }
0x225: {  	[tilespmem:v10+s18+$0x0] =	vst.idx.msk $0xffff, v9  }
0x226: {  	s20 =	simm.s32 $0x0;
	s21 =	rddreg [dreg:$0x9]  }
0x227: {  	[tilespmem:s20], [sflag:$0x2] =	stream.linear.gather [hbm4b:s21+s20], $0x40, $0x38;
	[tilespmem:$0x12380] =	vst v63  }
0x228: {  	_ =	swait.ge [sflag:s4], $0x40  }
0x229: {  	[sflag:s4] =	ssyncset.done $0x0  }
0x22a: {  	[sflag:s4] =	ssyncadd.s32 $0xFFFFFFC0  }
0x22b: {  	v9 =	vld [tilespmem:$0x0];
	_ =	sdelay $0x2  }
0x22c: {  	v10 =	vld [tilespmem:$0x10];
	_ =	sdelay $0x1  }
0x22d: {  	v11 =	vshll.u32 v9, $0x6;
	v12 =	vshrl.u32 v9, $0x1  }
0x22e: {  	v13 =	vld [tilespmem:$0x20];
	vm0 =	vgt.u32 v9, $0xF423F;
	v11 =	vand.u32 $0x40, v11;
	v9 =	vadd.s32 $0xFFF85F20, v12  }
0x22f: {  	[tilespmem:$0x80] =	vst v11;
	v9 =	vsel vm0, v9, v0  }
0x230: {  	v55 =	vshrl.u32 v10, $0x1;
	v11 =	vshll.u32 v10, $0x6;
	[tilespmem:$0x100] =	vst v9;
	v9 =	vsel vm0, $0x0, v12  }
0x231: {  	vm8 =	vgt.u32 v10, $0xF423F;
	v10 =	vadd.s32 $0xFFF85F20, v55;
	[tilespmem:$0x0] =	vst v9;
	v9 =	vand.u32 $0x40, v11;
	v11 =	vld [tilespmem:$0x30]  }
0x232: {  	[tilespmem:$0x90] =	vst v9;
	v9 =	vsel vm8, v10, v2  }
0x233: {  	v56 =	vshrl.u32 v13, $0x1;
	v10 =	vshll.u32 v13, $0x6;
	[tilespmem:$0x110] =	vst v9;
	v9 =	vsel vm8, $0x0, v55  }
0x234: {  	vm9 =	vgt.u32 v13, $0xF423F;
	[tilespmem:$0x10] =	vst v9;
	v9 =	vand.u32 $0x40, v10;
	v10 =	vadd.s32 $0xFFF85F20, v56  }
0x235: {  	[tilespmem:$0xA0] =	vst v9;
	v9 =	vsel vm9, v10, v3  }
0x236: {  	[tilespmem:$0x120] =	vst v9;
	v9 =	vsel vm9, $0x0, v56;
	v10 =	vshll.u32 v11, $0x6;
	v57 =	vshrl.u32 v11, $0x1  }
0x237: {  	vm10 =	vgt.u32 v11, $0xF423F;
	[tilespmem:$0x20] =	vst v9;
	v9 =	vand.u32 $0x40, v10;
	v10 =	vadd.s32 $0xFFF85F20, v57  }
0x238: {  	[tilespmem:$0xB0] =	vst v9;
	v9 =	vsel vm10, v10, v4  }
0x239: {  	[tilespmem:$0x130] =	vst v9;
	v9 =	vsel vm10, $0x0, v57  }
0x23a: {  	s23 =	rddreg [dreg:$0xa];
	[tilespmem:$0x30] =	vst v9  }
0x23b: {  	[tilespmem:s5], [sflag:$0x2] =	stream.linear.gather [hbm4b:s23+s20], $0x40, $0x38;
	[tilespmem:$0x12380] =	vst v63  }
0x23c: {  	_ =	swait.ge [sflag:s4], $0x40  }
0x23d: {  	[sflag:s4] =	ssyncset.done $0x0  }
0x23e: {  	[sflag:s4] =	ssyncadd.s32 $0xFFFFFFC0  }
0x23f: {  	v9 =	vld [tilespmem:$0x180];
	_ =	sdelay $0x2  }
0x240: {  	v10 =	vld [tilespmem:$0x190];
	_ =	sdelay $0x1  }
0x241: {  	v11 =	vshll.u32 v9, $0x6;
	v58 =	vshrl.u32 v9, $0x1  }
0x242: {  	v59 =	vld [tilespmem:$0x1A0];
	vm11 =	vgt.u32 v9, $0xF423F;
	v11 =	vand.u32 $0x40, v11;
	v9 =	vadd.s32 $0xFFF85F20, v58  }
0x243: {  	[tilespmem:$0x200] =	vst v11;
	v9 =	vsel vm11, v9, v0  }
0x244: {  	v60 =	vshrl.u32 v10, $0x1;
	v11 =	vshll.u32 v10, $0x6;
	[tilespmem:$0x280] =	vst v9;
	v9 =	vsel vm11, $0x0, v58  }
0x245: {  	vm12 =	vgt.u32 v10, $0xF423F;
	v10 =	vadd.s32 $0xFFF85F20, v60;
	[tilespmem:$0x180] =	vst v9;
	v9 =	vand.u32 $0x40, v11;
	v11 =	vld [tilespmem:$0x1B0]  }
0x246: {  	[tilespmem:$0x210] =	vst v9;
	v9 =	vsel vm12, v10, v2  }
0x247: {  	v61 =	vshrl.u32 v59, $0x1;
	v10 =	vshll.u32 v59, $0x6;
	[tilespmem:$0x290] =	vst v9;
	v9 =	vsel vm12, $0x0, v60  }
0x248: {  	vm13 =	vgt.u32 v59, $0xF423F;
	[tilespmem:$0x190] =	vst v9;
	v9 =	vand.u32 $0x40, v10;
	v10 =	vadd.s32 $0xFFF85F20, v61  }
0x249: {  	[tilespmem:$0x220] =	vst v9;
	v9 =	vsel vm13, v10, v3  }
0x24a: {  	[tilespmem:$0x2A0] =	vst v9;
	v9 =	vsel vm13, $0x0, v61;
	v10 =	vshll.u32 v11, $0x6;
	v62 =	vshrl.u32 v11, $0x1  }
0x24b: {  	vm14 =	vgt.u32 v11, $0xF423F;
	[tilespmem:$0x1A0] =	vst v9;
	v9 =	vand.u32 $0x40, v10;
	v10 =	vadd.s32 $0xFFF85F20, v62  }
0x24c: {  	[tilespmem:$0x230] =	vst v9;
	v9 =	vsel vm14, v10, v4  }
0x24d: {  	[tilespmem:$0x2B0] =	vst v9;
	v9 =	vsel vm14, $0x0, v62  }
0x24e: {  	s22 =	simm.s32 $0x300;
	s24 =	rddreg [dreg:$0x17];
	[tilespmem:$0x1B0] =	vst v9  }
0x24f: {  	[tilespmem:s22], [sflag:$0x2] =	stream.linear.gather [hbm4b:s24+s20], $0x140, $0x38;
	[tilespmem:$0x12380] =	vst v63  }
0x250: {  	_ =	swait.ge [sflag:s4], $0x140  }
0x251: {  	[sflag:s4] =	ssyncset.done $0x0  }
0x252: {  	[sflag:s4] =	ssyncadd.s32 $0xFFFFFEC0  }
0x253: {  	v9 =	vld [tilespmem:s22+$0x0];
	_ =	sdelay $0x4  }
0x254: {  	v63 =	vor.u32 s20, v0;
	v10 =	vshll.u32 v9, $0x6;
	v11 =	vshrl.u32 v9, $0x1  }
0x255: {  	s20 =	simm.s32 $0x480;
	vm15 =	vgt.u32 v9, $0xF423F;
	v10 =	vand.u32 $0x40, v10;
	v9 =	vadd.s32 $0xFFF86020, v11  }
0x256: {  	s21 =	simm.s32 $0x600;
	[tilespmem:s20+$0x0] =	vst v10;
	v9 =	vsel vm15, v9, v63  }
0x257: {  	[tilespmem:s21+$0x0] =	vst v9;
	v9 =	vsel vm15, $0x0, v11  }
0x258: {  	[tilespmem:s22+$0x0] =	vst v9;
	s22 =	simm.s32 $0x310  }
0x259: {  	v9 =	vld [tilespmem:s22+$0x0]  }
0x25a: {  	s23 =	simm.s32 $0x10;
	s24 =	simm.s32 $0x20  }
.LBB2_20:
0x25b: {  	p0 =	sne.s32 s24, $0x130;
	_ =	sdelay $0x2  }
0x25c: {  	v12 =	vor.u32 s23, v0;
	s23 =	smov.u32 s24;
	v10 =	vshll.u32 v9, $0x6;
	v11 =	vshrl.u32 v9, $0x1  }
0x25d: {  	s20 =	sadd.s32 $0x10, s20;
	vm0 =	vgt.u32 v9, $0xF423F;
	v10 =	vand.u32 $0x40, v10;
	v9 =	vadd.s32 $0xFFF86020, v11  }
.Ltmp9:
0x25e: {  	s21 =	sadd.s32 $0x10, s21;
	[tilespmem:s20+$0x0] =	vst v10;
	v9 =	vsel vm0, v9, v12;
	(pc) =	sbr.rel @p0 .LBB2_20-.Ltmp9, $4  }
0x25f: {  	[tilespmem:s21+$0x0] =	vst v9;
	v9 =	vsel vm0, $0x0, v11  }
0x260: {  	[tilespmem:s22+$0x0] =	vst v9;
	s22 =	sadd.s32 $0x10, s22  }
0x261: {  	v9 =	vld [tilespmem:s22+$0x0]  }
0x262: {  	s24 =	sadd.s32 $0x10, s24  }
0x263: {  	_ =	sdelay $0x2  }
0x264: {  	v12 =	vor.u32 s23, v0;
	v10 =	vshll.u32 v9, $0x6;
	v11 =	vshrl.u32 v9, $0x1  }
0x265: {  	s20 =	sadd.s32 $0x10, s20;
	vm0 =	vgt.u32 v9, $0xF423F;
	v10 =	vand.u32 $0x40, v10;
	v9 =	vadd.s32 $0xFFF86020, v11  }
0x266: {  	s24 =	sadd.s32 $0x10, s21;
	[tilespmem:s20+$0x0] =	vst v10;
	v9 =	vsel vm0, v9, v12  }
0x267: {  	[tilespmem:s24+$0x0] =	vst v9;
	v9 =	vsel vm0, $0x0, v11  }
0x268: {  	s20 =	simm.s32 $0x0;
	[tilespmem:s22+$0x0] =	vst v9  }
0x269: {  	[tilespmem:s7], [sflag:$0x1] =	stream.indirect.gather [hbm4b:s28+s6], $0x80, s20, s6, $0xb8;
	[tilespmem:$0x12380] =	vst v63  }
0x26a: {  	_ = 	snop  }
0x26b: {  	[tilespmem:s8], [sflag:$0x1] =	stream.indirect.gather [hbm4b:s29+s6], $0x80, s5, s6, $0xb8;
	[tilespmem:$0x12380] =	vst v63  }
0x26c: {  	_ = 	snop  }
0x26d: {  	[tilespmem:s11], [sflag:$0x1] =	stream.indirect.gather [hbm4b:s29+s9], $0x80, s10, s9, $0xb8;
	[tilespmem:$0x12380] =	vst v63  }
0x26e: {  	_ = 	snop  }
0x26f: {  	[tilespmem:s13], [sflag:$0x1] =	stream.indirect.gather [hbm4b:s29+s9], $0x80, s12, s9, $0xb8;
	[tilespmem:$0x12380] =	vst v63  }
0x270: {  	_ =	swait.ge [sflag:s14], $0x2000  }
0x271: {  	[sflag:s14] =	ssyncset.done $0x0  }
0x272: {  	[sflag:s14] =	ssyncadd.s32 $0xFFFFE000  }
0x273: {  	_ =	swait.ge [sflag:s14], $0x2000  }
0x274: {  	[sflag:s14] =	ssyncset.done $0x0  }
0x275: {  	[sflag:s14] =	ssyncadd.s32 $0xFFFFE000  }
0x276: {  	_ =	swait.ge [sflag:s14], $0x4000  }
0x277: {  	[sflag:s14] =	ssyncset.done $0x0  }
0x278: {  	[sflag:s14] =	ssyncadd.s32 $0xFFFFC000  }
0x279: {  	_ =	swait.ge [sflag:s14], $0x4000  }
0x27a: {  	[sflag:s14] =	ssyncset.done $0x0  }
0x27b: {  	s21 =	simm.s32 $0x0;
	[sflag:s14] =	ssyncadd.s32 $0xFFFFC000  }
.LBB2_22:
0x27c: {  	s22 =	sshll.u32 s21, $0x4  }
0x27d: {  	v9 =	vmov s22  }
0x27e: {  	v9 =	vmul.u32 $0x5, v9;
	_ =	sdelay $0x1  }
0x27f: {  	v10 =	vbroadcast v9, $0x0;
	_ =	sdelay $0x1  }
0x280: {  	v11 =	vadd.s32 v1, v10  }
0x281: {  	v12 =	vadd.s32 v5, v10  }
0x282: {  	v13 =	vld [tilespmem:s22+$0x100];
	v14 =	vadd.s32 v6, v10  }
0x283: {  	v17 =	vld [tilespmem:s22+$0x280];
	v16 =	vadd.s32 v7, v10  }
0x284: {  	v9 =	vld [tilespmem:s22+$0x200];
	v23 =	vadd.s32 v8, v10  }
0x285: {  	v10 =	vld.idx.msk [tilespmem:v11+s15+$0x0], $0xffff  }
0x286: {  	v19 =	vld.idx.msk [tilespmem:v12+s15+$0x0], $0xffff  }
0x287: {  	v20 =	vld.idx.msk [tilespmem:v14+s15+$0x0], $0xffff  }
0x288: {  	v21 =	vld.idx.msk [tilespmem:v16+s15+$0x0], $0xffff  }
0x289: {  	v22 =	vld.idx.msk [tilespmem:v23+s15+$0x0], $0xffff  }
0x28a: {  	v11 =	vld.idx.msk [tilespmem:v11+s16+$0x0], $0xffff  }
0x28b: {  	v12 =	vld.idx.msk [tilespmem:v12+s16+$0x0], $0xffff  }
0x28c: {  	v24 =	vadd.s32 s20, v9;
	v15 =	vld.idx.msk [tilespmem:v14+s16+$0x0], $0xffff  }
0x28d: {  	v17 =	vshll.u32 v17, $0x7;
	v28 =	vand.u32 $0x7F, v24;
	v24 =	vand.u32 $0xFFFFFF80, v24;
	v16 =	vld.idx.msk [tilespmem:v16+s16+$0x0], $0xffff  }
0x28e: {  	s23 =	simm.s32 $0x1;
	v13 =	vshll.u32 v13, $0x7;
	v24 =	vadd.s32 v17, v24  }
0x28f: {  	v59 =	vadd.s32 s23, v9;
	v24 =	vor.u32 v28, v24;
	v18 =	vshll.u32 v10, $0x7  }
0x290: {  	v19 =	vshll.u32 v19, $0x7;
	v20 =	vshll.u32 v20, $0x7;
	v21 =	vshll.u32 v21, $0x7  }
0x291: {  	v14 =	vshll.u32 v22, $0x7;
	v25 =	vadd.s32 s20, v11;
	v26 =	vadd.s32 s20, v12;
	v22 =	vld [tilespmem:s22+$0x80]  }
0x292: {  	v27 =	vadd.s32 s20, v15;
	v30 =	vadd.s32 s20, v16;
	v29 =	vand.u32 $0x7F, v25  }
0x293: {  	v23 =	vld.idx.msk [tilespmem:v23+s16+$0x0], $0xffff;
	v31 =	vand.u32 $0x7F, v26;
	v32 =	vand.u32 $0x7F, v27;
	v25 =	vand.u32 $0xFFFFFF80, v25  }
0x294: {  	v26 =	vand.u32 $0xFFFFFF80, v26;
	v27 =	vand.u32 $0xFFFFFF80, v27;
	v33 =	vand.u32 $0xFFFFFF80, v30  }
0x295: {  	v30 =	vand.u32 $0x7F, v30;
	v25 =	vadd.s32 v18, v25;
	v26 =	vadd.s32 v19, v26  }
0x296: {  	v27 =	vadd.s32 v20, v27;
	v25 =	vor.u32 v29, v25;
	v28 =	vadd.s32 s20, v22  }
0x297: {  	v26 =	vor.u32 v31, v26;
	v27 =	vor.u32 v32, v27;
	v29 =	vand.u32 $0xFFFFFF80, v28  }
0x298: {  	v31 =	vadd.s32 s20, v23;
	v28 =	vand.u32 $0x7F, v28;
	v29 =	vadd.s32 v13, v29  }
0x299: {  	v58 =	vadd.s32 v21, v33;
	v57 =	vand.u32 $0xFFFFFF80, v31;
	v28 =	vor.u32 v28, v29  }
0x29a: {  	v24 =	vld.idx.msk [tilespmem:v24+s8+$0x0], $0xffff;
	v30 =	vor.u32 v30, v58;
	v29 =	vand.u32 $0x7F, v31;
	v31 =	vadd.s32 v14, v57  }
0x29b: {  	v36 =	vand.u32 $0x7F, v59;
	v10 =	vimm.f32 $0.0e+00;
	v25 =	vld.idx.msk [tilespmem:v25+s11+$0x0], $0xffff;
	v31 =	vor.u32 v29, v31  }
0x29c: {  	v60 =	vadd.s32 s23, v11;
	v34 =	vadd.s32 s23, v12;
	v35 =	vadd.s32 s23, v15;
	v26 =	vld.idx.msk [tilespmem:v26+s11+$0x0], $0xffff  }
0x29d: {  	v38 =	vadd.s32 s23, v16;
	v37 =	vand.u32 $0x7F, v60;
	v40 =	vand.u32 $0x7F, v34;
	v27 =	vld.idx.msk [tilespmem:v27+s11+$0x0], $0xffff  }
0x29e: {  	v41 =	vand.u32 $0x7F, v35;
	v61 =	vand.u32 $0xFFFFFF80, v34;
	v32 =	vand.u32 $0xFFFFFF80, v59;
	v28 =	vld.idx.msk [tilespmem:v28+s7+$0x0], $0xffff  }
0x29f: {  	v63 =	vand.u32 $0xFFFFFF80, v38;
	v33 =	vadd.s32 v19, v61;
	v32 =	vadd.s32 v17, v32;
	v62 =	vld.idx.msk [tilespmem:v30+s11+$0x0], $0xffff  }
0x2a0: {  	v39 =	vor.u32 v36, v32;
	v30 =	vand.u32 $0xFFFFFF80, v35;
	v42 =	vld.idx.msk [tilespmem:v31+s11+$0x0], $0xffff;
	v31 =	vand.u32 $0xFFFFFF80, v60  }
0x2a1: {  	v29 =	vand.u32 $0x7F, v38;
	v30 =	vadd.s32 v20, v30;
	v31 =	vadd.s32 v18, v31  }
0x2a2: {  	v30 =	vor.u32 v41, v30;
	v41 =	vadd.s32 s23, v22;
	v32 =	vor.u32 v37, v31  }
0x2a3: {  	v37 =	vadd.s32 v21, v63;
	v35 =	vmul.f32 v24, v28;
	v36 =	vmul.f32 v25, v28  }
0x2a4: {  	v31 =	vor.u32 v40, v33;
	v33 =	vmul.f32 v26, v28;
	v38 =	vmul.f32 v27, v28  }
0x2a5: {  	v40 =	vadd.s32 s23, v23;
	v34 =	vmul.f32 v62, v28;
	v24 =	vmul.f32 v42, v28  }
0x2a6: {  	v26 =	vimm.f32 $0.0e+00;
	v27 =	vimm.f32 $0.0e+00;
	v25 =	vimm.f32 $0.0e+00  }
0x2a7: {  	s23 =	simm.s32 $0x2;
	v42 =	vand.u32 $0xFFFFFF80, v41;
	v28 =	vimm.f32 $0.0e+00;
	v24 =	vadd.f32 v24, v10  }
.LBB2_23:
0x2a8: {  	p0 =	sne.s32 s23, $0x3F;
	v41 =	vand.u32 $0x7F, v41;
	v42 =	vadd.s32 v13, v42;
	v43 =	vand.u32 $0xFFFFFF80, v40  }
0x2a9: {  	v40 =	vand.u32 $0x7F, v40;
	v41 =	vor.u32 v41, v42;
	v42 =	vadd.s32 v14, v43  }
0x2aa: {  	v10 =	vadd.f32 v35, v10;
	v28 =	vadd.f32 v36, v28;
	v43 =	vld.idx.msk [tilespmem:v39+s8+$0x0], $0xffff;
	v39 =	vor.u32 v40, v42  }
0x2ab: {  	v26 =	vadd.f32 v33, v26;
	v27 =	vadd.f32 v38, v27;
	v36 =	vld.idx.msk [tilespmem:v32+s11+$0x0], $0xffff;
	v32 =	vor.u32 v29, v37  }
0x2ac: {  	v33 =	vadd.s32 s23, v9;
	v25 =	vadd.f32 v34, v25;
	v38 =	vld.idx.msk [tilespmem:v31+s11+$0x0], $0xffff  }
0x2ad: {  	v34 =	vadd.s32 s23, v12;
	v35 =	vadd.s32 s23, v15;
	v31 =	vadd.s32 s23, v11;
	v40 =	vld.idx.msk [tilespmem:v30+s11+$0x0], $0xffff  }
0x2ae: {  	v42 =	vadd.s32 s23, v16;
	v30 =	vand.u32 $0x7F, v33;
	v37 =	vand.u32 $0x7F, v31;
	v44 =	vld.idx.msk [tilespmem:v41+s7+$0x0], $0xffff  }
0x2af: {  	v45 =	vand.u32 $0x7F, v35;
	v29 =	vand.u32 $0x7F, v42;
	v41 =	vand.u32 $0x7F, v34;
	v46 =	vld.idx.msk [tilespmem:v39+s11+$0x0], $0xffff  }
0x2b0: {  	v33 =	vand.u32 $0xFFFFFF80, v33;
	v31 =	vand.u32 $0xFFFFFF80, v31;
	v34 =	vand.u32 $0xFFFFFF80, v34;
	v47 =	vld.idx.msk [tilespmem:v32+s11+$0x0], $0xffff  }
0x2b1: {  	v32 =	vadd.s32 v17, v33;
	v33 =	vand.u32 $0xFFFFFF80, v35;
	v35 =	vand.u32 $0xFFFFFF80, v42  }
0x2b2: {  	v31 =	vadd.s32 v18, v31;
	v34 =	vadd.s32 v19, v34;
	v33 =	vadd.s32 v20, v33  }
.Ltmp10:
0x2b3: {  	v39 =	vor.u32 v30, v32;
	v32 =	vor.u32 v37, v31;
	v37 =	vadd.s32 v21, v35;
	(pc) =	sbr.rel @p0 .LBB2_23-.Ltmp10, $4  }
0x2b4: {  	v31 =	vor.u32 v41, v34;
	v35 =	vmul.f32 v43, v44;
	v36 =	vmul.f32 v36, v44  }
0x2b5: {  	v30 =	vor.u32 v45, v33;
	v33 =	vmul.f32 v38, v44;
	v43 =	vmul.f32 v46, v44  }
0x2b6: {  	v41 =	vadd.s32 s23, v22;
	v38 =	vmul.f32 v40, v44;
	v34 =	vmul.f32 v47, v44  }
0x2b7: {  	v42 =	vand.u32 $0xFFFFFF80, v41;
	v40 =	vadd.s32 s23, v23;
	s23 =	sadd.s32 $0x1, s23;
	v24 =	vadd.f32 v43, v24  }
0x2b8: {  	v9 =	vand.u32 $0x7F, v41;
	v11 =	vadd.s32 v13, v42  }
0x2b9: {  	v9 =	vor.u32 v9, v11;
	_ =	sdelay $0x2  }
0x2ba: {  	v12 =	vld.idx.msk [tilespmem:v39+s8+$0x0], $0xffff;
	v58 =	vor.u32 v29, v37;
	v11 =	vand.u32 $0xFFFFFF80, v40  }
0x2bb: {  	v15 =	vand.u32 $0x7F, v40;
	v59 =	vld.idx.msk [tilespmem:v32+s11+$0x0], $0xffff;
	v11 =	vadd.s32 v14, v11  }
0x2bc: {  	v11 =	vor.u32 v15, v11;
	v9 =	vld.idx.msk [tilespmem:v9+s7+$0x0], $0xffff  }
0x2bd: {  	v60 =	vld.idx.msk [tilespmem:v31+s11+$0x0], $0xffff;
	s22 =	sor.u32 $0xC0, s22  }
0x2be: {  	v16 =	vld.idx.msk [tilespmem:v30+s11+$0x0], $0xffff;
	v17 =	vmov s22  }
0x2bf: {  	v10 =	vadd.f32 v35, v10;
	v18 =	vadd.f32 v36, v28;
	v17 =	vmul.u32 $0x5, v17;
	v13 =	vld.idx.msk [tilespmem:v58+s11+$0x0], $0xffff  }
0x2c0: {  	v19 =	vadd.f32 v33, v26;
	v20 =	vadd.f32 v38, v27;
	v21 =	vor.u32 s22, v0  }
0x2c1: {  	v22 =	vadd.f32 v34, v25;
	v23 =	vadd.s32 v1, v17;
	v11 =	vld.idx.msk [tilespmem:v11+s11+$0x0], $0xffff;
	v12 =	vmul.f32 v12, v9  }
0x2c2: {  	v61 =	vadd.s32 v5, v17;
	v62 =	vadd.s32 v6, v17;
	v14 =	vmul.f32 v59, v9  }
0x2c3: {  	v63 =	vadd.s32 v7, v17;
	v15 =	vmul.f32 v60, v9;
	v10 =	vadd.f32 v12, v10  }
0x2c4: {  	s21 =	sadd.s32 $0x1, s21;
	v16 =	vmul.f32 v16, v9;
	v13 =	vmul.f32 v13, v9;
	v14 =	vadd.f32 v14, v18  }
0x2c5: {  	p0 =	sne.s32 s21, $0x4;
	v15 =	vadd.f32 v15, v19;
	[tilespmem:v21+s17+$0x0] =	vst.idx.msk $0xffff, v10;
	v10 =	vadd.s32 v8, v17  }
.Ltmp11:
0x2c6: {  	v9 =	vmul.f32 v11, v9;
	v11 =	vadd.f32 v16, v20;
	[tilespmem:v23+s18+$0x0] =	vst.idx.msk $0xffff, v14;
	(pc) =	sbr.rel @p0 .LBB2_22-.Ltmp11, $4  }
0x2c7: {  	v13 =	vadd.f32 v13, v22;
	[tilespmem:v61+s18+$0x0] =	vst.idx.msk $0xffff, v15  }
0x2c8: {  	v9 =	vadd.f32 v9, v24;
	[tilespmem:v62+s18+$0x0] =	vst.idx.msk $0xffff, v11  }
0x2c9: {  	[tilespmem:v63+s18+$0x0] =	vst.idx.msk $0xffff, v13  }
0x2ca: {  	[tilespmem:v10+s18+$0x0] =	vst.idx.msk $0xffff, v9  }
0x2cb: {  	s20 =	simm.s32 $0x0;
	s21 =	rddreg [dreg:$0xb]  }
0x2cc: {  	[tilespmem:s20], [sflag:$0x2] =	stream.linear.gather [hbm4b:s21+s20], $0x40, $0x38;
	[tilespmem:$0x12380] =	vst v63  }
0x2cd: {  	_ =	swait.ge [sflag:s4], $0x40  }
0x2ce: {  	[sflag:s4] =	ssyncset.done $0x0  }
0x2cf: {  	[sflag:s4] =	ssyncadd.s32 $0xFFFFFFC0  }
0x2d0: {  	v9 =	vld [tilespmem:$0x0];
	_ =	sdelay $0x2  }
0x2d1: {  	v10 =	vld [tilespmem:$0x10];
	_ =	sdelay $0x1  }
0x2d2: {  	v11 =	vshll.u32 v9, $0x6;
	v12 =	vshrl.u32 v9, $0x1  }
0x2d3: {  	v13 =	vld [tilespmem:$0x20];
	vm0 =	vgt.u32 v9, $0xF423F;
	v11 =	vand.u32 $0x40, v11;
	v9 =	vadd.s32 $0xFFF85F20, v12  }
0x2d4: {  	[tilespmem:$0x80] =	vst v11;
	v9 =	vsel vm0, v9, v0  }
0x2d5: {  	v55 =	vshrl.u32 v10, $0x1;
	v11 =	vshll.u32 v10, $0x6;
	[tilespmem:$0x100] =	vst v9;
	v9 =	vsel vm0, $0x0, v12  }
0x2d6: {  	vm8 =	vgt.u32 v10, $0xF423F;
	v10 =	vadd.s32 $0xFFF85F20, v55;
	[tilespmem:$0x0] =	vst v9;
	v9 =	vand.u32 $0x40, v11;
	v11 =	vld [tilespmem:$0x30]  }
0x2d7: {  	[tilespmem:$0x90] =	vst v9;
	v9 =	vsel vm8, v10, v2  }
0x2d8: {  	v56 =	vshrl.u32 v13, $0x1;
	v10 =	vshll.u32 v13, $0x6;
	[tilespmem:$0x110] =	vst v9;
	v9 =	vsel vm8, $0x0, v55  }
0x2d9: {  	vm9 =	vgt.u32 v13, $0xF423F;
	[tilespmem:$0x10] =	vst v9;
	v9 =	vand.u32 $0x40, v10;
	v10 =	vadd.s32 $0xFFF85F20, v56  }
0x2da: {  	[tilespmem:$0xA0] =	vst v9;
	v9 =	vsel vm9, v10, v3  }
0x2db: {  	[tilespmem:$0x120] =	vst v9;
	v9 =	vsel vm9, $0x0, v56;
	v10 =	vshll.u32 v11, $0x6;
	v57 =	vshrl.u32 v11, $0x1  }
0x2dc: {  	vm10 =	vgt.u32 v11, $0xF423F;
	[tilespmem:$0x20] =	vst v9;
	v9 =	vand.u32 $0x40, v10;
	v10 =	vadd.s32 $0xFFF85F20, v57  }
0x2dd: {  	[tilespmem:$0xB0] =	vst v9;
	v9 =	vsel vm10, v10, v4  }
0x2de: {  	[tilespmem:$0x130] =	vst v9;
	v9 =	vsel vm10, $0x0, v57  }
0x2df: {  	s23 =	rddreg [dreg:$0xc];
	[tilespmem:$0x30] =	vst v9  }
0x2e0: {  	[tilespmem:s5], [sflag:$0x2] =	stream.linear.gather [hbm4b:s23+s20], $0x40, $0x38;
	[tilespmem:$0x12380] =	vst v63  }
0x2e1: {  	_ =	swait.ge [sflag:s4], $0x40  }
0x2e2: {  	[sflag:s4] =	ssyncset.done $0x0  }
0x2e3: {  	[sflag:s4] =	ssyncadd.s32 $0xFFFFFFC0  }
0x2e4: {  	v9 =	vld [tilespmem:$0x180];
	_ =	sdelay $0x2  }
0x2e5: {  	v10 =	vld [tilespmem:$0x190];
	_ =	sdelay $0x1  }
0x2e6: {  	v11 =	vshll.u32 v9, $0x6;
	v58 =	vshrl.u32 v9, $0x1  }
0x2e7: {  	v59 =	vld [tilespmem:$0x1A0];
	vm11 =	vgt.u32 v9, $0xF423F;
	v11 =	vand.u32 $0x40, v11;
	v9 =	vadd.s32 $0xFFF85F20, v58  }
0x2e8: {  	[tilespmem:$0x200] =	vst v11;
	v9 =	vsel vm11, v9, v0  }
0x2e9: {  	v60 =	vshrl.u32 v10, $0x1;
	v11 =	vshll.u32 v10, $0x6;
	[tilespmem:$0x280] =	vst v9;
	v9 =	vsel vm11, $0x0, v58  }
0x2ea: {  	vm12 =	vgt.u32 v10, $0xF423F;
	v10 =	vadd.s32 $0xFFF85F20, v60;
	[tilespmem:$0x180] =	vst v9;
	v9 =	vand.u32 $0x40, v11;
	v11 =	vld [tilespmem:$0x1B0]  }
0x2eb: {  	[tilespmem:$0x210] =	vst v9;
	v9 =	vsel vm12, v10, v2  }
0x2ec: {  	v61 =	vshrl.u32 v59, $0x1;
	v10 =	vshll.u32 v59, $0x6;
	[tilespmem:$0x290] =	vst v9;
	v9 =	vsel vm12, $0x0, v60  }
0x2ed: {  	vm13 =	vgt.u32 v59, $0xF423F;
	[tilespmem:$0x190] =	vst v9;
	v9 =	vand.u32 $0x40, v10;
	v10 =	vadd.s32 $0xFFF85F20, v61  }
0x2ee: {  	[tilespmem:$0x220] =	vst v9;
	v9 =	vsel vm13, v10, v3  }
0x2ef: {  	[tilespmem:$0x2A0] =	vst v9;
	v9 =	vsel vm13, $0x0, v61;
	v10 =	vshll.u32 v11, $0x6;
	v62 =	vshrl.u32 v11, $0x1  }
0x2f0: {  	vm14 =	vgt.u32 v11, $0xF423F;
	[tilespmem:$0x1A0] =	vst v9;
	v9 =	vand.u32 $0x40, v10;
	v10 =	vadd.s32 $0xFFF85F20, v62  }
0x2f1: {  	[tilespmem:$0x230] =	vst v9;
	v9 =	vsel vm14, v10, v4  }
0x2f2: {  	[tilespmem:$0x2B0] =	vst v9;
	v9 =	vsel vm14, $0x0, v62  }
0x2f3: {  	s22 =	simm.s32 $0x300;
	s24 =	rddreg [dreg:$0x18];
	[tilespmem:$0x1B0] =	vst v9  }
0x2f4: {  	[tilespmem:s22], [sflag:$0x2] =	stream.linear.gather [hbm4b:s24+s20], $0x140, $0x38;
	[tilespmem:$0x12380] =	vst v63  }
0x2f5: {  	_ =	swait.ge [sflag:s4], $0x140  }
0x2f6: {  	[sflag:s4] =	ssyncset.done $0x0  }
0x2f7: {  	[sflag:s4] =	ssyncadd.s32 $0xFFFFFEC0  }
0x2f8: {  	v9 =	vld [tilespmem:s22+$0x0];
	_ =	sdelay $0x4  }
0x2f9: {  	v63 =	vor.u32 s20, v0;
	v10 =	vshll.u32 v9, $0x6;
	v11 =	vshrl.u32 v9, $0x1  }
0x2fa: {  	s20 =	simm.s32 $0x480;
	vm15 =	vgt.u32 v9, $0xF423F;
	v10 =	vand.u32 $0x40, v10;
	v9 =	vadd.s32 $0xFFF86020, v11  }
0x2fb: {  	s21 =	simm.s32 $0x600;
	[tilespmem:s20+$0x0] =	vst v10;
	v9 =	vsel vm15, v9, v63  }
0x2fc: {  	[tilespmem:s21+$0x0] =	vst v9;
	v9 =	vsel vm15, $0x0, v11  }
0x2fd: {  	[tilespmem:s22+$0x0] =	vst v9;
	s22 =	simm.s32 $0x310  }
0x2fe: {  	v9 =	vld [tilespmem:s22+$0x0]  }
0x2ff: {  	s23 =	simm.s32 $0x10;
	s24 =	simm.s32 $0x20  }
.LBB2_26:
0x300: {  	p0 =	sne.s32 s24, $0x130;
	_ =	sdelay $0x2  }
0x301: {  	v12 =	vor.u32 s23, v0;
	s23 =	smov.u32 s24;
	v10 =	vshll.u32 v9, $0x6;
	v11 =	vshrl.u32 v9, $0x1  }
0x302: {  	s20 =	sadd.s32 $0x10, s20;
	vm0 =	vgt.u32 v9, $0xF423F;
	v10 =	vand.u32 $0x40, v10;
	v9 =	vadd.s32 $0xFFF86020, v11  }
.Ltmp12:
0x303: {  	s21 =	sadd.s32 $0x10, s21;
	[tilespmem:s20+$0x0] =	vst v10;
	v9 =	vsel vm0, v9, v12;
	(pc) =	sbr.rel @p0 .LBB2_26-.Ltmp12, $4  }
0x304: {  	[tilespmem:s21+$0x0] =	vst v9;
	v9 =	vsel vm0, $0x0, v11  }
0x305: {  	[tilespmem:s22+$0x0] =	vst v9;
	s22 =	sadd.s32 $0x10, s22  }
0x306: {  	v9 =	vld [tilespmem:s22+$0x0]  }
0x307: {  	s24 =	sadd.s32 $0x10, s24  }
0x308: {  	_ =	sdelay $0x2  }
0x309: {  	v12 =	vor.u32 s23, v0;
	v10 =	vshll.u32 v9, $0x6;
	v11 =	vshrl.u32 v9, $0x1  }
0x30a: {  	s20 =	sadd.s32 $0x10, s20;
	vm0 =	vgt.u32 v9, $0xF423F;
	v10 =	vand.u32 $0x40, v10;
	v9 =	vadd.s32 $0xFFF86020, v11  }
0x30b: {  	s24 =	sadd.s32 $0x10, s21;
	[tilespmem:s20+$0x0] =	vst v10;
	v9 =	vsel vm0, v9, v12  }
0x30c: {  	[tilespmem:s24+$0x0] =	vst v9;
	v9 =	vsel vm0, $0x0, v11  }
0x30d: {  	s20 =	simm.s32 $0x0;
	[tilespmem:s22+$0x0] =	vst v9  }
0x30e: {  	[tilespmem:s7], [sflag:$0x1] =	stream.indirect.gather [hbm4b:s28+s6], $0x80, s20, s6, $0xb8;
	[tilespmem:$0x12380] =	vst v63  }
0x30f: {  	_ = 	snop  }
0x310: {  	[tilespmem:s8], [sflag:$0x1] =	stream.indirect.gather [hbm4b:s29+s6], $0x80, s5, s6, $0xb8;
	[tilespmem:$0x12380] =	vst v63  }
0x311: {  	_ = 	snop  }
0x312: {  	[tilespmem:s11], [sflag:$0x1] =	stream.indirect.gather [hbm4b:s29+s9], $0x80, s10, s9, $0xb8;
	[tilespmem:$0x12380] =	vst v63  }
0x313: {  	_ = 	snop  }
0x314: {  	[tilespmem:s13], [sflag:$0x1] =	stream.indirect.gather [hbm4b:s29+s9], $0x80, s12, s9, $0xb8;
	[tilespmem:$0x12380] =	vst v63  }
0x315: {  	_ =	swait.ge [sflag:s14], $0x2000  }
0x316: {  	[sflag:s14] =	ssyncset.done $0x0  }
0x317: {  	[sflag:s14] =	ssyncadd.s32 $0xFFFFE000  }
0x318: {  	_ =	swait.ge [sflag:s14], $0x2000  }
0x319: {  	[sflag:s14] =	ssyncset.done $0x0  }
0x31a: {  	[sflag:s14] =	ssyncadd.s32 $0xFFFFE000  }
0x31b: {  	_ =	swait.ge [sflag:s14], $0x4000  }
0x31c: {  	[sflag:s14] =	ssyncset.done $0x0  }
0x31d: {  	[sflag:s14] =	ssyncadd.s32 $0xFFFFC000  }
0x31e: {  	_ =	swait.ge [sflag:s14], $0x4000  }
0x31f: {  	[sflag:s14] =	ssyncset.done $0x0  }
0x320: {  	s21 =	simm.s32 $0x0;
	[sflag:s14] =	ssyncadd.s32 $0xFFFFC000  }
.LBB2_28:
0x321: {  	s22 =	sshll.u32 s21, $0x4  }
0x322: {  	v9 =	vmov s22  }
0x323: {  	v9 =	vmul.u32 $0x5, v9;
	_ =	sdelay $0x1  }
0x324: {  	v10 =	vbroadcast v9, $0x0;
	_ =	sdelay $0x1  }
0x325: {  	v11 =	vadd.s32 v1, v10  }
0x326: {  	v12 =	vadd.s32 v5, v10  }
0x327: {  	v13 =	vld [tilespmem:s22+$0x100];
	v14 =	vadd.s32 v6, v10  }
0x328: {  	v17 =	vld [tilespmem:s22+$0x280];
	v16 =	vadd.s32 v7, v10  }
0x329: {  	v9 =	vld [tilespmem:s22+$0x200];
	v23 =	vadd.s32 v8, v10  }
0x32a: {  	v10 =	vld.idx.msk [tilespmem:v11+s15+$0x0], $0xffff  }
0x32b: {  	v19 =	vld.idx.msk [tilespmem:v12+s15+$0x0], $0xffff  }
0x32c: {  	v20 =	vld.idx.msk [tilespmem:v14+s15+$0x0], $0xffff  }
0x32d: {  	v21 =	vld.idx.msk [tilespmem:v16+s15+$0x0], $0xffff  }
0x32e: {  	v22 =	vld.idx.msk [tilespmem:v23+s15+$0x0], $0xffff  }
0x32f: {  	v11 =	vld.idx.msk [tilespmem:v11+s16+$0x0], $0xffff  }
0x330: {  	v12 =	vld.idx.msk [tilespmem:v12+s16+$0x0], $0xffff  }
0x331: {  	v24 =	vadd.s32 s20, v9;
	v15 =	vld.idx.msk [tilespmem:v14+s16+$0x0], $0xffff  }
0x332: {  	v17 =	vshll.u32 v17, $0x7;
	v28 =	vand.u32 $0x7F, v24;
	v24 =	vand.u32 $0xFFFFFF80, v24;
	v16 =	vld.idx.msk [tilespmem:v16+s16+$0x0], $0xffff  }
0x333: {  	s23 =	simm.s32 $0x1;
	v13 =	vshll.u32 v13, $0x7;
	v24 =	vadd.s32 v17, v24  }
0x334: {  	v59 =	vadd.s32 s23, v9;
	v24 =	vor.u32 v28, v24;
	v18 =	vshll.u32 v10, $0x7  }
0x335: {  	v19 =	vshll.u32 v19, $0x7;
	v20 =	vshll.u32 v20, $0x7;
	v21 =	vshll.u32 v21, $0x7  }
0x336: {  	v14 =	vshll.u32 v22, $0x7;
	v25 =	vadd.s32 s20, v11;
	v26 =	vadd.s32 s20, v12;
	v22 =	vld [tilespmem:s22+$0x80]  }
0x337: {  	v27 =	vadd.s32 s20, v15;
	v30 =	vadd.s32 s20, v16;
	v29 =	vand.u32 $0x7F, v25  }
0x338: {  	v23 =	vld.idx.msk [tilespmem:v23+s16+$0x0], $0xffff;
	v31 =	vand.u32 $0x7F, v26;
	v32 =	vand.u32 $0x7F, v27;
	v25 =	vand.u32 $0xFFFFFF80, v25  }
0x339: {  	v26 =	vand.u32 $0xFFFFFF80, v26;
	v27 =	vand.u32 $0xFFFFFF80, v27;
	v33 =	vand.u32 $0xFFFFFF80, v30  }
0x33a: {  	v30 =	vand.u32 $0x7F, v30;
	v25 =	vadd.s32 v18, v25;
	v26 =	vadd.s32 v19, v26  }
0x33b: {  	v27 =	vadd.s32 v20, v27;
	v25 =	vor.u32 v29, v25;
	v28 =	vadd.s32 s20, v22  }
0x33c: {  	v26 =	vor.u32 v31, v26;
	v27 =	vor.u32 v32, v27;
	v29 =	vand.u32 $0xFFFFFF80, v28  }
0x33d: {  	v31 =	vadd.s32 s20, v23;
	v28 =	vand.u32 $0x7F, v28;
	v29 =	vadd.s32 v13, v29  }
0x33e: {  	v58 =	vadd.s32 v21, v33;
	v57 =	vand.u32 $0xFFFFFF80, v31;
	v28 =	vor.u32 v28, v29  }
0x33f: {  	v24 =	vld.idx.msk [tilespmem:v24+s8+$0x0], $0xffff;
	v30 =	vor.u32 v30, v58;
	v29 =	vand.u32 $0x7F, v31;
	v31 =	vadd.s32 v14, v57  }
0x340: {  	v36 =	vand.u32 $0x7F, v59;
	v10 =	vimm.f32 $0.0e+00;
	v25 =	vld.idx.msk [tilespmem:v25+s11+$0x0], $0xffff;
	v31 =	vor.u32 v29, v31  }
0x341: {  	v60 =	vadd.s32 s23, v11;
	v34 =	vadd.s32 s23, v12;
	v35 =	vadd.s32 s23, v15;
	v26 =	vld.idx.msk [tilespmem:v26+s11+$0x0], $0xffff  }
0x342: {  	v38 =	vadd.s32 s23, v16;
	v37 =	vand.u32 $0x7F, v60;
	v40 =	vand.u32 $0x7F, v34;
	v27 =	vld.idx.msk [tilespmem:v27+s11+$0x0], $0xffff  }
0x343: {  	v41 =	vand.u32 $0x7F, v35;
	v61 =	vand.u32 $0xFFFFFF80, v34;
	v32 =	vand.u32 $0xFFFFFF80, v59;
	v28 =	vld.idx.msk [tilespmem:v28+s7+$0x0], $0xffff  }
0x344: {  	v63 =	vand.u32 $0xFFFFFF80, v38;
	v33 =	vadd.s32 v19, v61;
	v32 =	vadd.s32 v17, v32;
	v62 =	vld.idx.msk [tilespmem:v30+s11+$0x0], $0xffff  }
0x345: {  	v39 =	vor.u32 v36, v32;
	v30 =	vand.u32 $0xFFFFFF80, v35;
	v42 =	vld.idx.msk [tilespmem:v31+s11+$0x0], $0xffff;
	v31 =	vand.u32 $0xFFFFFF80, v60  }
0x346: {  	v29 =	vand.u32 $0x7F, v38;
	v30 =	vadd.s32 v20, v30;
	v31 =	vadd.s32 v18, v31  }
0x347: {  	v30 =	vor.u32 v41, v30;
	v41 =	vadd.s32 s23, v22;
	v32 =	vor.u32 v37, v31  }
0x348: {  	v37 =	vadd.s32 v21, v63;
	v35 =	vmul.f32 v24, v28;
	v36 =	vmul.f32 v25, v28  }
0x349: {  	v31 =	vor.u32 v40, v33;
	v33 =	vmul.f32 v26, v28;
	v38 =	vmul.f32 v27, v28  }
0x34a: {  	v40 =	vadd.s32 s23, v23;
	v34 =	vmul.f32 v62, v28;
	v24 =	vmul.f32 v42, v28  }
0x34b: {  	v26 =	vimm.f32 $0.0e+00;
	v27 =	vimm.f32 $0.0e+00;
	v25 =	vimm.f32 $0.0e+00  }
0x34c: {  	s23 =	simm.s32 $0x2;
	v42 =	vand.u32 $0xFFFFFF80, v41;
	v28 =	vimm.f32 $0.0e+00;
	v24 =	vadd.f32 v24, v10  }
.LBB2_29:
0x34d: {  	p0 =	sne.s32 s23, $0x3F;
	v41 =	vand.u32 $0x7F, v41;
	v42 =	vadd.s32 v13, v42;
	v43 =	vand.u32 $0xFFFFFF80, v40  }
0x34e: {  	v40 =	vand.u32 $0x7F, v40;
	v41 =	vor.u32 v41, v42;
	v42 =	vadd.s32 v14, v43  }
0x34f: {  	v10 =	vadd.f32 v35, v10;
	v28 =	vadd.f32 v36, v28;
	v43 =	vld.idx.msk [tilespmem:v39+s8+$0x0], $0xffff;
	v39 =	vor.u32 v40, v42  }
0x350: {  	v26 =	vadd.f32 v33, v26;
	v27 =	vadd.f32 v38, v27;
	v36 =	vld.idx.msk [tilespmem:v32+s11+$0x0], $0xffff;
	v32 =	vor.u32 v29, v37  }
0x351: {  	v33 =	vadd.s32 s23, v9;
	v25 =	vadd.f32 v34, v25;
	v38 =	vld.idx.msk [tilespmem:v31+s11+$0x0], $0xffff  }
0x352: {  	v34 =	vadd.s32 s23, v12;
	v35 =	vadd.s32 s23, v15;
	v31 =	vadd.s32 s23, v11;
	v40 =	vld.idx.msk [tilespmem:v30+s11+$0x0], $0xffff  }
0x353: {  	v42 =	vadd.s32 s23, v16;
	v30 =	vand.u32 $0x7F, v33;
	v37 =	vand.u32 $0x7F, v31;
	v44 =	vld.idx.msk [tilespmem:v41+s7+$0x0], $0xffff  }
0x354: {  	v45 =	vand.u32 $0x7F, v35;
	v29 =	vand.u32 $0x7F, v42;
	v41 =	vand.u32 $0x7F, v34;
	v46 =	vld.idx.msk [tilespmem:v39+s11+$0x0], $0xffff  }
0x355: {  	v33 =	vand.u32 $0xFFFFFF80, v33;
	v31 =	vand.u32 $0xFFFFFF80, v31;
	v34 =	vand.u32 $0xFFFFFF80, v34;
	v47 =	vld.idx.msk [tilespmem:v32+s11+$0x0], $0xffff  }
0x356: {  	v32 =	vadd.s32 v17, v33;
	v33 =	vand.u32 $0xFFFFFF80, v35;
	v35 =	vand.u32 $0xFFFFFF80, v42  }
0x357: {  	v31 =	vadd.s32 v18, v31;
	v34 =	vadd.s32 v19, v34;
	v33 =	vadd.s32 v20, v33  }
.Ltmp13:
0x358: {  	v39 =	vor.u32 v30, v32;
	v32 =	vor.u32 v37, v31;
	v37 =	vadd.s32 v21, v35;
	(pc) =	sbr.rel @p0 .LBB2_29-.Ltmp13, $4  }
0x359: {  	v31 =	vor.u32 v41, v34;
	v35 =	vmul.f32 v43, v44;
	v36 =	vmul.f32 v36, v44  }
0x35a: {  	v30 =	vor.u32 v45, v33;
	v33 =	vmul.f32 v38, v44;
	v43 =	vmul.f32 v46, v44  }
0x35b: {  	v41 =	vadd.s32 s23, v22;
	v38 =	vmul.f32 v40, v44;
	v34 =	vmul.f32 v47, v44  }
0x35c: {  	v42 =	vand.u32 $0xFFFFFF80, v41;
	v40 =	vadd.s32 s23, v23;
	s23 =	sadd.s32 $0x1, s23;
	v24 =	vadd.f32 v43, v24  }
0x35d: {  	v9 =	vand.u32 $0x7F, v41;
	v11 =	vadd.s32 v13, v42  }
0x35e: {  	v9 =	vor.u32 v9, v11;
	_ =	sdelay $0x2  }
0x35f: {  	v12 =	vld.idx.msk [tilespmem:v39+s8+$0x0], $0xffff;
	v58 =	vor.u32 v29, v37;
	v11 =	vand.u32 $0xFFFFFF80, v40  }
0x360: {  	v15 =	vand.u32 $0x7F, v40;
	v59 =	vld.idx.msk [tilespmem:v32+s11+$0x0], $0xffff;
	v11 =	vadd.s32 v14, v11  }
0x361: {  	v11 =	vor.u32 v15, v11;
	v9 =	vld.idx.msk [tilespmem:v9+s7+$0x0], $0xffff  }
0x362: {  	v60 =	vld.idx.msk [tilespmem:v31+s11+$0x0], $0xffff;
	s22 =	sor.u32 $0x100, s22  }
0x363: {  	v16 =	vld.idx.msk [tilespmem:v30+s11+$0x0], $0xffff;
	v17 =	vmov s22  }
0x364: {  	v10 =	vadd.f32 v35, v10;
	v18 =	vadd.f32 v36, v28;
	v17 =	vmul.u32 $0x5, v17;
	v13 =	vld.idx.msk [tilespmem:v58+s11+$0x0], $0xffff  }
0x365: {  	v19 =	vadd.f32 v33, v26;
	v20 =	vadd.f32 v38, v27;
	v21 =	vor.u32 s22, v0  }
0x366: {  	v22 =	vadd.f32 v34, v25;
	v23 =	vadd.s32 v1, v17;
	v11 =	vld.idx.msk [tilespmem:v11+s11+$0x0], $0xffff;
	v12 =	vmul.f32 v12, v9  }
0x367: {  	v61 =	vadd.s32 v5, v17;
	v62 =	vadd.s32 v6, v17;
	v14 =	vmul.f32 v59, v9  }
0x368: {  	v63 =	vadd.s32 v7, v17;
	v15 =	vmul.f32 v60, v9;
	v10 =	vadd.f32 v12, v10  }
0x369: {  	s21 =	sadd.s32 $0x1, s21;
	v16 =	vmul.f32 v16, v9;
	v13 =	vmul.f32 v13, v9;
	v14 =	vadd.f32 v14, v18  }
0x36a: {  	p0 =	sne.s32 s21, $0x4;
	v15 =	vadd.f32 v15, v19;
	[tilespmem:v21+s17+$0x0] =	vst.idx.msk $0xffff, v10;
	v10 =	vadd.s32 v8, v17  }
.Ltmp14:
0x36b: {  	v9 =	vmul.f32 v11, v9;
	v11 =	vadd.f32 v16, v20;
	[tilespmem:v23+s18+$0x0] =	vst.idx.msk $0xffff, v14;
	(pc) =	sbr.rel @p0 .LBB2_28-.Ltmp14, $4  }
0x36c: {  	v13 =	vadd.f32 v13, v22;
	[tilespmem:v61+s18+$0x0] =	vst.idx.msk $0xffff, v15  }
0x36d: {  	v9 =	vadd.f32 v9, v24;
	[tilespmem:v62+s18+$0x0] =	vst.idx.msk $0xffff, v11  }
0x36e: {  	[tilespmem:v63+s18+$0x0] =	vst.idx.msk $0xffff, v13  }
0x36f: {  	[tilespmem:v10+s18+$0x0] =	vst.idx.msk $0xffff, v9  }
0x370: {  	s20 =	simm.s32 $0x0;
	s21 =	rddreg [dreg:$0xd]  }
0x371: {  	[tilespmem:s20], [sflag:$0x2] =	stream.linear.gather [hbm4b:s21+s20], $0x40, $0x38;
	[tilespmem:$0x12380] =	vst v63  }
0x372: {  	_ =	swait.ge [sflag:s4], $0x40  }
0x373: {  	[sflag:s4] =	ssyncset.done $0x0  }
0x374: {  	[sflag:s4] =	ssyncadd.s32 $0xFFFFFFC0  }
0x375: {  	v9 =	vld [tilespmem:$0x0];
	_ =	sdelay $0x2  }
0x376: {  	v10 =	vld [tilespmem:$0x10];
	_ =	sdelay $0x1  }
0x377: {  	v11 =	vshll.u32 v9, $0x6;
	v12 =	vshrl.u32 v9, $0x1  }
0x378: {  	v13 =	vld [tilespmem:$0x20];
	vm0 =	vgt.u32 v9, $0xF423F;
	v11 =	vand.u32 $0x40, v11;
	v9 =	vadd.s32 $0xFFF85F20, v12  }
0x379: {  	[tilespmem:$0x80] =	vst v11;
	v9 =	vsel vm0, v9, v0  }
0x37a: {  	v55 =	vshrl.u32 v10, $0x1;
	v11 =	vshll.u32 v10, $0x6;
	[tilespmem:$0x100] =	vst v9;
	v9 =	vsel vm0, $0x0, v12  }
0x37b: {  	vm8 =	vgt.u32 v10, $0xF423F;
	v10 =	vadd.s32 $0xFFF85F20, v55;
	[tilespmem:$0x0] =	vst v9;
	v9 =	vand.u32 $0x40, v11;
	v11 =	vld [tilespmem:$0x30]  }
0x37c: {  	[tilespmem:$0x90] =	vst v9;
	v9 =	vsel vm8, v10, v2  }
0x37d: {  	v56 =	vshrl.u32 v13, $0x1;
	v10 =	vshll.u32 v13, $0x6;
	[tilespmem:$0x110] =	vst v9;
	v9 =	vsel vm8, $0x0, v55  }
0x37e: {  	vm9 =	vgt.u32 v13, $0xF423F;
	[tilespmem:$0x10] =	vst v9;
	v9 =	vand.u32 $0x40, v10;
	v10 =	vadd.s32 $0xFFF85F20, v56  }
0x37f: {  	[tilespmem:$0xA0] =	vst v9;
	v9 =	vsel vm9, v10, v3  }
0x380: {  	[tilespmem:$0x120] =	vst v9;
	v9 =	vsel vm9, $0x0, v56;
	v10 =	vshll.u32 v11, $0x6;
	v57 =	vshrl.u32 v11, $0x1  }
0x381: {  	vm10 =	vgt.u32 v11, $0xF423F;
	[tilespmem:$0x20] =	vst v9;
	v9 =	vand.u32 $0x40, v10;
	v10 =	vadd.s32 $0xFFF85F20, v57  }
0x382: {  	[tilespmem:$0xB0] =	vst v9;
	v9 =	vsel vm10, v10, v4  }
0x383: {  	[tilespmem:$0x130] =	vst v9;
	v9 =	vsel vm10, $0x0, v57  }
0x384: {  	s23 =	rddreg [dreg:$0xe];
	[tilespmem:$0x30] =	vst v9  }
0x385: {  	[tilespmem:s5], [sflag:$0x2] =	stream.linear.gather [hbm4b:s23+s20], $0x40, $0x38;
	[tilespmem:$0x12380] =	vst v63  }
0x386: {  	_ =	swait.ge [sflag:s4], $0x40  }
0x387: {  	[sflag:s4] =	ssyncset.done $0x0  }
0x388: {  	[sflag:s4] =	ssyncadd.s32 $0xFFFFFFC0  }
0x389: {  	v9 =	vld [tilespmem:$0x180];
	_ =	sdelay $0x2  }
0x38a: {  	v10 =	vld [tilespmem:$0x190];
	_ =	sdelay $0x1  }
0x38b: {  	v11 =	vshll.u32 v9, $0x6;
	v58 =	vshrl.u32 v9, $0x1  }
0x38c: {  	v59 =	vld [tilespmem:$0x1A0];
	vm11 =	vgt.u32 v9, $0xF423F;
	v11 =	vand.u32 $0x40, v11;
	v9 =	vadd.s32 $0xFFF85F20, v58  }
0x38d: {  	[tilespmem:$0x200] =	vst v11;
	v9 =	vsel vm11, v9, v0  }
0x38e: {  	v60 =	vshrl.u32 v10, $0x1;
	v11 =	vshll.u32 v10, $0x6;
	[tilespmem:$0x280] =	vst v9;
	v9 =	vsel vm11, $0x0, v58  }
0x38f: {  	vm12 =	vgt.u32 v10, $0xF423F;
	v10 =	vadd.s32 $0xFFF85F20, v60;
	[tilespmem:$0x180] =	vst v9;
	v9 =	vand.u32 $0x40, v11;
	v11 =	vld [tilespmem:$0x1B0]  }
0x390: {  	[tilespmem:$0x210] =	vst v9;
	v9 =	vsel vm12, v10, v2  }
0x391: {  	v61 =	vshrl.u32 v59, $0x1;
	v10 =	vshll.u32 v59, $0x6;
	[tilespmem:$0x290] =	vst v9;
	v9 =	vsel vm12, $0x0, v60  }
0x392: {  	vm13 =	vgt.u32 v59, $0xF423F;
	[tilespmem:$0x190] =	vst v9;
	v9 =	vand.u32 $0x40, v10;
	v10 =	vadd.s32 $0xFFF85F20, v61  }
0x393: {  	[tilespmem:$0x220] =	vst v9;
	v9 =	vsel vm13, v10, v3  }
0x394: {  	[tilespmem:$0x2A0] =	vst v9;
	v9 =	vsel vm13, $0x0, v61;
	v10 =	vshll.u32 v11, $0x6;
	v62 =	vshrl.u32 v11, $0x1  }
0x395: {  	vm14 =	vgt.u32 v11, $0xF423F;
	[tilespmem:$0x1A0] =	vst v9;
	v9 =	vand.u32 $0x40, v10;
	v10 =	vadd.s32 $0xFFF85F20, v62  }
0x396: {  	[tilespmem:$0x230] =	vst v9;
	v9 =	vsel vm14, v10, v4  }
0x397: {  	[tilespmem:$0x2B0] =	vst v9;
	v9 =	vsel vm14, $0x0, v62  }
0x398: {  	s22 =	simm.s32 $0x300;
	s24 =	rddreg [dreg:$0x19];
	[tilespmem:$0x1B0] =	vst v9  }
0x399: {  	[tilespmem:s22], [sflag:$0x2] =	stream.linear.gather [hbm4b:s24+s20], $0x140, $0x38;
	[tilespmem:$0x12380] =	vst v63  }
0x39a: {  	_ =	swait.ge [sflag:s4], $0x140  }
0x39b: {  	[sflag:s4] =	ssyncset.done $0x0  }
0x39c: {  	[sflag:s4] =	ssyncadd.s32 $0xFFFFFEC0  }
0x39d: {  	v9 =	vld [tilespmem:s22+$0x0];
	_ =	sdelay $0x4  }
0x39e: {  	v63 =	vor.u32 s20, v0;
	v10 =	vshll.u32 v9, $0x6;
	v11 =	vshrl.u32 v9, $0x1  }
0x39f: {  	s20 =	simm.s32 $0x480;
	vm15 =	vgt.u32 v9, $0xF423F;
	v10 =	vand.u32 $0x40, v10;
	v9 =	vadd.s32 $0xFFF86020, v11  }
0x3a0: {  	s21 =	simm.s32 $0x600;
	[tilespmem:s20+$0x0] =	vst v10;
	v9 =	vsel vm15, v9, v63  }
0x3a1: {  	[tilespmem:s21+$0x0] =	vst v9;
	v9 =	vsel vm15, $0x0, v11  }
0x3a2: {  	[tilespmem:s22+$0x0] =	vst v9;
	s22 =	simm.s32 $0x310  }
0x3a3: {  	v9 =	vld [tilespmem:s22+$0x0]  }
0x3a4: {  	s23 =	simm.s32 $0x10;
	s24 =	simm.s32 $0x20  }
.LBB2_32:
0x3a5: {  	p0 =	sne.s32 s24, $0x130;
	_ =	sdelay $0x2  }
0x3a6: {  	v12 =	vor.u32 s23, v0;
	s23 =	smov.u32 s24;
	v10 =	vshll.u32 v9, $0x6;
	v11 =	vshrl.u32 v9, $0x1  }
0x3a7: {  	s20 =	sadd.s32 $0x10, s20;
	vm0 =	vgt.u32 v9, $0xF423F;
	v10 =	vand.u32 $0x40, v10;
	v9 =	vadd.s32 $0xFFF86020, v11  }
.Ltmp15:
0x3a8: {  	s21 =	sadd.s32 $0x10, s21;
	[tilespmem:s20+$0x0] =	vst v10;
	v9 =	vsel vm0, v9, v12;
	(pc) =	sbr.rel @p0 .LBB2_32-.Ltmp15, $4  }
0x3a9: {  	[tilespmem:s21+$0x0] =	vst v9;
	v9 =	vsel vm0, $0x0, v11  }
0x3aa: {  	[tilespmem:s22+$0x0] =	vst v9;
	s22 =	sadd.s32 $0x10, s22  }
0x3ab: {  	v9 =	vld [tilespmem:s22+$0x0]  }
0x3ac: {  	s24 =	sadd.s32 $0x10, s24  }
0x3ad: {  	_ =	sdelay $0x2  }
0x3ae: {  	v12 =	vor.u32 s23, v0;
	v10 =	vshll.u32 v9, $0x6;
	v11 =	vshrl.u32 v9, $0x1  }
0x3af: {  	s20 =	sadd.s32 $0x10, s20;
	vm0 =	vgt.u32 v9, $0xF423F;
	v10 =	vand.u32 $0x40, v10;
	v9 =	vadd.s32 $0xFFF86020, v11  }
0x3b0: {  	s24 =	sadd.s32 $0x10, s21;
	[tilespmem:s20+$0x0] =	vst v10;
	v9 =	vsel vm0, v9, v12  }
0x3b1: {  	[tilespmem:s24+$0x0] =	vst v9;
	v9 =	vsel vm0, $0x0, v11  }
0x3b2: {  	s20 =	simm.s32 $0x0;
	[tilespmem:s22+$0x0] =	vst v9  }
0x3b3: {  	[tilespmem:s7], [sflag:$0x1] =	stream.indirect.gather [hbm4b:s28+s6], $0x80, s20, s6, $0xb8;
	[tilespmem:$0x12380] =	vst v63  }
0x3b4: {  	_ = 	snop  }
0x3b5: {  	[tilespmem:s8], [sflag:$0x1] =	stream.indirect.gather [hbm4b:s29+s6], $0x80, s5, s6, $0xb8;
	[tilespmem:$0x12380] =	vst v63  }
0x3b6: {  	_ = 	snop  }
0x3b7: {  	[tilespmem:s11], [sflag:$0x1] =	stream.indirect.gather [hbm4b:s29+s9], $0x80, s10, s9, $0xb8;
	[tilespmem:$0x12380] =	vst v63  }
0x3b8: {  	_ = 	snop  }
0x3b9: {  	[tilespmem:s13], [sflag:$0x1] =	stream.indirect.gather [hbm4b:s29+s9], $0x80, s12, s9, $0xb8;
	[tilespmem:$0x12380] =	vst v63  }
0x3ba: {  	_ =	swait.ge [sflag:s14], $0x2000  }
0x3bb: {  	[sflag:s14] =	ssyncset.done $0x0  }
0x3bc: {  	[sflag:s14] =	ssyncadd.s32 $0xFFFFE000  }
0x3bd: {  	_ =	swait.ge [sflag:s14], $0x2000  }
0x3be: {  	[sflag:s14] =	ssyncset.done $0x0  }
0x3bf: {  	[sflag:s14] =	ssyncadd.s32 $0xFFFFE000  }
0x3c0: {  	_ =	swait.ge [sflag:s14], $0x4000  }
0x3c1: {  	[sflag:s14] =	ssyncset.done $0x0  }
0x3c2: {  	[sflag:s14] =	ssyncadd.s32 $0xFFFFC000  }
0x3c3: {  	_ =	swait.ge [sflag:s14], $0x4000  }
0x3c4: {  	[sflag:s14] =	ssyncset.done $0x0  }
0x3c5: {  	s21 =	simm.s32 $0x0;
	[sflag:s14] =	ssyncadd.s32 $0xFFFFC000  }
.LBB2_34:
0x3c6: {  	s22 =	sshll.u32 s21, $0x4  }
0x3c7: {  	v9 =	vmov s22  }
0x3c8: {  	v9 =	vmul.u32 $0x5, v9;
	_ =	sdelay $0x1  }
0x3c9: {  	v10 =	vbroadcast v9, $0x0;
	_ =	sdelay $0x1  }
0x3ca: {  	v11 =	vadd.s32 v1, v10  }
0x3cb: {  	v12 =	vadd.s32 v5, v10  }
0x3cc: {  	v13 =	vld [tilespmem:s22+$0x100];
	v14 =	vadd.s32 v6, v10  }
0x3cd: {  	v17 =	vld [tilespmem:s22+$0x280];
	v16 =	vadd.s32 v7, v10  }
0x3ce: {  	v9 =	vld [tilespmem:s22+$0x200];
	v23 =	vadd.s32 v8, v10  }
0x3cf: {  	v10 =	vld.idx.msk [tilespmem:v11+s15+$0x0], $0xffff  }
0x3d0: {  	v19 =	vld.idx.msk [tilespmem:v12+s15+$0x0], $0xffff  }
0x3d1: {  	v20 =	vld.idx.msk [tilespmem:v14+s15+$0x0], $0xffff  }
0x3d2: {  	v21 =	vld.idx.msk [tilespmem:v16+s15+$0x0], $0xffff  }
0x3d3: {  	v22 =	vld.idx.msk [tilespmem:v23+s15+$0x0], $0xffff  }
0x3d4: {  	v11 =	vld.idx.msk [tilespmem:v11+s16+$0x0], $0xffff  }
0x3d5: {  	v12 =	vld.idx.msk [tilespmem:v12+s16+$0x0], $0xffff  }
0x3d6: {  	v24 =	vadd.s32 s20, v9;
	v15 =	vld.idx.msk [tilespmem:v14+s16+$0x0], $0xffff  }
0x3d7: {  	v17 =	vshll.u32 v17, $0x7;
	v28 =	vand.u32 $0x7F, v24;
	v24 =	vand.u32 $0xFFFFFF80, v24;
	v16 =	vld.idx.msk [tilespmem:v16+s16+$0x0], $0xffff  }
0x3d8: {  	s23 =	simm.s32 $0x1;
	v13 =	vshll.u32 v13, $0x7;
	v24 =	vadd.s32 v17, v24  }
0x3d9: {  	v59 =	vadd.s32 s23, v9;
	v24 =	vor.u32 v28, v24;
	v18 =	vshll.u32 v10, $0x7  }
0x3da: {  	v19 =	vshll.u32 v19, $0x7;
	v20 =	vshll.u32 v20, $0x7;
	v21 =	vshll.u32 v21, $0x7  }
0x3db: {  	v14 =	vshll.u32 v22, $0x7;
	v25 =	vadd.s32 s20, v11;
	v26 =	vadd.s32 s20, v12;
	v22 =	vld [tilespmem:s22+$0x80]  }
0x3dc: {  	v27 =	vadd.s32 s20, v15;
	v30 =	vadd.s32 s20, v16;
	v29 =	vand.u32 $0x7F, v25  }
0x3dd: {  	v23 =	vld.idx.msk [tilespmem:v23+s16+$0x0], $0xffff;
	v31 =	vand.u32 $0x7F, v26;
	v32 =	vand.u32 $0x7F, v27;
	v25 =	vand.u32 $0xFFFFFF80, v25  }
0x3de: {  	v26 =	vand.u32 $0xFFFFFF80, v26;
	v27 =	vand.u32 $0xFFFFFF80, v27;
	v33 =	vand.u32 $0xFFFFFF80, v30  }
0x3df: {  	v30 =	vand.u32 $0x7F, v30;
	v25 =	vadd.s32 v18, v25;
	v26 =	vadd.s32 v19, v26  }
0x3e0: {  	v27 =	vadd.s32 v20, v27;
	v25 =	vor.u32 v29, v25;
	v28 =	vadd.s32 s20, v22  }
0x3e1: {  	v26 =	vor.u32 v31, v26;
	v27 =	vor.u32 v32, v27;
	v29 =	vand.u32 $0xFFFFFF80, v28  }
0x3e2: {  	v31 =	vadd.s32 s20, v23;
	v28 =	vand.u32 $0x7F, v28;
	v29 =	vadd.s32 v13, v29  }
0x3e3: {  	v58 =	vadd.s32 v21, v33;
	v57 =	vand.u32 $0xFFFFFF80, v31;
	v28 =	vor.u32 v28, v29  }
0x3e4: {  	v24 =	vld.idx.msk [tilespmem:v24+s8+$0x0], $0xffff;
	v30 =	vor.u32 v30, v58;
	v29 =	vand.u32 $0x7F, v31;
	v31 =	vadd.s32 v14, v57  }
0x3e5: {  	v36 =	vand.u32 $0x7F, v59;
	v10 =	vimm.f32 $0.0e+00;
	v25 =	vld.idx.msk [tilespmem:v25+s11+$0x0], $0xffff;
	v31 =	vor.u32 v29, v31  }
0x3e6: {  	v60 =	vadd.s32 s23, v11;
	v34 =	vadd.s32 s23, v12;
	v35 =	vadd.s32 s23, v15;
	v26 =	vld.idx.msk [tilespmem:v26+s11+$0x0], $0xffff  }
0x3e7: {  	v38 =	vadd.s32 s23, v16;
	v37 =	vand.u32 $0x7F, v60;
	v40 =	vand.u32 $0x7F, v34;
	v27 =	vld.idx.msk [tilespmem:v27+s11+$0x0], $0xffff  }
0x3e8: {  	v41 =	vand.u32 $0x7F, v35;
	v61 =	vand.u32 $0xFFFFFF80, v34;
	v32 =	vand.u32 $0xFFFFFF80, v59;
	v28 =	vld.idx.msk [tilespmem:v28+s7+$0x0], $0xffff  }
0x3e9: {  	v63 =	vand.u32 $0xFFFFFF80, v38;
	v33 =	vadd.s32 v19, v61;
	v32 =	vadd.s32 v17, v32;
	v62 =	vld.idx.msk [tilespmem:v30+s11+$0x0], $0xffff  }
0x3ea: {  	v39 =	vor.u32 v36, v32;
	v30 =	vand.u32 $0xFFFFFF80, v35;
	v42 =	vld.idx.msk [tilespmem:v31+s11+$0x0], $0xffff;
	v31 =	vand.u32 $0xFFFFFF80, v60  }
0x3eb: {  	v29 =	vand.u32 $0x7F, v38;
	v30 =	vadd.s32 v20, v30;
	v31 =	vadd.s32 v18, v31  }
0x3ec: {  	v30 =	vor.u32 v41, v30;
	v41 =	vadd.s32 s23, v22;
	v32 =	vor.u32 v37, v31  }
0x3ed: {  	v37 =	vadd.s32 v21, v63;
	v35 =	vmul.f32 v24, v28;
	v36 =	vmul.f32 v25, v28  }
0x3ee: {  	v31 =	vor.u32 v40, v33;
	v33 =	vmul.f32 v26, v28;
	v38 =	vmul.f32 v27, v28  }
0x3ef: {  	v40 =	vadd.s32 s23, v23;
	v34 =	vmul.f32 v62, v28;
	v24 =	vmul.f32 v42, v28  }
0x3f0: {  	v26 =	vimm.f32 $0.0e+00;
	v27 =	vimm.f32 $0.0e+00;
	v25 =	vimm.f32 $0.0e+00  }
0x3f1: {  	s23 =	simm.s32 $0x2;
	v42 =	vand.u32 $0xFFFFFF80, v41;
	v28 =	vimm.f32 $0.0e+00;
	v24 =	vadd.f32 v24, v10  }
.LBB2_35:
0x3f2: {  	p0 =	sne.s32 s23, $0x3F;
	v41 =	vand.u32 $0x7F, v41;
	v42 =	vadd.s32 v13, v42;
	v43 =	vand.u32 $0xFFFFFF80, v40  }
0x3f3: {  	v40 =	vand.u32 $0x7F, v40;
	v41 =	vor.u32 v41, v42;
	v42 =	vadd.s32 v14, v43  }
0x3f4: {  	v10 =	vadd.f32 v35, v10;
	v28 =	vadd.f32 v36, v28;
	v43 =	vld.idx.msk [tilespmem:v39+s8+$0x0], $0xffff;
	v39 =	vor.u32 v40, v42  }
0x3f5: {  	v26 =	vadd.f32 v33, v26;
	v27 =	vadd.f32 v38, v27;
	v36 =	vld.idx.msk [tilespmem:v32+s11+$0x0], $0xffff;
	v32 =	vor.u32 v29, v37  }
0x3f6: {  	v33 =	vadd.s32 s23, v9;
	v25 =	vadd.f32 v34, v25;
	v38 =	vld.idx.msk [tilespmem:v31+s11+$0x0], $0xffff  }
0x3f7: {  	v34 =	vadd.s32 s23, v12;
	v35 =	vadd.s32 s23, v15;
	v31 =	vadd.s32 s23, v11;
	v40 =	vld.idx.msk [tilespmem:v30+s11+$0x0], $0xffff  }
0x3f8: {  	v42 =	vadd.s32 s23, v16;
	v30 =	vand.u32 $0x7F, v33;
	v37 =	vand.u32 $0x7F, v31;
	v44 =	vld.idx.msk [tilespmem:v41+s7+$0x0], $0xffff  }
0x3f9: {  	v45 =	vand.u32 $0x7F, v35;
	v29 =	vand.u32 $0x7F, v42;
	v41 =	vand.u32 $0x7F, v34;
	v46 =	vld.idx.msk [tilespmem:v39+s11+$0x0], $0xffff  }
0x3fa: {  	v33 =	vand.u32 $0xFFFFFF80, v33;
	v31 =	vand.u32 $0xFFFFFF80, v31;
	v34 =	vand.u32 $0xFFFFFF80, v34;
	v47 =	vld.idx.msk [tilespmem:v32+s11+$0x0], $0xffff  }
0x3fb: {  	v32 =	vadd.s32 v17, v33;
	v33 =	vand.u32 $0xFFFFFF80, v35;
	v35 =	vand.u32 $0xFFFFFF80, v42  }
0x3fc: {  	v31 =	vadd.s32 v18, v31;
	v34 =	vadd.s32 v19, v34;
	v33 =	vadd.s32 v20, v33  }
.Ltmp16:
0x3fd: {  	v39 =	vor.u32 v30, v32;
	v32 =	vor.u32 v37, v31;
	v37 =	vadd.s32 v21, v35;
	(pc) =	sbr.rel @p0 .LBB2_35-.Ltmp16, $4  }
0x3fe: {  	v31 =	vor.u32 v41, v34;
	v35 =	vmul.f32 v43, v44;
	v36 =	vmul.f32 v36, v44  }
0x3ff: {  	v30 =	vor.u32 v45, v33;
	v33 =	vmul.f32 v38, v44;
	v43 =	vmul.f32 v46, v44  }
0x400: {  	v41 =	vadd.s32 s23, v22;
	v38 =	vmul.f32 v40, v44;
	v34 =	vmul.f32 v47, v44  }
0x401: {  	v42 =	vand.u32 $0xFFFFFF80, v41;
	v40 =	vadd.s32 s23, v23;
	s23 =	sadd.s32 $0x1, s23;
	v24 =	vadd.f32 v43, v24  }
0x402: {  	v9 =	vand.u32 $0x7F, v41;
	v11 =	vadd.s32 v13, v42  }
0x403: {  	v9 =	vor.u32 v9, v11;
	_ =	sdelay $0x2  }
0x404: {  	v12 =	vld.idx.msk [tilespmem:v39+s8+$0x0], $0xffff;
	v58 =	vor.u32 v29, v37;
	v11 =	vand.u32 $0xFFFFFF80, v40  }
0x405: {  	v15 =	vand.u32 $0x7F, v40;
	v59 =	vld.idx.msk [tilespmem:v32+s11+$0x0], $0xffff;
	v11 =	vadd.s32 v14, v11  }
0x406: {  	v11 =	vor.u32 v15, v11;
	v9 =	vld.idx.msk [tilespmem:v9+s7+$0x0], $0xffff  }
0x407: {  	v60 =	vld.idx.msk [tilespmem:v31+s11+$0x0], $0xffff;
	s22 =	sor.u32 $0x140, s22  }
0x408: {  	v16 =	vld.idx.msk [tilespmem:v30+s11+$0x0], $0xffff;
	v17 =	vmov s22  }
0x409: {  	v10 =	vadd.f32 v35, v10;
	v18 =	vadd.f32 v36, v28;
	v17 =	vmul.u32 $0x5, v17;
	v13 =	vld.idx.msk [tilespmem:v58+s11+$0x0], $0xffff  }
0x40a: {  	v19 =	vadd.f32 v33, v26;
	v20 =	vadd.f32 v38, v27;
	v21 =	vor.u32 s22, v0  }
0x40b: {  	v22 =	vadd.f32 v34, v25;
	v23 =	vadd.s32 v1, v17;
	v11 =	vld.idx.msk [tilespmem:v11+s11+$0x0], $0xffff;
	v12 =	vmul.f32 v12, v9  }
0x40c: {  	v61 =	vadd.s32 v5, v17;
	v62 =	vadd.s32 v6, v17;
	v14 =	vmul.f32 v59, v9  }
0x40d: {  	v63 =	vadd.s32 v7, v17;
	v15 =	vmul.f32 v60, v9;
	v10 =	vadd.f32 v12, v10  }
0x40e: {  	s21 =	sadd.s32 $0x1, s21;
	v16 =	vmul.f32 v16, v9;
	v13 =	vmul.f32 v13, v9;
	v14 =	vadd.f32 v14, v18  }
0x40f: {  	p0 =	sne.s32 s21, $0x4;
	v15 =	vadd.f32 v15, v19;
	[tilespmem:v21+s17+$0x0] =	vst.idx.msk $0xffff, v10;
	v10 =	vadd.s32 v8, v17  }
.Ltmp17:
0x410: {  	v9 =	vmul.f32 v11, v9;
	v11 =	vadd.f32 v16, v20;
	[tilespmem:v23+s18+$0x0] =	vst.idx.msk $0xffff, v14;
	(pc) =	sbr.rel @p0 .LBB2_34-.Ltmp17, $4  }
0x411: {  	v13 =	vadd.f32 v13, v22;
	[tilespmem:v61+s18+$0x0] =	vst.idx.msk $0xffff, v15  }
0x412: {  	v9 =	vadd.f32 v9, v24;
	[tilespmem:v62+s18+$0x0] =	vst.idx.msk $0xffff, v11  }
0x413: {  	[tilespmem:v63+s18+$0x0] =	vst.idx.msk $0xffff, v13  }
0x414: {  	[tilespmem:v10+s18+$0x0] =	vst.idx.msk $0xffff, v9  }
0x415: {  	s20 =	simm.s32 $0x0;
	s21 =	rddreg [dreg:$0xf]  }
0x416: {  	[tilespmem:s20], [sflag:$0x2] =	stream.linear.gather [hbm4b:s21+s20], $0x40, $0x38;
	[tilespmem:$0x12380] =	vst v63  }
0x417: {  	_ =	swait.ge [sflag:s4], $0x40  }
0x418: {  	[sflag:s4] =	ssyncset.done $0x0  }
0x419: {  	[sflag:s4] =	ssyncadd.s32 $0xFFFFFFC0  }
0x41a: {  	v9 =	vld [tilespmem:$0x0];
	_ =	sdelay $0x2  }
0x41b: {  	v10 =	vld [tilespmem:$0x10];
	_ =	sdelay $0x1  }
0x41c: {  	v11 =	vshll.u32 v9, $0x6;
	v12 =	vshrl.u32 v9, $0x1  }
0x41d: {  	v13 =	vld [tilespmem:$0x20];
	vm0 =	vgt.u32 v9, $0xF423F;
	v11 =	vand.u32 $0x40, v11;
	v9 =	vadd.s32 $0xFFF85F20, v12  }
0x41e: {  	[tilespmem:$0x80] =	vst v11;
	v9 =	vsel vm0, v9, v0  }
0x41f: {  	v55 =	vshrl.u32 v10, $0x1;
	v11 =	vshll.u32 v10, $0x6;
	[tilespmem:$0x100] =	vst v9;
	v9 =	vsel vm0, $0x0, v12  }
0x420: {  	vm8 =	vgt.u32 v10, $0xF423F;
	v10 =	vadd.s32 $0xFFF85F20, v55;
	[tilespmem:$0x0] =	vst v9;
	v9 =	vand.u32 $0x40, v11;
	v11 =	vld [tilespmem:$0x30]  }
0x421: {  	[tilespmem:$0x90] =	vst v9;
	v9 =	vsel vm8, v10, v2  }
0x422: {  	v56 =	vshrl.u32 v13, $0x1;
	v10 =	vshll.u32 v13, $0x6;
	[tilespmem:$0x110] =	vst v9;
	v9 =	vsel vm8, $0x0, v55  }
0x423: {  	vm9 =	vgt.u32 v13, $0xF423F;
	[tilespmem:$0x10] =	vst v9;
	v9 =	vand.u32 $0x40, v10;
	v10 =	vadd.s32 $0xFFF85F20, v56  }
0x424: {  	[tilespmem:$0xA0] =	vst v9;
	v9 =	vsel vm9, v10, v3  }
0x425: {  	[tilespmem:$0x120] =	vst v9;
	v9 =	vsel vm9, $0x0, v56;
	v10 =	vshll.u32 v11, $0x6;
	v57 =	vshrl.u32 v11, $0x1  }
0x426: {  	vm10 =	vgt.u32 v11, $0xF423F;
	[tilespmem:$0x20] =	vst v9;
	v9 =	vand.u32 $0x40, v10;
	v10 =	vadd.s32 $0xFFF85F20, v57  }
0x427: {  	[tilespmem:$0xB0] =	vst v9;
	v9 =	vsel vm10, v10, v4  }
0x428: {  	[tilespmem:$0x130] =	vst v9;
	v9 =	vsel vm10, $0x0, v57  }
0x429: {  	s23 =	rddreg [dreg:$0x10];
	[tilespmem:$0x30] =	vst v9  }
0x42a: {  	[tilespmem:s5], [sflag:$0x2] =	stream.linear.gather [hbm4b:s23+s20], $0x40, $0x38;
	[tilespmem:$0x12380] =	vst v63  }
0x42b: {  	_ =	swait.ge [sflag:s4], $0x40  }
0x42c: {  	[sflag:s4] =	ssyncset.done $0x0  }
0x42d: {  	[sflag:s4] =	ssyncadd.s32 $0xFFFFFFC0  }
0x42e: {  	v9 =	vld [tilespmem:$0x180];
	_ =	sdelay $0x2  }
0x42f: {  	v10 =	vld [tilespmem:$0x190];
	_ =	sdelay $0x1  }
0x430: {  	v11 =	vshll.u32 v9, $0x6;
	v58 =	vshrl.u32 v9, $0x1  }
0x431: {  	v59 =	vld [tilespmem:$0x1A0];
	vm11 =	vgt.u32 v9, $0xF423F;
	v11 =	vand.u32 $0x40, v11;
	v9 =	vadd.s32 $0xFFF85F20, v58  }
0x432: {  	[tilespmem:$0x200] =	vst v11;
	v9 =	vsel vm11, v9, v0  }
0x433: {  	v60 =	vshrl.u32 v10, $0x1;
	v11 =	vshll.u32 v10, $0x6;
	[tilespmem:$0x280] =	vst v9;
	v9 =	vsel vm11, $0x0, v58  }
0x434: {  	vm12 =	vgt.u32 v10, $0xF423F;
	v10 =	vadd.s32 $0xFFF85F20, v60;
	[tilespmem:$0x180] =	vst v9;
	v9 =	vand.u32 $0x40, v11;
	v11 =	vld [tilespmem:$0x1B0]  }
0x435: {  	[tilespmem:$0x210] =	vst v9;
	v9 =	vsel vm12, v10, v2  }
0x436: {  	v61 =	vshrl.u32 v59, $0x1;
	v10 =	vshll.u32 v59, $0x6;
	[tilespmem:$0x290] =	vst v9;
	v9 =	vsel vm12, $0x0, v60  }
0x437: {  	vm13 =	vgt.u32 v59, $0xF423F;
	[tilespmem:$0x190] =	vst v9;
	v9 =	vand.u32 $0x40, v10;
	v10 =	vadd.s32 $0xFFF85F20, v61  }
0x438: {  	[tilespmem:$0x220] =	vst v9;
	v9 =	vsel vm13, v10, v3  }
0x439: {  	[tilespmem:$0x2A0] =	vst v9;
	v9 =	vsel vm13, $0x0, v61;
	v10 =	vshll.u32 v11, $0x6;
	v62 =	vshrl.u32 v11, $0x1  }
0x43a: {  	vm14 =	vgt.u32 v11, $0xF423F;
	[tilespmem:$0x1A0] =	vst v9;
	v9 =	vand.u32 $0x40, v10;
	v10 =	vadd.s32 $0xFFF85F20, v62  }
0x43b: {  	[tilespmem:$0x230] =	vst v9;
	v9 =	vsel vm14, v10, v4  }
0x43c: {  	[tilespmem:$0x2B0] =	vst v9;
	v9 =	vsel vm14, $0x0, v62  }
0x43d: {  	s22 =	simm.s32 $0x300;
	s24 =	rddreg [dreg:$0x1a];
	[tilespmem:$0x1B0] =	vst v9  }
0x43e: {  	[tilespmem:s22], [sflag:$0x2] =	stream.linear.gather [hbm4b:s24+s20], $0x140, $0x38;
	[tilespmem:$0x12380] =	vst v63  }
0x43f: {  	_ =	swait.ge [sflag:s4], $0x140  }
0x440: {  	[sflag:s4] =	ssyncset.done $0x0  }
0x441: {  	[sflag:s4] =	ssyncadd.s32 $0xFFFFFEC0  }
0x442: {  	v9 =	vld [tilespmem:s22+$0x0];
	_ =	sdelay $0x4  }
0x443: {  	v63 =	vor.u32 s20, v0;
	v10 =	vshll.u32 v9, $0x6;
	v11 =	vshrl.u32 v9, $0x1  }
0x444: {  	s20 =	simm.s32 $0x480;
	vm15 =	vgt.u32 v9, $0xF423F;
	v10 =	vand.u32 $0x40, v10;
	v9 =	vadd.s32 $0xFFF86020, v11  }
0x445: {  	s21 =	simm.s32 $0x600;
	[tilespmem:s20+$0x0] =	vst v10;
	v9 =	vsel vm15, v9, v63  }
0x446: {  	[tilespmem:s21+$0x0] =	vst v9;
	v9 =	vsel vm15, $0x0, v11  }
0x447: {  	[tilespmem:s22+$0x0] =	vst v9;
	s22 =	simm.s32 $0x310  }
0x448: {  	v9 =	vld [tilespmem:s22+$0x0]  }
0x449: {  	s23 =	simm.s32 $0x10;
	s24 =	simm.s32 $0x20  }
.LBB2_38:
0x44a: {  	p0 =	sne.s32 s24, $0x130;
	_ =	sdelay $0x2  }
0x44b: {  	v12 =	vor.u32 s23, v0;
	s23 =	smov.u32 s24;
	v10 =	vshll.u32 v9, $0x6;
	v11 =	vshrl.u32 v9, $0x1  }
0x44c: {  	s20 =	sadd.s32 $0x10, s20;
	vm0 =	vgt.u32 v9, $0xF423F;
	v10 =	vand.u32 $0x40, v10;
	v9 =	vadd.s32 $0xFFF86020, v11  }
.Ltmp18:
0x44d: {  	s21 =	sadd.s32 $0x10, s21;
	[tilespmem:s20+$0x0] =	vst v10;
	v9 =	vsel vm0, v9, v12;
	(pc) =	sbr.rel @p0 .LBB2_38-.Ltmp18, $4  }
0x44e: {  	[tilespmem:s21+$0x0] =	vst v9;
	v9 =	vsel vm0, $0x0, v11  }
0x44f: {  	[tilespmem:s22+$0x0] =	vst v9;
	s22 =	sadd.s32 $0x10, s22  }
0x450: {  	v9 =	vld [tilespmem:s22+$0x0]  }
0x451: {  	s24 =	sadd.s32 $0x10, s24  }
0x452: {  	_ =	sdelay $0x2  }
0x453: {  	v12 =	vor.u32 s23, v0;
	v10 =	vshll.u32 v9, $0x6;
	v11 =	vshrl.u32 v9, $0x1  }
0x454: {  	s20 =	sadd.s32 $0x10, s20;
	vm0 =	vgt.u32 v9, $0xF423F;
	v10 =	vand.u32 $0x40, v10;
	v9 =	vadd.s32 $0xFFF86020, v11  }
0x455: {  	s24 =	sadd.s32 $0x10, s21;
	[tilespmem:s20+$0x0] =	vst v10;
	v9 =	vsel vm0, v9, v12  }
0x456: {  	[tilespmem:s24+$0x0] =	vst v9;
	v9 =	vsel vm0, $0x0, v11  }
0x457: {  	s20 =	simm.s32 $0x0;
	[tilespmem:s22+$0x0] =	vst v9  }
0x458: {  	[tilespmem:s7], [sflag:$0x1] =	stream.indirect.gather [hbm4b:s28+s6], $0x80, s20, s6, $0xb8;
	[tilespmem:$0x12380] =	vst v63  }
0x459: {  	_ = 	snop  }
0x45a: {  	[tilespmem:s8], [sflag:$0x1] =	stream.indirect.gather [hbm4b:s29+s6], $0x80, s5, s6, $0xb8;
	[tilespmem:$0x12380] =	vst v63  }
0x45b: {  	_ = 	snop  }
0x45c: {  	[tilespmem:s11], [sflag:$0x1] =	stream.indirect.gather [hbm4b:s29+s9], $0x80, s10, s9, $0xb8;
	[tilespmem:$0x12380] =	vst v63  }
0x45d: {  	_ = 	snop  }
0x45e: {  	[tilespmem:s13], [sflag:$0x1] =	stream.indirect.gather [hbm4b:s29+s9], $0x80, s12, s9, $0xb8;
	[tilespmem:$0x12380] =	vst v63  }
0x45f: {  	_ =	swait.ge [sflag:s14], $0x2000  }
0x460: {  	[sflag:s14] =	ssyncset.done $0x0  }
0x461: {  	[sflag:s14] =	ssyncadd.s32 $0xFFFFE000  }
0x462: {  	_ =	swait.ge [sflag:s14], $0x2000  }
0x463: {  	[sflag:s14] =	ssyncset.done $0x0  }
0x464: {  	[sflag:s14] =	ssyncadd.s32 $0xFFFFE000  }
0x465: {  	_ =	swait.ge [sflag:s14], $0x4000  }
0x466: {  	[sflag:s14] =	ssyncset.done $0x0  }
0x467: {  	[sflag:s14] =	ssyncadd.s32 $0xFFFFC000  }
0x468: {  	_ =	swait.ge [sflag:s14], $0x4000  }
0x469: {  	[sflag:s14] =	ssyncset.done $0x0  }
0x46a: {  	s21 =	simm.s32 $0x0;
	[sflag:s14] =	ssyncadd.s32 $0xFFFFC000  }
.LBB2_40:
0x46b: {  	s22 =	sshll.u32 s21, $0x4  }
0x46c: {  	v9 =	vmov s22  }
0x46d: {  	v9 =	vmul.u32 $0x5, v9;
	_ =	sdelay $0x1  }
0x46e: {  	v10 =	vbroadcast v9, $0x0;
	_ =	sdelay $0x1  }
0x46f: {  	v11 =	vadd.s32 v1, v10  }
0x470: {  	v12 =	vadd.s32 v5, v10  }
0x471: {  	v13 =	vld [tilespmem:s22+$0x100];
	v14 =	vadd.s32 v6, v10  }
0x472: {  	v17 =	vld [tilespmem:s22+$0x280];
	v16 =	vadd.s32 v7, v10  }
0x473: {  	v9 =	vld [tilespmem:s22+$0x200];
	v23 =	vadd.s32 v8, v10  }
0x474: {  	v10 =	vld.idx.msk [tilespmem:v11+s15+$0x0], $0xffff  }
0x475: {  	v19 =	vld.idx.msk [tilespmem:v12+s15+$0x0], $0xffff  }
0x476: {  	v20 =	vld.idx.msk [tilespmem:v14+s15+$0x0], $0xffff  }
0x477: {  	v21 =	vld.idx.msk [tilespmem:v16+s15+$0x0], $0xffff  }
0x478: {  	v22 =	vld.idx.msk [tilespmem:v23+s15+$0x0], $0xffff  }
0x479: {  	v11 =	vld.idx.msk [tilespmem:v11+s16+$0x0], $0xffff  }
0x47a: {  	v12 =	vld.idx.msk [tilespmem:v12+s16+$0x0], $0xffff  }
0x47b: {  	v24 =	vadd.s32 s20, v9;
	v15 =	vld.idx.msk [tilespmem:v14+s16+$0x0], $0xffff  }
0x47c: {  	v17 =	vshll.u32 v17, $0x7;
	v28 =	vand.u32 $0x7F, v24;
	v24 =	vand.u32 $0xFFFFFF80, v24;
	v16 =	vld.idx.msk [tilespmem:v16+s16+$0x0], $0xffff  }
0x47d: {  	s23 =	simm.s32 $0x1;
	v13 =	vshll.u32 v13, $0x7;
	v24 =	vadd.s32 v17, v24  }
0x47e: {  	v59 =	vadd.s32 s23, v9;
	v24 =	vor.u32 v28, v24;
	v18 =	vshll.u32 v10, $0x7  }
0x47f: {  	v19 =	vshll.u32 v19, $0x7;
	v20 =	vshll.u32 v20, $0x7;
	v21 =	vshll.u32 v21, $0x7  }
0x480: {  	v14 =	vshll.u32 v22, $0x7;
	v25 =	vadd.s32 s20, v11;
	v26 =	vadd.s32 s20, v12;
	v22 =	vld [tilespmem:s22+$0x80]  }
0x481: {  	v27 =	vadd.s32 s20, v15;
	v30 =	vadd.s32 s20, v16;
	v29 =	vand.u32 $0x7F, v25  }
0x482: {  	v23 =	vld.idx.msk [tilespmem:v23+s16+$0x0], $0xffff;
	v31 =	vand.u32 $0x7F, v26;
	v32 =	vand.u32 $0x7F, v27;
	v25 =	vand.u32 $0xFFFFFF80, v25  }
0x483: {  	v26 =	vand.u32 $0xFFFFFF80, v26;
	v27 =	vand.u32 $0xFFFFFF80, v27;
	v33 =	vand.u32 $0xFFFFFF80, v30  }
0x484: {  	v30 =	vand.u32 $0x7F, v30;
	v25 =	vadd.s32 v18, v25;
	v26 =	vadd.s32 v19, v26  }
0x485: {  	v27 =	vadd.s32 v20, v27;
	v25 =	vor.u32 v29, v25;
	v28 =	vadd.s32 s20, v22  }
0x486: {  	v26 =	vor.u32 v31, v26;
	v27 =	vor.u32 v32, v27;
	v29 =	vand.u32 $0xFFFFFF80, v28  }
0x487: {  	v31 =	vadd.s32 s20, v23;
	v28 =	vand.u32 $0x7F, v28;
	v29 =	vadd.s32 v13, v29  }
0x488: {  	v58 =	vadd.s32 v21, v33;
	v57 =	vand.u32 $0xFFFFFF80, v31;
	v28 =	vor.u32 v28, v29  }
0x489: {  	v24 =	vld.idx.msk [tilespmem:v24+s8+$0x0], $0xffff;
	v30 =	vor.u32 v30, v58;
	v29 =	vand.u32 $0x7F, v31;
	v31 =	vadd.s32 v14, v57  }
0x48a: {  	v36 =	vand.u32 $0x7F, v59;
	v10 =	vimm.f32 $0.0e+00;
	v25 =	vld.idx.msk [tilespmem:v25+s11+$0x0], $0xffff;
	v31 =	vor.u32 v29, v31  }
0x48b: {  	v60 =	vadd.s32 s23, v11;
	v34 =	vadd.s32 s23, v12;
	v35 =	vadd.s32 s23, v15;
	v26 =	vld.idx.msk [tilespmem:v26+s11+$0x0], $0xffff  }
0x48c: {  	v38 =	vadd.s32 s23, v16;
	v37 =	vand.u32 $0x7F, v60;
	v40 =	vand.u32 $0x7F, v34;
	v27 =	vld.idx.msk [tilespmem:v27+s11+$0x0], $0xffff  }
0x48d: {  	v41 =	vand.u32 $0x7F, v35;
	v61 =	vand.u32 $0xFFFFFF80, v34;
	v32 =	vand.u32 $0xFFFFFF80, v59;
	v28 =	vld.idx.msk [tilespmem:v28+s7+$0x0], $0xffff  }
0x48e: {  	v63 =	vand.u32 $0xFFFFFF80, v38;
	v33 =	vadd.s32 v19, v61;
	v32 =	vadd.s32 v17, v32;
	v62 =	vld.idx.msk [tilespmem:v30+s11+$0x0], $0xffff  }
0x48f: {  	v39 =	vor.u32 v36, v32;
	v30 =	vand.u32 $0xFFFFFF80, v35;
	v42 =	vld.idx.msk [tilespmem:v31+s11+$0x0], $0xffff;
	v31 =	vand.u32 $0xFFFFFF80, v60  }
0x490: {  	v29 =	vand.u32 $0x7F, v38;
	v30 =	vadd.s32 v20, v30;
	v31 =	vadd.s32 v18, v31  }
0x491: {  	v30 =	vor.u32 v41, v30;
	v41 =	vadd.s32 s23, v22;
	v32 =	vor.u32 v37, v31  }
0x492: {  	v37 =	vadd.s32 v21, v63;
	v35 =	vmul.f32 v24, v28;
	v36 =	vmul.f32 v25, v28  }
0x493: {  	v31 =	vor.u32 v40, v33;
	v33 =	vmul.f32 v26, v28;
	v38 =	vmul.f32 v27, v28  }
0x494: {  	v40 =	vadd.s32 s23, v23;
	v34 =	vmul.f32 v62, v28;
	v24 =	vmul.f32 v42, v28  }
0x495: {  	v26 =	vimm.f32 $0.0e+00;
	v27 =	vimm.f32 $0.0e+00;
	v25 =	vimm.f32 $0.0e+00  }
0x496: {  	s23 =	simm.s32 $0x2;
	v42 =	vand.u32 $0xFFFFFF80, v41;
	v28 =	vimm.f32 $0.0e+00;
	v24 =	vadd.f32 v24, v10  }
.LBB2_41:
0x497: {  	p0 =	sne.s32 s23, $0x3F;
	v41 =	vand.u32 $0x7F, v41;
	v42 =	vadd.s32 v13, v42;
	v43 =	vand.u32 $0xFFFFFF80, v40  }
0x498: {  	v40 =	vand.u32 $0x7F, v40;
	v41 =	vor.u32 v41, v42;
	v42 =	vadd.s32 v14, v43  }
0x499: {  	v10 =	vadd.f32 v35, v10;
	v28 =	vadd.f32 v36, v28;
	v43 =	vld.idx.msk [tilespmem:v39+s8+$0x0], $0xffff;
	v39 =	vor.u32 v40, v42  }
0x49a: {  	v26 =	vadd.f32 v33, v26;
	v27 =	vadd.f32 v38, v27;
	v36 =	vld.idx.msk [tilespmem:v32+s11+$0x0], $0xffff;
	v32 =	vor.u32 v29, v37  }
0x49b: {  	v33 =	vadd.s32 s23, v9;
	v25 =	vadd.f32 v34, v25;
	v38 =	vld.idx.msk [tilespmem:v31+s11+$0x0], $0xffff  }
0x49c: {  	v34 =	vadd.s32 s23, v12;
	v35 =	vadd.s32 s23, v15;
	v31 =	vadd.s32 s23, v11;
	v40 =	vld.idx.msk [tilespmem:v30+s11+$0x0], $0xffff  }
0x49d: {  	v42 =	vadd.s32 s23, v16;
	v30 =	vand.u32 $0x7F, v33;
	v37 =	vand.u32 $0x7F, v31;
	v44 =	vld.idx.msk [tilespmem:v41+s7+$0x0], $0xffff  }
0x49e: {  	v45 =	vand.u32 $0x7F, v35;
	v29 =	vand.u32 $0x7F, v42;
	v41 =	vand.u32 $0x7F, v34;
	v46 =	vld.idx.msk [tilespmem:v39+s11+$0x0], $0xffff  }
0x49f: {  	v33 =	vand.u32 $0xFFFFFF80, v33;
	v31 =	vand.u32 $0xFFFFFF80, v31;
	v34 =	vand.u32 $0xFFFFFF80, v34;
	v47 =	vld.idx.msk [tilespmem:v32+s11+$0x0], $0xffff  }
0x4a0: {  	v32 =	vadd.s32 v17, v33;
	v33 =	vand.u32 $0xFFFFFF80, v35;
	v35 =	vand.u32 $0xFFFFFF80, v42  }
0x4a1: {  	v31 =	vadd.s32 v18, v31;
	v34 =	vadd.s32 v19, v34;
	v33 =	vadd.s32 v20, v33  }
.Ltmp19:
0x4a2: {  	v39 =	vor.u32 v30, v32;
	v32 =	vor.u32 v37, v31;
	v37 =	vadd.s32 v21, v35;
	(pc) =	sbr.rel @p0 .LBB2_41-.Ltmp19, $4  }
0x4a3: {  	v31 =	vor.u32 v41, v34;
	v35 =	vmul.f32 v43, v44;
	v36 =	vmul.f32 v36, v44  }
0x4a4: {  	v30 =	vor.u32 v45, v33;
	v33 =	vmul.f32 v38, v44;
	v43 =	vmul.f32 v46, v44  }
0x4a5: {  	v41 =	vadd.s32 s23, v22;
	v38 =	vmul.f32 v40, v44;
	v34 =	vmul.f32 v47, v44  }
0x4a6: {  	v42 =	vand.u32 $0xFFFFFF80, v41;
	v40 =	vadd.s32 s23, v23;
	s23 =	sadd.s32 $0x1, s23;
	v24 =	vadd.f32 v43, v24  }
0x4a7: {  	v9 =	vand.u32 $0x7F, v41;
	v11 =	vadd.s32 v13, v42  }
0x4a8: {  	v9 =	vor.u32 v9, v11;
	_ =	sdelay $0x2  }
0x4a9: {  	v12 =	vld.idx.msk [tilespmem:v39+s8+$0x0], $0xffff;
	v58 =	vor.u32 v29, v37;
	v11 =	vand.u32 $0xFFFFFF80, v40  }
0x4aa: {  	v15 =	vand.u32 $0x7F, v40;
	v59 =	vld.idx.msk [tilespmem:v32+s11+$0x0], $0xffff;
	v11 =	vadd.s32 v14, v11  }
0x4ab: {  	v11 =	vor.u32 v15, v11;
	v9 =	vld.idx.msk [tilespmem:v9+s7+$0x0], $0xffff  }
0x4ac: {  	v60 =	vld.idx.msk [tilespmem:v31+s11+$0x0], $0xffff;
	s22 =	sor.u32 $0x180, s22  }
0x4ad: {  	v16 =	vld.idx.msk [tilespmem:v30+s11+$0x0], $0xffff;
	v17 =	vmov s22  }
0x4ae: {  	v10 =	vadd.f32 v35, v10;
	v18 =	vadd.f32 v36, v28;
	v17 =	vmul.u32 $0x5, v17;
	v13 =	vld.idx.msk [tilespmem:v58+s11+$0x0], $0xffff  }
0x4af: {  	v19 =	vadd.f32 v33, v26;
	v20 =	vadd.f32 v38, v27;
	v21 =	vor.u32 s22, v0  }
0x4b0: {  	v22 =	vadd.f32 v34, v25;
	v23 =	vadd.s32 v1, v17;
	v11 =	vld.idx.msk [tilespmem:v11+s11+$0x0], $0xffff;
	v12 =	vmul.f32 v12, v9  }
0x4b1: {  	v61 =	vadd.s32 v5, v17;
	v62 =	vadd.s32 v6, v17;
	v14 =	vmul.f32 v59, v9  }
0x4b2: {  	v63 =	vadd.s32 v7, v17;
	v15 =	vmul.f32 v60, v9;
	v10 =	vadd.f32 v12, v10  }
0x4b3: {  	s21 =	sadd.s32 $0x1, s21;
	v16 =	vmul.f32 v16, v9;
	v13 =	vmul.f32 v13, v9;
	v14 =	vadd.f32 v14, v18  }
0x4b4: {  	p0 =	sne.s32 s21, $0x4;
	v15 =	vadd.f32 v15, v19;
	[tilespmem:v21+s17+$0x0] =	vst.idx.msk $0xffff, v10;
	v10 =	vadd.s32 v8, v17  }
.Ltmp20:
0x4b5: {  	v9 =	vmul.f32 v11, v9;
	v11 =	vadd.f32 v16, v20;
	[tilespmem:v23+s18+$0x0] =	vst.idx.msk $0xffff, v14;
	(pc) =	sbr.rel @p0 .LBB2_40-.Ltmp20, $4  }
0x4b6: {  	v13 =	vadd.f32 v13, v22;
	[tilespmem:v61+s18+$0x0] =	vst.idx.msk $0xffff, v15  }
0x4b7: {  	v9 =	vadd.f32 v9, v24;
	[tilespmem:v62+s18+$0x0] =	vst.idx.msk $0xffff, v11  }
0x4b8: {  	[tilespmem:v63+s18+$0x0] =	vst.idx.msk $0xffff, v13  }
0x4b9: {  	[tilespmem:v10+s18+$0x0] =	vst.idx.msk $0xffff, v9  }
0x4ba: {  	s20 =	simm.s32 $0x0;
	s21 =	rddreg [dreg:$0x12]  }
0x4bb: {  	[tilespmem:s20], [sflag:$0x2] =	stream.linear.gather [hbm4b:s21+s20], $0x40, $0x38;
	[tilespmem:$0x12380] =	vst v63  }
0x4bc: {  	_ =	swait.ge [sflag:s4], $0x40  }
0x4bd: {  	[sflag:s4] =	ssyncset.done $0x0  }
0x4be: {  	[sflag:s4] =	ssyncadd.s32 $0xFFFFFFC0  }
0x4bf: {  	v9 =	vld [tilespmem:$0x0];
	_ =	sdelay $0x2  }
0x4c0: {  	v10 =	vld [tilespmem:$0x10];
	_ =	sdelay $0x1  }
0x4c1: {  	v11 =	vshll.u32 v9, $0x6;
	v12 =	vshrl.u32 v9, $0x1  }
0x4c2: {  	v13 =	vld [tilespmem:$0x20];
	vm0 =	vgt.u32 v9, $0xF423F;
	v11 =	vand.u32 $0x40, v11;
	v9 =	vadd.s32 $0xFFF85F20, v12  }
0x4c3: {  	[tilespmem:$0x80] =	vst v11;
	v9 =	vsel vm0, v9, v0  }
0x4c4: {  	v55 =	vshrl.u32 v10, $0x1;
	v11 =	vshll.u32 v10, $0x6;
	[tilespmem:$0x100] =	vst v9;
	v9 =	vsel vm0, $0x0, v12  }
0x4c5: {  	vm8 =	vgt.u32 v10, $0xF423F;
	v10 =	vadd.s32 $0xFFF85F20, v55;
	[tilespmem:$0x0] =	vst v9;
	v9 =	vand.u32 $0x40, v11;
	v11 =	vld [tilespmem:$0x30]  }
0x4c6: {  	[tilespmem:$0x90] =	vst v9;
	v9 =	vsel vm8, v10, v2  }
0x4c7: {  	v56 =	vshrl.u32 v13, $0x1;
	v10 =	vshll.u32 v13, $0x6;
	[tilespmem:$0x110] =	vst v9;
	v9 =	vsel vm8, $0x0, v55  }
0x4c8: {  	vm9 =	vgt.u32 v13, $0xF423F;
	[tilespmem:$0x10] =	vst v9;
	v9 =	vand.u32 $0x40, v10;
	v10 =	vadd.s32 $0xFFF85F20, v56  }
0x4c9: {  	[tilespmem:$0xA0] =	vst v9;
	v9 =	vsel vm9, v10, v3  }
0x4ca: {  	[tilespmem:$0x120] =	vst v9;
	v9 =	vsel vm9, $0x0, v56;
	v10 =	vshll.u32 v11, $0x6;
	v57 =	vshrl.u32 v11, $0x1  }
0x4cb: {  	vm10 =	vgt.u32 v11, $0xF423F;
	[tilespmem:$0x20] =	vst v9;
	v9 =	vand.u32 $0x40, v10;
	v10 =	vadd.s32 $0xFFF85F20, v57  }
0x4cc: {  	[tilespmem:$0xB0] =	vst v9;
	v9 =	vsel vm10, v10, v4  }
0x4cd: {  	[tilespmem:$0x130] =	vst v9;
	v9 =	vsel vm10, $0x0, v57  }
0x4ce: {  	s24 =	rddreg [dreg:$0x13];
	[tilespmem:$0x30] =	vst v9  }
0x4cf: {  	[tilespmem:s5], [sflag:$0x2] =	stream.linear.gather [hbm4b:s24+s20], $0x40, $0x38;
	[tilespmem:$0x12380] =	vst v63  }
0x4d0: {  	_ =	swait.ge [sflag:s4], $0x40  }
0x4d1: {  	[sflag:s4] =	ssyncset.done $0x0  }
0x4d2: {  	[sflag:s4] =	ssyncadd.s32 $0xFFFFFFC0  }
0x4d3: {  	v9 =	vld [tilespmem:$0x180];
	_ =	sdelay $0x2  }
0x4d4: {  	v10 =	vld [tilespmem:$0x190];
	_ =	sdelay $0x1  }
0x4d5: {  	v11 =	vshll.u32 v9, $0x6;
	v58 =	vshrl.u32 v9, $0x1  }
0x4d6: {  	v59 =	vld [tilespmem:$0x1A0];
	vm11 =	vgt.u32 v9, $0xF423F;
	v11 =	vand.u32 $0x40, v11;
	v9 =	vadd.s32 $0xFFF85F20, v58  }
0x4d7: {  	[tilespmem:$0x200] =	vst v11;
	v9 =	vsel vm11, v9, v0  }
0x4d8: {  	v60 =	vshrl.u32 v10, $0x1;
	v11 =	vshll.u32 v10, $0x6;
	[tilespmem:$0x280] =	vst v9;
	v9 =	vsel vm11, $0x0, v58  }
0x4d9: {  	vm12 =	vgt.u32 v10, $0xF423F;
	v10 =	vadd.s32 $0xFFF85F20, v60;
	[tilespmem:$0x180] =	vst v9;
	v9 =	vand.u32 $0x40, v11;
	v11 =	vld [tilespmem:$0x1B0]  }
0x4da: {  	[tilespmem:$0x210] =	vst v9;
	v9 =	vsel vm12, v10, v2  }
0x4db: {  	v61 =	vshrl.u32 v59, $0x1;
	v10 =	vshll.u32 v59, $0x6;
	[tilespmem:$0x290] =	vst v9;
	v9 =	vsel vm12, $0x0, v60  }
0x4dc: {  	vm13 =	vgt.u32 v59, $0xF423F;
	[tilespmem:$0x190] =	vst v9;
	v9 =	vand.u32 $0x40, v10;
	v10 =	vadd.s32 $0xFFF85F20, v61  }
0x4dd: {  	[tilespmem:$0x220] =	vst v9;
	v9 =	vsel vm13, v10, v3  }
0x4de: {  	[tilespmem:$0x2A0] =	vst v9;
	v9 =	vsel vm13, $0x0, v61;
	v10 =	vshll.u32 v11, $0x6;
	v62 =	vshrl.u32 v11, $0x1  }
0x4df: {  	vm14 =	vgt.u32 v11, $0xF423F;
	[tilespmem:$0x1A0] =	vst v9;
	v9 =	vand.u32 $0x40, v10;
	v10 =	vadd.s32 $0xFFF85F20, v62  }
0x4e0: {  	[tilespmem:$0x230] =	vst v9;
	v9 =	vsel vm14, v10, v4  }
0x4e1: {  	[tilespmem:$0x2B0] =	vst v9;
	v9 =	vsel vm14, $0x0, v62  }
0x4e2: {  	s22 =	simm.s32 $0x300;
	[tilespmem:$0x1B0] =	vst v9  }
0x4e3: {  	[tilespmem:s22], [sflag:$0x2] =	stream.linear.gather [hbm4b:s25+s20], $0x140, $0x38;
	[tilespmem:$0x12380] =	vst v63  }
0x4e4: {  	_ =	swait.ge [sflag:s4], $0x140  }
0x4e5: {  	[sflag:s4] =	ssyncset.done $0x0  }
0x4e6: {  	[sflag:s4] =	ssyncadd.s32 $0xFFFFFEC0  }
0x4e7: {  	v9 =	vld [tilespmem:s22+$0x0];
	_ =	sdelay $0x4  }
0x4e8: {  	v63 =	vor.u32 s20, v0;
	v10 =	vshll.u32 v9, $0x6;
	v11 =	vshrl.u32 v9, $0x1  }
0x4e9: {  	s20 =	simm.s32 $0x480;
	vm15 =	vgt.u32 v9, $0xF423F;
	v10 =	vand.u32 $0x40, v10;
	v9 =	vadd.s32 $0xFFF86020, v11  }
0x4ea: {  	s21 =	simm.s32 $0x600;
	[tilespmem:s20+$0x0] =	vst v10;
	v9 =	vsel vm15, v9, v63  }
0x4eb: {  	[tilespmem:s21+$0x0] =	vst v9;
	v9 =	vsel vm15, $0x0, v11  }
0x4ec: {  	[tilespmem:s22+$0x0] =	vst v9;
	s22 =	simm.s32 $0x310  }
0x4ed: {  	v9 =	vld [tilespmem:s22+$0x0]  }
0x4ee: {  	s23 =	simm.s32 $0x10;
	s24 =	simm.s32 $0x20  }
.LBB2_44:
0x4ef: {  	p0 =	sne.s32 s24, $0x130;
	_ =	sdelay $0x2  }
0x4f0: {  	v12 =	vor.u32 s23, v0;
	s23 =	smov.u32 s24;
	v10 =	vshll.u32 v9, $0x6;
	v11 =	vshrl.u32 v9, $0x1  }
0x4f1: {  	s20 =	sadd.s32 $0x10, s20;
	vm0 =	vgt.u32 v9, $0xF423F;
	v10 =	vand.u32 $0x40, v10;
	v9 =	vadd.s32 $0xFFF86020, v11  }
.Ltmp21:
0x4f2: {  	s21 =	sadd.s32 $0x10, s21;
	[tilespmem:s20+$0x0] =	vst v10;
	v9 =	vsel vm0, v9, v12;
	(pc) =	sbr.rel @p0 .LBB2_44-.Ltmp21, $4  }
0x4f3: {  	[tilespmem:s21+$0x0] =	vst v9;
	v9 =	vsel vm0, $0x0, v11  }
0x4f4: {  	[tilespmem:s22+$0x0] =	vst v9;
	s22 =	sadd.s32 $0x10, s22  }
0x4f5: {  	v9 =	vld [tilespmem:s22+$0x0]  }
0x4f6: {  	s24 =	sadd.s32 $0x10, s24  }
0x4f7: {  	_ =	sdelay $0x2  }
0x4f8: {  	v12 =	vor.u32 s23, v0;
	v10 =	vshll.u32 v9, $0x6;
	v11 =	vshrl.u32 v9, $0x1  }
0x4f9: {  	s20 =	sadd.s32 $0x10, s20;
	vm0 =	vgt.u32 v9, $0xF423F;
	v10 =	vand.u32 $0x40, v10;
	v9 =	vadd.s32 $0xFFF86020, v11  }
0x4fa: {  	s24 =	sadd.s32 $0x10, s21;
	[tilespmem:s20+$0x0] =	vst v10;
	v9 =	vsel vm0, v9, v12  }
0x4fb: {  	[tilespmem:s24+$0x0] =	vst v9;
	v9 =	vsel vm0, $0x0, v11  }
0x4fc: {  	s20 =	simm.s32 $0x0;
	[tilespmem:s22+$0x0] =	vst v9  }
0x4fd: {  	[tilespmem:s7], [sflag:$0x1] =	stream.indirect.gather [hbm4b:s28+s6], $0x80, s20, s6, $0xb8;
	[tilespmem:$0x12380] =	vst v63  }
0x4fe: {  	_ = 	snop  }
0x4ff: {  	[tilespmem:s8], [sflag:$0x1] =	stream.indirect.gather [hbm4b:s29+s6], $0x80, s5, s6, $0xb8;
	[tilespmem:$0x12380] =	vst v63  }
0x500: {  	_ = 	snop  }
0x501: {  	[tilespmem:s11], [sflag:$0x1] =	stream.indirect.gather [hbm4b:s29+s9], $0x80, s10, s9, $0xb8;
	[tilespmem:$0x12380] =	vst v63  }
0x502: {  	_ = 	snop  }
0x503: {  	[tilespmem:s13], [sflag:$0x1] =	stream.indirect.gather [hbm4b:s29+s9], $0x80, s12, s9, $0xb8;
	[tilespmem:$0x12380] =	vst v63  }
0x504: {  	_ =	swait.ge [sflag:s14], $0x2000  }
0x505: {  	[sflag:s14] =	ssyncset.done $0x0  }
0x506: {  	[sflag:s14] =	ssyncadd.s32 $0xFFFFE000  }
0x507: {  	_ =	swait.ge [sflag:s14], $0x2000  }
0x508: {  	[sflag:s14] =	ssyncset.done $0x0  }
0x509: {  	[sflag:s14] =	ssyncadd.s32 $0xFFFFE000  }
0x50a: {  	_ =	swait.ge [sflag:s14], $0x4000  }
0x50b: {  	[sflag:s14] =	ssyncset.done $0x0  }
0x50c: {  	[sflag:s14] =	ssyncadd.s32 $0xFFFFC000  }
0x50d: {  	_ =	swait.ge [sflag:s14], $0x4000  }
0x50e: {  	[sflag:s14] =	ssyncset.done $0x0  }
0x50f: {  	s21 =	simm.s32 $0x0;
	[sflag:s14] =	ssyncadd.s32 $0xFFFFC000  }
.LBB2_46:
0x510: {  	s22 =	sshll.u32 s21, $0x4  }
0x511: {  	v9 =	vmov s22  }
0x512: {  	v9 =	vmul.u32 $0x5, v9;
	_ =	sdelay $0x1  }
0x513: {  	v10 =	vbroadcast v9, $0x0;
	_ =	sdelay $0x1  }
0x514: {  	v11 =	vadd.s32 v1, v10  }
0x515: {  	v12 =	vadd.s32 v5, v10  }
0x516: {  	v13 =	vld [tilespmem:s22+$0x100];
	v14 =	vadd.s32 v6, v10  }
0x517: {  	v17 =	vld [tilespmem:s22+$0x280];
	v16 =	vadd.s32 v7, v10  }
0x518: {  	v9 =	vld [tilespmem:s22+$0x200];
	v23 =	vadd.s32 v8, v10  }
0x519: {  	v10 =	vld.idx.msk [tilespmem:v11+s15+$0x0], $0xffff  }
0x51a: {  	v19 =	vld.idx.msk [tilespmem:v12+s15+$0x0], $0xffff  }
0x51b: {  	v20 =	vld.idx.msk [tilespmem:v14+s15+$0x0], $0xffff  }
0x51c: {  	v21 =	vld.idx.msk [tilespmem:v16+s15+$0x0], $0xffff  }
0x51d: {  	v22 =	vld.idx.msk [tilespmem:v23+s15+$0x0], $0xffff  }
0x51e: {  	v11 =	vld.idx.msk [tilespmem:v11+s16+$0x0], $0xffff  }
0x51f: {  	v12 =	vld.idx.msk [tilespmem:v12+s16+$0x0], $0xffff  }
0x520: {  	v24 =	vadd.s32 s20, v9;
	v15 =	vld.idx.msk [tilespmem:v14+s16+$0x0], $0xffff  }
0x521: {  	v17 =	vshll.u32 v17, $0x7;
	v28 =	vand.u32 $0x7F, v24;
	v24 =	vand.u32 $0xFFFFFF80, v24;
	v16 =	vld.idx.msk [tilespmem:v16+s16+$0x0], $0xffff  }
0x522: {  	s23 =	simm.s32 $0x1;
	v13 =	vshll.u32 v13, $0x7;
	v24 =	vadd.s32 v17, v24  }
0x523: {  	v59 =	vadd.s32 s23, v9;
	v24 =	vor.u32 v28, v24;
	v18 =	vshll.u32 v10, $0x7  }
0x524: {  	v19 =	vshll.u32 v19, $0x7;
	v20 =	vshll.u32 v20, $0x7;
	v21 =	vshll.u32 v21, $0x7  }
0x525: {  	v14 =	vshll.u32 v22, $0x7;
	v25 =	vadd.s32 s20, v11;
	v26 =	vadd.s32 s20, v12;
	v22 =	vld [tilespmem:s22+$0x80]  }
0x526: {  	v27 =	vadd.s32 s20, v15;
	v30 =	vadd.s32 s20, v16;
	v29 =	vand.u32 $0x7F, v25  }
0x527: {  	v23 =	vld.idx.msk [tilespmem:v23+s16+$0x0], $0xffff;
	v31 =	vand.u32 $0x7F, v26;
	v32 =	vand.u32 $0x7F, v27;
	v25 =	vand.u32 $0xFFFFFF80, v25  }
0x528: {  	v26 =	vand.u32 $0xFFFFFF80, v26;
	v27 =	vand.u32 $0xFFFFFF80, v27;
	v33 =	vand.u32 $0xFFFFFF80, v30  }
0x529: {  	v30 =	vand.u32 $0x7F, v30;
	v25 =	vadd.s32 v18, v25;
	v26 =	vadd.s32 v19, v26  }
0x52a: {  	v27 =	vadd.s32 v20, v27;
	v25 =	vor.u32 v29, v25;
	v28 =	vadd.s32 s20, v22  }
0x52b: {  	v26 =	vor.u32 v31, v26;
	v27 =	vor.u32 v32, v27;
	v29 =	vand.u32 $0xFFFFFF80, v28  }
0x52c: {  	v31 =	vadd.s32 s20, v23;
	v28 =	vand.u32 $0x7F, v28;
	v29 =	vadd.s32 v13, v29  }
0x52d: {  	v58 =	vadd.s32 v21, v33;
	v57 =	vand.u32 $0xFFFFFF80, v31;
	v28 =	vor.u32 v28, v29  }
0x52e: {  	v24 =	vld.idx.msk [tilespmem:v24+s8+$0x0], $0xffff;
	v30 =	vor.u32 v30, v58;
	v29 =	vand.u32 $0x7F, v31;
	v31 =	vadd.s32 v14, v57  }
0x52f: {  	v36 =	vand.u32 $0x7F, v59;
	v10 =	vimm.f32 $0.0e+00;
	v25 =	vld.idx.msk [tilespmem:v25+s11+$0x0], $0xffff;
	v31 =	vor.u32 v29, v31  }
0x530: {  	v60 =	vadd.s32 s23, v11;
	v34 =	vadd.s32 s23, v12;
	v35 =	vadd.s32 s23, v15;
	v26 =	vld.idx.msk [tilespmem:v26+s11+$0x0], $0xffff  }
0x531: {  	v38 =	vadd.s32 s23, v16;
	v37 =	vand.u32 $0x7F, v60;
	v40 =	vand.u32 $0x7F, v34;
	v27 =	vld.idx.msk [tilespmem:v27+s11+$0x0], $0xffff  }
0x532: {  	v41 =	vand.u32 $0x7F, v35;
	v61 =	vand.u32 $0xFFFFFF80, v34;
	v32 =	vand.u32 $0xFFFFFF80, v59;
	v28 =	vld.idx.msk [tilespmem:v28+s7+$0x0], $0xffff  }
0x533: {  	v63 =	vand.u32 $0xFFFFFF80, v38;
	v33 =	vadd.s32 v19, v61;
	v32 =	vadd.s32 v17, v32;
	v62 =	vld.idx.msk [tilespmem:v30+s11+$0x0], $0xffff  }
0x534: {  	v39 =	vor.u32 v36, v32;
	v30 =	vand.u32 $0xFFFFFF80, v35;
	v42 =	vld.idx.msk [tilespmem:v31+s11+$0x0], $0xffff;
	v31 =	vand.u32 $0xFFFFFF80, v60  }
0x535: {  	v29 =	vand.u32 $0x7F, v38;
	v30 =	vadd.s32 v20, v30;
	v31 =	vadd.s32 v18, v31  }
0x536: {  	v30 =	vor.u32 v41, v30;
	v41 =	vadd.s32 s23, v22;
	v32 =	vor.u32 v37, v31  }
0x537: {  	v37 =	vadd.s32 v21, v63;
	v35 =	vmul.f32 v24, v28;
	v36 =	vmul.f32 v25, v28  }
0x538: {  	v31 =	vor.u32 v40, v33;
	v33 =	vmul.f32 v26, v28;
	v38 =	vmul.f32 v27, v28  }
0x539: {  	v40 =	vadd.s32 s23, v23;
	v34 =	vmul.f32 v62, v28;
	v24 =	vmul.f32 v42, v28  }
0x53a: {  	v26 =	vimm.f32 $0.0e+00;
	v27 =	vimm.f32 $0.0e+00;
	v25 =	vimm.f32 $0.0e+00  }
0x53b: {  	s23 =	simm.s32 $0x2;
	v42 =	vand.u32 $0xFFFFFF80, v41;
	v28 =	vimm.f32 $0.0e+00;
	v24 =	vadd.f32 v24, v10  }
.LBB2_47:
0x53c: {  	p0 =	sne.s32 s23, $0x3F;
	v41 =	vand.u32 $0x7F, v41;
	v42 =	vadd.s32 v13, v42;
	v43 =	vand.u32 $0xFFFFFF80, v40  }
0x53d: {  	v40 =	vand.u32 $0x7F, v40;
	v41 =	vor.u32 v41, v42;
	v42 =	vadd.s32 v14, v43  }
0x53e: {  	v10 =	vadd.f32 v35, v10;
	v28 =	vadd.f32 v36, v28;
	v43 =	vld.idx.msk [tilespmem:v39+s8+$0x0], $0xffff;
	v39 =	vor.u32 v40, v42  }
0x53f: {  	v26 =	vadd.f32 v33, v26;
	v27 =	vadd.f32 v38, v27;
	v36 =	vld.idx.msk [tilespmem:v32+s11+$0x0], $0xffff;
	v32 =	vor.u32 v29, v37  }
0x540: {  	v33 =	vadd.s32 s23, v9;
	v25 =	vadd.f32 v34, v25;
	v38 =	vld.idx.msk [tilespmem:v31+s11+$0x0], $0xffff  }
0x541: {  	v34 =	vadd.s32 s23, v12;
	v35 =	vadd.s32 s23, v15;
	v31 =	vadd.s32 s23, v11;
	v40 =	vld.idx.msk [tilespmem:v30+s11+$0x0], $0xffff  }
0x542: {  	v42 =	vadd.s32 s23, v16;
	v30 =	vand.u32 $0x7F, v33;
	v37 =	vand.u32 $0x7F, v31;
	v44 =	vld.idx.msk [tilespmem:v41+s7+$0x0], $0xffff  }
0x543: {  	v45 =	vand.u32 $0x7F, v35;
	v29 =	vand.u32 $0x7F, v42;
	v41 =	vand.u32 $0x7F, v34;
	v46 =	vld.idx.msk [tilespmem:v39+s11+$0x0], $0xffff  }
0x544: {  	v33 =	vand.u32 $0xFFFFFF80, v33;
	v31 =	vand.u32 $0xFFFFFF80, v31;
	v34 =	vand.u32 $0xFFFFFF80, v34;
	v47 =	vld.idx.msk [tilespmem:v32+s11+$0x0], $0xffff  }
0x545: {  	v32 =	vadd.s32 v17, v33;
	v33 =	vand.u32 $0xFFFFFF80, v35;
	v35 =	vand.u32 $0xFFFFFF80, v42  }
0x546: {  	v31 =	vadd.s32 v18, v31;
	v34 =	vadd.s32 v19, v34;
	v33 =	vadd.s32 v20, v33  }
.Ltmp22:
0x547: {  	v39 =	vor.u32 v30, v32;
	v32 =	vor.u32 v37, v31;
	v37 =	vadd.s32 v21, v35;
	(pc) =	sbr.rel @p0 .LBB2_47-.Ltmp22, $4  }
0x548: {  	v31 =	vor.u32 v41, v34;
	v35 =	vmul.f32 v43, v44;
	v36 =	vmul.f32 v36, v44  }
0x549: {  	v30 =	vor.u32 v45, v33;
	v33 =	vmul.f32 v38, v44;
	v43 =	vmul.f32 v46, v44  }
0x54a: {  	v41 =	vadd.s32 s23, v22;
	v38 =	vmul.f32 v40, v44;
	v34 =	vmul.f32 v47, v44  }
0x54b: {  	v42 =	vand.u32 $0xFFFFFF80, v41;
	v40 =	vadd.s32 s23, v23;
	s23 =	sadd.s32 $0x1, s23;
	v24 =	vadd.f32 v43, v24  }
0x54c: {  	v9 =	vand.u32 $0x7F, v41;
	v11 =	vadd.s32 v13, v42  }
0x54d: {  	v9 =	vor.u32 v9, v11;
	_ =	sdelay $0x2  }
0x54e: {  	v12 =	vld.idx.msk [tilespmem:v39+s8+$0x0], $0xffff;
	v58 =	vor.u32 v29, v37;
	v11 =	vand.u32 $0xFFFFFF80, v40  }
0x54f: {  	v15 =	vand.u32 $0x7F, v40;
	v59 =	vld.idx.msk [tilespmem:v32+s11+$0x0], $0xffff;
	v11 =	vadd.s32 v14, v11  }
0x550: {  	v11 =	vor.u32 v15, v11;
	v9 =	vld.idx.msk [tilespmem:v9+s7+$0x0], $0xffff  }
0x551: {  	v60 =	vld.idx.msk [tilespmem:v31+s11+$0x0], $0xffff;
	s22 =	sor.u32 $0x1C0, s22  }
0x552: {  	v16 =	vld.idx.msk [tilespmem:v30+s11+$0x0], $0xffff;
	v17 =	vmov s22  }
0x553: {  	v10 =	vadd.f32 v35, v10;
	v18 =	vadd.f32 v36, v28;
	v17 =	vmul.u32 $0x5, v17;
	v13 =	vld.idx.msk [tilespmem:v58+s11+$0x0], $0xffff  }
0x554: {  	v19 =	vadd.f32 v33, v26;
	v20 =	vadd.f32 v38, v27;
	v21 =	vor.u32 s22, v0  }
0x555: {  	v22 =	vadd.f32 v34, v25;
	v23 =	vadd.s32 v1, v17;
	v11 =	vld.idx.msk [tilespmem:v11+s11+$0x0], $0xffff;
	v12 =	vmul.f32 v12, v9  }
0x556: {  	v61 =	vadd.s32 v5, v17;
	v62 =	vadd.s32 v6, v17;
	v14 =	vmul.f32 v59, v9  }
0x557: {  	v63 =	vadd.s32 v7, v17;
	v15 =	vmul.f32 v60, v9;
	v10 =	vadd.f32 v12, v10  }
0x558: {  	s21 =	sadd.s32 $0x1, s21;
	v16 =	vmul.f32 v16, v9;
	v13 =	vmul.f32 v13, v9;
	v14 =	vadd.f32 v14, v18  }
0x559: {  	p0 =	sne.s32 s21, $0x4;
	v15 =	vadd.f32 v15, v19;
	[tilespmem:v21+s17+$0x0] =	vst.idx.msk $0xffff, v10;
	v10 =	vadd.s32 v8, v17  }
.Ltmp23:
0x55a: {  	v9 =	vmul.f32 v11, v9;
	v11 =	vadd.f32 v16, v20;
	[tilespmem:v23+s18+$0x0] =	vst.idx.msk $0xffff, v14;
	(pc) =	sbr.rel @p0 .LBB2_46-.Ltmp23, $4  }
0x55b: {  	v13 =	vadd.f32 v13, v22;
	[tilespmem:v61+s18+$0x0] =	vst.idx.msk $0xffff, v15  }
0x55c: {  	v9 =	vadd.f32 v9, v24;
	[tilespmem:v62+s18+$0x0] =	vst.idx.msk $0xffff, v11  }
0x55d: {  	[tilespmem:v63+s18+$0x0] =	vst.idx.msk $0xffff, v13  }
0x55e: {  	[tilespmem:v10+s18+$0x0] =	vst.idx.msk $0xffff, v9  }
0x55f: {  	[hbm4b:s0+s2] =	stream.linear.scatter [tilespmem:s17], [sflag:$0x2], $0x200, $0x38;
	[tilespmem:$0x12380] =	vst v63  }
0x560: {  	s19 =	sadd.s32 $0x1, s19;
	_ =	swait.ge [sflag:s4], $0x200  }
0x561: {  	p0 =	sne.s32 s19, s3;
	[sflag:s4] =	ssyncset.done $0x0  }
.Ltmp24:
0x562: {  	[sflag:s4] =	ssyncadd.s32 $0xFFFFFE00;
	(pc) =	sbr.rel @p0 .LBB2_1-.Ltmp24, $4  }
0x563: {  	[hbm4b:s1+s2] =	stream.linear.scatter [tilespmem:s18], [sflag:$0x2], $0xA00, $0x38;
	[tilespmem:$0x12380] =	vst v63  }
0x564: {  	_ =	swait.ge [sflag:s4], $0xA00  }
0x565: {  	[sflag:s4] =	ssyncset.done $0x0  }
0x566: {  	[sflag:s4] =	ssyncadd.s32 $0xFFFFF600  }
0x567: {  	_ =	sfence.sel $0x180000  }
0x568: {  	[bflag:$0x0] =	sbarrier.arrive $0xFFFF  }
0x569: {  	_ =	strace $0x90000047  }
0x56a: {  	s0 =	stileid.u32;
	[bflag:$0x2] =	sbarrier.arrive $0xFFFF  }
0x56b: {  	p0 =	sne.s32 s0, $0x0;
	s0 =	rddreg [dreg:$0x4]  }
0x56c: {  	s0 =	sadd.s32 @!p0 $0x100000, s0  }
0x56d: {  	[sflag:s0] =	ssyncadd.tile.s32 @!p0 $0x1;
	_ =	shalt  }
.Lfunc_end2:
_tile_overlayer_lowered:
.L_overlay_start_2:
0x56e: {  	(tag) =	ssettag $0x2  }
0x56f: {  	s0 =	rddreg [dreg:$0x0];
	s2 =	stileid.u32  }
0x570: {  	s1 =	rddreg [dreg:$0x1];
	p0 =	sne.s32 s2, $0x0  }
0x571: {  	s3 =	rddreg [dreg:$0x2];
	[bflag:$0x3] =	sbarrier.arrive $0xFFFF;
	s2 =	simm.s32 @!p0 $0x1C02  }
0x572: {  	[timem:s3], [sflag:s2] =	dma.local @!p0 [hbm:s0], s1  }
0x573: {  	s0 =	simm.s32 @!p0 $0x2  }
0x574: {  	_ =	swait.ge @!p0 [sflag:s0], s1  }
0x575: {  	s1 =	ssub.s32 @!p0 $0x0, s1;
	[sflag:s0] =	ssyncset.done @!p0 $0x0  }
0x576: {  	[sflag:s0] =	ssyncadd.s32 @!p0 s1  }
0x577: {  	[bflag:$0x3] =	sbarrier.arrive $0xFFFF  }
0x578: {  	_ =	shalt  }

</sc_bundles>
